<compile_context>
chip_gen: v7x
topology: tpu7x:2x2x1
jax: 0.10.2.dev20260603
libtpu: 0.0.44.dev20260713+nightly
codegen_flags: <defaults>
</compile_context>

<pallas_src>
import functools

import jax
import jax.numpy as jnp
from jax import lax
from jax.experimental import pallas as pl
from jax.experimental.pallas import tpu as pltpu
from jax.experimental.pallas import tpu_sc as plsc

N = 10000
D = 128
R = 1000
B = 16384
NN = 10112
NC = 2
NS = 16
CH = 128
L = 16

_MESH = plsc.VectorSubcoreMesh(core_axis_name="c", subcore_axis_name="s")


def _pad_to(arr, m, fill):
    pad = (-arr.shape[0]) % m
    if pad == 0:
        return arr
    return jnp.concatenate([arr, jnp.full((pad,), fill, dtype=arr.dtype)])


def _sc_degree_hist(hist_idx):
    he = hist_idx.shape[0] // NC
    per_w = he // NS
    n_chunks = per_w // CH
    rpt = (2 * NN) // NS

    @functools.partial(
        pl.kernel,
        out_type=jax.ShapeDtypeStruct((NC * 2 * NN,), jnp.float32),
        mesh=_MESH,
        scratch_types=[
            pltpu.VMEM((CH,), jnp.int32),
            pltpu.VMEM((CH,), jnp.float32),
            pltpu.VMEM((rpt,), jnp.float32),
            pltpu.VMEM_SHARED((2 * NN,), jnp.float32),
        ],
    )
    def k(idx_hbm, out_hbm, idxv, onesv, outv, acc):
        cid = lax.axis_index("c")
        sid = lax.axis_index("s")
        r0 = sid * rpt
        ones16 = jnp.ones((L,), jnp.float32)
        zeros16 = jnp.zeros((L,), jnp.float32)
        for r in range(CH // L):
            onesv[pl.ds(r * L, L)] = ones16
        for r in range(rpt // L):
            outv[pl.ds(r * L, L)] = zeros16
        pltpu.sync_copy(outv, acc.at[pl.ds(r0, rpt)])
        plsc.subcore_barrier()

        base_w = cid * he + sid * per_w

        @pl.loop(0, n_chunks)
        def _(i):
            pltpu.sync_copy(idx_hbm.at[pl.ds(base_w + i * CH, CH)], idxv)
            pltpu.sync_copy(onesv, acc.at[idxv], add=True)

        plsc.subcore_barrier()
        pltpu.sync_copy(acc.at[pl.ds(r0, rpt)], outv)
        pltpu.sync_copy(outv, out_hbm.at[pl.ds(cid * 2 * NN + r0, rpt)])

    return k(hist_idx)


_NB = 2


def _sc_propagate(h_all, src_all, dst_all, zeros_chunk):
    ep = src_all.shape[0] // NC
    per_w = ep // NS
    n_chunks = per_w // CH
    rpt = NN // NS

    @functools.partial(
        pl.kernel,
        out_type=jax.ShapeDtypeStruct((NC * NN, D), jnp.float32),
        mesh=_MESH,
        scratch_types=(
            [pltpu.VMEM((CH,), jnp.int32)] * (2 * _NB)
            + [pltpu.VMEM((CH, D), jnp.float32)] * _NB
            + [pltpu.VMEM_SHARED((NN, D), jnp.float32)]
            + [pltpu.SemaphoreType.DMA] * _NB
        ),
    )
    def k(h_hbm, src_hbm, dst_hbm, zero_hbm, out_hbm,
          si0, si1, di0, di1, rw0, rw1,
          acc, gs0, gs1):
        sidx = (si0, si1)
        didx = (di0, di1)
        rows = (rw0, rw1)
        gsem = (gs0, gs1)
        cid = lax.axis_index("c")
        sid = lax.axis_index("s")
        r0 = sid * rpt
        pltpu.sync_copy(zero_hbm, rows[0])
        for off in range(0, rpt, CH):
            c = min(CH, rpt - off)
            pltpu.sync_copy(rows[0].at[pl.ds(0, c)],
                            acc.at[pl.ds(r0 + off, c)])
        plsc.subcore_barrier()

        base_w = cid * ep + sid * per_w

        def load_and_fire(b, chunk):
            base = base_w + chunk * CH
            pltpu.sync_copy(src_hbm.at[pl.ds(base, CH)], sidx[b])
            pltpu.sync_copy(dst_hbm.at[pl.ds(base, CH)], didx[b])
            pltpu.async_copy(h_hbm.at[sidx[b]], rows[b], gsem[b])

        for b in range(_NB):
            load_and_fire(b, b)

        @pl.loop(0, n_chunks // _NB)
        def _(j):
            for b in range(_NB):
                c3 = j * _NB + b
                pltpu.make_async_copy(h_hbm.at[sidx[b]], rows[b],
                                      gsem[b]).wait()
                pltpu.sync_copy(rows[b], acc.at[didx[b]], add=True)

                @pl.when(c3 + _NB < n_chunks)
                def _():
                    load_and_fire(b, c3 + _NB)

        plsc.subcore_barrier()
        for off in range(0, rpt, CH):
            c = min(CH, rpt - off)
            pltpu.sync_copy(acc.at[pl.ds(r0 + off, c)],
                            rows[0].at[pl.ds(0, c)])
            pltpu.sync_copy(rows[0].at[pl.ds(0, c)],
                            out_hbm.at[pl.ds(cid * NN + r0 + off, c)])

    return k(h_all, src_all, dst_all, zeros_chunk)


def _sc_gather4(g, rel_sr, rel_tg, idx_all):
    per_w = B // (NC * NS)
    n_chunks = per_w // CH

    @functools.partial(
        pl.kernel,
        out_type=jax.ShapeDtypeStruct((4 * B, D), jnp.float32),
        mesh=_MESH,
        scratch_types=[
            pltpu.VMEM((CH,), jnp.int32),
            pltpu.VMEM((CH, D), jnp.float32),
            pltpu.SemaphoreType.DMA,
        ],
    )
    def k(g_hbm, rsr_hbm, rtg_hbm, idx_hbm, out_hbm, idxv, rows, sem):
        cid = lax.axis_index("c")
        sid = lax.axis_index("s")
        wid = sid * NC + cid
        for t, tab in enumerate((g_hbm, g_hbm, rsr_hbm, rtg_hbm)):
            for i in range(n_chunks):
                base = t * B + wid * per_w + i * CH
                pltpu.sync_copy(idx_hbm.at[pl.ds(base, CH)], idxv)
                pltpu.async_copy(tab.at[idxv], rows, sem).wait()
                pltpu.sync_copy(rows, out_hbm.at[pl.ds(base, CH)])

    return k(g, rel_sr, rel_tg, idx_all)


_BLK = 128


def _rs(d_ref):
    return lax.rsqrt(jnp.maximum(d_ref[...], 1.0))


def _tc_scale_matmul(x, deg_o, w):
    m = x.shape[0]

    def body(x_ref, d_ref, w_ref, o_ref):
        o_ref[...] = jnp.dot(x_ref[...] * _rs(d_ref), w_ref[...],
                             preferred_element_type=jnp.float32)

    return pl.pallas_call(
        body,
        grid=(m // _BLK,),
        in_specs=[
            pl.BlockSpec((_BLK, D), lambda i: (i, 0)),
            pl.BlockSpec((_BLK, 1), lambda i: (i, 0)),
            pl.BlockSpec((D, D), lambda i: (0, 0)),
        ],
        out_specs=pl.BlockSpec((_BLK, D), lambda i: (i, 0)),
        out_shape=jax.ShapeDtypeStruct((m, D), jnp.float32),
    )(x, deg_o, w)


def _tc_combine_matmul(a, deg_i, deg_o, w):
    m = a.shape[0]

    def body(a_ref, di_ref, do_ref, w_ref, o_ref):
        g = jnp.maximum(a_ref[...] * _rs(di_ref), 0.0)
        o_ref[...] = jnp.dot(g * _rs(do_ref), w_ref[...],
                             preferred_element_type=jnp.float32)

    return pl.pallas_call(
        body,
        grid=(m // _BLK,),
        in_specs=[
            pl.BlockSpec((_BLK, D), lambda i: (i, 0)),
            pl.BlockSpec((_BLK, 1), lambda i: (i, 0)),
            pl.BlockSpec((_BLK, 1), lambda i: (i, 0)),
            pl.BlockSpec((D, D), lambda i: (0, 0)),
        ],
        out_specs=pl.BlockSpec((_BLK, D), lambda i: (i, 0)),
        out_shape=jax.ShapeDtypeStruct((m, D), jnp.float32),
    )(a, deg_i, deg_o, w)


def _tc_combine(a, deg_i):
    m = a.shape[0]

    def body(a_ref, di_ref, o_ref):
        o_ref[...] = jnp.maximum(a_ref[...] * _rs(di_ref), 0.0)

    return pl.pallas_call(
        body,
        grid=(m // _BLK,),
        in_specs=[
            pl.BlockSpec((_BLK, D), lambda i: (i, 0)),
            pl.BlockSpec((_BLK, 1), lambda i: (i, 0)),
        ],
        out_specs=pl.BlockSpec((_BLK, D), lambda i: (i, 0)),
        out_shape=jax.ShapeDtypeStruct((m, D), jnp.float32),
    )(a, deg_i)


def kernel(sr_data, tg_data, sr_rel_data, tg_rel_data,
           edge_index_sr, edge_index_tg,
           ent_emb_sr, ent_emb_tg, rel_emb_sr, rel_emb_tg, W1, W2):
    i32 = jnp.int32
    src_sr = edge_index_sr[0].astype(i32)
    dst_sr = edge_index_sr[1].astype(i32)
    src_tg = edge_index_tg[0].astype(i32)
    dst_tg = edge_index_tg[1].astype(i32)

    half_m = NS * CH
    hist_sr = _pad_to(jnp.concatenate([src_sr, dst_sr + NN]), half_m, N)
    hist_tg = _pad_to(jnp.concatenate([src_tg, dst_tg + NN]), half_m, N)
    deg = _sc_degree_hist(jnp.concatenate([hist_sr, hist_tg]))
    deg_o = jnp.concatenate([deg[0:NN], deg[2 * NN:3 * NN]])[:, None]
    deg_i = jnp.concatenate([deg[NN:2 * NN], deg[3 * NN:4 * NN]])[:, None]

    epm = NS * CH * _NB

    def _pad_spread(arr, lo, hi):
        pad = (-arr.shape[0]) % epm
        fill = lo + jnp.arange(pad, dtype=arr.dtype) % (hi - lo)
        return jnp.concatenate([arr, fill])

    src_all = jnp.concatenate([_pad_spread(src_sr, 0, N),
                               _pad_spread(src_tg, 0, N) + NN])
    dst_all = jnp.concatenate([_pad_spread(dst_sr, N, NN),
                               _pad_spread(dst_tg, N, NN)])
    zeros_chunk = jnp.zeros((CH, D), jnp.float32)

    zpad = jnp.zeros((NN - N, D), jnp.float32)
    x_all = jnp.concatenate([ent_emb_sr, zpad, ent_emb_tg, zpad])

    h1 = _tc_scale_matmul(x_all, deg_o, W1)
    acc1 = _sc_propagate(h1, src_all, dst_all, zeros_chunk)
    h2 = _tc_combine_matmul(acc1, deg_i, deg_o, W2)
    acc2 = _sc_propagate(h2, src_all, dst_all, zeros_chunk)
    g = _tc_combine(acc2, deg_i)

    idx_all = jnp.concatenate([sr_data.astype(i32),
                               tg_data.astype(i32) + NN,
                               sr_rel_data.astype(i32),
                               tg_rel_data.astype(i32)])
    out = _sc_gather4(g, rel_emb_sr, rel_emb_tg, idx_all)
    return (out[0:B], out[B:2 * B], out[2 * B:3 * B], out[3 * B:4 * B])

# --- scband reference (transcript-rebuilt; emitter-appended) ---
"""Pipeline reference for scband-gcn-89696097009721 (READ-ONLY COPY).

The authoritative reference and input builder live on the scoring server;
editing this copy changes nothing except your own understanding.
"""

import jax, jax.numpy as jnp
import numpy as np

N = 10000   # entities per graph
E = 320000  # edges per graph (avg_degree=32)
D = 128     # embedding_dim
R = 1000    # relations per graph
B = 16384   # alignment batch
NUM_LAYER = 2


def setup_inputs(seed: int = 0) -> dict:
    key = jax.random.key(seed)
    ks = jax.random.split(key, 14)
    sr_data = jax.random.randint(ks[0], (B,), 0, N, dtype=jnp.int64) if jax.config.jax_enable_x64 else jax.random.randint(ks[0], (B,), 0, N, dtype=jnp.int32)
    tg_data = jax.random.randint(ks[1], (B,), 0, N, dtype=sr_data.dtype)
    sr_rel_data = jax.random.randint(ks[2], (B,), 0, R, dtype=sr_data.dtype)
    tg_rel_data = jax.random.randint(ks[3], (B,), 0, R, dtype=sr_data.dtype)
    edge_index_sr = jax.random.randint(ks[4], (2, E), 0, N, dtype=sr_data.dtype)
    edge_index_tg = jax.random.randint(ks[5], (2, E), 0, N, dtype=sr_data.dtype)
    ent_emb_sr = jax.random.normal(ks[6], (N, D), dtype=jnp.float32) * 0.02
    ent_emb_tg = jax.random.normal(ks[7], (N, D), dtype=jnp.float32) * 0.02
    rel_emb_sr = jax.random.normal(ks[8], (R, D), dtype=jnp.float32) * 0.02
    rel_emb_tg = jax.random.normal(ks[9], (R, D), dtype=jnp.float32) * 0.02
    W1 = jax.random.normal(ks[10], (D, D), dtype=jnp.float32) * (1.0 / np.sqrt(D))
    W2 = jax.random.normal(ks[11], (D, D), dtype=jnp.float32) * (1.0 / np.sqrt(D))
    return {
        'sr_data': sr_data, 'tg_data': tg_data,
        'sr_rel_data': sr_rel_data, 'tg_rel_data': tg_rel_data,
        'edge_index_sr': edge_index_sr, 'edge_index_tg': edge_index_tg,
        'ent_emb_sr': ent_emb_sr, 'ent_emb_tg': ent_emb_tg,
        'rel_emb_sr': rel_emb_sr, 'rel_emb_tg': rel_emb_tg,
        'W1': W1, 'W2': W2,
    }


def _edge_norm(edge_index, n):
    src, dst = edge_index[0], edge_index[1]
    deg_out = jnp.zeros((n,), dtype=jnp.float32).at[src].add(1.0)
    deg_in = jnp.zeros((n,), dtype=jnp.float32).at[dst].add(1.0)
    deg_out = jnp.maximum(deg_out, 1.0)
    deg_in = jnp.maximum(deg_in, 1.0)
    return 1.0 / jnp.sqrt(deg_out[src] * deg_in[dst])


def _gcn_layer(x, W, src, dst, coef, n):
    # GraphConvolution: support = x @ W ; out = A_hat @ support ; act = relu
    # dropout_rate=0.0 (eval), bias=False
    h = x @ W
    msg = h[src] * coef[:, None]
    out = jax.ops.segment_sum(msg, dst, num_segments=n)
    return jax.nn.relu(out)


def reference(sr_data, tg_data, sr_rel_data, tg_rel_data,
              edge_index_sr, edge_index_tg,
              ent_emb_sr, ent_emb_tg, rel_emb_sr, rel_emb_tg, W1, W2):
    coef_sr = _edge_norm(edge_index_sr, N)
    coef_tg = _edge_norm(edge_index_tg, N)
    src_sr, dst_sr = edge_index_sr[0], edge_index_sr[1]
    src_tg, dst_tg = edge_index_tg[0], edge_index_tg[1]
    g_sr = ent_emb_sr
    g_tg = ent_emb_tg
    for W in (W1, W2):
        g_sr = _gcn_layer(g_sr, W, src_sr, dst_sr, coef_sr, N)
        g_tg = _gcn_layer(g_tg, W, src_tg, dst_tg, coef_tg, N)
    repre_e_sr = jnp.take(g_sr, sr_data, axis=0)
    repre_e_tg = jnp.take(g_tg, tg_data, axis=0)
    repre_r_sr = jnp.take(rel_emb_sr, sr_rel_data, axis=0)
    repre_r_tg = jnp.take(rel_emb_tg, tg_rel_data, axis=0)
    return (repre_e_sr, repre_e_tg, repre_r_sr, repre_r_tg)

if __name__ == "__main__":
    import jax
    _d = setup_inputs()
    print(jax.jit(kernel)(*tuple(_d.values())))

</pallas_src>

<mosaic_0001>
#map = affine_map<(d0, d1) -> (0, 0)>
#map1 = affine_map<(d0, d1) -> (0)>
module attributes {stable_mosaic.version = 14 : i64} {
  func.func @k(%arg0: i32, %arg1: i32, %arg2: memref<20224x128xf32, #tpu.memory_space<hbm>>, %arg3: memref<647168xi32, #tpu.memory_space<hbm>>, %arg4: memref<647168xi32, #tpu.memory_space<hbm>>, %arg5: memref<128x128xf32, #tpu.memory_space<hbm>>, %arg6: memref<20224x128xf32, #tpu.memory_space<hbm>>, %arg7: memref<128xi32, #tpu.memory_space<vmem>>, %arg8: memref<128xi32, #tpu.memory_space<vmem>>, %arg9: memref<128xi32, #tpu.memory_space<vmem>>, %arg10: memref<128xi32, #tpu.memory_space<vmem>>, %arg11: memref<128x128xf32, #tpu.memory_space<vmem>>, %arg12: memref<128x128xf32, #tpu.memory_space<vmem>>, %arg13: memref<10112x128xf32, #tpu.memory_space<vmem_shared>>, %arg14: memref<!tpu.dma_semaphore, #tpu.memory_space<semaphore_mem>>, %arg15: memref<!tpu.dma_semaphore, #tpu.memory_space<semaphore_mem>>) attributes {dimension_semantics = [#tpu.dimension_semantics<core_parallel>, #tpu.dimension_semantics<subcore_parallel>], iteration_bounds = array<i64: 2, 16>, scalar_prefetch = 0 : i64, scratch_operands = 9 : i64, tpu.core_type = #tpu.core_type<sc_vector_subcore>, window_params = [{transform_indices = #map}, {transform_indices = #map1}, {transform_indices = #map1}, {transform_indices = #map}, {transform_indices = #map}]} {
    %mul3A = arith.constant 632 : i32
    %mul3A_0 = arith.muli %arg1, %mul3A : i32
    "tpu.region"() ({
      %run_scoped3A = tpu.sem_alloc : memref<!tpu.dma_semaphore, #tpu.memory_space<semaphore_mem>>
      tpu.enqueue_dma source(%arg5 : memref<128x128xf32, #tpu.memory_space<hbm>>) target(%arg11 : memref<128x128xf32, #tpu.memory_space<vmem>>) target_semaphore(%run_scoped3A : memref<!tpu.dma_semaphore, #tpu.memory_space<semaphore_mem>>)
      tpu.wait_dma2 semaphore(%run_scoped3A : memref<!tpu.dma_semaphore, #tpu.memory_space<semaphore_mem>>) src(%arg5 : memref<128x128xf32, #tpu.memory_space<hbm>>) dst(%arg11 : memref<128x128xf32, #tpu.memory_space<vmem>>)
      tpu.yield
    }) : () -> ()
    %add3A = arith.constant 0 : i32
    %add3A_1 = arith.addi %mul3A_0, %add3A : i32
    "tpu.region"() ({
      %run_scoped3A = tpu.sem_alloc : memref<!tpu.dma_semaphore, #tpu.memory_space<semaphore_mem>>
      %dma_start3A_64 = arith.constant 0 : i32
      %dma_start3A_65 = arith.constant 0 : i32
      %dma_start3A_66 = tpu.memref_slice %arg11[%dma_start3A_64, %dma_start3A_65] : memref<128x128xf32, #tpu.memory_space<vmem>> -> memref<128x128xf32, #tpu.memory_space<vmem>>
      %dma_start3A_67 = arith.constant 0 : i32
      %dma_start3A_68 = tpu.memref_slice %arg13[%add3A_1, %dma_start3A_67] : memref<10112x128xf32, #tpu.memory_space<vmem_shared>> -> memref<128x128xf32, #tpu.memory_space<vmem_shared>>
      %dma_start3A_69 = arith.constant 0 : i32
      %dma_start3A_70 = tpu.memref_slice %arg13[%add3A_1, %dma_start3A_69] : memref<10112x128xf32, #tpu.memory_space<vmem_shared>> -> memref<128x128xf32, #tpu.memory_space<vmem_shared>>
      %dma_start3A_71 = arith.constant 0 : i32
      %dma_start3A_72 = arith.constant 0 : i32
      %dma_start3A_73 = tpu.memref_slice %arg11[%dma_start3A_71, %dma_start3A_72] : memref<128x128xf32, #tpu.memory_space<vmem>> -> memref<128x128xf32, #tpu.memory_space<vmem>>
      tpu.enqueue_dma source(%dma_start3A_73 : memref<128x128xf32, #tpu.memory_space<vmem>>) target(%dma_start3A_70 : memref<128x128xf32, #tpu.memory_space<vmem_shared>>) target_semaphore(%run_scoped3A : memref<!tpu.dma_semaphore, #tpu.memory_space<semaphore_mem>>)
      %dma_wait3A = arith.constant 0 : i32
      %dma_wait3A_74 = arith.constant 0 : i32
      %dma_wait3A_75 = tpu.memref_slice %arg11[%dma_wait3A, %dma_wait3A_74] : memref<128x128xf32, #tpu.memory_space<vmem>> -> memref<128x128xf32, #tpu.memory_space<vmem>>
      %dma_wait3A_76 = arith.constant 0 : i32
      %dma_wait3A_77 = tpu.memref_slice %arg13[%add3A_1, %dma_wait3A_76] : memref<10112x128xf32, #tpu.memory_space<vmem_shared>> -> memref<128x128xf32, #tpu.memory_space<vmem_shared>>
      %dma_wait3A_78 = arith.constant 0 : i32
      %dma_wait3A_79 = tpu.memref_slice %arg13[%add3A_1, %dma_wait3A_78] : memref<10112x128xf32, #tpu.memory_space<vmem_shared>> -> memref<128x128xf32, #tpu.memory_space<vmem_shared>>
      %dma_wait3A_80 = arith.constant 0 : i32
      %dma_wait3A_81 = arith.constant 0 : i32
      %dma_wait3A_82 = tpu.memref_slice %arg11[%dma_wait3A_80, %dma_wait3A_81] : memref<128x128xf32, #tpu.memory_space<vmem>> -> memref<128x128xf32, #tpu.memory_space<vmem>>
      tpu.wait_dma2 semaphore(%run_scoped3A : memref<!tpu.dma_semaphore, #tpu.memory_space<semaphore_mem>>) src(%dma_wait3A_82 : memref<128x128xf32, #tpu.memory_space<vmem>>) dst(%dma_wait3A_79 : memref<128x128xf32, #tpu.memory_space<vmem_shared>>)
      tpu.yield
    }) : () -> ()
    %add3A_2 = arith.constant 128 : i32
    %add3A_3 = arith.addi %mul3A_0, %add3A_2 : i32
    "tpu.region"() ({
      %run_scoped3A = tpu.sem_alloc : memref<!tpu.dma_semaphore, #tpu.memory_space<semaphore_mem>>
      %dma_start3A_64 = arith.constant 0 : i32
      %dma_start3A_65 = arith.constant 0 : i32
      %dma_start3A_66 = tpu.memref_slice %arg11[%dma_start3A_64, %dma_start3A_65] : memref<128x128xf32, #tpu.memory_space<vmem>> -> memref<128x128xf32, #tpu.memory_space<vmem>>
      %dma_start3A_67 = arith.constant 0 : i32
      %dma_start3A_68 = tpu.memref_slice %arg13[%add3A_3, %dma_start3A_67] : memref<10112x128xf32, #tpu.memory_space<vmem_shared>> -> memref<128x128xf32, #tpu.memory_space<vmem_shared>>
      %dma_start3A_69 = arith.constant 0 : i32
      %dma_start3A_70 = tpu.memref_slice %arg13[%add3A_3, %dma_start3A_69] : memref<10112x128xf32, #tpu.memory_space<vmem_shared>> -> memref<128x128xf32, #tpu.memory_space<vmem_shared>>
      %dma_start3A_71 = arith.constant 0 : i32
      %dma_start3A_72 = arith.constant 0 : i32
      %dma_start3A_73 = tpu.memref_slice %arg11[%dma_start3A_71, %dma_start3A_72] : memref<128x128xf32, #tpu.memory_space<vmem>> -> memref<128x128xf32, #tpu.memory_space<vmem>>
      tpu.enqueue_dma source(%dma_start3A_73 : memref<128x128xf32, #tpu.memory_space<vmem>>) target(%dma_start3A_70 : memref<128x128xf32, #tpu.memory_space<vmem_shared>>) target_semaphore(%run_scoped3A : memref<!tpu.dma_semaphore, #tpu.memory_space<semaphore_mem>>)
      %dma_wait3A = arith.constant 0 : i32
      %dma_wait3A_74 = arith.constant 0 : i32
      %dma_wait3A_75 = tpu.memref_slice %arg11[%dma_wait3A, %dma_wait3A_74] : memref<128x128xf32, #tpu.memory_space<vmem>> -> memref<128x128xf32, #tpu.memory_space<vmem>>
      %dma_wait3A_76 = arith.constant 0 : i32
      %dma_wait3A_77 = tpu.memref_slice %arg13[%add3A_3, %dma_wait3A_76] : memref<10112x128xf32, #tpu.memory_space<vmem_shared>> -> memref<128x128xf32, #tpu.memory_space<vmem_shared>>
      %dma_wait3A_78 = arith.constant 0 : i32
      %dma_wait3A_79 = tpu.memref_slice %arg13[%add3A_3, %dma_wait3A_78] : memref<10112x128xf32, #tpu.memory_space<vmem_shared>> -> memref<128x128xf32, #tpu.memory_space<vmem_shared>>
      %dma_wait3A_80 = arith.constant 0 : i32
      %dma_wait3A_81 = arith.constant 0 : i32
      %dma_wait3A_82 = tpu.memref_slice %arg11[%dma_wait3A_80, %dma_wait3A_81] : memref<128x128xf32, #tpu.memory_space<vmem>> -> memref<128x128xf32, #tpu.memory_space<vmem>>
      tpu.wait_dma2 semaphore(%run_scoped3A : memref<!tpu.dma_semaphore, #tpu.memory_space<semaphore_mem>>) src(%dma_wait3A_82 : memref<128x128xf32, #tpu.memory_space<vmem>>) dst(%dma_wait3A_79 : memref<128x128xf32, #tpu.memory_space<vmem_shared>>)
      tpu.yield
    }) : () -> ()
    %add3A_4 = arith.constant 256 : i32
    %add3A_5 = arith.addi %mul3A_0, %add3A_4 : i32
    "tpu.region"() ({
      %run_scoped3A = tpu.sem_alloc : memref<!tpu.dma_semaphore, #tpu.memory_space<semaphore_mem>>
      %dma_start3A_64 = arith.constant 0 : i32
      %dma_start3A_65 = arith.constant 0 : i32
      %dma_start3A_66 = tpu.memref_slice %arg11[%dma_start3A_64, %dma_start3A_65] : memref<128x128xf32, #tpu.memory_space<vmem>> -> memref<128x128xf32, #tpu.memory_space<vmem>>
      %dma_start3A_67 = arith.constant 0 : i32
      %dma_start3A_68 = tpu.memref_slice %arg13[%add3A_5, %dma_start3A_67] : memref<10112x128xf32, #tpu.memory_space<vmem_shared>> -> memref<128x128xf32, #tpu.memory_space<vmem_shared>>
      %dma_start3A_69 = arith.constant 0 : i32
      %dma_start3A_70 = tpu.memref_slice %arg13[%add3A_5, %dma_start3A_69] : memref<10112x128xf32, #tpu.memory_space<vmem_shared>> -> memref<128x128xf32, #tpu.memory_space<vmem_shared>>
      %dma_start3A_71 = arith.constant 0 : i32
      %dma_start3A_72 = arith.constant 0 : i32
      %dma_start3A_73 = tpu.memref_slice %arg11[%dma_start3A_71, %dma_start3A_72] : memref<128x128xf32, #tpu.memory_space<vmem>> -> memref<128x128xf32, #tpu.memory_space<vmem>>
      tpu.enqueue_dma source(%dma_start3A_73 : memref<128x128xf32, #tpu.memory_space<vmem>>) target(%dma_start3A_70 : memref<128x128xf32, #tpu.memory_space<vmem_shared>>) target_semaphore(%run_scoped3A : memref<!tpu.dma_semaphore, #tpu.memory_space<semaphore_mem>>)
      %dma_wait3A = arith.constant 0 : i32
      %dma_wait3A_74 = arith.constant 0 : i32
      %dma_wait3A_75 = tpu.memref_slice %arg11[%dma_wait3A, %dma_wait3A_74] : memref<128x128xf32, #tpu.memory_space<vmem>> -> memref<128x128xf32, #tpu.memory_space<vmem>>
      %dma_wait3A_76 = arith.constant 0 : i32
      %dma_wait3A_77 = tpu.memref_slice %arg13[%add3A_5, %dma_wait3A_76] : memref<10112x128xf32, #tpu.memory_space<vmem_shared>> -> memref<128x128xf32, #tpu.memory_space<vmem_shared>>
      %dma_wait3A_78 = arith.constant 0 : i32
      %dma_wait3A_79 = tpu.memref_slice %arg13[%add3A_5, %dma_wait3A_78] : memref<10112x128xf32, #tpu.memory_space<vmem_shared>> -> memref<128x128xf32, #tpu.memory_space<vmem_shared>>
      %dma_wait3A_80 = arith.constant 0 : i32
      %dma_wait3A_81 = arith.constant 0 : i32
      %dma_wait3A_82 = tpu.memref_slice %arg11[%dma_wait3A_80, %dma_wait3A_81] : memref<128x128xf32, #tpu.memory_space<vmem>> -> memref<128x128xf32, #tpu.memory_space<vmem>>
      tpu.wait_dma2 semaphore(%run_scoped3A : memref<!tpu.dma_semaphore, #tpu.memory_space<semaphore_mem>>) src(%dma_wait3A_82 : memref<128x128xf32, #tpu.memory_space<vmem>>) dst(%dma_wait3A_79 : memref<128x128xf32, #tpu.memory_space<vmem_shared>>)
      tpu.yield
    }) : () -> ()
    %add3A_6 = arith.constant 384 : i32
    %add3A_7 = arith.addi %mul3A_0, %add3A_6 : i32
    "tpu.region"() ({
      %run_scoped3A = tpu.sem_alloc : memref<!tpu.dma_semaphore, #tpu.memory_space<semaphore_mem>>
      %dma_start3A_64 = arith.constant 0 : i32
      %dma_start3A_65 = arith.constant 0 : i32
      %dma_start3A_66 = tpu.memref_slice %arg11[%dma_start3A_64, %dma_start3A_65] : memref<128x128xf32, #tpu.memory_space<vmem>> -> memref<128x128xf32, #tpu.memory_space<vmem>>
      %dma_start3A_67 = arith.constant 0 : i32
      %dma_start3A_68 = tpu.memref_slice %arg13[%add3A_7, %dma_start3A_67] : memref<10112x128xf32, #tpu.memory_space<vmem_shared>> -> memref<128x128xf32, #tpu.memory_space<vmem_shared>>
      %dma_start3A_69 = arith.constant 0 : i32
      %dma_start3A_70 = tpu.memref_slice %arg13[%add3A_7, %dma_start3A_69] : memref<10112x128xf32, #tpu.memory_space<vmem_shared>> -> memref<128x128xf32, #tpu.memory_space<vmem_shared>>
      %dma_start3A_71 = arith.constant 0 : i32
      %dma_start3A_72 = arith.constant 0 : i32
      %dma_start3A_73 = tpu.memref_slice %arg11[%dma_start3A_71, %dma_start3A_72] : memref<128x128xf32, #tpu.memory_space<vmem>> -> memref<128x128xf32, #tpu.memory_space<vmem>>
      tpu.enqueue_dma source(%dma_start3A_73 : memref<128x128xf32, #tpu.memory_space<vmem>>) target(%dma_start3A_70 : memref<128x128xf32, #tpu.memory_space<vmem_shared>>) target_semaphore(%run_scoped3A : memref<!tpu.dma_semaphore, #tpu.memory_space<semaphore_mem>>)
      %dma_wait3A = arith.constant 0 : i32
      %dma_wait3A_74 = arith.constant 0 : i32
      %dma_wait3A_75 = tpu.memref_slice %arg11[%dma_wait3A, %dma_wait3A_74] : memref<128x128xf32, #tpu.memory_space<vmem>> -> memref<128x128xf32, #tpu.memory_space<vmem>>
      %dma_wait3A_76 = arith.constant 0 : i32
      %dma_wait3A_77 = tpu.memref_slice %arg13[%add3A_7, %dma_wait3A_76] : memref<10112x128xf32, #tpu.memory_space<vmem_shared>> -> memref<128x128xf32, #tpu.memory_space<vmem_shared>>
      %dma_wait3A_78 = arith.constant 0 : i32
      %dma_wait3A_79 = tpu.memref_slice %arg13[%add3A_7, %dma_wait3A_78] : memref<10112x128xf32, #tpu.memory_space<vmem_shared>> -> memref<128x128xf32, #tpu.memory_space<vmem_shared>>
      %dma_wait3A_80 = arith.constant 0 : i32
      %dma_wait3A_81 = arith.constant 0 : i32
      %dma_wait3A_82 = tpu.memref_slice %arg11[%dma_wait3A_80, %dma_wait3A_81] : memref<128x128xf32, #tpu.memory_space<vmem>> -> memref<128x128xf32, #tpu.memory_space<vmem>>
      tpu.wait_dma2 semaphore(%run_scoped3A : memref<!tpu.dma_semaphore, #tpu.memory_space<semaphore_mem>>) src(%dma_wait3A_82 : memref<128x128xf32, #tpu.memory_space<vmem>>) dst(%dma_wait3A_79 : memref<128x128xf32, #tpu.memory_space<vmem_shared>>)
      tpu.yield
    }) : () -> ()
    %add3A_8 = arith.constant 512 : i32
    %add3A_9 = arith.addi %mul3A_0, %add3A_8 : i32
    "tpu.region"() ({
      %run_scoped3A = tpu.sem_alloc : memref<!tpu.dma_semaphore, #tpu.memory_space<semaphore_mem>>
      %dma_start3A_64 = arith.constant 0 : i32
      %dma_start3A_65 = arith.constant 0 : i32
      %dma_start3A_66 = tpu.memref_slice %arg11[%dma_start3A_64, %dma_start3A_65] : memref<128x128xf32, #tpu.memory_space<vmem>> -> memref<120x128xf32, #tpu.memory_space<vmem>>
      %dma_start3A_67 = arith.constant 0 : i32
      %dma_start3A_68 = tpu.memref_slice %arg13[%add3A_9, %dma_start3A_67] : memref<10112x128xf32, #tpu.memory_space<vmem_shared>> -> memref<120x128xf32, #tpu.memory_space<vmem_shared>>
      %dma_start3A_69 = arith.constant 0 : i32
      %dma_start3A_70 = tpu.memref_slice %arg13[%add3A_9, %dma_start3A_69] : memref<10112x128xf32, #tpu.memory_space<vmem_shared>> -> memref<120x128xf32, #tpu.memory_space<vmem_shared>>
      %dma_start3A_71 = arith.constant 0 : i32
      %dma_start3A_72 = arith.constant 0 : i32
      %dma_start3A_73 = tpu.memref_slice %arg11[%dma_start3A_71, %dma_start3A_72] : memref<128x128xf32, #tpu.memory_space<vmem>> -> memref<120x128xf32, #tpu.memory_space<vmem>>
      tpu.enqueue_dma source(%dma_start3A_73 : memref<120x128xf32, #tpu.memory_space<vmem>>) target(%dma_start3A_70 : memref<120x128xf32, #tpu.memory_space<vmem_shared>>) target_semaphore(%run_scoped3A : memref<!tpu.dma_semaphore, #tpu.memory_space<semaphore_mem>>)
      %dma_wait3A = arith.constant 0 : i32
      %dma_wait3A_74 = arith.constant 0 : i32
      %dma_wait3A_75 = tpu.memref_slice %arg11[%dma_wait3A, %dma_wait3A_74] : memref<128x128xf32, #tpu.memory_space<vmem>> -> memref<120x128xf32, #tpu.memory_space<vmem>>
      %dma_wait3A_76 = arith.constant 0 : i32
      %dma_wait3A_77 = tpu.memref_slice %arg13[%add3A_9, %dma_wait3A_76] : memref<10112x128xf32, #tpu.memory_space<vmem_shared>> -> memref<120x128xf32, #tpu.memory_space<vmem_shared>>
      %dma_wait3A_78 = arith.constant 0 : i32
      %dma_wait3A_79 = tpu.memref_slice %arg13[%add3A_9, %dma_wait3A_78] : memref<10112x128xf32, #tpu.memory_space<vmem_shared>> -> memref<120x128xf32, #tpu.memory_space<vmem_shared>>
      %dma_wait3A_80 = arith.constant 0 : i32
      %dma_wait3A_81 = arith.constant 0 : i32
      %dma_wait3A_82 = tpu.memref_slice %arg11[%dma_wait3A_80, %dma_wait3A_81] : memref<128x128xf32, #tpu.memory_space<vmem>> -> memref<120x128xf32, #tpu.memory_space<vmem>>
      tpu.wait_dma2 semaphore(%run_scoped3A : memref<!tpu.dma_semaphore, #tpu.memory_space<semaphore_mem>>) src(%dma_wait3A_82 : memref<120x128xf32, #tpu.memory_space<vmem>>) dst(%dma_wait3A_79 : memref<120x128xf32, #tpu.memory_space<vmem_shared>>)
      tpu.yield
    }) : () -> ()
    %barrier3A = arith.constant 0 : index
    tpu.barrier barrier_id(%barrier3A)
    %mul3A_10 = arith.constant 323584 : i32
    %mul3A_11 = arith.muli %arg0, %mul3A_10 : i32
    %mul3A_12 = arith.constant 20224 : i32
    %mul3A_13 = arith.muli %arg1, %mul3A_12 : i32
    %add3A_14 = arith.addi %mul3A_11, %mul3A_13 : i32
    %add3A_15 = arith.constant 0 : i32
    %add3A_16 = arith.addi %add3A_14, %add3A_15 : i32
    "tpu.region"() ({
      %run_scoped3A = tpu.sem_alloc : memref<!tpu.dma_semaphore, #tpu.memory_space<semaphore_mem>>
      %dma_start3A_64 = tpu.memref_slice %arg3[%add3A_16] : memref<647168xi32, #tpu.memory_space<hbm>> -> memref<128xi32, #tpu.memory_space<hbm>>
      %dma_start3A_65 = tpu.memref_slice %arg3[%add3A_16] : memref<647168xi32, #tpu.memory_space<hbm>> -> memref<128xi32, #tpu.memory_space<hbm>>
      tpu.enqueue_dma source(%dma_start3A_65 : memref<128xi32, #tpu.memory_space<hbm>>) target(%arg7 : memref<128xi32, #tpu.memory_space<vmem>>) target_semaphore(%run_scoped3A : memref<!tpu.dma_semaphore, #tpu.memory_space<semaphore_mem>>)
      %dma_wait3A = tpu.memref_slice %arg3[%add3A_16] : memref<647168xi32, #tpu.memory_space<hbm>> -> memref<128xi32, #tpu.memory_space<hbm>>
      %dma_wait3A_66 = tpu.memref_slice %arg3[%add3A_16] : memref<647168xi32, #tpu.memory_space<hbm>> -> memref<128xi32, #tpu.memory_space<hbm>>
      tpu.wait_dma2 semaphore(%run_scoped3A : memref<!tpu.dma_semaphore, #tpu.memory_space<semaphore_mem>>) src(%dma_wait3A_66 : memref<128xi32, #tpu.memory_space<hbm>>) dst(%arg7 : memref<128xi32, #tpu.memory_space<vmem>>)
      tpu.yield
    }) : () -> ()
    "tpu.region"() ({
      %run_scoped3A = tpu.sem_alloc : memref<!tpu.dma_semaphore, #tpu.memory_space<semaphore_mem>>
      %dma_start3A_64 = tpu.memref_slice %arg4[%add3A_16] : memref<647168xi32, #tpu.memory_space<hbm>> -> memref<128xi32, #tpu.memory_space<hbm>>
      %dma_start3A_65 = tpu.memref_slice %arg4[%add3A_16] : memref<647168xi32, #tpu.memory_space<hbm>> -> memref<128xi32, #tpu.memory_space<hbm>>
      tpu.enqueue_dma source(%dma_start3A_65 : memref<128xi32, #tpu.memory_space<hbm>>) target(%arg9 : memref<128xi32, #tpu.memory_space<vmem>>) target_semaphore(%run_scoped3A : memref<!tpu.dma_semaphore, #tpu.memory_space<semaphore_mem>>)
      %dma_wait3A = tpu.memref_slice %arg4[%add3A_16] : memref<647168xi32, #tpu.memory_space<hbm>> -> memref<128xi32, #tpu.memory_space<hbm>>
      %dma_wait3A_66 = tpu.memref_slice %arg4[%add3A_16] : memref<647168xi32, #tpu.memory_space<hbm>> -> memref<128xi32, #tpu.memory_space<hbm>>
      tpu.wait_dma2 semaphore(%run_scoped3A : memref<!tpu.dma_semaphore, #tpu.memory_space<semaphore_mem>>) src(%dma_wait3A_66 : memref<128xi32, #tpu.memory_space<hbm>>) dst(%arg9 : memref<128xi32, #tpu.memory_space<vmem>>)
      tpu.yield
    }) : () -> ()
    %dma_start3A = arith.constant 0 : i32
    %dma_start3A_17 = arith.constant 0 : i32
    %dma_start3A_18 = tpu.memref_slice %arg2[%dma_start3A, %dma_start3A_17] : memref<20224x128xf32, #tpu.memory_space<hbm>> -> memref<20224x128xf32, #tpu.memory_space<hbm>>
    tpu.enqueue_indirect_dma source(%dma_start3A_18 : memref<20224x128xf32, #tpu.memory_space<hbm>>) target(%arg11 : memref<128x128xf32, #tpu.memory_space<vmem>>) offsets(%arg7 : memref<128xi32, #tpu.memory_space<vmem>>) semaphore(%arg14 : memref<!tpu.dma_semaphore, #tpu.memory_space<semaphore_mem>>)
    %add3A_19 = arith.constant 128 : i32
    %add3A_20 = arith.addi %add3A_14, %add3A_19 : i32
    "tpu.region"() ({
      %run_scoped3A = tpu.sem_alloc : memref<!tpu.dma_semaphore, #tpu.memory_space<semaphore_mem>>
      %dma_start3A_64 = tpu.memref_slice %arg3[%add3A_20] : memref<647168xi32, #tpu.memory_space<hbm>> -> memref<128xi32, #tpu.memory_space<hbm>>
      %dma_start3A_65 = tpu.memref_slice %arg3[%add3A_20] : memref<647168xi32, #tpu.memory_space<hbm>> -> memref<128xi32, #tpu.memory_space<hbm>>
      tpu.enqueue_dma source(%dma_start3A_65 : memref<128xi32, #tpu.memory_space<hbm>>) target(%arg8 : memref<128xi32, #tpu.memory_space<vmem>>) target_semaphore(%run_scoped3A : memref<!tpu.dma_semaphore, #tpu.memory_space<semaphore_mem>>)
      %dma_wait3A = tpu.memref_slice %arg3[%add3A_20] : memref<647168xi32, #tpu.memory_space<hbm>> -> memref<128xi32, #tpu.memory_space<hbm>>
      %dma_wait3A_66 = tpu.memref_slice %arg3[%add3A_20] : memref<647168xi32, #tpu.memory_space<hbm>> -> memref<128xi32, #tpu.memory_space<hbm>>
      tpu.wait_dma2 semaphore(%run_scoped3A : memref<!tpu.dma_semaphore, #tpu.memory_space<semaphore_mem>>) src(%dma_wait3A_66 : memref<128xi32, #tpu.memory_space<hbm>>) dst(%arg8 : memref<128xi32, #tpu.memory_space<vmem>>)
      tpu.yield
    }) : () -> ()
    "tpu.region"() ({
      %run_scoped3A = tpu.sem_alloc : memref<!tpu.dma_semaphore, #tpu.memory_space<semaphore_mem>>
      %dma_start3A_64 = tpu.memref_slice %arg4[%add3A_20] : memref<647168xi32, #tpu.memory_space<hbm>> -> memref<128xi32, #tpu.memory_space<hbm>>
      %dma_start3A_65 = tpu.memref_slice %arg4[%add3A_20] : memref<647168xi32, #tpu.memory_space<hbm>> -> memref<128xi32, #tpu.memory_space<hbm>>
      tpu.enqueue_dma source(%dma_start3A_65 : memref<128xi32, #tpu.memory_space<hbm>>) target(%arg10 : memref<128xi32, #tpu.memory_space<vmem>>) target_semaphore(%run_scoped3A : memref<!tpu.dma_semaphore, #tpu.memory_space<semaphore_mem>>)
      %dma_wait3A = tpu.memref_slice %arg4[%add3A_20] : memref<647168xi32, #tpu.memory_space<hbm>> -> memref<128xi32, #tpu.memory_space<hbm>>
      %dma_wait3A_66 = tpu.memref_slice %arg4[%add3A_20] : memref<647168xi32, #tpu.memory_space<hbm>> -> memref<128xi32, #tpu.memory_space<hbm>>
      tpu.wait_dma2 semaphore(%run_scoped3A : memref<!tpu.dma_semaphore, #tpu.memory_space<semaphore_mem>>) src(%dma_wait3A_66 : memref<128xi32, #tpu.memory_space<hbm>>) dst(%arg10 : memref<128xi32, #tpu.memory_space<vmem>>)
      tpu.yield
    }) : () -> ()
    %dma_start3A_21 = arith.constant 0 : i32
    %dma_start3A_22 = arith.constant 0 : i32
    %dma_start3A_23 = tpu.memref_slice %arg2[%dma_start3A_21, %dma_start3A_22] : memref<20224x128xf32, #tpu.memory_space<hbm>> -> memref<20224x128xf32, #tpu.memory_space<hbm>>
    tpu.enqueue_indirect_dma source(%dma_start3A_23 : memref<20224x128xf32, #tpu.memory_space<hbm>>) target(%arg12 : memref<128x128xf32, #tpu.memory_space<vmem>>) offsets(%arg8 : memref<128xi32, #tpu.memory_space<vmem>>) semaphore(%arg15 : memref<!tpu.dma_semaphore, #tpu.memory_space<semaphore_mem>>)
    %scan3A = arith.constant 0 : i32
    %scan3A_24 = arith.constant 79 : i32
    %scan3A_25 = arith.addi %scan3A, %scan3A_24 : i32
    %scan3A_26 = arith.constant 1 : i32
    scf.for %scan3A_64 = %scan3A to %scan3A_25 step %scan3A_26  : i32 {
      %mul3A_65 = arith.constant 1 : i32
      %mul3A_66 = arith.muli %scan3A_64, %mul3A_65 : i32
      %add3A_67 = arith.constant 0 : i32
      %add3A_68 = arith.addi %add3A_67, %mul3A_66 : i32
      %mul3A_69 = arith.constant 2 : i32
      %mul3A_70 = arith.muli %add3A_68, %mul3A_69 : i32
      %add3A_71 = arith.constant 0 : i32
      %add3A_72 = arith.addi %mul3A_70, %add3A_71 : i32
      %dma_wait3A = arith.constant 0 : i32
      %dma_wait3A_73 = arith.constant 0 : i32
      %dma_wait3A_74 = tpu.memref_slice %arg2[%dma_wait3A, %dma_wait3A_73] : memref<20224x128xf32, #tpu.memory_space<hbm>> -> memref<20224x128xf32, #tpu.memory_space<hbm>>
      tpu.wait_indirect_dma semaphore(%arg14 : memref<!tpu.dma_semaphore, #tpu.memory_space<semaphore_mem>>) src(%dma_wait3A_74 : memref<20224x128xf32, #tpu.memory_space<hbm>>) dst(%arg11 : memref<128x128xf32, #tpu.memory_space<vmem>>)
      "tpu.region"() ({
        %run_scoped3A = tpu.sem_alloc : memref<!tpu.dma_semaphore, #tpu.memory_space<semaphore_mem>>
        %dma_start3A_93 = arith.constant 0 : i32
        %dma_start3A_94 = arith.constant 0 : i32
        %dma_start3A_95 = tpu.memref_slice %arg13[%dma_start3A_93, %dma_start3A_94] : memref<10112x128xf32, #tpu.memory_space<vmem_shared>> -> memref<10112x128xf32, #tpu.memory_space<vmem_shared>>
        tpu.enqueue_indirect_dma source(%arg11 : memref<128x128xf32, #tpu.memory_space<vmem>>) target(%dma_start3A_95 : memref<10112x128xf32, #tpu.memory_space<vmem_shared>>) offsets(%arg9 : memref<128xi32, #tpu.memory_space<vmem>>) semaphore(%run_scoped3A : memref<!tpu.dma_semaphore, #tpu.memory_space<semaphore_mem>>) {add = true}
        %dma_wait3A_96 = arith.constant 0 : i32
        %dma_wait3A_97 = arith.constant 0 : i32
        %dma_wait3A_98 = tpu.memref_slice %arg13[%dma_wait3A_96, %dma_wait3A_97] : memref<10112x128xf32, #tpu.memory_space<vmem_shared>> -> memref<10112x128xf32, #tpu.memory_space<vmem_shared>>
        tpu.wait_indirect_dma semaphore(%run_scoped3A : memref<!tpu.dma_semaphore, #tpu.memory_space<semaphore_mem>>) src(%arg11 : memref<128x128xf32, #tpu.memory_space<vmem>>) dst(%dma_wait3A_98 : memref<10112x128xf32, #tpu.memory_space<vmem_shared>>)
        tpu.yield
      }) : () -> ()
      %add3A_75 = arith.constant 2 : i32
      %add3A_76 = arith.addi %add3A_72, %add3A_75 : i32
      %lt3A = arith.constant 158 : i32
      %lt3A_77 = arith.cmpi slt, %add3A_76, %lt3A : i32
      %convert_element_type3A = arith.extui %lt3A_77 : i1 to i32
      %cond3A = arith.constant 0 : i32
      %cond3A_78 = arith.cmpi ne, %convert_element_type3A, %cond3A : i32
      scf.if %cond3A_78 {
        %add3A_93 = arith.constant 2 : i32
        %add3A_94 = arith.addi %add3A_72, %add3A_93 : i32
        %mul3A_95 = arith.constant 128 : i32
        %mul3A_96 = arith.muli %add3A_94, %mul3A_95 : i32
        %add3A_97 = arith.addi %add3A_14, %mul3A_96 : i32
        "tpu.region"() ({
          %run_scoped3A = tpu.sem_alloc : memref<!tpu.dma_semaphore, #tpu.memory_space<semaphore_mem>>
          %dma_start3A_101 = tpu.memref_slice %arg3[%add3A_97] : memref<647168xi32, #tpu.memory_space<hbm>> -> memref<128xi32, #tpu.memory_space<hbm>>
          %dma_start3A_102 = tpu.memref_slice %arg3[%add3A_97] : memref<647168xi32, #tpu.memory_space<hbm>> -> memref<128xi32, #tpu.memory_space<hbm>>
          tpu.enqueue_dma source(%dma_start3A_102 : memref<128xi32, #tpu.memory_space<hbm>>) target(%arg7 : memref<128xi32, #tpu.memory_space<vmem>>) target_semaphore(%run_scoped3A : memref<!tpu.dma_semaphore, #tpu.memory_space<semaphore_mem>>)
          %dma_wait3A_103 = tpu.memref_slice %arg3[%add3A_97] : memref<647168xi32, #tpu.memory_space<hbm>> -> memref<128xi32, #tpu.memory_space<hbm>>
          %dma_wait3A_104 = tpu.memref_slice %arg3[%add3A_97] : memref<647168xi32, #tpu.memory_space<hbm>> -> memref<128xi32, #tpu.memory_space<hbm>>
          tpu.wait_dma2 semaphore(%run_scoped3A : memref<!tpu.dma_semaphore, #tpu.memory_space<semaphore_mem>>) src(%dma_wait3A_104 : memref<128xi32, #tpu.memory_space<hbm>>) dst(%arg7 : memref<128xi32, #tpu.memory_space<vmem>>)
          tpu.yield
        }) : () -> ()
        "tpu.region"() ({
          %run_scoped3A = tpu.sem_alloc : memref<!tpu.dma_semaphore, #tpu.memory_space<semaphore_mem>>
          %dma_start3A_101 = tpu.memref_slice %arg4[%add3A_97] : memref<647168xi32, #tpu.memory_space<hbm>> -> memref<128xi32, #tpu.memory_space<hbm>>
          %dma_start3A_102 = tpu.memref_slice %arg4[%add3A_97] : memref<647168xi32, #tpu.memory_space<hbm>> -> memref<128xi32, #tpu.memory_space<hbm>>
          tpu.enqueue_dma source(%dma_start3A_102 : memref<128xi32, #tpu.memory_space<hbm>>) target(%arg9 : memref<128xi32, #tpu.memory_space<vmem>>) target_semaphore(%run_scoped3A : memref<!tpu.dma_semaphore, #tpu.memory_space<semaphore_mem>>)
          %dma_wait3A_103 = tpu.memref_slice %arg4[%add3A_97] : memref<647168xi32, #tpu.memory_space<hbm>> -> memref<128xi32, #tpu.memory_space<hbm>>
          %dma_wait3A_104 = tpu.memref_slice %arg4[%add3A_97] : memref<647168xi32, #tpu.memory_space<hbm>> -> memref<128xi32, #tpu.memory_space<hbm>>
          tpu.wait_dma2 semaphore(%run_scoped3A : memref<!tpu.dma_semaphore, #tpu.memory_space<semaphore_mem>>) src(%dma_wait3A_104 : memref<128xi32, #tpu.memory_space<hbm>>) dst(%arg9 : memref<128xi32, #tpu.memory_space<vmem>>)
          tpu.yield
        }) : () -> ()
        %dma_start3A_98 = arith.constant 0 : i32
        %dma_start3A_99 = arith.constant 0 : i32
        %dma_start3A_100 = tpu.memref_slice %arg2[%dma_start3A_98, %dma_start3A_99] : memref<20224x128xf32, #tpu.memory_space<hbm>> -> memref<20224x128xf32, #tpu.memory_space<hbm>>
        tpu.enqueue_indirect_dma source(%dma_start3A_100 : memref<20224x128xf32, #tpu.memory_space<hbm>>) target(%arg11 : memref<128x128xf32, #tpu.memory_space<vmem>>) offsets(%arg7 : memref<128xi32, #tpu.memory_space<vmem>>) semaphore(%arg14 : memref<!tpu.dma_semaphore, #tpu.memory_space<semaphore_mem>>)
      } else {
      }
      %mul3A_79 = arith.constant 2 : i32
      %mul3A_80 = arith.muli %add3A_68, %mul3A_79 : i32
      %add3A_81 = arith.constant 1 : i32
      %add3A_82 = arith.addi %mul3A_80, %add3A_81 : i32
      %dma_wait3A_83 = arith.constant 0 : i32
      %dma_wait3A_84 = arith.constant 0 : i32
      %dma_wait3A_85 = tpu.memref_slice %arg2[%dma_wait3A_83, %dma_wait3A_84] : memref<20224x128xf32, #tpu.memory_space<hbm>> -> memref<20224x128xf32, #tpu.memory_space<hbm>>
      tpu.wait_indirect_dma semaphore(%arg15 : memref<!tpu.dma_semaphore, #tpu.memory_space<semaphore_mem>>) src(%dma_wait3A_85 : memref<20224x128xf32, #tpu.memory_space<hbm>>) dst(%arg12 : memref<128x128xf32, #tpu.memory_space<vmem>>)
      "tpu.region"() ({
        %run_scoped3A = tpu.sem_alloc : memref<!tpu.dma_semaphore, #tpu.memory_space<semaphore_mem>>
        %dma_start3A_93 = arith.constant 0 : i32
        %dma_start3A_94 = arith.constant 0 : i32
        %dma_start3A_95 = tpu.memref_slice %arg13[%dma_start3A_93, %dma_start3A_94] : memref<10112x128xf32, #tpu.memory_space<vmem_shared>> -> memref<10112x128xf32, #tpu.memory_space<vmem_shared>>
        tpu.enqueue_indirect_dma source(%arg12 : memref<128x128xf32, #tpu.memory_space<vmem>>) target(%dma_start3A_95 : memref<10112x128xf32, #tpu.memory_space<vmem_shared>>) offsets(%arg10 : memref<128xi32, #tpu.memory_space<vmem>>) semaphore(%run_scoped3A : memref<!tpu.dma_semaphore, #tpu.memory_space<semaphore_mem>>) {add = true}
        %dma_wait3A_96 = arith.constant 0 : i32
        %dma_wait3A_97 = arith.constant 0 : i32
        %dma_wait3A_98 = tpu.memref_slice %arg13[%dma_wait3A_96, %dma_wait3A_97] : memref<10112x128xf32, #tpu.memory_space<vmem_shared>> -> memref<10112x128xf32, #tpu.memory_space<vmem_shared>>
        tpu.wait_indirect_dma semaphore(%run_scoped3A : memref<!tpu.dma_semaphore, #tpu.memory_space<semaphore_mem>>) src(%arg12 : memref<128x128xf32, #tpu.memory_space<vmem>>) dst(%dma_wait3A_98 : memref<10112x128xf32, #tpu.memory_space<vmem_shared>>)
        tpu.yield
      }) : () -> ()
      %add3A_86 = arith.constant 2 : i32
      %add3A_87 = arith.addi %add3A_82, %add3A_86 : i32
      %lt3A_88 = arith.constant 158 : i32
      %lt3A_89 = arith.cmpi slt, %add3A_87, %lt3A_88 : i32
      %convert_element_type3A_90 = arith.extui %lt3A_89 : i1 to i32
      %cond3A_91 = arith.constant 0 : i32
      %cond3A_92 = arith.cmpi ne, %convert_element_type3A_90, %cond3A_91 : i32
      scf.if %cond3A_92 {
        %add3A_93 = arith.constant 2 : i32
        %add3A_94 = arith.addi %add3A_82, %add3A_93 : i32
        %mul3A_95 = arith.constant 128 : i32
        %mul3A_96 = arith.muli %add3A_94, %mul3A_95 : i32
        %add3A_97 = arith.addi %add3A_14, %mul3A_96 : i32
        "tpu.region"() ({
          %run_scoped3A = tpu.sem_alloc : memref<!tpu.dma_semaphore, #tpu.memory_space<semaphore_mem>>
          %dma_start3A_101 = tpu.memref_slice %arg3[%add3A_97] : memref<647168xi32, #tpu.memory_space<hbm>> -> memref<128xi32, #tpu.memory_space<hbm>>
          %dma_start3A_102 = tpu.memref_slice %arg3[%add3A_97] : memref<647168xi32, #tpu.memory_space<hbm>> -> memref<128xi32, #tpu.memory_space<hbm>>
          tpu.enqueue_dma source(%dma_start3A_102 : memref<128xi32, #tpu.memory_space<hbm>>) target(%arg8 : memref<128xi32, #tpu.memory_space<vmem>>) target_semaphore(%run_scoped3A : memref<!tpu.dma_semaphore, #tpu.memory_space<semaphore_mem>>)
          %dma_wait3A_103 = tpu.memref_slice %arg3[%add3A_97] : memref<647168xi32, #tpu.memory_space<hbm>> -> memref<128xi32, #tpu.memory_space<hbm>>
          %dma_wait3A_104 = tpu.memref_slice %arg3[%add3A_97] : memref<647168xi32, #tpu.memory_space<hbm>> -> memref<128xi32, #tpu.memory_space<hbm>>
          tpu.wait_dma2 semaphore(%run_scoped3A : memref<!tpu.dma_semaphore, #tpu.memory_space<semaphore_mem>>) src(%dma_wait3A_104 : memref<128xi32, #tpu.memory_space<hbm>>) dst(%arg8 : memref<128xi32, #tpu.memory_space<vmem>>)
          tpu.yield
        }) : () -> ()
        "tpu.region"() ({
          %run_scoped3A = tpu.sem_alloc : memref<!tpu.dma_semaphore, #tpu.memory_space<semaphore_mem>>
          %dma_start3A_101 = tpu.memref_slice %arg4[%add3A_97] : memref<647168xi32, #tpu.memory_space<hbm>> -> memref<128xi32, #tpu.memory_space<hbm>>
          %dma_start3A_102 = tpu.memref_slice %arg4[%add3A_97] : memref<647168xi32, #tpu.memory_space<hbm>> -> memref<128xi32, #tpu.memory_space<hbm>>
          tpu.enqueue_dma source(%dma_start3A_102 : memref<128xi32, #tpu.memory_space<hbm>>) target(%arg10 : memref<128xi32, #tpu.memory_space<vmem>>) target_semaphore(%run_scoped3A : memref<!tpu.dma_semaphore, #tpu.memory_space<semaphore_mem>>)
          %dma_wait3A_103 = tpu.memref_slice %arg4[%add3A_97] : memref<647168xi32, #tpu.memory_space<hbm>> -> memref<128xi32, #tpu.memory_space<hbm>>
          %dma_wait3A_104 = tpu.memref_slice %arg4[%add3A_97] : memref<647168xi32, #tpu.memory_space<hbm>> -> memref<128xi32, #tpu.memory_space<hbm>>
          tpu.wait_dma2 semaphore(%run_scoped3A : memref<!tpu.dma_semaphore, #tpu.memory_space<semaphore_mem>>) src(%dma_wait3A_104 : memref<128xi32, #tpu.memory_space<hbm>>) dst(%arg10 : memref<128xi32, #tpu.memory_space<vmem>>)
          tpu.yield
        }) : () -> ()
        %dma_start3A_98 = arith.constant 0 : i32
        %dma_start3A_99 = arith.constant 0 : i32
        %dma_start3A_100 = tpu.memref_slice %arg2[%dma_start3A_98, %dma_start3A_99] : memref<20224x128xf32, #tpu.memory_space<hbm>> -> memref<20224x128xf32, #tpu.memory_space<hbm>>
        tpu.enqueue_indirect_dma source(%dma_start3A_100 : memref<20224x128xf32, #tpu.memory_space<hbm>>) target(%arg12 : memref<128x128xf32, #tpu.memory_space<vmem>>) offsets(%arg8 : memref<128xi32, #tpu.memory_space<vmem>>) semaphore(%arg15 : memref<!tpu.dma_semaphore, #tpu.memory_space<semaphore_mem>>)
      } else {
      }
    }
    %scan3A_27 = arith.constant 79 : i32
    %barrier3A_28 = arith.constant 0 : index
    tpu.barrier barrier_id(%barrier3A_28)
    %add3A_29 = arith.constant 0 : i32
    %add3A_30 = arith.addi %mul3A_0, %add3A_29 : i32
    "tpu.region"() ({
      %run_scoped3A = tpu.sem_alloc : memref<!tpu.dma_semaphore, #tpu.memory_space<semaphore_mem>>
      %dma_start3A_64 = arith.constant 0 : i32
      %dma_start3A_65 = arith.constant 0 : i32
      %dma_start3A_66 = tpu.memref_slice %arg11[%dma_start3A_64, %dma_start3A_65] : memref<128x128xf32, #tpu.memory_space<vmem>> -> memref<128x128xf32, #tpu.memory_space<vmem>>
      %dma_start3A_67 = arith.constant 0 : i32
      %dma_start3A_68 = tpu.memref_slice %arg13[%add3A_30, %dma_start3A_67] : memref<10112x128xf32, #tpu.memory_space<vmem_shared>> -> memref<128x128xf32, #tpu.memory_space<vmem_shared>>
      %dma_start3A_69 = arith.constant 0 : i32
      %dma_start3A_70 = arith.constant 0 : i32
      %dma_start3A_71 = tpu.memref_slice %arg11[%dma_start3A_69, %dma_start3A_70] : memref<128x128xf32, #tpu.memory_space<vmem>> -> memref<128x128xf32, #tpu.memory_space<vmem>>
      %dma_start3A_72 = arith.constant 0 : i32
      %dma_start3A_73 = tpu.memref_slice %arg13[%add3A_30, %dma_start3A_72] : memref<10112x128xf32, #tpu.memory_space<vmem_shared>> -> memref<128x128xf32, #tpu.memory_space<vmem_shared>>
      tpu.enqueue_dma source(%dma_start3A_73 : memref<128x128xf32, #tpu.memory_space<vmem_shared>>) target(%dma_start3A_71 : memref<128x128xf32, #tpu.memory_space<vmem>>) target_semaphore(%run_scoped3A : memref<!tpu.dma_semaphore, #tpu.memory_space<semaphore_mem>>)
      %dma_wait3A = arith.constant 0 : i32
      %dma_wait3A_74 = arith.constant 0 : i32
      %dma_wait3A_75 = tpu.memref_slice %arg11[%dma_wait3A, %dma_wait3A_74] : memref<128x128xf32, #tpu.memory_space<vmem>> -> memref<128x128xf32, #tpu.memory_space<vmem>>
      %dma_wait3A_76 = arith.constant 0 : i32
      %dma_wait3A_77 = tpu.memref_slice %arg13[%add3A_30, %dma_wait3A_76] : memref<10112x128xf32, #tpu.memory_space<vmem_shared>> -> memref<128x128xf32, #tpu.memory_space<vmem_shared>>
      %dma_wait3A_78 = arith.constant 0 : i32
      %dma_wait3A_79 = arith.constant 0 : i32
      %dma_wait3A_80 = tpu.memref_slice %arg11[%dma_wait3A_78, %dma_wait3A_79] : memref<128x128xf32, #tpu.memory_space<vmem>> -> memref<128x128xf32, #tpu.memory_space<vmem>>
      %dma_wait3A_81 = arith.constant 0 : i32
      %dma_wait3A_82 = tpu.memref_slice %arg13[%add3A_30, %dma_wait3A_81] : memref<10112x128xf32, #tpu.memory_space<vmem_shared>> -> memref<128x128xf32, #tpu.memory_space<vmem_shared>>
      tpu.wait_dma2 semaphore(%run_scoped3A : memref<!tpu.dma_semaphore, #tpu.memory_space<semaphore_mem>>) src(%dma_wait3A_82 : memref<128x128xf32, #tpu.memory_space<vmem_shared>>) dst(%dma_wait3A_80 : memref<128x128xf32, #tpu.memory_space<vmem>>)
      tpu.yield
    }) : () -> ()
    %mul3A_31 = arith.constant 10112 : i32
    %mul3A_32 = arith.muli %arg0, %mul3A_31 : i32
    %add3A_33 = arith.addi %mul3A_32, %mul3A_0 : i32
    %add3A_34 = arith.constant 0 : i32
    %add3A_35 = arith.addi %add3A_33, %add3A_34 : i32
    "tpu.region"() ({
      %run_scoped3A = tpu.sem_alloc : memref<!tpu.dma_semaphore, #tpu.memory_space<semaphore_mem>>
      %dma_start3A_64 = arith.constant 0 : i32
      %dma_start3A_65 = arith.constant 0 : i32
      %dma_start3A_66 = tpu.memref_slice %arg11[%dma_start3A_64, %dma_start3A_65] : memref<128x128xf32, #tpu.memory_space<vmem>> -> memref<128x128xf32, #tpu.memory_space<vmem>>
      %dma_start3A_67 = arith.constant 0 : i32
      %dma_start3A_68 = tpu.memref_slice %arg6[%add3A_35, %dma_start3A_67] : memref<20224x128xf32, #tpu.memory_space<hbm>> -> memref<128x128xf32, #tpu.memory_space<hbm>>
      %dma_start3A_69 = arith.constant 0 : i32
      %dma_start3A_70 = tpu.memref_slice %arg6[%add3A_35, %dma_start3A_69] : memref<20224x128xf32, #tpu.memory_space<hbm>> -> memref<128x128xf32, #tpu.memory_space<hbm>>
      %dma_start3A_71 = arith.constant 0 : i32
      %dma_start3A_72 = arith.constant 0 : i32
      %dma_start3A_73 = tpu.memref_slice %arg11[%dma_start3A_71, %dma_start3A_72] : memref<128x128xf32, #tpu.memory_space<vmem>> -> memref<128x128xf32, #tpu.memory_space<vmem>>
      tpu.enqueue_dma source(%dma_start3A_73 : memref<128x128xf32, #tpu.memory_space<vmem>>) target(%dma_start3A_70 : memref<128x128xf32, #tpu.memory_space<hbm>>) target_semaphore(%run_scoped3A : memref<!tpu.dma_semaphore, #tpu.memory_space<semaphore_mem>>)
      %dma_wait3A = arith.constant 0 : i32
      %dma_wait3A_74 = arith.constant 0 : i32
      %dma_wait3A_75 = tpu.memref_slice %arg11[%dma_wait3A, %dma_wait3A_74] : memref<128x128xf32, #tpu.memory_space<vmem>> -> memref<128x128xf32, #tpu.memory_space<vmem>>
      %dma_wait3A_76 = arith.constant 0 : i32
      %dma_wait3A_77 = tpu.memref_slice %arg6[%add3A_35, %dma_wait3A_76] : memref<20224x128xf32, #tpu.memory_space<hbm>> -> memref<128x128xf32, #tpu.memory_space<hbm>>
      %dma_wait3A_78 = arith.constant 0 : i32
      %dma_wait3A_79 = tpu.memref_slice %arg6[%add3A_35, %dma_wait3A_78] : memref<20224x128xf32, #tpu.memory_space<hbm>> -> memref<128x128xf32, #tpu.memory_space<hbm>>
      %dma_wait3A_80 = arith.constant 0 : i32
      %dma_wait3A_81 = arith.constant 0 : i32
      %dma_wait3A_82 = tpu.memref_slice %arg11[%dma_wait3A_80, %dma_wait3A_81] : memref<128x128xf32, #tpu.memory_space<vmem>> -> memref<128x128xf32, #tpu.memory_space<vmem>>
      tpu.wait_dma2 semaphore(%run_scoped3A : memref<!tpu.dma_semaphore, #tpu.memory_space<semaphore_mem>>) src(%dma_wait3A_82 : memref<128x128xf32, #tpu.memory_space<vmem>>) dst(%dma_wait3A_79 : memref<128x128xf32, #tpu.memory_space<hbm>>)
      tpu.yield
    }) : () -> ()
    %add3A_36 = arith.constant 128 : i32
    %add3A_37 = arith.addi %mul3A_0, %add3A_36 : i32
    "tpu.region"() ({
      %run_scoped3A = tpu.sem_alloc : memref<!tpu.dma_semaphore, #tpu.memory_space<semaphore_mem>>
      %dma_start3A_64 = arith.constant 0 : i32
      %dma_start3A_65 = arith.constant 0 : i32
      %dma_start3A_66 = tpu.memref_slice %arg11[%dma_start3A_64, %dma_start3A_65] : memref<128x128xf32, #tpu.memory_space<vmem>> -> memref<128x128xf32, #tpu.memory_space<vmem>>
      %dma_start3A_67 = arith.constant 0 : i32
      %dma_start3A_68 = tpu.memref_slice %arg13[%add3A_37, %dma_start3A_67] : memref<10112x128xf32, #tpu.memory_space<vmem_shared>> -> memref<128x128xf32, #tpu.memory_space<vmem_shared>>
      %dma_start3A_69 = arith.constant 0 : i32
      %dma_start3A_70 = arith.constant 0 : i32
      %dma_start3A_71 = tpu.memref_slice %arg11[%dma_start3A_69, %dma_start3A_70] : memref<128x128xf32, #tpu.memory_space<vmem>> -> memref<128x128xf32, #tpu.memory_space<vmem>>
      %dma_start3A_72 = arith.constant 0 : i32
      %dma_start3A_73 = tpu.memref_slice %arg13[%add3A_37, %dma_start3A_72] : memref<10112x128xf32, #tpu.memory_space<vmem_shared>> -> memref<128x128xf32, #tpu.memory_space<vmem_shared>>
      tpu.enqueue_dma source(%dma_start3A_73 : memref<128x128xf32, #tpu.memory_space<vmem_shared>>) target(%dma_start3A_71 : memref<128x128xf32, #tpu.memory_space<vmem>>) target_semaphore(%run_scoped3A : memref<!tpu.dma_semaphore, #tpu.memory_space<semaphore_mem>>)
      %dma_wait3A = arith.constant 0 : i32
      %dma_wait3A_74 = arith.constant 0 : i32
      %dma_wait3A_75 = tpu.memref_slice %arg11[%dma_wait3A, %dma_wait3A_74] : memref<128x128xf32, #tpu.memory_space<vmem>> -> memref<128x128xf32, #tpu.memory_space<vmem>>
      %dma_wait3A_76 = arith.constant 0 : i32
      %dma_wait3A_77 = tpu.memref_slice %arg13[%add3A_37, %dma_wait3A_76] : memref<10112x128xf32, #tpu.memory_space<vmem_shared>> -> memref<128x128xf32, #tpu.memory_space<vmem_shared>>
      %dma_wait3A_78 = arith.constant 0 : i32
      %dma_wait3A_79 = arith.constant 0 : i32
      %dma_wait3A_80 = tpu.memref_slice %arg11[%dma_wait3A_78, %dma_wait3A_79] : memref<128x128xf32, #tpu.memory_space<vmem>> -> memref<128x128xf32, #tpu.memory_space<vmem>>
      %dma_wait3A_81 = arith.constant 0 : i32
      %dma_wait3A_82 = tpu.memref_slice %arg13[%add3A_37, %dma_wait3A_81] : memref<10112x128xf32, #tpu.memory_space<vmem_shared>> -> memref<128x128xf32, #tpu.memory_space<vmem_shared>>
      tpu.wait_dma2 semaphore(%run_scoped3A : memref<!tpu.dma_semaphore, #tpu.memory_space<semaphore_mem>>) src(%dma_wait3A_82 : memref<128x128xf32, #tpu.memory_space<vmem_shared>>) dst(%dma_wait3A_80 : memref<128x128xf32, #tpu.memory_space<vmem>>)
      tpu.yield
    }) : () -> ()
    %mul3A_38 = arith.constant 10112 : i32
    %mul3A_39 = arith.muli %arg0, %mul3A_38 : i32
    %add3A_40 = arith.addi %mul3A_39, %mul3A_0 : i32
    %add3A_41 = arith.constant 128 : i32
    %add3A_42 = arith.addi %add3A_40, %add3A_41 : i32
    "tpu.region"() ({
      %run_scoped3A = tpu.sem_alloc : memref<!tpu.dma_semaphore, #tpu.memory_space<semaphore_mem>>
      %dma_start3A_64 = arith.constant 0 : i32
      %dma_start3A_65 = arith.constant 0 : i32
      %dma_start3A_66 = tpu.memref_slice %arg11[%dma_start3A_64, %dma_start3A_65] : memref<128x128xf32, #tpu.memory_space<vmem>> -> memref<128x128xf32, #tpu.memory_space<vmem>>
      %dma_start3A_67 = arith.constant 0 : i32
      %dma_start3A_68 = tpu.memref_slice %arg6[%add3A_42, %dma_start3A_67] : memref<20224x128xf32, #tpu.memory_space<hbm>> -> memref<128x128xf32, #tpu.memory_space<hbm>>
      %dma_start3A_69 = arith.constant 0 : i32
      %dma_start3A_70 = tpu.memref_slice %arg6[%add3A_42, %dma_start3A_69] : memref<20224x128xf32, #tpu.memory_space<hbm>> -> memref<128x128xf32, #tpu.memory_space<hbm>>
      %dma_start3A_71 = arith.constant 0 : i32
      %dma_start3A_72 = arith.constant 0 : i32
      %dma_start3A_73 = tpu.memref_slice %arg11[%dma_start3A_71, %dma_start3A_72] : memref<128x128xf32, #tpu.memory_space<vmem>> -> memref<128x128xf32, #tpu.memory_space<vmem>>
      tpu.enqueue_dma source(%dma_start3A_73 : memref<128x128xf32, #tpu.memory_space<vmem>>) target(%dma_start3A_70 : memref<128x128xf32, #tpu.memory_space<hbm>>) target_semaphore(%run_scoped3A : memref<!tpu.dma_semaphore, #tpu.memory_space<semaphore_mem>>)
      %dma_wait3A = arith.constant 0 : i32
      %dma_wait3A_74 = arith.constant 0 : i32
      %dma_wait3A_75 = tpu.memref_slice %arg11[%dma_wait3A, %dma_wait3A_74] : memref<128x128xf32, #tpu.memory_space<vmem>> -> memref<128x128xf32, #tpu.memory_space<vmem>>
      %dma_wait3A_76 = arith.constant 0 : i32
      %dma_wait3A_77 = tpu.memref_slice %arg6[%add3A_42, %dma_wait3A_76] : memref<20224x128xf32, #tpu.memory_space<hbm>> -> memref<128x128xf32, #tpu.memory_space<hbm>>
      %dma_wait3A_78 = arith.constant 0 : i32
      %dma_wait3A_79 = tpu.memref_slice %arg6[%add3A_42, %dma_wait3A_78] : memref<20224x128xf32, #tpu.memory_space<hbm>> -> memref<128x128xf32, #tpu.memory_space<hbm>>
      %dma_wait3A_80 = arith.constant 0 : i32
      %dma_wait3A_81 = arith.constant 0 : i32
      %dma_wait3A_82 = tpu.memref_slice %arg11[%dma_wait3A_80, %dma_wait3A_81] : memref<128x128xf32, #tpu.memory_space<vmem>> -> memref<128x128xf32, #tpu.memory_space<vmem>>
      tpu.wait_dma2 semaphore(%run_scoped3A : memref<!tpu.dma_semaphore, #tpu.memory_space<semaphore_mem>>) src(%dma_wait3A_82 : memref<128x128xf32, #tpu.memory_space<vmem>>) dst(%dma_wait3A_79 : memref<128x128xf32, #tpu.memory_space<hbm>>)
      tpu.yield
    }) : () -> ()
    %add3A_43 = arith.constant 256 : i32
    %add3A_44 = arith.addi %mul3A_0, %add3A_43 : i32
    "tpu.region"() ({
      %run_scoped3A = tpu.sem_alloc : memref<!tpu.dma_semaphore, #tpu.memory_space<semaphore_mem>>
      %dma_start3A_64 = arith.constant 0 : i32
      %dma_start3A_65 = arith.constant 0 : i32
      %dma_start3A_66 = tpu.memref_slice %arg11[%dma_start3A_64, %dma_start3A_65] : memref<128x128xf32, #tpu.memory_space<vmem>> -> memref<128x128xf32, #tpu.memory_space<vmem>>
      %dma_start3A_67 = arith.constant 0 : i32
      %dma_start3A_68 = tpu.memref_slice %arg13[%add3A_44, %dma_start3A_67] : memref<10112x128xf32, #tpu.memory_space<vmem_shared>> -> memref<128x128xf32, #tpu.memory_space<vmem_shared>>
      %dma_start3A_69 = arith.constant 0 : i32
      %dma_start3A_70 = arith.constant 0 : i32
      %dma_start3A_71 = tpu.memref_slice %arg11[%dma_start3A_69, %dma_start3A_70] : memref<128x128xf32, #tpu.memory_space<vmem>> -> memref<128x128xf32, #tpu.memory_space<vmem>>
      %dma_start3A_72 = arith.constant 0 : i32
      %dma_start3A_73 = tpu.memref_slice %arg13[%add3A_44, %dma_start3A_72] : memref<10112x128xf32, #tpu.memory_space<vmem_shared>> -> memref<128x128xf32, #tpu.memory_space<vmem_shared>>
      tpu.enqueue_dma source(%dma_start3A_73 : memref<128x128xf32, #tpu.memory_space<vmem_shared>>) target(%dma_start3A_71 : memref<128x128xf32, #tpu.memory_space<vmem>>) target_semaphore(%run_scoped3A : memref<!tpu.dma_semaphore, #tpu.memory_space<semaphore_mem>>)
      %dma_wait3A = arith.constant 0 : i32
      %dma_wait3A_74 = arith.constant 0 : i32
      %dma_wait3A_75 = tpu.memref_slice %arg11[%dma_wait3A, %dma_wait3A_74] : memref<128x128xf32, #tpu.memory_space<vmem>> -> memref<128x128xf32, #tpu.memory_space<vmem>>
      %dma_wait3A_76 = arith.constant 0 : i32
      %dma_wait3A_77 = tpu.memref_slice %arg13[%add3A_44, %dma_wait3A_76] : memref<10112x128xf32, #tpu.memory_space<vmem_shared>> -> memref<128x128xf32, #tpu.memory_space<vmem_shared>>
      %dma_wait3A_78 = arith.constant 0 : i32
      %dma_wait3A_79 = arith.constant 0 : i32
      %dma_wait3A_80 = tpu.memref_slice %arg11[%dma_wait3A_78, %dma_wait3A_79] : memref<128x128xf32, #tpu.memory_space<vmem>> -> memref<128x128xf32, #tpu.memory_space<vmem>>
      %dma_wait3A_81 = arith.constant 0 : i32
      %dma_wait3A_82 = tpu.memref_slice %arg13[%add3A_44, %dma_wait3A_81] : memref<10112x128xf32, #tpu.memory_space<vmem_shared>> -> memref<128x128xf32, #tpu.memory_space<vmem_shared>>
      tpu.wait_dma2 semaphore(%run_scoped3A : memref<!tpu.dma_semaphore, #tpu.memory_space<semaphore_mem>>) src(%dma_wait3A_82 : memref<128x128xf32, #tpu.memory_space<vmem_shared>>) dst(%dma_wait3A_80 : memref<128x128xf32, #tpu.memory_space<vmem>>)
      tpu.yield
    }) : () -> ()
    %mul3A_45 = arith.constant 10112 : i32
    %mul3A_46 = arith.muli %arg0, %mul3A_45 : i32
    %add3A_47 = arith.addi %mul3A_46, %mul3A_0 : i32
    %add3A_48 = arith.constant 256 : i32
    %add3A_49 = arith.addi %add3A_47, %add3A_48 : i32
    "tpu.region"() ({
      %run_scoped3A = tpu.sem_alloc : memref<!tpu.dma_semaphore, #tpu.memory_space<semaphore_mem>>
      %dma_start3A_64 = arith.constant 0 : i32
      %dma_start3A_65 = arith.constant 0 : i32
      %dma_start3A_66 = tpu.memref_slice %arg11[%dma_start3A_64, %dma_start3A_65] : memref<128x128xf32, #tpu.memory_space<vmem>> -> memref<128x128xf32, #tpu.memory_space<vmem>>
      %dma_start3A_67 = arith.constant 0 : i32
      %dma_start3A_68 = tpu.memref_slice %arg6[%add3A_49, %dma_start3A_67] : memref<20224x128xf32, #tpu.memory_space<hbm>> -> memref<128x128xf32, #tpu.memory_space<hbm>>
      %dma_start3A_69 = arith.constant 0 : i32
      %dma_start3A_70 = tpu.memref_slice %arg6[%add3A_49, %dma_start3A_69] : memref<20224x128xf32, #tpu.memory_space<hbm>> -> memref<128x128xf32, #tpu.memory_space<hbm>>
      %dma_start3A_71 = arith.constant 0 : i32
      %dma_start3A_72 = arith.constant 0 : i32
      %dma_start3A_73 = tpu.memref_slice %arg11[%dma_start3A_71, %dma_start3A_72] : memref<128x128xf32, #tpu.memory_space<vmem>> -> memref<128x128xf32, #tpu.memory_space<vmem>>
      tpu.enqueue_dma source(%dma_start3A_73 : memref<128x128xf32, #tpu.memory_space<vmem>>) target(%dma_start3A_70 : memref<128x128xf32, #tpu.memory_space<hbm>>) target_semaphore(%run_scoped3A : memref<!tpu.dma_semaphore, #tpu.memory_space<semaphore_mem>>)
      %dma_wait3A = arith.constant 0 : i32
      %dma_wait3A_74 = arith.constant 0 : i32
      %dma_wait3A_75 = tpu.memref_slice %arg11[%dma_wait3A, %dma_wait3A_74] : memref<128x128xf32, #tpu.memory_space<vmem>> -> memref<128x128xf32, #tpu.memory_space<vmem>>
      %dma_wait3A_76 = arith.constant 0 : i32
      %dma_wait3A_77 = tpu.memref_slice %arg6[%add3A_49, %dma_wait3A_76] : memref<20224x128xf32, #tpu.memory_space<hbm>> -> memref<128x128xf32, #tpu.memory_space<hbm>>
      %dma_wait3A_78 = arith.constant 0 : i32
      %dma_wait3A_79 = tpu.memref_slice %arg6[%add3A_49, %dma_wait3A_78] : memref<20224x128xf32, #tpu.memory_space<hbm>> -> memref<128x128xf32, #tpu.memory_space<hbm>>
      %dma_wait3A_80 = arith.constant 0 : i32
      %dma_wait3A_81 = arith.constant 0 : i32
      %dma_wait3A_82 = tpu.memref_slice %arg11[%dma_wait3A_80, %dma_wait3A_81] : memref<128x128xf32, #tpu.memory_space<vmem>> -> memref<128x128xf32, #tpu.memory_space<vmem>>
      tpu.wait_dma2 semaphore(%run_scoped3A : memref<!tpu.dma_semaphore, #tpu.memory_space<semaphore_mem>>) src(%dma_wait3A_82 : memref<128x128xf32, #tpu.memory_space<vmem>>) dst(%dma_wait3A_79 : memref<128x128xf32, #tpu.memory_space<hbm>>)
      tpu.yield
    }) : () -> ()
    %add3A_50 = arith.constant 384 : i32
    %add3A_51 = arith.addi %mul3A_0, %add3A_50 : i32
    "tpu.region"() ({
      %run_scoped3A = tpu.sem_alloc : memref<!tpu.dma_semaphore, #tpu.memory_space<semaphore_mem>>
      %dma_start3A_64 = arith.constant 0 : i32
      %dma_start3A_65 = arith.constant 0 : i32
      %dma_start3A_66 = tpu.memref_slice %arg11[%dma_start3A_64, %dma_start3A_65] : memref<128x128xf32, #tpu.memory_space<vmem>> -> memref<128x128xf32, #tpu.memory_space<vmem>>
      %dma_start3A_67 = arith.constant 0 : i32
      %dma_start3A_68 = tpu.memref_slice %arg13[%add3A_51, %dma_start3A_67] : memref<10112x128xf32, #tpu.memory_space<vmem_shared>> -> memref<128x128xf32, #tpu.memory_space<vmem_shared>>
      %dma_start3A_69 = arith.constant 0 : i32
      %dma_start3A_70 = arith.constant 0 : i32
      %dma_start3A_71 = tpu.memref_slice %arg11[%dma_start3A_69, %dma_start3A_70] : memref<128x128xf32, #tpu.memory_space<vmem>> -> memref<128x128xf32, #tpu.memory_space<vmem>>
      %dma_start3A_72 = arith.constant 0 : i32
      %dma_start3A_73 = tpu.memref_slice %arg13[%add3A_51, %dma_start3A_72] : memref<10112x128xf32, #tpu.memory_space<vmem_shared>> -> memref<128x128xf32, #tpu.memory_space<vmem_shared>>
      tpu.enqueue_dma source(%dma_start3A_73 : memref<128x128xf32, #tpu.memory_space<vmem_shared>>) target(%dma_start3A_71 : memref<128x128xf32, #tpu.memory_space<vmem>>) target_semaphore(%run_scoped3A : memref<!tpu.dma_semaphore, #tpu.memory_space<semaphore_mem>>)
      %dma_wait3A = arith.constant 0 : i32
      %dma_wait3A_74 = arith.constant 0 : i32
      %dma_wait3A_75 = tpu.memref_slice %arg11[%dma_wait3A, %dma_wait3A_74] : memref<128x128xf32, #tpu.memory_space<vmem>> -> memref<128x128xf32, #tpu.memory_space<vmem>>
      %dma_wait3A_76 = arith.constant 0 : i32
      %dma_wait3A_77 = tpu.memref_slice %arg13[%add3A_51, %dma_wait3A_76] : memref<10112x128xf32, #tpu.memory_space<vmem_shared>> -> memref<128x128xf32, #tpu.memory_space<vmem_shared>>
      %dma_wait3A_78 = arith.constant 0 : i32
      %dma_wait3A_79 = arith.constant 0 : i32
      %dma_wait3A_80 = tpu.memref_slice %arg11[%dma_wait3A_78, %dma_wait3A_79] : memref<128x128xf32, #tpu.memory_space<vmem>> -> memref<128x128xf32, #tpu.memory_space<vmem>>
      %dma_wait3A_81 = arith.constant 0 : i32
      %dma_wait3A_82 = tpu.memref_slice %arg13[%add3A_51, %dma_wait3A_81] : memref<10112x128xf32, #tpu.memory_space<vmem_shared>> -> memref<128x128xf32, #tpu.memory_space<vmem_shared>>
      tpu.wait_dma2 semaphore(%run_scoped3A : memref<!tpu.dma_semaphore, #tpu.memory_space<semaphore_mem>>) src(%dma_wait3A_82 : memref<128x128xf32, #tpu.memory_space<vmem_shared>>) dst(%dma_wait3A_80 : memref<128x128xf32, #tpu.memory_space<vmem>>)
      tpu.yield
    }) : () -> ()
    %mul3A_52 = arith.constant 10112 : i32
    %mul3A_53 = arith.muli %arg0, %mul3A_52 : i32
    %add3A_54 = arith.addi %mul3A_53, %mul3A_0 : i32
    %add3A_55 = arith.constant 384 : i32
    %add3A_56 = arith.addi %add3A_54, %add3A_55 : i32
    "tpu.region"() ({
      %run_scoped3A = tpu.sem_alloc : memref<!tpu.dma_semaphore, #tpu.memory_space<semaphore_mem>>
      %dma_start3A_64 = arith.constant 0 : i32
      %dma_start3A_65 = arith.constant 0 : i32
      %dma_start3A_66 = tpu.memref_slice %arg11[%dma_start3A_64, %dma_start3A_65] : memref<128x128xf32, #tpu.memory_space<vmem>> -> memref<128x128xf32, #tpu.memory_space<vmem>>
      %dma_start3A_67 = arith.constant 0 : i32
      %dma_start3A_68 = tpu.memref_slice %arg6[%add3A_56, %dma_start3A_67] : memref<20224x128xf32, #tpu.memory_space<hbm>> -> memref<128x128xf32, #tpu.memory_space<hbm>>
      %dma_start3A_69 = arith.constant 0 : i32
      %dma_start3A_70 = tpu.memref_slice %arg6[%add3A_56, %dma_start3A_69] : memref<20224x128xf32, #tpu.memory_space<hbm>> -> memref<128x128xf32, #tpu.memory_space<hbm>>
      %dma_start3A_71 = arith.constant 0 : i32
      %dma_start3A_72 = arith.constant 0 : i32
      %dma_start3A_73 = tpu.memref_slice %arg11[%dma_start3A_71, %dma_start3A_72] : memref<128x128xf32, #tpu.memory_space<vmem>> -> memref<128x128xf32, #tpu.memory_space<vmem>>
      tpu.enqueue_dma source(%dma_start3A_73 : memref<128x128xf32, #tpu.memory_space<vmem>>) target(%dma_start3A_70 : memref<128x128xf32, #tpu.memory_space<hbm>>) target_semaphore(%run_scoped3A : memref<!tpu.dma_semaphore, #tpu.memory_space<semaphore_mem>>)
      %dma_wait3A = arith.constant 0 : i32
      %dma_wait3A_74 = arith.constant 0 : i32
      %dma_wait3A_75 = tpu.memref_slice %arg11[%dma_wait3A, %dma_wait3A_74] : memref<128x128xf32, #tpu.memory_space<vmem>> -> memref<128x128xf32, #tpu.memory_space<vmem>>
      %dma_wait3A_76 = arith.constant 0 : i32
      %dma_wait3A_77 = tpu.memref_slice %arg6[%add3A_56, %dma_wait3A_76] : memref<20224x128xf32, #tpu.memory_space<hbm>> -> memref<128x128xf32, #tpu.memory_space<hbm>>
      %dma_wait3A_78 = arith.constant 0 : i32
      %dma_wait3A_79 = tpu.memref_slice %arg6[%add3A_56, %dma_wait3A_78] : memref<20224x128xf32, #tpu.memory_space<hbm>> -> memref<128x128xf32, #tpu.memory_space<hbm>>
      %dma_wait3A_80 = arith.constant 0 : i32
      %dma_wait3A_81 = arith.constant 0 : i32
      %dma_wait3A_82 = tpu.memref_slice %arg11[%dma_wait3A_80, %dma_wait3A_81] : memref<128x128xf32, #tpu.memory_space<vmem>> -> memref<128x128xf32, #tpu.memory_space<vmem>>
      tpu.wait_dma2 semaphore(%run_scoped3A : memref<!tpu.dma_semaphore, #tpu.memory_space<semaphore_mem>>) src(%dma_wait3A_82 : memref<128x128xf32, #tpu.memory_space<vmem>>) dst(%dma_wait3A_79 : memref<128x128xf32, #tpu.memory_space<hbm>>)
      tpu.yield
    }) : () -> ()
    %add3A_57 = arith.constant 512 : i32
    %add3A_58 = arith.addi %mul3A_0, %add3A_57 : i32
    "tpu.region"() ({
      %run_scoped3A = tpu.sem_alloc : memref<!tpu.dma_semaphore, #tpu.memory_space<semaphore_mem>>
      %dma_start3A_64 = arith.constant 0 : i32
      %dma_start3A_65 = arith.constant 0 : i32
      %dma_start3A_66 = tpu.memref_slice %arg11[%dma_start3A_64, %dma_start3A_65] : memref<128x128xf32, #tpu.memory_space<vmem>> -> memref<120x128xf32, #tpu.memory_space<vmem>>
      %dma_start3A_67 = arith.constant 0 : i32
      %dma_start3A_68 = tpu.memref_slice %arg13[%add3A_58, %dma_start3A_67] : memref<10112x128xf32, #tpu.memory_space<vmem_shared>> -> memref<120x128xf32, #tpu.memory_space<vmem_shared>>
      %dma_start3A_69 = arith.constant 0 : i32
      %dma_start3A_70 = arith.constant 0 : i32
      %dma_start3A_71 = tpu.memref_slice %arg11[%dma_start3A_69, %dma_start3A_70] : memref<128x128xf32, #tpu.memory_space<vmem>> -> memref<120x128xf32, #tpu.memory_space<vmem>>
      %dma_start3A_72 = arith.constant 0 : i32
      %dma_start3A_73 = tpu.memref_slice %arg13[%add3A_58, %dma_start3A_72] : memref<10112x128xf32, #tpu.memory_space<vmem_shared>> -> memref<120x128xf32, #tpu.memory_space<vmem_shared>>
      tpu.enqueue_dma source(%dma_start3A_73 : memref<120x128xf32, #tpu.memory_space<vmem_shared>>) target(%dma_start3A_71 : memref<120x128xf32, #tpu.memory_space<vmem>>) target_semaphore(%run_scoped3A : memref<!tpu.dma_semaphore, #tpu.memory_space<semaphore_mem>>)
      %dma_wait3A = arith.constant 0 : i32
      %dma_wait3A_74 = arith.constant 0 : i32
      %dma_wait3A_75 = tpu.memref_slice %arg11[%dma_wait3A, %dma_wait3A_74] : memref<128x128xf32, #tpu.memory_space<vmem>> -> memref<120x128xf32, #tpu.memory_space<vmem>>
      %dma_wait3A_76 = arith.constant 0 : i32
      %dma_wait3A_77 = tpu.memref_slice %arg13[%add3A_58, %dma_wait3A_76] : memref<10112x128xf32, #tpu.memory_space<vmem_shared>> -> memref<120x128xf32, #tpu.memory_space<vmem_shared>>
      %dma_wait3A_78 = arith.constant 0 : i32
      %dma_wait3A_79 = arith.constant 0 : i32
      %dma_wait3A_80 = tpu.memref_slice %arg11[%dma_wait3A_78, %dma_wait3A_79] : memref<128x128xf32, #tpu.memory_space<vmem>> -> memref<120x128xf32, #tpu.memory_space<vmem>>
      %dma_wait3A_81 = arith.constant 0 : i32
      %dma_wait3A_82 = tpu.memref_slice %arg13[%add3A_58, %dma_wait3A_81] : memref<10112x128xf32, #tpu.memory_space<vmem_shared>> -> memref<120x128xf32, #tpu.memory_space<vmem_shared>>
      tpu.wait_dma2 semaphore(%run_scoped3A : memref<!tpu.dma_semaphore, #tpu.memory_space<semaphore_mem>>) src(%dma_wait3A_82 : memref<120x128xf32, #tpu.memory_space<vmem_shared>>) dst(%dma_wait3A_80 : memref<120x128xf32, #tpu.memory_space<vmem>>)
      tpu.yield
    }) : () -> ()
    %mul3A_59 = arith.constant 10112 : i32
    %mul3A_60 = arith.muli %arg0, %mul3A_59 : i32
    %add3A_61 = arith.addi %mul3A_60, %mul3A_0 : i32
    %add3A_62 = arith.constant 512 : i32
    %add3A_63 = arith.addi %add3A_61, %add3A_62 : i32
    "tpu.region"() ({
      %run_scoped3A = tpu.sem_alloc : memref<!tpu.dma_semaphore, #tpu.memory_space<semaphore_mem>>
      %dma_start3A_64 = arith.constant 0 : i32
      %dma_start3A_65 = arith.constant 0 : i32
      %dma_start3A_66 = tpu.memref_slice %arg11[%dma_start3A_64, %dma_start3A_65] : memref<128x128xf32, #tpu.memory_space<vmem>> -> memref<120x128xf32, #tpu.memory_space<vmem>>
      %dma_start3A_67 = arith.constant 0 : i32
      %dma_start3A_68 = tpu.memref_slice %arg6[%add3A_63, %dma_start3A_67] : memref<20224x128xf32, #tpu.memory_space<hbm>> -> memref<120x128xf32, #tpu.memory_space<hbm>>
      %dma_start3A_69 = arith.constant 0 : i32
      %dma_start3A_70 = tpu.memref_slice %arg6[%add3A_63, %dma_start3A_69] : memref<20224x128xf32, #tpu.memory_space<hbm>> -> memref<120x128xf32, #tpu.memory_space<hbm>>
      %dma_start3A_71 = arith.constant 0 : i32
      %dma_start3A_72 = arith.constant 0 : i32
      %dma_start3A_73 = tpu.memref_slice %arg11[%dma_start3A_71, %dma_start3A_72] : memref<128x128xf32, #tpu.memory_space<vmem>> -> memref<120x128xf32, #tpu.memory_space<vmem>>
      tpu.enqueue_dma source(%dma_start3A_73 : memref<120x128xf32, #tpu.memory_space<vmem>>) target(%dma_start3A_70 : memref<120x128xf32, #tpu.memory_space<hbm>>) target_semaphore(%run_scoped3A : memref<!tpu.dma_semaphore, #tpu.memory_space<semaphore_mem>>)
      %dma_wait3A = arith.constant 0 : i32
      %dma_wait3A_74 = arith.constant 0 : i32
      %dma_wait3A_75 = tpu.memref_slice %arg11[%dma_wait3A, %dma_wait3A_74] : memref<128x128xf32, #tpu.memory_space<vmem>> -> memref<120x128xf32, #tpu.memory_space<vmem>>
      %dma_wait3A_76 = arith.constant 0 : i32
      %dma_wait3A_77 = tpu.memref_slice %arg6[%add3A_63, %dma_wait3A_76] : memref<20224x128xf32, #tpu.memory_space<hbm>> -> memref<120x128xf32, #tpu.memory_space<hbm>>
      %dma_wait3A_78 = arith.constant 0 : i32
      %dma_wait3A_79 = tpu.memref_slice %arg6[%add3A_63, %dma_wait3A_78] : memref<20224x128xf32, #tpu.memory_space<hbm>> -> memref<120x128xf32, #tpu.memory_space<hbm>>
      %dma_wait3A_80 = arith.constant 0 : i32
      %dma_wait3A_81 = arith.constant 0 : i32
      %dma_wait3A_82 = tpu.memref_slice %arg11[%dma_wait3A_80, %dma_wait3A_81] : memref<128x128xf32, #tpu.memory_space<vmem>> -> memref<120x128xf32, #tpu.memory_space<vmem>>
      tpu.wait_dma2 semaphore(%run_scoped3A : memref<!tpu.dma_semaphore, #tpu.memory_space<semaphore_mem>>) src(%dma_wait3A_82 : memref<120x128xf32, #tpu.memory_space<vmem>>) dst(%dma_wait3A_79 : memref<120x128xf32, #tpu.memory_space<hbm>>)
      tpu.yield
    }) : () -> ()
    return
  }
}

#map = affine_map<(d0, d1) -> (0, 0)>
#map1 = affine_map<(d0, d1) -> (0)>
module attributes {stable_mosaic.version = 14 : i64} {
  func.func @k(%arg0: i32, %arg1: i32, %arg2: memref<20224x128xf32, #tpu.memory_space<hbm>>, %arg3: memref<647168xi32, #tpu.memory_space<hbm>>, %arg4: memref<647168xi32, #tpu.memory_space<hbm>>, %arg5: memref<128x128xf32, #tpu.memory_space<hbm>>, %arg6: memref<20224x128xf32, #tpu.memory_space<hbm>>, %arg7: memref<128xi32, #tpu.memory_space<vmem>>, %arg8: memref<128xi32, #tpu.memory_space<vmem>>, %arg9: memref<128xi32, #tpu.memory_space<vmem>>, %arg10: memref<128xi32, #tpu.memory_space<vmem>>, %arg11: memref<128x128xf32, #tpu.memory_space<vmem>>, %arg12: memref<128x128xf32, #tpu.memory_space<vmem>>, %arg13: memref<10112x128xf32, #tpu.memory_space<vmem_shared>>, %arg14: memref<!tpu.dma_semaphore, #tpu.memory_space<semaphore_mem>>, %arg15: memref<!tpu.dma_semaphore, #tpu.memory_space<semaphore_mem>>) attributes {dimension_semantics = [#tpu.dimension_semantics<core_parallel>, #tpu.dimension_semantics<subcore_parallel>], iteration_bounds = array<i64: 2, 16>, scalar_prefetch = 0 : i64, scratch_operands = 9 : i64, tpu.core_type = #tpu.core_type<sc_vector_subcore>, window_params = [{transform_indices = #map}, {transform_indices = #map1}, {transform_indices = #map1}, {transform_indices = #map}, {transform_indices = #map}]} {
    %mul3A = arith.constant 632 : i32
    %mul3A_0 = arith.muli %arg1, %mul3A : i32
    "tpu.region"() ({
      %run_scoped3A = tpu.sem_alloc : memref<!tpu.dma_semaphore, #tpu.memory_space<semaphore_mem>>
      tpu.enqueue_dma source(%arg5 : memref<128x128xf32, #tpu.memory_space<hbm>>) target(%arg11 : memref<128x128xf32, #tpu.memory_space<vmem>>) target_semaphore(%run_scoped3A : memref<!tpu.dma_semaphore, #tpu.memory_space<semaphore_mem>>)
      tpu.wait_dma2 semaphore(%run_scoped3A : memref<!tpu.dma_semaphore, #tpu.memory_space<semaphore_mem>>) src(%arg5 : memref<128x128xf32, #tpu.memory_space<hbm>>) dst(%arg11 : memref<128x128xf32, #tpu.memory_space<vmem>>)
      tpu.yield
    }) : () -> ()
    %add3A = arith.constant 0 : i32
    %add3A_1 = arith.addi %mul3A_0, %add3A : i32
    "tpu.region"() ({
      %run_scoped3A = tpu.sem_alloc : memref<!tpu.dma_semaphore, #tpu.memory_space<semaphore_mem>>
      %dma_start3A_64 = arith.constant 0 : i32
      %dma_start3A_65 = arith.constant 0 : i32
      %dma_start3A_66 = tpu.memref_slice %arg11[%dma_start3A_64, %dma_start3A_65] : memref<128x128xf32, #tpu.memory_space<vmem>> -> memref<128x128xf32, #tpu.memory_space<vmem>>
      %dma_start3A_67 = arith.constant 0 : i32
      %dma_start3A_68 = tpu.memref_slice %arg13[%add3A_1, %dma_start3A_67] : memref<10112x128xf32, #tpu.memory_space<vmem_shared>> -> memref<128x128xf32, #tpu.memory_space<vmem_shared>>
      %dma_start3A_69 = arith.constant 0 : i32
      %dma_start3A_70 = tpu.memref_slice %arg13[%add3A_1, %dma_start3A_69] : memref<10112x128xf32, #tpu.memory_space<vmem_shared>> -> memref<128x128xf32, #tpu.memory_space<vmem_shared>>
      %dma_start3A_71 = arith.constant 0 : i32
      %dma_start3A_72 = arith.constant 0 : i32
      %dma_start3A_73 = tpu.memref_slice %arg11[%dma_start3A_71, %dma_start3A_72] : memref<128x128xf32, #tpu.memory_space<vmem>> -> memref<128x128xf32, #tpu.memory_space<vmem>>
      tpu.enqueue_dma source(%dma_start3A_73 : memref<128x128xf32, #tpu.memory_space<vmem>>) target(%dma_start3A_70 : memref<128x128xf32, #tpu.memory_space<vmem_shared>>) target_semaphore(%run_scoped3A : memref<!tpu.dma_semaphore, #tpu.memory_space<semaphore_mem>>)
      %dma_wait3A = arith.constant 0 : i32
      %dma_wait3A_74 = arith.constant 0 : i32
      %dma_wait3A_75 = tpu.memref_slice %arg11[%dma_wait3A, %dma_wait3A_74] : memref<128x128xf32, #tpu.memory_space<vmem>> -> memref<128x128xf32, #tpu.memory_space<vmem>>
      %dma_wait3A_76 = arith.constant 0 : i32
      %dma_wait3A_77 = tpu.memref_slice %arg13[%add3A_1, %dma_wait3A_76] : memref<10112x128xf32, #tpu.memory_space<vmem_shared>> -> memref<128x128xf32, #tpu.memory_space<vmem_shared>>
      %dma_wait3A_78 = arith.constant 0 : i32
      %dma_wait3A_79 = tpu.memref_slice %arg13[%add3A_1, %dma_wait3A_78] : memref<10112x128xf32, #tpu.memory_space<vmem_shared>> -> memref<128x128xf32, #tpu.memory_space<vmem_shared>>
      %dma_wait3A_80 = arith.constant 0 : i32
      %dma_wait3A_81 = arith.constant 0 : i32
      %dma_wait3A_82 = tpu.memref_slice %arg11[%dma_wait3A_80, %dma_wait3A_81] : memref<128x128xf32, #tpu.memory_space<vmem>> -> memref<128x128xf32, #tpu.memory_space<vmem>>
      tpu.wait_dma2 semaphore(%run_scoped3A : memref<!tpu.dma_semaphore, #tpu.memory_space<semaphore_mem>>) src(%dma_wait3A_82 : memref<128x128xf32, #tpu.memory_space<vmem>>) dst(%dma_wait3A_79 : memref<128x128xf32, #tpu.memory_space<vmem_shared>>)
      tpu.yield
    }) : () -> ()
    %add3A_2 = arith.constant 128 : i32
    %add3A_3 = arith.addi %mul3A_0, %add3A_2 : i32
    "tpu.region"() ({
      %run_scoped3A = tpu.sem_alloc : memref<!tpu.dma_semaphore, #tpu.memory_space<semaphore_mem>>
      %dma_start3A_64 = arith.constant 0 : i32
      %dma_start3A_65 = arith.constant 0 : i32
      %dma_start3A_66 = tpu.memref_slice %arg11[%dma_start3A_64, %dma_start3A_65] : memref<128x128xf32, #tpu.memory_space<vmem>> -> memref<128x128xf32, #tpu.memory_space<vmem>>
      %dma_start3A_67 = arith.constant 0 : i32
      %dma_start3A_68 = tpu.memref_slice %arg13[%add3A_3, %dma_start3A_67] : memref<10112x128xf32, #tpu.memory_space<vmem_shared>> -> memref<128x128xf32, #tpu.memory_space<vmem_shared>>
      %dma_start3A_69 = arith.constant 0 : i32
      %dma_start3A_70 = tpu.memref_slice %arg13[%add3A_3, %dma_start3A_69] : memref<10112x128xf32, #tpu.memory_space<vmem_shared>> -> memref<128x128xf32, #tpu.memory_space<vmem_shared>>
      %dma_start3A_71 = arith.constant 0 : i32
      %dma_start3A_72 = arith.constant 0 : i32
      %dma_start3A_73 = tpu.memref_slice %arg11[%dma_start3A_71, %dma_start3A_72] : memref<128x128xf32, #tpu.memory_space<vmem>> -> memref<128x128xf32, #tpu.memory_space<vmem>>
      tpu.enqueue_dma source(%dma_start3A_73 : memref<128x128xf32, #tpu.memory_space<vmem>>) target(%dma_start3A_70 : memref<128x128xf32, #tpu.memory_space<vmem_shared>>) target_semaphore(%run_scoped3A : memref<!tpu.dma_semaphore, #tpu.memory_space<semaphore_mem>>)
      %dma_wait3A = arith.constant 0 : i32
      %dma_wait3A_74 = arith.constant 0 : i32
      %dma_wait3A_75 = tpu.memref_slice %arg11[%dma_wait3A, %dma_wait3A_74] : memref<128x128xf32, #tpu.memory_space<vmem>> -> memref<128x128xf32, #tpu.memory_space<vmem>>
      %dma_wait3A_76 = arith.constant 0 : i32
      %dma_wait3A_77 = tpu.memref_slice %arg13[%add3A_3, %dma_wait3A_76] : memref<10112x128xf32, #tpu.memory_space<vmem_shared>> -> memref<128x128xf32, #tpu.memory_space<vmem_shared>>
      %dma_wait3A_78 = arith.constant 0 : i32
      %dma_wait3A_79 = tpu.memref_slice %arg13[%add3A_3, %dma_wait3A_78] : memref<10112x128xf32, #tpu.memory_space<vmem_shared>> -> memref<128x128xf32, #tpu.memory_space<vmem_shared>>
      %dma_wait3A_80 = arith.constant 0 : i32
      %dma_wait3A_81 = arith.constant 0 : i32
      %dma_wait3A_82 = tpu.memref_slice %arg11[%dma_wait3A_80, %dma_wait3A_81] : memref<128x128xf32, #tpu.memory_space<vmem>> -> memref<128x128xf32, #tpu.memory_space<vmem>>
      tpu.wait_dma2 semaphore(%run_scoped3A : memref<!tpu.dma_semaphore, #tpu.memory_space<semaphore_mem>>) src(%dma_wait3A_82 : memref<128x128xf32, #tpu.memory_space<vmem>>) dst(%dma_wait3A_79 : memref<128x128xf32, #tpu.memory_space<vmem_shared>>)
      tpu.yield
    }) : () -> ()
    %add3A_4 = arith.constant 256 : i32
    %add3A_5 = arith.addi %mul3A_0, %add3A_4 : i32
    "tpu.region"() ({
      %run_scoped3A = tpu.sem_alloc : memref<!tpu.dma_semaphore, #tpu.memory_space<semaphore_mem>>
      %dma_start3A_64 = arith.constant 0 : i32
      %dma_start3A_65 = arith.constant 0 : i32
      %dma_start3A_66 = tpu.memref_slice %arg11[%dma_start3A_64, %dma_start3A_65] : memref<128x128xf32, #tpu.memory_space<vmem>> -> memref<128x128xf32, #tpu.memory_space<vmem>>
      %dma_start3A_67 = arith.constant 0 : i32
      %dma_start3A_68 = tpu.memref_slice %arg13[%add3A_5, %dma_start3A_67] : memref<10112x128xf32, #tpu.memory_space<vmem_shared>> -> memref<128x128xf32, #tpu.memory_space<vmem_shared>>
      %dma_start3A_69 = arith.constant 0 : i32
      %dma_start3A_70 = tpu.memref_slice %arg13[%add3A_5, %dma_start3A_69] : memref<10112x128xf32, #tpu.memory_space<vmem_shared>> -> memref<128x128xf32, #tpu.memory_space<vmem_shared>>
      %dma_start3A_71 = arith.constant 0 : i32
      %dma_start3A_72 = arith.constant 0 : i32
      %dma_start3A_73 = tpu.memref_slice %arg11[%dma_start3A_71, %dma_start3A_72] : memref<128x128xf32, #tpu.memory_space<vmem>> -> memref<128x128xf32, #tpu.memory_space<vmem>>
      tpu.enqueue_dma source(%dma_start3A_73 : memref<128x128xf32, #tpu.memory_space<vmem>>) target(%dma_start3A_70 : memref<128x128xf32, #tpu.memory_space<vmem_shared>>) target_semaphore(%run_scoped3A : memref<!tpu.dma_semaphore, #tpu.memory_space<semaphore_mem>>)
      %dma_wait3A = arith.constant 0 : i32
      %dma_wait3A_74 = arith.constant 0 : i32
      %dma_wait3A_75 = tpu.memref_slice %arg11[%dma_wait3A, %dma_wait3A_74] : memref<128x128xf32, #tpu.memory_space<vmem>> -> memref<128x128xf32, #tpu.memory_space<vmem>>
      %dma_wait3A_76 = arith.constant 0 : i32
      %dma_wait3A_77 = tpu.memref_slice %arg13[%add3A_5, %dma_wait3A_76] : memref<10112x128xf32, #tpu.memory_space<vmem_shared>> -> memref<128x128xf32, #tpu.memory_space<vmem_shared>>
      %dma_wait3A_78 = arith.constant 0 : i32
      %dma_wait3A_79 = tpu.memref_slice %arg13[%add3A_5, %dma_wait3A_78] : memref<10112x128xf32, #tpu.memory_space<vmem_shared>> -> memref<128x128xf32, #tpu.memory_space<vmem_shared>>
      %dma_wait3A_80 = arith.constant 0 : i32
      %dma_wait3A_81 = arith.constant 0 : i32
      %dma_wait3A_82 = tpu.memref_slice %arg11[%dma_wait3A_80, %dma_wait3A_81] : memref<128x128xf32, #tpu.memory_space<vmem>> -> memref<128x128xf32, #tpu.memory_space<vmem>>
      tpu.wait_dma2 semaphore(%run_scoped3A : memref<!tpu.dma_semaphore, #tpu.memory_space<semaphore_mem>>) src(%dma_wait3A_82 : memref<128x128xf32, #tpu.memory_space<vmem>>) dst(%dma_wait3A_79 : memref<128x128xf32, #tpu.memory_space<vmem_shared>>)
      tpu.yield
    }) : () -> ()
    %add3A_6 = arith.constant 384 : i32
    %add3A_7 = arith.addi %mul3A_0, %add3A_6 : i32
    "tpu.region"() ({
      %run_scoped3A = tpu.sem_alloc : memref<!tpu.dma_semaphore, #tpu.memory_space<semaphore_mem>>
      %dma_start3A_64 = arith.constant 0 : i32
      %dma_start3A_65 = arith.constant 0 : i32
      %dma_start3A_66 = tpu.memref_slice %arg11[%dma_start3A_64, %dma_start3A_65] : memref<128x128xf32, #tpu.memory_space<vmem>> -> memref<128x128xf32, #tpu.memory_space<vmem>>
      %dma_start3A_67 = arith.constant 0 : i32
      %dma_start3A_68 = tpu.memref_slice %arg13[%add3A_7, %dma_start3A_67] : memref<10112x128xf32, #tpu.memory_space<vmem_shared>> -> memref<128x128xf32, #tpu.memory_space<vmem_shared>>
      %dma_start3A_69 = arith.constant 0 : i32
      %dma_start3A_70 = tpu.memref_slice %arg13[%add3A_7, %dma_start3A_69] : memref<10112x128xf32, #tpu.memory_space<vmem_shared>> -> memref<128x128xf32, #tpu.memory_space<vmem_shared>>
      %dma_start3A_71 = arith.constant 0 : i32
      %dma_start3A_72 = arith.constant 0 : i32
      %dma_start3A_73 = tpu.memref_slice %arg11[%dma_start3A_71, %dma_start3A_72] : memref<128x128xf32, #tpu.memory_space<vmem>> -> memref<128x128xf32, #tpu.memory_space<vmem>>
      tpu.enqueue_dma source(%dma_start3A_73 : memref<128x128xf32, #tpu.memory_space<vmem>>) target(%dma_start3A_70 : memref<128x128xf32, #tpu.memory_space<vmem_shared>>) target_semaphore(%run_scoped3A : memref<!tpu.dma_semaphore, #tpu.memory_space<semaphore_mem>>)
      %dma_wait3A = arith.constant 0 : i32
      %dma_wait3A_74 = arith.constant 0 : i32
      %dma_wait3A_75 = tpu.memref_slice %arg11[%dma_wait3A, %dma_wait3A_74] : memref<128x128xf32, #tpu.memory_space<vmem>> -> memref<128x128xf32, #tpu.memory_space<vmem>>
      %dma_wait3A_76 = arith.constant 0 : i32
      %dma_wait3A_77 = tpu.memref_slice %arg13[%add3A_7, %dma_wait3A_76] : memref<10112x128xf32, #tpu.memory_space<vmem_shared>> -> memref<128x128xf32, #tpu.memory_space<vmem_shared>>
      %dma_wait3A_78 = arith.constant 0 : i32
      %dma_wait3A_79 = tpu.memref_slice %arg13[%add3A_7, %dma_wait3A_78] : memref<10112x128xf32, #tpu.memory_space<vmem_shared>> -> memref<128x128xf32, #tpu.memory_space<vmem_shared>>
      %dma_wait3A_80 = arith.constant 0 : i32
      %dma_wait3A_81 = arith.constant 0 : i32
      %dma_wait3A_82 = tpu.memref_slice %arg11[%dma_wait3A_80, %dma_wait3A_81] : memref<128x128xf32, #tpu.memory_space<vmem>> -> memref<128x128xf32, #tpu.memory_space<vmem>>
      tpu.wait_dma2 semaphore(%run_scoped3A : memref<!tpu.dma_semaphore, #tpu.memory_space<semaphore_mem>>) src(%dma_wait3A_82 : memref<128x128xf32, #tpu.memory_space<vmem>>) dst(%dma_wait3A_79 : memref<128x128xf32, #tpu.memory_space<vmem_shared>>)
      tpu.yield
    }) : () -> ()
    %add3A_8 = arith.constant 512 : i32
    %add3A_9 = arith.addi %mul3A_0, %add3A_8 : i32
    "tpu.region"() ({
      %run_scoped3A = tpu.sem_alloc : memref<!tpu.dma_semaphore, #tpu.memory_space<semaphore_mem>>
      %dma_start3A_64 = arith.constant 0 : i32
      %dma_start3A_65 = arith.constant 0 : i32
      %dma_start3A_66 = tpu.memref_slice %arg11[%dma_start3A_64, %dma_start3A_65] : memref<128x128xf32, #tpu.memory_space<vmem>> -> memref<120x128xf32, #tpu.memory_space<vmem>>
      %dma_start3A_67 = arith.constant 0 : i32
      %dma_start3A_68 = tpu.memref_slice %arg13[%add3A_9, %dma_start3A_67] : memref<10112x128xf32, #tpu.memory_space<vmem_shared>> -> memref<120x128xf32, #tpu.memory_space<vmem_shared>>
      %dma_start3A_69 = arith.constant 0 : i32
      %dma_start3A_70 = tpu.memref_slice %arg13[%add3A_9, %dma_start3A_69] : memref<10112x128xf32, #tpu.memory_space<vmem_shared>> -> memref<120x128xf32, #tpu.memory_space<vmem_shared>>
      %dma_start3A_71 = arith.constant 0 : i32
      %dma_start3A_72 = arith.constant 0 : i32
      %dma_start3A_73 = tpu.memref_slice %arg11[%dma_start3A_71, %dma_start3A_72] : memref<128x128xf32, #tpu.memory_space<vmem>> -> memref<120x128xf32, #tpu.memory_space<vmem>>
      tpu.enqueue_dma source(%dma_start3A_73 : memref<120x128xf32, #tpu.memory_space<vmem>>) target(%dma_start3A_70 : memref<120x128xf32, #tpu.memory_space<vmem_shared>>) target_semaphore(%run_scoped3A : memref<!tpu.dma_semaphore, #tpu.memory_space<semaphore_mem>>)
      %dma_wait3A = arith.constant 0 : i32
      %dma_wait3A_74 = arith.constant 0 : i32
      %dma_wait3A_75 = tpu.memref_slice %arg11[%dma_wait3A, %dma_wait3A_74] : memref<128x128xf32, #tpu.memory_space<vmem>> -> memref<120x128xf32, #tpu.memory_space<vmem>>
      %dma_wait3A_76 = arith.constant 0 : i32
      %dma_wait3A_77 = tpu.memref_slice %arg13[%add3A_9, %dma_wait3A_76] : memref<10112x128xf32, #tpu.memory_space<vmem_shared>> -> memref<120x128xf32, #tpu.memory_space<vmem_shared>>
      %dma_wait3A_78 = arith.constant 0 : i32
      %dma_wait3A_79 = tpu.memref_slice %arg13[%add3A_9, %dma_wait3A_78] : memref<10112x128xf32, #tpu.memory_space<vmem_shared>> -> memref<120x128xf32, #tpu.memory_space<vmem_shared>>
      %dma_wait3A_80 = arith.constant 0 : i32
      %dma_wait3A_81 = arith.constant 0 : i32
      %dma_wait3A_82 = tpu.memref_slice %arg11[%dma_wait3A_80, %dma_wait3A_81] : memref<128x128xf32, #tpu.memory_space<vmem>> -> memref<120x128xf32, #tpu.memory_space<vmem>>
      tpu.wait_dma2 semaphore(%run_scoped3A : memref<!tpu.dma_semaphore, #tpu.memory_space<semaphore_mem>>) src(%dma_wait3A_82 : memref<120x128xf32, #tpu.memory_space<vmem>>) dst(%dma_wait3A_79 : memref<120x128xf32, #tpu.memory_space<vmem_shared>>)
      tpu.yield
    }) : () -> ()
    %barrier3A = arith.constant 0 : index
    tpu.barrier barrier_id(%barrier3A)
    %mul3A_10 = arith.constant 323584 : i32
    %mul3A_11 = arith.muli %arg0, %mul3A_10 : i32
    %mul3A_12 = arith.constant 20224 : i32
    %mul3A_13 = arith.muli %arg1, %mul3A_12 : i32
    %add3A_14 = arith.addi %mul3A_11, %mul3A_13 : i32
    %add3A_15 = arith.constant 0 : i32
    %add3A_16 = arith.addi %add3A_14, %add3A_15 : i32
    "tpu.region"() ({
      %run_scoped3A = tpu.sem_alloc : memref<!tpu.dma_semaphore, #tpu.memory_space<semaphore_mem>>
      %dma_start3A_64 = tpu.memref_slice %arg3[%add3A_16] : memref<647168xi32, #tpu.memory_space<hbm>> -> memref<128xi32, #tpu.memory_space<hbm>>
      %dma_start3A_65 = tpu.memref_slice %arg3[%add3A_16] : memref<647168xi32, #tpu.memory_space<hbm>> -> memref<128xi32, #tpu.memory_space<hbm>>
      tpu.enqueue_dma source(%dma_start3A_65 : memref<128xi32, #tpu.memory_space<hbm>>) target(%arg7 : memref<128xi32, #tpu.memory_space<vmem>>) target_semaphore(%run_scoped3A : memref<!tpu.dma_semaphore, #tpu.memory_space<semaphore_mem>>)
      %dma_wait3A = tpu.memref_slice %arg3[%add3A_16] : memref<647168xi32, #tpu.memory_space<hbm>> -> memref<128xi32, #tpu.memory_space<hbm>>
      %dma_wait3A_66 = tpu.memref_slice %arg3[%add3A_16] : memref<647168xi32, #tpu.memory_space<hbm>> -> memref<128xi32, #tpu.memory_space<hbm>>
      tpu.wait_dma2 semaphore(%run_scoped3A : memref<!tpu.dma_semaphore, #tpu.memory_space<semaphore_mem>>) src(%dma_wait3A_66 : memref<128xi32, #tpu.memory_space<hbm>>) dst(%arg7 : memref<128xi32, #tpu.memory_space<vmem>>)
      tpu.yield
    }) : () -> ()
    "tpu.region"() ({
      %run_scoped3A = tpu.sem_alloc : memref<!tpu.dma_semaphore, #tpu.memory_space<semaphore_mem>>
      %dma_start3A_64 = tpu.memref_slice %arg4[%add3A_16] : memref<647168xi32, #tpu.memory_space<hbm>> -> memref<128xi32, #tpu.memory_space<hbm>>
      %dma_start3A_65 = tpu.memref_slice %arg4[%add3A_16] : memref<647168xi32, #tpu.memory_space<hbm>> -> memref<128xi32, #tpu.memory_space<hbm>>
      tpu.enqueue_dma source(%dma_start3A_65 : memref<128xi32, #tpu.memory_space<hbm>>) target(%arg9 : memref<128xi32, #tpu.memory_space<vmem>>) target_semaphore(%run_scoped3A : memref<!tpu.dma_semaphore, #tpu.memory_space<semaphore_mem>>)
      %dma_wait3A = tpu.memref_slice %arg4[%add3A_16] : memref<647168xi32, #tpu.memory_space<hbm>> -> memref<128xi32, #tpu.memory_space<hbm>>
      %dma_wait3A_66 = tpu.memref_slice %arg4[%add3A_16] : memref<647168xi32, #tpu.memory_space<hbm>> -> memref<128xi32, #tpu.memory_space<hbm>>
      tpu.wait_dma2 semaphore(%run_scoped3A : memref<!tpu.dma_semaphore, #tpu.memory_space<semaphore_mem>>) src(%dma_wait3A_66 : memref<128xi32, #tpu.memory_space<hbm>>) dst(%arg9 : memref<128xi32, #tpu.memory_space<vmem>>)
      tpu.yield
    }) : () -> ()
    %dma_start3A = arith.constant 0 : i32
    %dma_start3A_17 = arith.constant 0 : i32
    %dma_start3A_18 = tpu.memref_slice %arg2[%dma_start3A, %dma_start3A_17] : memref<20224x128xf32, #tpu.memory_space<hbm>> -> memref<20224x128xf32, #tpu.memory_space<hbm>>
    tpu.enqueue_indirect_dma source(%dma_start3A_18 : memref<20224x128xf32, #tpu.memory_space<hbm>>) target(%arg11 : memref<128x128xf32, #tpu.memory_space<vmem>>) offsets(%arg7 : memref<128xi32, #tpu.memory_space<vmem>>) semaphore(%arg14 : memref<!tpu.dma_semaphore, #tpu.memory_space<semaphore_mem>>)
    %add3A_19 = arith.constant 128 : i32
    %add3A_20 = arith.addi %add3A_14, %add3A_19 : i32
    "tpu.region"() ({
      %run_scoped3A = tpu.sem_alloc : memref<!tpu.dma_semaphore, #tpu.memory_space<semaphore_mem>>
      %dma_start3A_64 = tpu.memref_slice %arg3[%add3A_20] : memref<647168xi32, #tpu.memory_space<hbm>> -> memref<128xi32, #tpu.memory_space<hbm>>
      %dma_start3A_65 = tpu.memref_slice %arg3[%add3A_20] : memref<647168xi32, #tpu.memory_space<hbm>> -> memref<128xi32, #tpu.memory_space<hbm>>
      tpu.enqueue_dma source(%dma_start3A_65 : memref<128xi32, #tpu.memory_space<hbm>>) target(%arg8 : memref<128xi32, #tpu.memory_space<vmem>>) target_semaphore(%run_scoped3A : memref<!tpu.dma_semaphore, #tpu.memory_space<semaphore_mem>>)
      %dma_wait3A = tpu.memref_slice %arg3[%add3A_20] : memref<647168xi32, #tpu.memory_space<hbm>> -> memref<128xi32, #tpu.memory_space<hbm>>
      %dma_wait3A_66 = tpu.memref_slice %arg3[%add3A_20] : memref<647168xi32, #tpu.memory_space<hbm>> -> memref<128xi32, #tpu.memory_space<hbm>>
      tpu.wait_dma2 semaphore(%run_scoped3A : memref<!tpu.dma_semaphore, #tpu.memory_space<semaphore_mem>>) src(%dma_wait3A_66 : memref<128xi32, #tpu.memory_space<hbm>>) dst(%arg8 : memref<128xi32, #tpu.memory_space<vmem>>)
      tpu.yield
    }) : () -> ()
    "tpu.region"() ({
      %run_scoped3A = tpu.sem_alloc : memref<!tpu.dma_semaphore, #tpu.memory_space<semaphore_mem>>
      %dma_start3A_64 = tpu.memref_slice %arg4[%add3A_20] : memref<647168xi32, #tpu.memory_space<hbm>> -> memref<128xi32, #tpu.memory_space<hbm>>
      %dma_start3A_65 = tpu.memref_slice %arg4[%add3A_20] : memref<647168xi32, #tpu.memory_space<hbm>> -> memref<128xi32, #tpu.memory_space<hbm>>
      tpu.enqueue_dma source(%dma_start3A_65 : memref<128xi32, #tpu.memory_space<hbm>>) target(%arg10 : memref<128xi32, #tpu.memory_space<vmem>>) target_semaphore(%run_scoped3A : memref<!tpu.dma_semaphore, #tpu.memory_space<semaphore_mem>>)
      %dma_wait3A = tpu.memref_slice %arg4[%add3A_20] : memref<647168xi32, #tpu.memory_space<hbm>> -> memref<128xi32, #tpu.memory_space<hbm>>
      %dma_wait3A_66 = tpu.memref_slice %arg4[%add3A_20] : memref<647168xi32, #tpu.memory_space<hbm>> -> memref<128xi32, #tpu.memory_space<hbm>>
      tpu.wait_dma2 semaphore(%run_scoped3A : memref<!tpu.dma_semaphore, #tpu.memory_space<semaphore_mem>>) src(%dma_wait3A_66 : memref<128xi32, #tpu.memory_space<hbm>>) dst(%arg10 : memref<128xi32, #tpu.memory_space<vmem>>)
      tpu.yield
    }) : () -> ()
    %dma_start3A_21 = arith.constant 0 : i32
    %dma_start3A_22 = arith.constant 0 : i32
    %dma_start3A_23 = tpu.memref_slice %arg2[%dma_start3A_21, %dma_start3A_22] : memref<20224x128xf32, #tpu.memory_space<hbm>> -> memref<20224x128xf32, #tpu.memory_space<hbm>>
    tpu.enqueue_indirect_dma source(%dma_start3A_23 : memref<20224x128xf32, #tpu.memory_space<hbm>>) target(%arg12 : memref<128x128xf32, #tpu.memory_space<vmem>>) offsets(%arg8 : memref<128xi32, #tpu.memory_space<vmem>>) semaphore(%arg15 : memref<!tpu.dma_semaphore, #tpu.memory_space<semaphore_mem>>)
    %scan3A = arith.constant 0 : i32
    %scan3A_24 = arith.constant 79 : i32
    %scan3A_25 = arith.addi %scan3A, %scan3A_24 : i32
    %scan3A_26 = arith.constant 1 : i32
    scf.for %scan3A_64 = %scan3A to %scan3A_25 step %scan3A_26  : i32 {
      %mul3A_65 = arith.constant 1 : i32
      %mul3A_66 = arith.muli %scan3A_64, %mul3A_65 : i32
      %add3A_67 = arith.constant 0 : i32
      %add3A_68 = arith.addi %add3A_67, %mul3A_66 : i32
      %mul3A_69 = arith.constant 2 : i32
      %mul3A_70 = arith.muli %add3A_68, %mul3A_69 : i32
      %add3A_71 = arith.constant 0 : i32
      %add3A_72 = arith.addi %mul3A_70, %add3A_71 : i32
      %dma_wait3A = arith.constant 0 : i32
      %dma_wait3A_73 = arith.constant 0 : i32
      %dma_wait3A_74 = tpu.memref_slice %arg2[%dma_wait3A, %dma_wait3A_73] : memref<20224x128xf32, #tpu.memory_space<hbm>> -> memref<20224x128xf32, #tpu.memory_space<hbm>>
      tpu.wait_indirect_dma semaphore(%arg14 : memref<!tpu.dma_semaphore, #tpu.memory_space<semaphore_mem>>) src(%dma_wait3A_74 : memref<20224x128xf32, #tpu.memory_space<hbm>>) dst(%arg11 : memref<128x128xf32, #tpu.memory_space<vmem>>)
      "tpu.region"() ({
        %run_scoped3A = tpu.sem_alloc : memref<!tpu.dma_semaphore, #tpu.memory_space<semaphore_mem>>
        %dma_start3A_93 = arith.constant 0 : i32
        %dma_start3A_94 = arith.constant 0 : i32
        %dma_start3A_95 = tpu.memref_slice %arg13[%dma_start3A_93, %dma_start3A_94] : memref<10112x128xf32, #tpu.memory_space<vmem_shared>> -> memref<10112x128xf32, #tpu.memory_space<vmem_shared>>
        tpu.enqueue_indirect_dma source(%arg11 : memref<128x128xf32, #tpu.memory_space<vmem>>) target(%dma_start3A_95 : memref<10112x128xf32, #tpu.memory_space<vmem_shared>>) offsets(%arg9 : memref<128xi32, #tpu.memory_space<vmem>>) semaphore(%run_scoped3A : memref<!tpu.dma_semaphore, #tpu.memory_space<semaphore_mem>>) {add = true}
        %dma_wait3A_96 = arith.constant 0 : i32
        %dma_wait3A_97 = arith.constant 0 : i32
        %dma_wait3A_98 = tpu.memref_slice %arg13[%dma_wait3A_96, %dma_wait3A_97] : memref<10112x128xf32, #tpu.memory_space<vmem_shared>> -> memref<10112x128xf32, #tpu.memory_space<vmem_shared>>
        tpu.wait_indirect_dma semaphore(%run_scoped3A : memref<!tpu.dma_semaphore, #tpu.memory_space<semaphore_mem>>) src(%arg11 : memref<128x128xf32, #tpu.memory_space<vmem>>) dst(%dma_wait3A_98 : memref<10112x128xf32, #tpu.memory_space<vmem_shared>>)
        tpu.yield
      }) : () -> ()
      %add3A_75 = arith.constant 2 : i32
      %add3A_76 = arith.addi %add3A_72, %add3A_75 : i32
      %lt3A = arith.constant 158 : i32
      %lt3A_77 = arith.cmpi slt, %add3A_76, %lt3A : i32
      %convert_element_type3A = arith.extui %lt3A_77 : i1 to i32
      %cond3A = arith.constant 0 : i32
      %cond3A_78 = arith.cmpi ne, %convert_element_type3A, %cond3A : i32
      scf.if %cond3A_78 {
        %add3A_93 = arith.constant 2 : i32
        %add3A_94 = arith.addi %add3A_72, %add3A_93 : i32
        %mul3A_95 = arith.constant 128 : i32
        %mul3A_96 = arith.muli %add3A_94, %mul3A_95 : i32
        %add3A_97 = arith.addi %add3A_14, %mul3A_96 : i32
        "tpu.region"() ({
          %run_scoped3A = tpu.sem_alloc : memref<!tpu.dma_semaphore, #tpu.memory_space<semaphore_mem>>
          %dma_start3A_101 = tpu.memref_slice %arg3[%add3A_97] : memref<647168xi32, #tpu.memory_space<hbm>> -> memref<128xi32, #tpu.memory_space<hbm>>
          %dma_start3A_102 = tpu.memref_slice %arg3[%add3A_97] : memref<647168xi32, #tpu.memory_space<hbm>> -> memref<128xi32, #tpu.memory_space<hbm>>
          tpu.enqueue_dma source(%dma_start3A_102 : memref<128xi32, #tpu.memory_space<hbm>>) target(%arg7 : memref<128xi32, #tpu.memory_space<vmem>>) target_semaphore(%run_scoped3A : memref<!tpu.dma_semaphore, #tpu.memory_space<semaphore_mem>>)
          %dma_wait3A_103 = tpu.memref_slice %arg3[%add3A_97] : memref<647168xi32, #tpu.memory_space<hbm>> -> memref<128xi32, #tpu.memory_space<hbm>>
          %dma_wait3A_104 = tpu.memref_slice %arg3[%add3A_97] : memref<647168xi32, #tpu.memory_space<hbm>> -> memref<128xi32, #tpu.memory_space<hbm>>
          tpu.wait_dma2 semaphore(%run_scoped3A : memref<!tpu.dma_semaphore, #tpu.memory_space<semaphore_mem>>) src(%dma_wait3A_104 : memref<128xi32, #tpu.memory_space<hbm>>) dst(%arg7 : memref<128xi32, #tpu.memory_space<vmem>>)
          tpu.yield
        }) : () -> ()
        "tpu.region"() ({
          %run_scoped3A = tpu.sem_alloc : memref<!tpu.dma_semaphore, #tpu.memory_space<semaphore_mem>>
          %dma_start3A_101 = tpu.memref_slice %arg4[%add3A_97] : memref<647168xi32, #tpu.memory_space<hbm>> -> memref<128xi32, #tpu.memory_space<hbm>>
          %dma_start3A_102 = tpu.memref_slice %arg4[%add3A_97] : memref<647168xi32, #tpu.memory_space<hbm>> -> memref<128xi32, #tpu.memory_space<hbm>>
          tpu.enqueue_dma source(%dma_start3A_102 : memref<128xi32, #tpu.memory_space<hbm>>) target(%arg9 : memref<128xi32, #tpu.memory_space<vmem>>) target_semaphore(%run_scoped3A : memref<!tpu.dma_semaphore, #tpu.memory_space<semaphore_mem>>)
          %dma_wait3A_103 = tpu.memref_slice %arg4[%add3A_97] : memref<647168xi32, #tpu.memory_space<hbm>> -> memref<128xi32, #tpu.memory_space<hbm>>
          %dma_wait3A_104 = tpu.memref_slice %arg4[%add3A_97] : memref<647168xi32, #tpu.memory_space<hbm>> -> memref<128xi32, #tpu.memory_space<hbm>>
          tpu.wait_dma2 semaphore(%run_scoped3A : memref<!tpu.dma_semaphore, #tpu.memory_space<semaphore_mem>>) src(%dma_wait3A_104 : memref<128xi32, #tpu.memory_space<hbm>>) dst(%arg9 : memref<128xi32, #tpu.memory_space<vmem>>)
          tpu.yield
        }) : () -> ()
        %dma_start3A_98 = arith.constant 0 : i32
        %dma_start3A_99 = arith.constant 0 : i32
        %dma_start3A_100 = tpu.memref_slice %arg2[%dma_start3A_98, %dma_start3A_99] : memref<20224x128xf32, #tpu.memory_space<hbm>> -> memref<20224x128xf32, #tpu.memory_space<hbm>>
        tpu.enqueue_indirect_dma source(%dma_start3A_100 : memref<20224x128xf32, #tpu.memory_space<hbm>>) target(%arg11 : memref<128x128xf32, #tpu.memory_space<vmem>>) offsets(%arg7 : memref<128xi32, #tpu.memory_space<vmem>>) semaphore(%arg14 : memref<!tpu.dma_semaphore, #tpu.memory_space<semaphore_mem>>)
      } else {
      }
      %mul3A_79 = arith.constant 2 : i32
      %mul3A_80 = arith.muli %add3A_68, %mul3A_79 : i32
      %add3A_81 = arith.constant 1 : i32
      %add3A_82 = arith.addi %mul3A_80, %add3A_81 : i32
      %dma_wait3A_83 = arith.constant 0 : i32
      %dma_wait3A_84 = arith.constant 0 : i32
      %dma_wait3A_85 = tpu.memref_slice %arg2[%dma_wait3A_83, %dma_wait3A_84] : memref<20224x128xf32, #tpu.memory_space<hbm>> -> memref<20224x128xf32, #tpu.memory_space<hbm>>
      tpu.wait_indirect_dma semaphore(%arg15 : memref<!tpu.dma_semaphore, #tpu.memory_space<semaphore_mem>>) src(%dma_wait3A_85 : memref<20224x128xf32, #tpu.memory_space<hbm>>) dst(%arg12 : memref<128x128xf32, #tpu.memory_space<vmem>>)
      "tpu.region"() ({
        %run_scoped3A = tpu.sem_alloc : memref<!tpu.dma_semaphore, #tpu.memory_space<semaphore_mem>>
        %dma_start3A_93 = arith.constant 0 : i32
        %dma_start3A_94 = arith.constant 0 : i32
        %dma_start3A_95 = tpu.memref_slice %arg13[%dma_start3A_93, %dma_start3A_94] : memref<10112x128xf32, #tpu.memory_space<vmem_shared>> -> memref<10112x128xf32, #tpu.memory_space<vmem_shared>>
        tpu.enqueue_indirect_dma source(%arg12 : memref<128x128xf32, #tpu.memory_space<vmem>>) target(%dma_start3A_95 : memref<10112x128xf32, #tpu.memory_space<vmem_shared>>) offsets(%arg10 : memref<128xi32, #tpu.memory_space<vmem>>) semaphore(%run_scoped3A : memref<!tpu.dma_semaphore, #tpu.memory_space<semaphore_mem>>) {add = true}
        %dma_wait3A_96 = arith.constant 0 : i32
        %dma_wait3A_97 = arith.constant 0 : i32
        %dma_wait3A_98 = tpu.memref_slice %arg13[%dma_wait3A_96, %dma_wait3A_97] : memref<10112x128xf32, #tpu.memory_space<vmem_shared>> -> memref<10112x128xf32, #tpu.memory_space<vmem_shared>>
        tpu.wait_indirect_dma semaphore(%run_scoped3A : memref<!tpu.dma_semaphore, #tpu.memory_space<semaphore_mem>>) src(%arg12 : memref<128x128xf32, #tpu.memory_space<vmem>>) dst(%dma_wait3A_98 : memref<10112x128xf32, #tpu.memory_space<vmem_shared>>)
        tpu.yield
      }) : () -> ()
      %add3A_86 = arith.constant 2 : i32
      %add3A_87 = arith.addi %add3A_82, %add3A_86 : i32
      %lt3A_88 = arith.constant 158 : i32
      %lt3A_89 = arith.cmpi slt, %add3A_87, %lt3A_88 : i32
      %convert_element_type3A_90 = arith.extui %lt3A_89 : i1 to i32
      %cond3A_91 = arith.constant 0 : i32
      %cond3A_92 = arith.cmpi ne, %convert_element_type3A_90, %cond3A_91 : i32
      scf.if %cond3A_92 {
        %add3A_93 = arith.constant 2 : i32
        %add3A_94 = arith.addi %add3A_82, %add3A_93 : i32
        %mul3A_95 = arith.constant 128 : i32
        %mul3A_96 = arith.muli %add3A_94, %mul3A_95 : i32
        %add3A_97 = arith.addi %add3A_14, %mul3A_96 : i32
        "tpu.region"() ({
          %run_scoped3A = tpu.sem_alloc : memref<!tpu.dma_semaphore, #tpu.memory_space<semaphore_mem>>
          %dma_start3A_101 = tpu.memref_slice %arg3[%add3A_97] : memref<647168xi32, #tpu.memory_space<hbm>> -> memref<128xi32, #tpu.memory_space<hbm>>
          %dma_start3A_102 = tpu.memref_slice %arg3[%add3A_97] : memref<647168xi32, #tpu.memory_space<hbm>> -> memref<128xi32, #tpu.memory_space<hbm>>
          tpu.enqueue_dma source(%dma_start3A_102 : memref<128xi32, #tpu.memory_space<hbm>>) target(%arg8 : memref<128xi32, #tpu.memory_space<vmem>>) target_semaphore(%run_scoped3A : memref<!tpu.dma_semaphore, #tpu.memory_space<semaphore_mem>>)
          %dma_wait3A_103 = tpu.memref_slice %arg3[%add3A_97] : memref<647168xi32, #tpu.memory_space<hbm>> -> memref<128xi32, #tpu.memory_space<hbm>>
          %dma_wait3A_104 = tpu.memref_slice %arg3[%add3A_97] : memref<647168xi32, #tpu.memory_space<hbm>> -> memref<128xi32, #tpu.memory_space<hbm>>
          tpu.wait_dma2 semaphore(%run_scoped3A : memref<!tpu.dma_semaphore, #tpu.memory_space<semaphore_mem>>) src(%dma_wait3A_104 : memref<128xi32, #tpu.memory_space<hbm>>) dst(%arg8 : memref<128xi32, #tpu.memory_space<vmem>>)
          tpu.yield
        }) : () -> ()
        "tpu.region"() ({
          %run_scoped3A = tpu.sem_alloc : memref<!tpu.dma_semaphore, #tpu.memory_space<semaphore_mem>>
          %dma_start3A_101 = tpu.memref_slice %arg4[%add3A_97] : memref<647168xi32, #tpu.memory_space<hbm>> -> memref<128xi32, #tpu.memory_space<hbm>>
          %dma_start3A_102 = tpu.memref_slice %arg4[%add3A_97] : memref<647168xi32, #tpu.memory_space<hbm>> -> memref<128xi32, #tpu.memory_space<hbm>>
          tpu.enqueue_dma source(%dma_start3A_102 : memref<128xi32, #tpu.memory_space<hbm>>) target(%arg10 : memref<128xi32, #tpu.memory_space<vmem>>) target_semaphore(%run_scoped3A : memref<!tpu.dma_semaphore, #tpu.memory_space<semaphore_mem>>)
          %dma_wait3A_103 = tpu.memref_slice %arg4[%add3A_97] : memref<647168xi32, #tpu.memory_space<hbm>> -> memref<128xi32, #tpu.memory_space<hbm>>
          %dma_wait3A_104 = tpu.memref_slice %arg4[%add3A_97] : memref<647168xi32, #tpu.memory_space<hbm>> -> memref<128xi32, #tpu.memory_space<hbm>>
          tpu.wait_dma2 semaphore(%run_scoped3A : memref<!tpu.dma_semaphore, #tpu.memory_space<semaphore_mem>>) src(%dma_wait3A_104 : memref<128xi32, #tpu.memory_space<hbm>>) dst(%arg10 : memref<128xi32, #tpu.memory_space<vmem>>)
          tpu.yield
        }) : () -> ()
        %dma_start3A_98 = arith.constant 0 : i32
        %dma_start3A_99 = arith.constant 0 : i32
        %dma_start3A_100 = tpu.memref_slice %arg2[%dma_start3A_98, %dma_start3A_99] : memref<20224x128xf32, #tpu.memory_space<hbm>> -> memref<20224x128xf32, #tpu.memory_space<hbm>>
        tpu.enqueue_indirect_dma source(%dma_start3A_100 : memref<20224x128xf32, #tpu.memory_space<hbm>>) target(%arg12 : memref<128x128xf32, #tpu.memory_space<vmem>>) offsets(%arg8 : memref<128xi32, #tpu.memory_space<vmem>>) semaphore(%arg15 : memref<!tpu.dma_semaphore, #tpu.memory_space<semaphore_mem>>)
      } else {
      }
    }
    %scan3A_27 = arith.constant 79 : i32
    %barrier3A_28 = arith.constant 0 : index
    tpu.barrier barrier_id(%barrier3A_28)
    %add3A_29 = arith.constant 0 : i32
    %add3A_30 = arith.addi %mul3A_0, %add3A_29 : i32
    "tpu.region"() ({
      %run_scoped3A = tpu.sem_alloc : memref<!tpu.dma_semaphore, #tpu.memory_space<semaphore_mem>>
      %dma_start3A_64 = arith.constant 0 : i32
      %dma_start3A_65 = arith.constant 0 : i32
      %dma_start3A_66 = tpu.memref_slice %arg11[%dma_start3A_64, %dma_start3A_65] : memref<128x128xf32, #tpu.memory_space<vmem>> -> memref<128x128xf32, #tpu.memory_space<vmem>>
      %dma_start3A_67 = arith.constant 0 : i32
      %dma_start3A_68 = tpu.memref_slice %arg13[%add3A_30, %dma_start3A_67] : memref<10112x128xf32, #tpu.memory_space<vmem_shared>> -> memref<128x128xf32, #tpu.memory_space<vmem_shared>>
      %dma_start3A_69 = arith.constant 0 : i32
      %dma_start3A_70 = arith.constant 0 : i32
      %dma_start3A_71 = tpu.memref_slice %arg11[%dma_start3A_69, %dma_start3A_70] : memref<128x128xf32, #tpu.memory_space<vmem>> -> memref<128x128xf32, #tpu.memory_space<vmem>>
      %dma_start3A_72 = arith.constant 0 : i32
      %dma_start3A_73 = tpu.memref_slice %arg13[%add3A_30, %dma_start3A_72] : memref<10112x128xf32, #tpu.memory_space<vmem_shared>> -> memref<128x128xf32, #tpu.memory_space<vmem_shared>>
      tpu.enqueue_dma source(%dma_start3A_73 : memref<128x128xf32, #tpu.memory_space<vmem_shared>>) target(%dma_start3A_71 : memref<128x128xf32, #tpu.memory_space<vmem>>) target_semaphore(%run_scoped3A : memref<!tpu.dma_semaphore, #tpu.memory_space<semaphore_mem>>)
      %dma_wait3A = arith.constant 0 : i32
      %dma_wait3A_74 = arith.constant 0 : i32
      %dma_wait3A_75 = tpu.memref_slice %arg11[%dma_wait3A, %dma_wait3A_74] : memref<128x128xf32, #tpu.memory_space<vmem>> -> memref<128x128xf32, #tpu.memory_space<vmem>>
      %dma_wait3A_76 = arith.constant 0 : i32
      %dma_wait3A_77 = tpu.memref_slice %arg13[%add3A_30, %dma_wait3A_76] : memref<10112x128xf32, #tpu.memory_space<vmem_shared>> -> memref<128x128xf32, #tpu.memory_space<vmem_shared>>
      %dma_wait3A_78 = arith.constant 0 : i32
      %dma_wait3A_79 = arith.constant 0 : i32
      %dma_wait3A_80 = tpu.memref_slice %arg11[%dma_wait3A_78, %dma_wait3A_79] : memref<128x128xf32, #tpu.memory_space<vmem>> -> memref<128x128xf32, #tpu.memory_space<vmem>>
      %dma_wait3A_81 = arith.constant 0 : i32
      %dma_wait3A_82 = tpu.memref_slice %arg13[%add3A_30, %dma_wait3A_81] : memref<10112x128xf32, #tpu.memory_space<vmem_shared>> -> memref<128x128xf32, #tpu.memory_space<vmem_shared>>
      tpu.wait_dma2 semaphore(%run_scoped3A : memref<!tpu.dma_semaphore, #tpu.memory_space<semaphore_mem>>) src(%dma_wait3A_82 : memref<128x128xf32, #tpu.memory_space<vmem_shared>>) dst(%dma_wait3A_80 : memref<128x128xf32, #tpu.memory_space<vmem>>)
      tpu.yield
    }) : () -> ()
    %mul3A_31 = arith.constant 10112 : i32
    %mul3A_32 = arith.muli %arg0, %mul3A_31 : i32
    %add3A_33 = arith.addi %mul3A_32, %mul3A_0 : i32
    %add3A_34 = arith.constant 0 : i32
    %add3A_35 = arith.addi %add3A_33, %add3A_34 : i32
    "tpu.region"() ({
      %run_scoped3A = tpu.sem_alloc : memref<!tpu.dma_semaphore, #tpu.memory_space<semaphore_mem>>
      %dma_start3A_64 = arith.constant 0 : i32
      %dma_start3A_65 = arith.constant 0 : i32
      %dma_start3A_66 = tpu.memref_slice %arg11[%dma_start3A_64, %dma_start3A_65] : memref<128x128xf32, #tpu.memory_space<vmem>> -> memref<128x128xf32, #tpu.memory_space<vmem>>
      %dma_start3A_67 = arith.constant 0 : i32
      %dma_start3A_68 = tpu.memref_slice %arg6[%add3A_35, %dma_start3A_67] : memref<20224x128xf32, #tpu.memory_space<hbm>> -> memref<128x128xf32, #tpu.memory_space<hbm>>
      %dma_start3A_69 = arith.constant 0 : i32
      %dma_start3A_70 = tpu.memref_slice %arg6[%add3A_35, %dma_start3A_69] : memref<20224x128xf32, #tpu.memory_space<hbm>> -> memref<128x128xf32, #tpu.memory_space<hbm>>
      %dma_start3A_71 = arith.constant 0 : i32
      %dma_start3A_72 = arith.constant 0 : i32
      %dma_start3A_73 = tpu.memref_slice %arg11[%dma_start3A_71, %dma_start3A_72] : memref<128x128xf32, #tpu.memory_space<vmem>> -> memref<128x128xf32, #tpu.memory_space<vmem>>
      tpu.enqueue_dma source(%dma_start3A_73 : memref<128x128xf32, #tpu.memory_space<vmem>>) target(%dma_start3A_70 : memref<128x128xf32, #tpu.memory_space<hbm>>) target_semaphore(%run_scoped3A : memref<!tpu.dma_semaphore, #tpu.memory_space<semaphore_mem>>)
      %dma_wait3A = arith.constant 0 : i32
      %dma_wait3A_74 = arith.constant 0 : i32
      %dma_wait3A_75 = tpu.memref_slice %arg11[%dma_wait3A, %dma_wait3A_74] : memref<128x128xf32, #tpu.memory_space<vmem>> -> memref<128x128xf32, #tpu.memory_space<vmem>>
      %dma_wait3A_76 = arith.constant 0 : i32
      %dma_wait3A_77 = tpu.memref_slice %arg6[%add3A_35, %dma_wait3A_76] : memref<20224x128xf32, #tpu.memory_space<hbm>> -> memref<128x128xf32, #tpu.memory_space<hbm>>
      %dma_wait3A_78 = arith.constant 0 : i32
      %dma_wait3A_79 = tpu.memref_slice %arg6[%add3A_35, %dma_wait3A_78] : memref<20224x128xf32, #tpu.memory_space<hbm>> -> memref<128x128xf32, #tpu.memory_space<hbm>>
      %dma_wait3A_80 = arith.constant 0 : i32
      %dma_wait3A_81 = arith.constant 0 : i32
      %dma_wait3A_82 = tpu.memref_slice %arg11[%dma_wait3A_80, %dma_wait3A_81] : memref<128x128xf32, #tpu.memory_space<vmem>> -> memref<128x128xf32, #tpu.memory_space<vmem>>
      tpu.wait_dma2 semaphore(%run_scoped3A : memref<!tpu.dma_semaphore, #tpu.memory_space<semaphore_mem>>) src(%dma_wait3A_82 : memref<128x128xf32, #tpu.memory_space<vmem>>) dst(%dma_wait3A_79 : memref<128x128xf32, #tpu.memory_space<hbm>>)
      tpu.yield
    }) : () -> ()
    %add3A_36 = arith.constant 128 : i32
    %add3A_37 = arith.addi %mul3A_0, %add3A_36 : i32
    "tpu.region"() ({
      %run_scoped3A = tpu.sem_alloc : memref<!tpu.dma_semaphore, #tpu.memory_space<semaphore_mem>>
      %dma_start3A_64 = arith.constant 0 : i32
      %dma_start3A_65 = arith.constant 0 : i32
      %dma_start3A_66 = tpu.memref_slice %arg11[%dma_start3A_64, %dma_start3A_65] : memref<128x128xf32, #tpu.memory_space<vmem>> -> memref<128x128xf32, #tpu.memory_space<vmem>>
      %dma_start3A_67 = arith.constant 0 : i32
      %dma_start3A_68 = tpu.memref_slice %arg13[%add3A_37, %dma_start3A_67] : memref<10112x128xf32, #tpu.memory_space<vmem_shared>> -> memref<128x128xf32, #tpu.memory_space<vmem_shared>>
      %dma_start3A_69 = arith.constant 0 : i32
      %dma_start3A_70 = arith.constant 0 : i32
      %dma_start3A_71 = tpu.memref_slice %arg11[%dma_start3A_69, %dma_start3A_70] : memref<128x128xf32, #tpu.memory_space<vmem>> -> memref<128x128xf32, #tpu.memory_space<vmem>>
      %dma_start3A_72 = arith.constant 0 : i32
      %dma_start3A_73 = tpu.memref_slice %arg13[%add3A_37, %dma_start3A_72] : memref<10112x128xf32, #tpu.memory_space<vmem_shared>> -> memref<128x128xf32, #tpu.memory_space<vmem_shared>>
      tpu.enqueue_dma source(%dma_start3A_73 : memref<128x128xf32, #tpu.memory_space<vmem_shared>>) target(%dma_start3A_71 : memref<128x128xf32, #tpu.memory_space<vmem>>) target_semaphore(%run_scoped3A : memref<!tpu.dma_semaphore, #tpu.memory_space<semaphore_mem>>)
      %dma_wait3A = arith.constant 0 : i32
      %dma_wait3A_74 = arith.constant 0 : i32
      %dma_wait3A_75 = tpu.memref_slice %arg11[%dma_wait3A, %dma_wait3A_74] : memref<128x128xf32, #tpu.memory_space<vmem>> -> memref<128x128xf32, #tpu.memory_space<vmem>>
      %dma_wait3A_76 = arith.constant 0 : i32
      %dma_wait3A_77 = tpu.memref_slice %arg13[%add3A_37, %dma_wait3A_76] : memref<10112x128xf32, #tpu.memory_space<vmem_shared>> -> memref<128x128xf32, #tpu.memory_space<vmem_shared>>
      %dma_wait3A_78 = arith.constant 0 : i32
      %dma_wait3A_79 = arith.constant 0 : i32
      %dma_wait3A_80 = tpu.memref_slice %arg11[%dma_wait3A_78, %dma_wait3A_79] : memref<128x128xf32, #tpu.memory_space<vmem>> -> memref<128x128xf32, #tpu.memory_space<vmem>>
      %dma_wait3A_81 = arith.constant 0 : i32
      %dma_wait3A_82 = tpu.memref_slice %arg13[%add3A_37, %dma_wait3A_81] : memref<10112x128xf32, #tpu.memory_space<vmem_shared>> -> memref<128x128xf32, #tpu.memory_space<vmem_shared>>
      tpu.wait_dma2 semaphore(%run_scoped3A : memref<!tpu.dma_semaphore, #tpu.memory_space<semaphore_mem>>) src(%dma_wait3A_82 : memref<128x128xf32, #tpu.memory_space<vmem_shared>>) dst(%dma_wait3A_80 : memref<128x128xf32, #tpu.memory_space<vmem>>)
      tpu.yield
    }) : () -> ()
    %mul3A_38 = arith.constant 10112 : i32
    %mul3A_39 = arith.muli %arg0, %mul3A_38 : i32
    %add3A_40 = arith.addi %mul3A_39, %mul3A_0 : i32
    %add3A_41 = arith.constant 128 : i32
    %add3A_42 = arith.addi %add3A_40, %add3A_41 : i32
    "tpu.region"() ({
      %run_scoped3A = tpu.sem_alloc : memref<!tpu.dma_semaphore, #tpu.memory_space<semaphore_mem>>
      %dma_start3A_64 = arith.constant 0 : i32
      %dma_start3A_65 = arith.constant 0 : i32
      %dma_start3A_66 = tpu.memref_slice %arg11[%dma_start3A_64, %dma_start3A_65] : memref<128x128xf32, #tpu.memory_space<vmem>> -> memref<128x128xf32, #tpu.memory_space<vmem>>
      %dma_start3A_67 = arith.constant 0 : i32
      %dma_start3A_68 = tpu.memref_slice %arg6[%add3A_42, %dma_start3A_67] : memref<20224x128xf32, #tpu.memory_space<hbm>> -> memref<128x128xf32, #tpu.memory_space<hbm>>
      %dma_start3A_69 = arith.constant 0 : i32
      %dma_start3A_70 = tpu.memref_slice %arg6[%add3A_42, %dma_start3A_69] : memref<20224x128xf32, #tpu.memory_space<hbm>> -> memref<128x128xf32, #tpu.memory_space<hbm>>
      %dma_start3A_71 = arith.constant 0 : i32
      %dma_start3A_72 = arith.constant 0 : i32
      %dma_start3A_73 = tpu.memref_slice %arg11[%dma_start3A_71, %dma_start3A_72] : memref<128x128xf32, #tpu.memory_space<vmem>> -> memref<128x128xf32, #tpu.memory_space<vmem>>
      tpu.enqueue_dma source(%dma_start3A_73 : memref<128x128xf32, #tpu.memory_space<vmem>>) target(%dma_start3A_70 : memref<128x128xf32, #tpu.memory_space<hbm>>) target_semaphore(%run_scoped3A : memref<!tpu.dma_semaphore, #tpu.memory_space<semaphore_mem>>)
      %dma_wait3A = arith.constant 0 : i32
      %dma_wait3A_74 = arith.constant 0 : i32
      %dma_wait3A_75 = tpu.memref_slice %arg11[%dma_wait3A, %dma_wait3A_74] : memref<128x128xf32, #tpu.memory_space<vmem>> -> memref<128x128xf32, #tpu.memory_space<vmem>>
      %dma_wait3A_76 = arith.constant 0 : i32
      %dma_wait3A_77 = tpu.memref_slice %arg6[%add3A_42, %dma_wait3A_76] : memref<20224x128xf32, #tpu.memory_space<hbm>> -> memref<128x128xf32, #tpu.memory_space<hbm>>
      %dma_wait3A_78 = arith.constant 0 : i32
      %dma_wait3A_79 = tpu.memref_slice %arg6[%add3A_42, %dma_wait3A_78] : memref<20224x128xf32, #tpu.memory_space<hbm>> -> memref<128x128xf32, #tpu.memory_space<hbm>>
      %dma_wait3A_80 = arith.constant 0 : i32
      %dma_wait3A_81 = arith.constant 0 : i32
      %dma_wait3A_82 = tpu.memref_slice %arg11[%dma_wait3A_80, %dma_wait3A_81] : memref<128x128xf32, #tpu.memory_space<vmem>> -> memref<128x128xf32, #tpu.memory_space<vmem>>
      tpu.wait_dma2 semaphore(%run_scoped3A : memref<!tpu.dma_semaphore, #tpu.memory_space<semaphore_mem>>) src(%dma_wait3A_82 : memref<128x128xf32, #tpu.memory_space<vmem>>) dst(%dma_wait3A_79 : memref<128x128xf32, #tpu.memory_space<hbm>>)
      tpu.yield
    }) : () -> ()
    %add3A_43 = arith.constant 256 : i32
    %add3A_44 = arith.addi %mul3A_0, %add3A_43 : i32
    "tpu.region"() ({
      %run_scoped3A = tpu.sem_alloc : memref<!tpu.dma_semaphore, #tpu.memory_space<semaphore_mem>>
      %dma_start3A_64 = arith.constant 0 : i32
      %dma_start3A_65 = arith.constant 0 : i32
      %dma_start3A_66 = tpu.memref_slice %arg11[%dma_start3A_64, %dma_start3A_65] : memref<128x128xf32, #tpu.memory_space<vmem>> -> memref<128x128xf32, #tpu.memory_space<vmem>>
      %dma_start3A_67 = arith.constant 0 : i32
      %dma_start3A_68 = tpu.memref_slice %arg13[%add3A_44, %dma_start3A_67] : memref<10112x128xf32, #tpu.memory_space<vmem_shared>> -> memref<128x128xf32, #tpu.memory_space<vmem_shared>>
      %dma_start3A_69 = arith.constant 0 : i32
      %dma_start3A_70 = arith.constant 0 : i32
      %dma_start3A_71 = tpu.memref_slice %arg11[%dma_start3A_69, %dma_start3A_70] : memref<128x128xf32, #tpu.memory_space<vmem>> -> memref<128x128xf32, #tpu.memory_space<vmem>>
      %dma_start3A_72 = arith.constant 0 : i32
      %dma_start3A_73 = tpu.memref_slice %arg13[%add3A_44, %dma_start3A_72] : memref<10112x128xf32, #tpu.memory_space<vmem_shared>> -> memref<128x128xf32, #tpu.memory_space<vmem_shared>>
      tpu.enqueue_dma source(%dma_start3A_73 : memref<128x128xf32, #tpu.memory_space<vmem_shared>>) target(%dma_start3A_71 : memref<128x128xf32, #tpu.memory_space<vmem>>) target_semaphore(%run_scoped3A : memref<!tpu.dma_semaphore, #tpu.memory_space<semaphore_mem>>)
      %dma_wait3A = arith.constant 0 : i32
      %dma_wait3A_74 = arith.constant 0 : i32
      %dma_wait3A_75 = tpu.memref_slice %arg11[%dma_wait3A, %dma_wait3A_74] : memref<128x128xf32, #tpu.memory_space<vmem>> -> memref<128x128xf32, #tpu.memory_space<vmem>>
      %dma_wait3A_76 = arith.constant 0 : i32
      %dma_wait3A_77 = tpu.memref_slice %arg13[%add3A_44, %dma_wait3A_76] : memref<10112x128xf32, #tpu.memory_space<vmem_shared>> -> memref<128x128xf32, #tpu.memory_space<vmem_shared>>
      %dma_wait3A_78 = arith.constant 0 : i32
      %dma_wait3A_79 = arith.constant 0 : i32
      %dma_wait3A_80 = tpu.memref_slice %arg11[%dma_wait3A_78, %dma_wait3A_79] : memref<128x128xf32, #tpu.memory_space<vmem>> -> memref<128x128xf32, #tpu.memory_space<vmem>>
      %dma_wait3A_81 = arith.constant 0 : i32
      %dma_wait3A_82 = tpu.memref_slice %arg13[%add3A_44, %dma_wait3A_81] : memref<10112x128xf32, #tpu.memory_space<vmem_shared>> -> memref<128x128xf32, #tpu.memory_space<vmem_shared>>
      tpu.wait_dma2 semaphore(%run_scoped3A : memref<!tpu.dma_semaphore, #tpu.memory_space<semaphore_mem>>) src(%dma_wait3A_82 : memref<128x128xf32, #tpu.memory_space<vmem_shared>>) dst(%dma_wait3A_80 : memref<128x128xf32, #tpu.memory_space<vmem>>)
      tpu.yield
    }) : () -> ()
    %mul3A_45 = arith.constant 10112 : i32
    %mul3A_46 = arith.muli %arg0, %mul3A_45 : i32
    %add3A_47 = arith.addi %mul3A_46, %mul3A_0 : i32
    %add3A_48 = arith.constant 256 : i32
    %add3A_49 = arith.addi %add3A_47, %add3A_48 : i32
    "tpu.region"() ({
      %run_scoped3A = tpu.sem_alloc : memref<!tpu.dma_semaphore, #tpu.memory_space<semaphore_mem>>
      %dma_start3A_64 = arith.constant 0 : i32
      %dma_start3A_65 = arith.constant 0 : i32
      %dma_start3A_66 = tpu.memref_slice %arg11[%dma_start3A_64, %dma_start3A_65] : memref<128x128xf32, #tpu.memory_space<vmem>> -> memref<128x128xf32, #tpu.memory_space<vmem>>
      %dma_start3A_67 = arith.constant 0 : i32
      %dma_start3A_68 = tpu.memref_slice %arg6[%add3A_49, %dma_start3A_67] : memref<20224x128xf32, #tpu.memory_space<hbm>> -> memref<128x128xf32, #tpu.memory_space<hbm>>
      %dma_start3A_69 = arith.constant 0 : i32
      %dma_start3A_70 = tpu.memref_slice %arg6[%add3A_49, %dma_start3A_69] : memref<20224x128xf32, #tpu.memory_space<hbm>> -> memref<128x128xf32, #tpu.memory_space<hbm>>
      %dma_start3A_71 = arith.constant 0 : i32
      %dma_start3A_72 = arith.constant 0 : i32
      %dma_start3A_73 = tpu.memref_slice %arg11[%dma_start3A_71, %dma_start3A_72] : memref<128x128xf32, #tpu.memory_space<vmem>> -> memref<128x128xf32, #tpu.memory_space<vmem>>
      tpu.enqueue_dma source(%dma_start3A_73 : memref<128x128xf32, #tpu.memory_space<vmem>>) target(%dma_start3A_70 : memref<128x128xf32, #tpu.memory_space<hbm>>) target_semaphore(%run_scoped3A : memref<!tpu.dma_semaphore, #tpu.memory_space<semaphore_mem>>)
      %dma_wait3A = arith.constant 0 : i32
      %dma_wait3A_74 = arith.constant 0 : i32
      %dma_wait3A_75 = tpu.memref_slice %arg11[%dma_wait3A, %dma_wait3A_74] : memref<128x128xf32, #tpu.memory_space<vmem>> -> memref<128x128xf32, #tpu.memory_space<vmem>>
      %dma_wait3A_76 = arith.constant 0 : i32
      %dma_wait3A_77 = tpu.memref_slice %arg6[%add3A_49, %dma_wait3A_76] : memref<20224x128xf32, #tpu.memory_space<hbm>> -> memref<128x128xf32, #tpu.memory_space<hbm>>
      %dma_wait3A_78 = arith.constant 0 : i32
      %dma_wait3A_79 = tpu.memref_slice %arg6[%add3A_49, %dma_wait3A_78] : memref<20224x128xf32, #tpu.memory_space<hbm>> -> memref<128x128xf32, #tpu.memory_space<hbm>>
      %dma_wait3A_80 = arith.constant 0 : i32
      %dma_wait3A_81 = arith.constant 0 : i32
      %dma_wait3A_82 = tpu.memref_slice %arg11[%dma_wait3A_80, %dma_wait3A_81] : memref<128x128xf32, #tpu.memory_space<vmem>> -> memref<128x128xf32, #tpu.memory_space<vmem>>
      tpu.wait_dma2 semaphore(%run_scoped3A : memref<!tpu.dma_semaphore, #tpu.memory_space<semaphore_mem>>) src(%dma_wait3A_82 : memref<128x128xf32, #tpu.memory_space<vmem>>) dst(%dma_wait3A_79 : memref<128x128xf32, #tpu.memory_space<hbm>>)
      tpu.yield
    }) : () -> ()
    %add3A_50 = arith.constant 384 : i32
    %add3A_51 = arith.addi %mul3A_0, %add3A_50 : i32
    "tpu.region"() ({
      %run_scoped3A = tpu.sem_alloc : memref<!tpu.dma_semaphore, #tpu.memory_space<semaphore_mem>>
      %dma_start3A_64 = arith.constant 0 : i32
      %dma_start3A_65 = arith.constant 0 : i32
      %dma_start3A_66 = tpu.memref_slice %arg11[%dma_start3A_64, %dma_start3A_65] : memref<128x128xf32, #tpu.memory_space<vmem>> -> memref<128x128xf32, #tpu.memory_space<vmem>>
      %dma_start3A_67 = arith.constant 0 : i32
      %dma_start3A_68 = tpu.memref_slice %arg13[%add3A_51, %dma_start3A_67] : memref<10112x128xf32, #tpu.memory_space<vmem_shared>> -> memref<128x128xf32, #tpu.memory_space<vmem_shared>>
      %dma_start3A_69 = arith.constant 0 : i32
      %dma_start3A_70 = arith.constant 0 : i32
      %dma_start3A_71 = tpu.memref_slice %arg11[%dma_start3A_69, %dma_start3A_70] : memref<128x128xf32, #tpu.memory_space<vmem>> -> memref<128x128xf32, #tpu.memory_space<vmem>>
      %dma_start3A_72 = arith.constant 0 : i32
      %dma_start3A_73 = tpu.memref_slice %arg13[%add3A_51, %dma_start3A_72] : memref<10112x128xf32, #tpu.memory_space<vmem_shared>> -> memref<128x128xf32, #tpu.memory_space<vmem_shared>>
      tpu.enqueue_dma source(%dma_start3A_73 : memref<128x128xf32, #tpu.memory_space<vmem_shared>>) target(%dma_start3A_71 : memref<128x128xf32, #tpu.memory_space<vmem>>) target_semaphore(%run_scoped3A : memref<!tpu.dma_semaphore, #tpu.memory_space<semaphore_mem>>)
      %dma_wait3A = arith.constant 0 : i32
      %dma_wait3A_74 = arith.constant 0 : i32
      %dma_wait3A_75 = tpu.memref_slice %arg11[%dma_wait3A, %dma_wait3A_74] : memref<128x128xf32, #tpu.memory_space<vmem>> -> memref<128x128xf32, #tpu.memory_space<vmem>>
      %dma_wait3A_76 = arith.constant 0 : i32
      %dma_wait3A_77 = tpu.memref_slice %arg13[%add3A_51, %dma_wait3A_76] : memref<10112x128xf32, #tpu.memory_space<vmem_shared>> -> memref<128x128xf32, #tpu.memory_space<vmem_shared>>
      %dma_wait3A_78 = arith.constant 0 : i32
      %dma_wait3A_79 = arith.constant 0 : i32
      %dma_wait3A_80 = tpu.memref_slice %arg11[%dma_wait3A_78, %dma_wait3A_79] : memref<128x128xf32, #tpu.memory_space<vmem>> -> memref<128x128xf32, #tpu.memory_space<vmem>>
      %dma_wait3A_81 = arith.constant 0 : i32
      %dma_wait3A_82 = tpu.memref_slice %arg13[%add3A_51, %dma_wait3A_81] : memref<10112x128xf32, #tpu.memory_space<vmem_shared>> -> memref<128x128xf32, #tpu.memory_space<vmem_shared>>
      tpu.wait_dma2 semaphore(%run_scoped3A : memref<!tpu.dma_semaphore, #tpu.memory_space<semaphore_mem>>) src(%dma_wait3A_82 : memref<128x128xf32, #tpu.memory_space<vmem_shared>>) dst(%dma_wait3A_80 : memref<128x128xf32, #tpu.memory_space<vmem>>)
      tpu.yield
    }) : () -> ()
    %mul3A_52 = arith.constant 10112 : i32
    %mul3A_53 = arith.muli %arg0, %mul3A_52 : i32
    %add3A_54 = arith.addi %mul3A_53, %mul3A_0 : i32
    %add3A_55 = arith.constant 384 : i32
    %add3A_56 = arith.addi %add3A_54, %add3A_55 : i32
    "tpu.region"() ({
      %run_scoped3A = tpu.sem_alloc : memref<!tpu.dma_semaphore, #tpu.memory_space<semaphore_mem>>
      %dma_start3A_64 = arith.constant 0 : i32
      %dma_start3A_65 = arith.constant 0 : i32
      %dma_start3A_66 = tpu.memref_slice %arg11[%dma_start3A_64, %dma_start3A_65] : memref<128x128xf32, #tpu.memory_space<vmem>> -> memref<128x128xf32, #tpu.memory_space<vmem>>
      %dma_start3A_67 = arith.constant 0 : i32
      %dma_start3A_68 = tpu.memref_slice %arg6[%add3A_56, %dma_start3A_67] : memref<20224x128xf32, #tpu.memory_space<hbm>> -> memref<128x128xf32, #tpu.memory_space<hbm>>
      %dma_start3A_69 = arith.constant 0 : i32
      %dma_start3A_70 = tpu.memref_slice %arg6[%add3A_56, %dma_start3A_69] : memref<20224x128xf32, #tpu.memory_space<hbm>> -> memref<128x128xf32, #tpu.memory_space<hbm>>
      %dma_start3A_71 = arith.constant 0 : i32
      %dma_start3A_72 = arith.constant 0 : i32
      %dma_start3A_73 = tpu.memref_slice %arg11[%dma_start3A_71, %dma_start3A_72] : memref<128x128xf32, #tpu.memory_space<vmem>> -> memref<128x128xf32, #tpu.memory_space<vmem>>
      tpu.enqueue_dma source(%dma_start3A_73 : memref<128x128xf32, #tpu.memory_space<vmem>>) target(%dma_start3A_70 : memref<128x128xf32, #tpu.memory_space<hbm>>) target_semaphore(%run_scoped3A : memref<!tpu.dma_semaphore, #tpu.memory_space<semaphore_mem>>)
      %dma_wait3A = arith.constant 0 : i32
      %dma_wait3A_74 = arith.constant 0 : i32
      %dma_wait3A_75 = tpu.memref_slice %arg11[%dma_wait3A, %dma_wait3A_74] : memref<128x128xf32, #tpu.memory_space<vmem>> -> memref<128x128xf32, #tpu.memory_space<vmem>>
      %dma_wait3A_76 = arith.constant 0 : i32
      %dma_wait3A_77 = tpu.memref_slice %arg6[%add3A_56, %dma_wait3A_76] : memref<20224x128xf32, #tpu.memory_space<hbm>> -> memref<128x128xf32, #tpu.memory_space<hbm>>
      %dma_wait3A_78 = arith.constant 0 : i32
      %dma_wait3A_79 = tpu.memref_slice %arg6[%add3A_56, %dma_wait3A_78] : memref<20224x128xf32, #tpu.memory_space<hbm>> -> memref<128x128xf32, #tpu.memory_space<hbm>>
      %dma_wait3A_80 = arith.constant 0 : i32
      %dma_wait3A_81 = arith.constant 0 : i32
      %dma_wait3A_82 = tpu.memref_slice %arg11[%dma_wait3A_80, %dma_wait3A_81] : memref<128x128xf32, #tpu.memory_space<vmem>> -> memref<128x128xf32, #tpu.memory_space<vmem>>
      tpu.wait_dma2 semaphore(%run_scoped3A : memref<!tpu.dma_semaphore, #tpu.memory_space<semaphore_mem>>) src(%dma_wait3A_82 : memref<128x128xf32, #tpu.memory_space<vmem>>) dst(%dma_wait3A_79 : memref<128x128xf32, #tpu.memory_space<hbm>>)
      tpu.yield
    }) : () -> ()
    %add3A_57 = arith.constant 512 : i32
    %add3A_58 = arith.addi %mul3A_0, %add3A_57 : i32
    "tpu.region"() ({
      %run_scoped3A = tpu.sem_alloc : memref<!tpu.dma_semaphore, #tpu.memory_space<semaphore_mem>>
      %dma_start3A_64 = arith.constant 0 : i32
      %dma_start3A_65 = arith.constant 0 : i32
      %dma_start3A_66 = tpu.memref_slice %arg11[%dma_start3A_64, %dma_start3A_65] : memref<128x128xf32, #tpu.memory_space<vmem>> -> memref<120x128xf32, #tpu.memory_space<vmem>>
      %dma_start3A_67 = arith.constant 0 : i32
      %dma_start3A_68 = tpu.memref_slice %arg13[%add3A_58, %dma_start3A_67] : memref<10112x128xf32, #tpu.memory_space<vmem_shared>> -> memref<120x128xf32, #tpu.memory_space<vmem_shared>>
      %dma_start3A_69 = arith.constant 0 : i32
      %dma_start3A_70 = arith.constant 0 : i32
      %dma_start3A_71 = tpu.memref_slice %arg11[%dma_start3A_69, %dma_start3A_70] : memref<128x128xf32, #tpu.memory_space<vmem>> -> memref<120x128xf32, #tpu.memory_space<vmem>>
      %dma_start3A_72 = arith.constant 0 : i32
      %dma_start3A_73 = tpu.memref_slice %arg13[%add3A_58, %dma_start3A_72] : memref<10112x128xf32, #tpu.memory_space<vmem_shared>> -> memref<120x128xf32, #tpu.memory_space<vmem_shared>>
      tpu.enqueue_dma source(%dma_start3A_73 : memref<120x128xf32, #tpu.memory_space<vmem_shared>>) target(%dma_start3A_71 : memref<120x128xf32, #tpu.memory_space<vmem>>) target_semaphore(%run_scoped3A : memref<!tpu.dma_semaphore, #tpu.memory_space<semaphore_mem>>)
      %dma_wait3A = arith.constant 0 : i32
      %dma_wait3A_74 = arith.constant 0 : i32
      %dma_wait3A_75 = tpu.memref_slice %arg11[%dma_wait3A, %dma_wait3A_74] : memref<128x128xf32, #tpu.memory_space<vmem>> -> memref<120x128xf32, #tpu.memory_space<vmem>>
      %dma_wait3A_76 = arith.constant 0 : i32
      %dma_wait3A_77 = tpu.memref_slice %arg13[%add3A_58, %dma_wait3A_76] : memref<10112x128xf32, #tpu.memory_space<vmem_shared>> -> memref<120x128xf32, #tpu.memory_space<vmem_shared>>
      %dma_wait3A_78 = arith.constant 0 : i32
      %dma_wait3A_79 = arith.constant 0 : i32
      %dma_wait3A_80 = tpu.memref_slice %arg11[%dma_wait3A_78, %dma_wait3A_79] : memref<128x128xf32, #tpu.memory_space<vmem>> -> memref<120x128xf32, #tpu.memory_space<vmem>>
      %dma_wait3A_81 = arith.constant 0 : i32
      %dma_wait3A_82 = tpu.memref_slice %arg13[%add3A_58, %dma_wait3A_81] : memref<10112x128xf32, #tpu.memory_space<vmem_shared>> -> memref<120x128xf32, #tpu.memory_space<vmem_shared>>
      tpu.wait_dma2 semaphore(%run_scoped3A : memref<!tpu.dma_semaphore, #tpu.memory_space<semaphore_mem>>) src(%dma_wait3A_82 : memref<120x128xf32, #tpu.memory_space<vmem_shared>>) dst(%dma_wait3A_80 : memref<120x128xf32, #tpu.memory_space<vmem>>)
      tpu.yield
    }) : () -> ()
    %mul3A_59 = arith.constant 10112 : i32
    %mul3A_60 = arith.muli %arg0, %mul3A_59 : i32
    %add3A_61 = arith.addi %mul3A_60, %mul3A_0 : i32
    %add3A_62 = arith.constant 512 : i32
    %add3A_63 = arith.addi %add3A_61, %add3A_62 : i32
    "tpu.region"() ({
      %run_scoped3A = tpu.sem_alloc : memref<!tpu.dma_semaphore, #tpu.memory_space<semaphore_mem>>
      %dma_start3A_64 = arith.constant 0 : i32
      %dma_start3A_65 = arith.constant 0 : i32
      %dma_start3A_66 = tpu.memref_slice %arg11[%dma_start3A_64, %dma_start3A_65] : memref<128x128xf32, #tpu.memory_space<vmem>> -> memref<120x128xf32, #tpu.memory_space<vmem>>
      %dma_start3A_67 = arith.constant 0 : i32
      %dma_start3A_68 = tpu.memref_slice %arg6[%add3A_63, %dma_start3A_67] : memref<20224x128xf32, #tpu.memory_space<hbm>> -> memref<120x128xf32, #tpu.memory_space<hbm>>
      %dma_start3A_69 = arith.constant 0 : i32
      %dma_start3A_70 = tpu.memref_slice %arg6[%add3A_63, %dma_start3A_69] : memref<20224x128xf32, #tpu.memory_space<hbm>> -> memref<120x128xf32, #tpu.memory_space<hbm>>
      %dma_start3A_71 = arith.constant 0 : i32
      %dma_start3A_72 = arith.constant 0 : i32
      %dma_start3A_73 = tpu.memref_slice %arg11[%dma_start3A_71, %dma_start3A_72] : memref<128x128xf32, #tpu.memory_space<vmem>> -> memref<120x128xf32, #tpu.memory_space<vmem>>
      tpu.enqueue_dma source(%dma_start3A_73 : memref<120x128xf32, #tpu.memory_space<vmem>>) target(%dma_start3A_70 : memref<120x128xf32, #tpu.memory_space<hbm>>) target_semaphore(%run_scoped3A : memref<!tpu.dma_semaphore, #tpu.memory_space<semaphore_mem>>)
      %dma_wait3A = arith.constant 0 : i32
      %dma_wait3A_74 = arith.constant 0 : i32
      %dma_wait3A_75 = tpu.memref_slice %arg11[%dma_wait3A, %dma_wait3A_74] : memref<128x128xf32, #tpu.memory_space<vmem>> -> memref<120x128xf32, #tpu.memory_space<vmem>>
      %dma_wait3A_76 = arith.constant 0 : i32
      %dma_wait3A_77 = tpu.memref_slice %arg6[%add3A_63, %dma_wait3A_76] : memref<20224x128xf32, #tpu.memory_space<hbm>> -> memref<120x128xf32, #tpu.memory_space<hbm>>
      %dma_wait3A_78 = arith.constant 0 : i32
      %dma_wait3A_79 = tpu.memref_slice %arg6[%add3A_63, %dma_wait3A_78] : memref<20224x128xf32, #tpu.memory_space<hbm>> -> memref<120x128xf32, #tpu.memory_space<hbm>>
      %dma_wait3A_80 = arith.constant 0 : i32
      %dma_wait3A_81 = arith.constant 0 : i32
      %dma_wait3A_82 = tpu.memref_slice %arg11[%dma_wait3A_80, %dma_wait3A_81] : memref<128x128xf32, #tpu.memory_space<vmem>> -> memref<120x128xf32, #tpu.memory_space<vmem>>
      tpu.wait_dma2 semaphore(%run_scoped3A : memref<!tpu.dma_semaphore, #tpu.memory_space<semaphore_mem>>) src(%dma_wait3A_82 : memref<120x128xf32, #tpu.memory_space<vmem>>) dst(%dma_wait3A_79 : memref<120x128xf32, #tpu.memory_space<hbm>>)
      tpu.yield
    }) : () -> ()
    return
  }
}

#map = affine_map<(d0, d1) -> (0)>
module attributes {stable_mosaic.version = 14 : i64} {
  func.func @k(%arg0: i32, %arg1: i32, %arg2: memref<1282048xi32, #tpu.memory_space<hbm>>, %arg3: memref<40448xf32, #tpu.memory_space<hbm>>, %arg4: memref<128xi32, #tpu.memory_space<vmem>>, %arg5: memref<128xf32, #tpu.memory_space<vmem>>, %arg6: memref<1264xf32, #tpu.memory_space<vmem>>, %arg7: memref<20224xf32, #tpu.memory_space<vmem_shared>>) attributes {dimension_semantics = [#tpu.dimension_semantics<core_parallel>, #tpu.dimension_semantics<subcore_parallel>], iteration_bounds = array<i64: 2, 16>, scalar_prefetch = 0 : i64, scratch_operands = 4 : i64, tpu.core_type = #tpu.core_type<sc_vector_subcore>, window_params = [{transform_indices = #map}, {transform_indices = #map}]} {
    %mul3A = arith.constant 1264 : i32
    %mul3A_0 = arith.muli %arg1, %mul3A : i32
    %broadcast_in_dim3A = arith.constant 1.000000e+00 : f32
    %broadcast_in_dim3A_1 = vector.broadcast %broadcast_in_dim3A : f32 to vector<16xf32>
    %broadcast_in_dim3A_2 = arith.constant 0.000000e+00 : f32
    %broadcast_in_dim3A_3 = vector.broadcast %broadcast_in_dim3A_2 : f32 to vector<16xf32>
    %swap3A = arith.constant 0 : index
    %swap3A_4 = tpu.vector_load %arg5[%swap3A] {strides = array<i32>} : memref<128xf32, #tpu.memory_space<vmem>>, vector<16xf32>,
    %swap3A_5 = vector.shape_cast %swap3A_4 : vector<16xf32> to vector<16xf32>
    %swap3A_6 = vector.shape_cast %broadcast_in_dim3A_1 : vector<16xf32> to vector<16xf32>
    tpu.vector_store %arg5[%swap3A], %swap3A_6 {strides = array<i32>} : memref<128xf32, #tpu.memory_space<vmem>>, vector<16xf32>,
    %swap3A_7 = arith.constant 16 : index
    %swap3A_8 = tpu.vector_load %arg5[%swap3A_7] {strides = array<i32>} : memref<128xf32, #tpu.memory_space<vmem>>, vector<16xf32>,
    %swap3A_9 = vector.shape_cast %swap3A_8 : vector<16xf32> to vector<16xf32>
    %swap3A_10 = vector.shape_cast %broadcast_in_dim3A_1 : vector<16xf32> to vector<16xf32>
    tpu.vector_store %arg5[%swap3A_7], %swap3A_10 {strides = array<i32>} : memref<128xf32, #tpu.memory_space<vmem>>, vector<16xf32>,
    %swap3A_11 = arith.constant 32 : index
    %swap3A_12 = tpu.vector_load %arg5[%swap3A_11] {strides = array<i32>} : memref<128xf32, #tpu.memory_space<vmem>>, vector<16xf32>,
    %swap3A_13 = vector.shape_cast %swap3A_12 : vector<16xf32> to vector<16xf32>
    %swap3A_14 = vector.shape_cast %broadcast_in_dim3A_1 : vector<16xf32> to vector<16xf32>
    tpu.vector_store %arg5[%swap3A_11], %swap3A_14 {strides = array<i32>} : memref<128xf32, #tpu.memory_space<vmem>>, vector<16xf32>,
    %swap3A_15 = arith.constant 48 : index
    %swap3A_16 = tpu.vector_load %arg5[%swap3A_15] {strides = array<i32>} : memref<128xf32, #tpu.memory_space<vmem>>, vector<16xf32>,
    %swap3A_17 = vector.shape_cast %swap3A_16 : vector<16xf32> to vector<16xf32>
    %swap3A_18 = vector.shape_cast %broadcast_in_dim3A_1 : vector<16xf32> to vector<16xf32>
    tpu.vector_store %arg5[%swap3A_15], %swap3A_18 {strides = array<i32>} : memref<128xf32, #tpu.memory_space<vmem>>, vector<16xf32>,
    %swap3A_19 = arith.constant 64 : index
    %swap3A_20 = tpu.vector_load %arg5[%swap3A_19] {strides = array<i32>} : memref<128xf32, #tpu.memory_space<vmem>>, vector<16xf32>,
    %swap3A_21 = vector.shape_cast %swap3A_20 : vector<16xf32> to vector<16xf32>
    %swap3A_22 = vector.shape_cast %broadcast_in_dim3A_1 : vector<16xf32> to vector<16xf32>
    tpu.vector_store %arg5[%swap3A_19], %swap3A_22 {strides = array<i32>} : memref<128xf32, #tpu.memory_space<vmem>>, vector<16xf32>,
    %swap3A_23 = arith.constant 80 : index
    %swap3A_24 = tpu.vector_load %arg5[%swap3A_23] {strides = array<i32>} : memref<128xf32, #tpu.memory_space<vmem>>, vector<16xf32>,
    %swap3A_25 = vector.shape_cast %swap3A_24 : vector<16xf32> to vector<16xf32>
    %swap3A_26 = vector.shape_cast %broadcast_in_dim3A_1 : vector<16xf32> to vector<16xf32>
    tpu.vector_store %arg5[%swap3A_23], %swap3A_26 {strides = array<i32>} : memref<128xf32, #tpu.memory_space<vmem>>, vector<16xf32>,
    %swap3A_27 = arith.constant 96 : index
    %swap3A_28 = tpu.vector_load %arg5[%swap3A_27] {strides = array<i32>} : memref<128xf32, #tpu.memory_space<vmem>>, vector<16xf32>,
    %swap3A_29 = vector.shape_cast %swap3A_28 : vector<16xf32> to vector<16xf32>
    %swap3A_30 = vector.shape_cast %broadcast_in_dim3A_1 : vector<16xf32> to vector<16xf32>
    tpu.vector_store %arg5[%swap3A_27], %swap3A_30 {strides = array<i32>} : memref<128xf32, #tpu.memory_space<vmem>>, vector<16xf32>,
    %swap3A_31 = arith.constant 112 : index
    %swap3A_32 = tpu.vector_load %arg5[%swap3A_31] {strides = array<i32>} : memref<128xf32, #tpu.memory_space<vmem>>, vector<16xf32>,
    %swap3A_33 = vector.shape_cast %swap3A_32 : vector<16xf32> to vector<16xf32>
    %swap3A_34 = vector.shape_cast %broadcast_in_dim3A_1 : vector<16xf32> to vector<16xf32>
    tpu.vector_store %arg5[%swap3A_31], %swap3A_34 {strides = array<i32>} : memref<128xf32, #tpu.memory_space<vmem>>, vector<16xf32>,
    %swap3A_35 = arith.constant 0 : index
    %swap3A_36 = tpu.vector_load %arg6[%swap3A_35] {strides = array<i32>} : memref<1264xf32, #tpu.memory_space<vmem>>, vector<16xf32>,
    %swap3A_37 = vector.shape_cast %swap3A_36 : vector<16xf32> to vector<16xf32>
    %swap3A_38 = vector.shape_cast %broadcast_in_dim3A_3 : vector<16xf32> to vector<16xf32>
    tpu.vector_store %arg6[%swap3A_35], %swap3A_38 {strides = array<i32>} : memref<1264xf32, #tpu.memory_space<vmem>>, vector<16xf32>,
    %swap3A_39 = arith.constant 16 : index
    %swap3A_40 = tpu.vector_load %arg6[%swap3A_39] {strides = array<i32>} : memref<1264xf32, #tpu.memory_space<vmem>>, vector<16xf32>,
    %swap3A_41 = vector.shape_cast %swap3A_40 : vector<16xf32> to vector<16xf32>
    %swap3A_42 = vector.shape_cast %broadcast_in_dim3A_3 : vector<16xf32> to vector<16xf32>
    tpu.vector_store %arg6[%swap3A_39], %swap3A_42 {strides = array<i32>} : memref<1264xf32, #tpu.memory_space<vmem>>, vector<16xf32>,
    %swap3A_43 = arith.constant 32 : index
    %swap3A_44 = tpu.vector_load %arg6[%swap3A_43] {strides = array<i32>} : memref<1264xf32, #tpu.memory_space<vmem>>, vector<16xf32>,
    %swap3A_45 = vector.shape_cast %swap3A_44 : vector<16xf32> to vector<16xf32>
    %swap3A_46 = vector.shape_cast %broadcast_in_dim3A_3 : vector<16xf32> to vector<16xf32>
    tpu.vector_store %arg6[%swap3A_43], %swap3A_46 {strides = array<i32>} : memref<1264xf32, #tpu.memory_space<vmem>>, vector<16xf32>,
    %swap3A_47 = arith.constant 48 : index
    %swap3A_48 = tpu.vector_load %arg6[%swap3A_47] {strides = array<i32>} : memref<1264xf32, #tpu.memory_space<vmem>>, vector<16xf32>,
    %swap3A_49 = vector.shape_cast %swap3A_48 : vector<16xf32> to vector<16xf32>
    %swap3A_50 = vector.shape_cast %broadcast_in_dim3A_3 : vector<16xf32> to vector<16xf32>
    tpu.vector_store %arg6[%swap3A_47], %swap3A_50 {strides = array<i32>} : memref<1264xf32, #tpu.memory_space<vmem>>, vector<16xf32>,
    %swap3A_51 = arith.constant 64 : index
    %swap3A_52 = tpu.vector_load %arg6[%swap3A_51] {strides = array<i32>} : memref<1264xf32, #tpu.memory_space<vmem>>, vector<16xf32>,
    %swap3A_53 = vector.shape_cast %swap3A_52 : vector<16xf32> to vector<16xf32>
    %swap3A_54 = vector.shape_cast %broadcast_in_dim3A_3 : vector<16xf32> to vector<16xf32>
    tpu.vector_store %arg6[%swap3A_51], %swap3A_54 {strides = array<i32>} : memref<1264xf32, #tpu.memory_space<vmem>>, vector<16xf32>,
    %swap3A_55 = arith.constant 80 : index
    %swap3A_56 = tpu.vector_load %arg6[%swap3A_55] {strides = array<i32>} : memref<1264xf32, #tpu.memory_space<vmem>>, vector<16xf32>,
    %swap3A_57 = vector.shape_cast %swap3A_56 : vector<16xf32> to vector<16xf32>
    %swap3A_58 = vector.shape_cast %broadcast_in_dim3A_3 : vector<16xf32> to vector<16xf32>
    tpu.vector_store %arg6[%swap3A_55], %swap3A_58 {strides = array<i32>} : memref<1264xf32, #tpu.memory_space<vmem>>, vector<16xf32>,
    %swap3A_59 = arith.constant 96 : index
    %swap3A_60 = tpu.vector_load %arg6[%swap3A_59] {strides = array<i32>} : memref<1264xf32, #tpu.memory_space<vmem>>, vector<16xf32>,
    %swap3A_61 = vector.shape_cast %swap3A_60 : vector<16xf32> to vector<16xf32>
    %swap3A_62 = vector.shape_cast %broadcast_in_dim3A_3 : vector<16xf32> to vector<16xf32>
    tpu.vector_store %arg6[%swap3A_59], %swap3A_62 {strides = array<i32>} : memref<1264xf32, #tpu.memory_space<vmem>>, vector<16xf32>,
    %swap3A_63 = arith.constant 112 : index
    %swap3A_64 = tpu.vector_load %arg6[%swap3A_63] {strides = array<i32>} : memref<1264xf32, #tpu.memory_space<vmem>>, vector<16xf32>,
    %swap3A_65 = vector.shape_cast %swap3A_64 : vector<16xf32> to vector<16xf32>
    %swap3A_66 = vector.shape_cast %broadcast_in_dim3A_3 : vector<16xf32> to vector<16xf32>
    tpu.vector_store %arg6[%swap3A_63], %swap3A_66 {strides = array<i32>} : memref<1264xf32, #tpu.memory_space<vmem>>, vector<16xf32>,
    %swap3A_67 = arith.constant 128 : index
    %swap3A_68 = tpu.vector_load %arg6[%swap3A_67] {strides = array<i32>} : memref<1264xf32, #tpu.memory_space<vmem>>, vector<16xf32>,
    %swap3A_69 = vector.shape_cast %swap3A_68 : vector<16xf32> to vector<16xf32>
    %swap3A_70 = vector.shape_cast %broadcast_in_dim3A_3 : vector<16xf32> to vector<16xf32>
    tpu.vector_store %arg6[%swap3A_67], %swap3A_70 {strides = array<i32>} : memref<1264xf32, #tpu.memory_space<vmem>>, vector<16xf32>,
    %swap3A_71 = arith.constant 144 : index
    %swap3A_72 = tpu.vector_load %arg6[%swap3A_71] {strides = array<i32>} : memref<1264xf32, #tpu.memory_space<vmem>>, vector<16xf32>,
    %swap3A_73 = vector.shape_cast %swap3A_72 : vector<16xf32> to vector<16xf32>
    %swap3A_74 = vector.shape_cast %broadcast_in_dim3A_3 : vector<16xf32> to vector<16xf32>
    tpu.vector_store %arg6[%swap3A_71], %swap3A_74 {strides = array<i32>} : memref<1264xf32, #tpu.memory_space<vmem>>, vector<16xf32>,
    %swap3A_75 = arith.constant 160 : index
    %swap3A_76 = tpu.vector_load %arg6[%swap3A_75] {strides = array<i32>} : memref<1264xf32, #tpu.memory_space<vmem>>, vector<16xf32>,
    %swap3A_77 = vector.shape_cast %swap3A_76 : vector<16xf32> to vector<16xf32>
    %swap3A_78 = vector.shape_cast %broadcast_in_dim3A_3 : vector<16xf32> to vector<16xf32>
    tpu.vector_store %arg6[%swap3A_75], %swap3A_78 {strides = array<i32>} : memref<1264xf32, #tpu.memory_space<vmem>>, vector<16xf32>,
    %swap3A_79 = arith.constant 176 : index
    %swap3A_80 = tpu.vector_load %arg6[%swap3A_79] {strides = array<i32>} : memref<1264xf32, #tpu.memory_space<vmem>>, vector<16xf32>,
    %swap3A_81 = vector.shape_cast %swap3A_80 : vector<16xf32> to vector<16xf32>
    %swap3A_82 = vector.shape_cast %broadcast_in_dim3A_3 : vector<16xf32> to vector<16xf32>
    tpu.vector_store %arg6[%swap3A_79], %swap3A_82 {strides = array<i32>} : memref<1264xf32, #tpu.memory_space<vmem>>, vector<16xf32>,
    %swap3A_83 = arith.constant 192 : index
    %swap3A_84 = tpu.vector_load %arg6[%swap3A_83] {strides = array<i32>} : memref<1264xf32, #tpu.memory_space<vmem>>, vector<16xf32>,
    %swap3A_85 = vector.shape_cast %swap3A_84 : vector<16xf32> to vector<16xf32>
    %swap3A_86 = vector.shape_cast %broadcast_in_dim3A_3 : vector<16xf32> to vector<16xf32>
    tpu.vector_store %arg6[%swap3A_83], %swap3A_86 {strides = array<i32>} : memref<1264xf32, #tpu.memory_space<vmem>>, vector<16xf32>,
    %swap3A_87 = arith.constant 208 : index
    %swap3A_88 = tpu.vector_load %arg6[%swap3A_87] {strides = array<i32>} : memref<1264xf32, #tpu.memory_space<vmem>>, vector<16xf32>,
    %swap3A_89 = vector.shape_cast %swap3A_88 : vector<16xf32> to vector<16xf32>
    %swap3A_90 = vector.shape_cast %broadcast_in_dim3A_3 : vector<16xf32> to vector<16xf32>
    tpu.vector_store %arg6[%swap3A_87], %swap3A_90 {strides = array<i32>} : memref<1264xf32, #tpu.memory_space<vmem>>, vector<16xf32>,
    %swap3A_91 = arith.constant 224 : index
    %swap3A_92 = tpu.vector_load %arg6[%swap3A_91] {strides = array<i32>} : memref<1264xf32, #tpu.memory_space<vmem>>, vector<16xf32>,
    %swap3A_93 = vector.shape_cast %swap3A_92 : vector<16xf32> to vector<16xf32>
    %swap3A_94 = vector.shape_cast %broadcast_in_dim3A_3 : vector<16xf32> to vector<16xf32>
    tpu.vector_store %arg6[%swap3A_91], %swap3A_94 {strides = array<i32>} : memref<1264xf32, #tpu.memory_space<vmem>>, vector<16xf32>,
    %swap3A_95 = arith.constant 240 : index
    %swap3A_96 = tpu.vector_load %arg6[%swap3A_95] {strides = array<i32>} : memref<1264xf32, #tpu.memory_space<vmem>>, vector<16xf32>,
    %swap3A_97 = vector.shape_cast %swap3A_96 : vector<16xf32> to vector<16xf32>
    %swap3A_98 = vector.shape_cast %broadcast_in_dim3A_3 : vector<16xf32> to vector<16xf32>
    tpu.vector_store %arg6[%swap3A_95], %swap3A_98 {strides = array<i32>} : memref<1264xf32, #tpu.memory_space<vmem>>, vector<16xf32>,
    %swap3A_99 = arith.constant 256 : index
    %swap3A_100 = tpu.vector_load %arg6[%swap3A_99] {strides = array<i32>} : memref<1264xf32, #tpu.memory_space<vmem>>, vector<16xf32>,
    %swap3A_101 = vector.shape_cast %swap3A_100 : vector<16xf32> to vector<16xf32>
    %swap3A_102 = vector.shape_cast %broadcast_in_dim3A_3 : vector<16xf32> to vector<16xf32>
    tpu.vector_store %arg6[%swap3A_99], %swap3A_102 {strides = array<i32>} : memref<1264xf32, #tpu.memory_space<vmem>>, vector<16xf32>,
    %swap3A_103 = arith.constant 272 : index
    %swap3A_104 = tpu.vector_load %arg6[%swap3A_103] {strides = array<i32>} : memref<1264xf32, #tpu.memory_space<vmem>>, vector<16xf32>,
    %swap3A_105 = vector.shape_cast %swap3A_104 : vector<16xf32> to vector<16xf32>
    %swap3A_106 = vector.shape_cast %broadcast_in_dim3A_3 : vector<16xf32> to vector<16xf32>
    tpu.vector_store %arg6[%swap3A_103], %swap3A_106 {strides = array<i32>} : memref<1264xf32, #tpu.memory_space<vmem>>, vector<16xf32>,
    %swap3A_107 = arith.constant 288 : index
    %swap3A_108 = tpu.vector_load %arg6[%swap3A_107] {strides = array<i32>} : memref<1264xf32, #tpu.memory_space<vmem>>, vector<16xf32>,
    %swap3A_109 = vector.shape_cast %swap3A_108 : vector<16xf32> to vector<16xf32>
    %swap3A_110 = vector.shape_cast %broadcast_in_dim3A_3 : vector<16xf32> to vector<16xf32>
    tpu.vector_store %arg6[%swap3A_107], %swap3A_110 {strides = array<i32>} : memref<1264xf32, #tpu.memory_space<vmem>>, vector<16xf32>,
    %swap3A_111 = arith.constant 304 : index
    %swap3A_112 = tpu.vector_load %arg6[%swap3A_111] {strides = array<i32>} : memref<1264xf32, #tpu.memory_space<vmem>>, vector<16xf32>,
    %swap3A_113 = vector.shape_cast %swap3A_112 : vector<16xf32> to vector<16xf32>
    %swap3A_114 = vector.shape_cast %broadcast_in_dim3A_3 : vector<16xf32> to vector<16xf32>
    tpu.vector_store %arg6[%swap3A_111], %swap3A_114 {strides = array<i32>} : memref<1264xf32, #tpu.memory_space<vmem>>, vector<16xf32>,
    %swap3A_115 = arith.constant 320 : index
    %swap3A_116 = tpu.vector_load %arg6[%swap3A_115] {strides = array<i32>} : memref<1264xf32, #tpu.memory_space<vmem>>, vector<16xf32>,
    %swap3A_117 = vector.shape_cast %swap3A_116 : vector<16xf32> to vector<16xf32>
    %swap3A_118 = vector.shape_cast %broadcast_in_dim3A_3 : vector<16xf32> to vector<16xf32>
    tpu.vector_store %arg6[%swap3A_115], %swap3A_118 {strides = array<i32>} : memref<1264xf32, #tpu.memory_space<vmem>>, vector<16xf32>,
    %swap3A_119 = arith.constant 336 : index
    %swap3A_120 = tpu.vector_load %arg6[%swap3A_119] {strides = array<i32>} : memref<1264xf32, #tpu.memory_space<vmem>>, vector<16xf32>,
    %swap3A_121 = vector.shape_cast %swap3A_120 : vector<16xf32> to vector<16xf32>
    %swap3A_122 = vector.shape_cast %broadcast_in_dim3A_3 : vector<16xf32> to vector<16xf32>
    tpu.vector_store %arg6[%swap3A_119], %swap3A_122 {strides = array<i32>} : memref<1264xf32, #tpu.memory_space<vmem>>, vector<16xf32>,
    %swap3A_123 = arith.constant 352 : index
    %swap3A_124 = tpu.vector_load %arg6[%swap3A_123] {strides = array<i32>} : memref<1264xf32, #tpu.memory_space<vmem>>, vector<16xf32>,
    %swap3A_125 = vector.shape_cast %swap3A_124 : vector<16xf32> to vector<16xf32>
    %swap3A_126 = vector.shape_cast %broadcast_in_dim3A_3 : vector<16xf32> to vector<16xf32>
    tpu.vector_store %arg6[%swap3A_123], %swap3A_126 {strides = array<i32>} : memref<1264xf32, #tpu.memory_space<vmem>>, vector<16xf32>,
    %swap3A_127 = arith.constant 368 : index
    %swap3A_128 = tpu.vector_load %arg6[%swap3A_127] {strides = array<i32>} : memref<1264xf32, #tpu.memory_space<vmem>>, vector<16xf32>,
    %swap3A_129 = vector.shape_cast %swap3A_128 : vector<16xf32> to vector<16xf32>
    %swap3A_130 = vector.shape_cast %broadcast_in_dim3A_3 : vector<16xf32> to vector<16xf32>
    tpu.vector_store %arg6[%swap3A_127], %swap3A_130 {strides = array<i32>} : memref<1264xf32, #tpu.memory_space<vmem>>, vector<16xf32>,
    %swap3A_131 = arith.constant 384 : index
    %swap3A_132 = tpu.vector_load %arg6[%swap3A_131] {strides = array<i32>} : memref<1264xf32, #tpu.memory_space<vmem>>, vector<16xf32>,
    %swap3A_133 = vector.shape_cast %swap3A_132 : vector<16xf32> to vector<16xf32>
    %swap3A_134 = vector.shape_cast %broadcast_in_dim3A_3 : vector<16xf32> to vector<16xf32>
    tpu.vector_store %arg6[%swap3A_131], %swap3A_134 {strides = array<i32>} : memref<1264xf32, #tpu.memory_space<vmem>>, vector<16xf32>,
    %swap3A_135 = arith.constant 400 : index
    %swap3A_136 = tpu.vector_load %arg6[%swap3A_135] {strides = array<i32>} : memref<1264xf32, #tpu.memory_space<vmem>>, vector<16xf32>,
    %swap3A_137 = vector.shape_cast %swap3A_136 : vector<16xf32> to vector<16xf32>
    %swap3A_138 = vector.shape_cast %broadcast_in_dim3A_3 : vector<16xf32> to vector<16xf32>
    tpu.vector_store %arg6[%swap3A_135], %swap3A_138 {strides = array<i32>} : memref<1264xf32, #tpu.memory_space<vmem>>, vector<16xf32>,
    %swap3A_139 = arith.constant 416 : index
    %swap3A_140 = tpu.vector_load %arg6[%swap3A_139] {strides = array<i32>} : memref<1264xf32, #tpu.memory_space<vmem>>, vector<16xf32>,
    %swap3A_141 = vector.shape_cast %swap3A_140 : vector<16xf32> to vector<16xf32>
    %swap3A_142 = vector.shape_cast %broadcast_in_dim3A_3 : vector<16xf32> to vector<16xf32>
    tpu.vector_store %arg6[%swap3A_139], %swap3A_142 {strides = array<i32>} : memref<1264xf32, #tpu.memory_space<vmem>>, vector<16xf32>,
    %swap3A_143 = arith.constant 432 : index
    %swap3A_144 = tpu.vector_load %arg6[%swap3A_143] {strides = array<i32>} : memref<1264xf32, #tpu.memory_space<vmem>>, vector<16xf32>,
    %swap3A_145 = vector.shape_cast %swap3A_144 : vector<16xf32> to vector<16xf32>
    %swap3A_146 = vector.shape_cast %broadcast_in_dim3A_3 : vector<16xf32> to vector<16xf32>
    tpu.vector_store %arg6[%swap3A_143], %swap3A_146 {strides = array<i32>} : memref<1264xf32, #tpu.memory_space<vmem>>, vector<16xf32>,
    %swap3A_147 = arith.constant 448 : index
    %swap3A_148 = tpu.vector_load %arg6[%swap3A_147] {strides = array<i32>} : memref<1264xf32, #tpu.memory_space<vmem>>, vector<16xf32>,
    %swap3A_149 = vector.shape_cast %swap3A_148 : vector<16xf32> to vector<16xf32>
    %swap3A_150 = vector.shape_cast %broadcast_in_dim3A_3 : vector<16xf32> to vector<16xf32>
    tpu.vector_store %arg6[%swap3A_147], %swap3A_150 {strides = array<i32>} : memref<1264xf32, #tpu.memory_space<vmem>>, vector<16xf32>,
    %swap3A_151 = arith.constant 464 : index
    %swap3A_152 = tpu.vector_load %arg6[%swap3A_151] {strides = array<i32>} : memref<1264xf32, #tpu.memory_space<vmem>>, vector<16xf32>,
    %swap3A_153 = vector.shape_cast %swap3A_152 : vector<16xf32> to vector<16xf32>
    %swap3A_154 = vector.shape_cast %broadcast_in_dim3A_3 : vector<16xf32> to vector<16xf32>
    tpu.vector_store %arg6[%swap3A_151], %swap3A_154 {strides = array<i32>} : memref<1264xf32, #tpu.memory_space<vmem>>, vector<16xf32>,
    %swap3A_155 = arith.constant 480 : index
    %swap3A_156 = tpu.vector_load %arg6[%swap3A_155] {strides = array<i32>} : memref<1264xf32, #tpu.memory_space<vmem>>, vector<16xf32>,
    %swap3A_157 = vector.shape_cast %swap3A_156 : vector<16xf32> to vector<16xf32>
    %swap3A_158 = vector.shape_cast %broadcast_in_dim3A_3 : vector<16xf32> to vector<16xf32>
    tpu.vector_store %arg6[%swap3A_155], %swap3A_158 {strides = array<i32>} : memref<1264xf32, #tpu.memory_space<vmem>>, vector<16xf32>,
    %swap3A_159 = arith.constant 496 : index
    %swap3A_160 = tpu.vector_load %arg6[%swap3A_159] {strides = array<i32>} : memref<1264xf32, #tpu.memory_space<vmem>>, vector<16xf32>,
    %swap3A_161 = vector.shape_cast %swap3A_160 : vector<16xf32> to vector<16xf32>
    %swap3A_162 = vector.shape_cast %broadcast_in_dim3A_3 : vector<16xf32> to vector<16xf32>
    tpu.vector_store %arg6[%swap3A_159], %swap3A_162 {strides = array<i32>} : memref<1264xf32, #tpu.memory_space<vmem>>, vector<16xf32>,
    %swap3A_163 = arith.constant 512 : index
    %swap3A_164 = tpu.vector_load %arg6[%swap3A_163] {strides = array<i32>} : memref<1264xf32, #tpu.memory_space<vmem>>, vector<16xf32>,
    %swap3A_165 = vector.shape_cast %swap3A_164 : vector<16xf32> to vector<16xf32>
    %swap3A_166 = vector.shape_cast %broadcast_in_dim3A_3 : vector<16xf32> to vector<16xf32>
    tpu.vector_store %arg6[%swap3A_163], %swap3A_166 {strides = array<i32>} : memref<1264xf32, #tpu.memory_space<vmem>>, vector<16xf32>,
    %swap3A_167 = arith.constant 528 : index
    %swap3A_168 = tpu.vector_load %arg6[%swap3A_167] {strides = array<i32>} : memref<1264xf32, #tpu.memory_space<vmem>>, vector<16xf32>,
    %swap3A_169 = vector.shape_cast %swap3A_168 : vector<16xf32> to vector<16xf32>
    %swap3A_170 = vector.shape_cast %broadcast_in_dim3A_3 : vector<16xf32> to vector<16xf32>
    tpu.vector_store %arg6[%swap3A_167], %swap3A_170 {strides = array<i32>} : memref<1264xf32, #tpu.memory_space<vmem>>, vector<16xf32>,
    %swap3A_171 = arith.constant 544 : index
    %swap3A_172 = tpu.vector_load %arg6[%swap3A_171] {strides = array<i32>} : memref<1264xf32, #tpu.memory_space<vmem>>, vector<16xf32>,
    %swap3A_173 = vector.shape_cast %swap3A_172 : vector<16xf32> to vector<16xf32>
    %swap3A_174 = vector.shape_cast %broadcast_in_dim3A_3 : vector<16xf32> to vector<16xf32>
    tpu.vector_store %arg6[%swap3A_171], %swap3A_174 {strides = array<i32>} : memref<1264xf32, #tpu.memory_space<vmem>>, vector<16xf32>,
    %swap3A_175 = arith.constant 560 : index
    %swap3A_176 = tpu.vector_load %arg6[%swap3A_175] {strides = array<i32>} : memref<1264xf32, #tpu.memory_space<vmem>>, vector<16xf32>,
    %swap3A_177 = vector.shape_cast %swap3A_176 : vector<16xf32> to vector<16xf32>
    %swap3A_178 = vector.shape_cast %broadcast_in_dim3A_3 : vector<16xf32> to vector<16xf32>
    tpu.vector_store %arg6[%swap3A_175], %swap3A_178 {strides = array<i32>} : memref<1264xf32, #tpu.memory_space<vmem>>, vector<16xf32>,
    %swap3A_179 = arith.constant 576 : index
    %swap3A_180 = tpu.vector_load %arg6[%swap3A_179] {strides = array<i32>} : memref<1264xf32, #tpu.memory_space<vmem>>, vector<16xf32>,
    %swap3A_181 = vector.shape_cast %swap3A_180 : vector<16xf32> to vector<16xf32>
    %swap3A_182 = vector.shape_cast %broadcast_in_dim3A_3 : vector<16xf32> to vector<16xf32>
    tpu.vector_store %arg6[%swap3A_179], %swap3A_182 {strides = array<i32>} : memref<1264xf32, #tpu.memory_space<vmem>>, vector<16xf32>,
    %swap3A_183 = arith.constant 592 : index
    %swap3A_184 = tpu.vector_load %arg6[%swap3A_183] {strides = array<i32>} : memref<1264xf32, #tpu.memory_space<vmem>>, vector<16xf32>,
    %swap3A_185 = vector.shape_cast %swap3A_184 : vector<16xf32> to vector<16xf32>
    %swap3A_186 = vector.shape_cast %broadcast_in_dim3A_3 : vector<16xf32> to vector<16xf32>
    tpu.vector_store %arg6[%swap3A_183], %swap3A_186 {strides = array<i32>} : memref<1264xf32, #tpu.memory_space<vmem>>, vector<16xf32>,
    %swap3A_187 = arith.constant 608 : index
    %swap3A_188 = tpu.vector_load %arg6[%swap3A_187] {strides = array<i32>} : memref<1264xf32, #tpu.memory_space<vmem>>, vector<16xf32>,
    %swap3A_189 = vector.shape_cast %swap3A_188 : vector<16xf32> to vector<16xf32>
    %swap3A_190 = vector.shape_cast %broadcast_in_dim3A_3 : vector<16xf32> to vector<16xf32>
    tpu.vector_store %arg6[%swap3A_187], %swap3A_190 {strides = array<i32>} : memref<1264xf32, #tpu.memory_space<vmem>>, vector<16xf32>,
    %swap3A_191 = arith.constant 624 : index
    %swap3A_192 = tpu.vector_load %arg6[%swap3A_191] {strides = array<i32>} : memref<1264xf32, #tpu.memory_space<vmem>>, vector<16xf32>,
    %swap3A_193 = vector.shape_cast %swap3A_192 : vector<16xf32> to vector<16xf32>
    %swap3A_194 = vector.shape_cast %broadcast_in_dim3A_3 : vector<16xf32> to vector<16xf32>
    tpu.vector_store %arg6[%swap3A_191], %swap3A_194 {strides = array<i32>} : memref<1264xf32, #tpu.memory_space<vmem>>, vector<16xf32>,
    %swap3A_195 = arith.constant 640 : index
    %swap3A_196 = tpu.vector_load %arg6[%swap3A_195] {strides = array<i32>} : memref<1264xf32, #tpu.memory_space<vmem>>, vector<16xf32>,
    %swap3A_197 = vector.shape_cast %swap3A_196 : vector<16xf32> to vector<16xf32>
    %swap3A_198 = vector.shape_cast %broadcast_in_dim3A_3 : vector<16xf32> to vector<16xf32>
    tpu.vector_store %arg6[%swap3A_195], %swap3A_198 {strides = array<i32>} : memref<1264xf32, #tpu.memory_space<vmem>>, vector<16xf32>,
    %swap3A_199 = arith.constant 656 : index
    %swap3A_200 = tpu.vector_load %arg6[%swap3A_199] {strides = array<i32>} : memref<1264xf32, #tpu.memory_space<vmem>>, vector<16xf32>,
    %swap3A_201 = vector.shape_cast %swap3A_200 : vector<16xf32> to vector<16xf32>
    %swap3A_202 = vector.shape_cast %broadcast_in_dim3A_3 : vector<16xf32> to vector<16xf32>
    tpu.vector_store %arg6[%swap3A_199], %swap3A_202 {strides = array<i32>} : memref<1264xf32, #tpu.memory_space<vmem>>, vector<16xf32>,
    %swap3A_203 = arith.constant 672 : index
    %swap3A_204 = tpu.vector_load %arg6[%swap3A_203] {strides = array<i32>} : memref<1264xf32, #tpu.memory_space<vmem>>, vector<16xf32>,
    %swap3A_205 = vector.shape_cast %swap3A_204 : vector<16xf32> to vector<16xf32>
    %swap3A_206 = vector.shape_cast %broadcast_in_dim3A_3 : vector<16xf32> to vector<16xf32>
    tpu.vector_store %arg6[%swap3A_203], %swap3A_206 {strides = array<i32>} : memref<1264xf32, #tpu.memory_space<vmem>>, vector<16xf32>,
    %swap3A_207 = arith.constant 688 : index
    %swap3A_208 = tpu.vector_load %arg6[%swap3A_207] {strides = array<i32>} : memref<1264xf32, #tpu.memory_space<vmem>>, vector<16xf32>,
    %swap3A_209 = vector.shape_cast %swap3A_208 : vector<16xf32> to vector<16xf32>
    %swap3A_210 = vector.shape_cast %broadcast_in_dim3A_3 : vector<16xf32> to vector<16xf32>
    tpu.vector_store %arg6[%swap3A_207], %swap3A_210 {strides = array<i32>} : memref<1264xf32, #tpu.memory_space<vmem>>, vector<16xf32>,
    %swap3A_211 = arith.constant 704 : index
    %swap3A_212 = tpu.vector_load %arg6[%swap3A_211] {strides = array<i32>} : memref<1264xf32, #tpu.memory_space<vmem>>, vector<16xf32>,
    %swap3A_213 = vector.shape_cast %swap3A_212 : vector<16xf32> to vector<16xf32>
    %swap3A_214 = vector.shape_cast %broadcast_in_dim3A_3 : vector<16xf32> to vector<16xf32>
    tpu.vector_store %arg6[%swap3A_211], %swap3A_214 {strides = array<i32>} : memref<1264xf32, #tpu.memory_space<vmem>>, vector<16xf32>,
    %swap3A_215 = arith.constant 720 : index
    %swap3A_216 = tpu.vector_load %arg6[%swap3A_215] {strides = array<i32>} : memref<1264xf32, #tpu.memory_space<vmem>>, vector<16xf32>,
    %swap3A_217 = vector.shape_cast %swap3A_216 : vector<16xf32> to vector<16xf32>
    %swap3A_218 = vector.shape_cast %broadcast_in_dim3A_3 : vector<16xf32> to vector<16xf32>
    tpu.vector_store %arg6[%swap3A_215], %swap3A_218 {strides = array<i32>} : memref<1264xf32, #tpu.memory_space<vmem>>, vector<16xf32>,
    %swap3A_219 = arith.constant 736 : index
    %swap3A_220 = tpu.vector_load %arg6[%swap3A_219] {strides = array<i32>} : memref<1264xf32, #tpu.memory_space<vmem>>, vector<16xf32>,
    %swap3A_221 = vector.shape_cast %swap3A_220 : vector<16xf32> to vector<16xf32>
    %swap3A_222 = vector.shape_cast %broadcast_in_dim3A_3 : vector<16xf32> to vector<16xf32>
    tpu.vector_store %arg6[%swap3A_219], %swap3A_222 {strides = array<i32>} : memref<1264xf32, #tpu.memory_space<vmem>>, vector<16xf32>,
    %swap3A_223 = arith.constant 752 : index
    %swap3A_224 = tpu.vector_load %arg6[%swap3A_223] {strides = array<i32>} : memref<1264xf32, #tpu.memory_space<vmem>>, vector<16xf32>,
    %swap3A_225 = vector.shape_cast %swap3A_224 : vector<16xf32> to vector<16xf32>
    %swap3A_226 = vector.shape_cast %broadcast_in_dim3A_3 : vector<16xf32> to vector<16xf32>
    tpu.vector_store %arg6[%swap3A_223], %swap3A_226 {strides = array<i32>} : memref<1264xf32, #tpu.memory_space<vmem>>, vector<16xf32>,
    %swap3A_227 = arith.constant 768 : index
    %swap3A_228 = tpu.vector_load %arg6[%swap3A_227] {strides = array<i32>} : memref<1264xf32, #tpu.memory_space<vmem>>, vector<16xf32>,
    %swap3A_229 = vector.shape_cast %swap3A_228 : vector<16xf32> to vector<16xf32>
    %swap3A_230 = vector.shape_cast %broadcast_in_dim3A_3 : vector<16xf32> to vector<16xf32>
    tpu.vector_store %arg6[%swap3A_227], %swap3A_230 {strides = array<i32>} : memref<1264xf32, #tpu.memory_space<vmem>>, vector<16xf32>,
    %swap3A_231 = arith.constant 784 : index
    %swap3A_232 = tpu.vector_load %arg6[%swap3A_231] {strides = array<i32>} : memref<1264xf32, #tpu.memory_space<vmem>>, vector<16xf32>,
    %swap3A_233 = vector.shape_cast %swap3A_232 : vector<16xf32> to vector<16xf32>
    %swap3A_234 = vector.shape_cast %broadcast_in_dim3A_3 : vector<16xf32> to vector<16xf32>
    tpu.vector_store %arg6[%swap3A_231], %swap3A_234 {strides = array<i32>} : memref<1264xf32, #tpu.memory_space<vmem>>, vector<16xf32>,
    %swap3A_235 = arith.constant 800 : index
    %swap3A_236 = tpu.vector_load %arg6[%swap3A_235] {strides = array<i32>} : memref<1264xf32, #tpu.memory_space<vmem>>, vector<16xf32>,
    %swap3A_237 = vector.shape_cast %swap3A_236 : vector<16xf32> to vector<16xf32>
    %swap3A_238 = vector.shape_cast %broadcast_in_dim3A_3 : vector<16xf32> to vector<16xf32>
    tpu.vector_store %arg6[%swap3A_235], %swap3A_238 {strides = array<i32>} : memref<1264xf32, #tpu.memory_space<vmem>>, vector<16xf32>,
    %swap3A_239 = arith.constant 816 : index
    %swap3A_240 = tpu.vector_load %arg6[%swap3A_239] {strides = array<i32>} : memref<1264xf32, #tpu.memory_space<vmem>>, vector<16xf32>,
    %swap3A_241 = vector.shape_cast %swap3A_240 : vector<16xf32> to vector<16xf32>
    %swap3A_242 = vector.shape_cast %broadcast_in_dim3A_3 : vector<16xf32> to vector<16xf32>
    tpu.vector_store %arg6[%swap3A_239], %swap3A_242 {strides = array<i32>} : memref<1264xf32, #tpu.memory_space<vmem>>, vector<16xf32>,
    %swap3A_243 = arith.constant 832 : index
    %swap3A_244 = tpu.vector_load %arg6[%swap3A_243] {strides = array<i32>} : memref<1264xf32, #tpu.memory_space<vmem>>, vector<16xf32>,
    %swap3A_245 = vector.shape_cast %swap3A_244 : vector<16xf32> to vector<16xf32>
    %swap3A_246 = vector.shape_cast %broadcast_in_dim3A_3 : vector<16xf32> to vector<16xf32>
    tpu.vector_store %arg6[%swap3A_243], %swap3A_246 {strides = array<i32>} : memref<1264xf32, #tpu.memory_space<vmem>>, vector<16xf32>,
    %swap3A_247 = arith.constant 848 : index
    %swap3A_248 = tpu.vector_load %arg6[%swap3A_247] {strides = array<i32>} : memref<1264xf32, #tpu.memory_space<vmem>>, vector<16xf32>,
    %swap3A_249 = vector.shape_cast %swap3A_248 : vector<16xf32> to vector<16xf32>
    %swap3A_250 = vector.shape_cast %broadcast_in_dim3A_3 : vector<16xf32> to vector<16xf32>
    tpu.vector_store %arg6[%swap3A_247], %swap3A_250 {strides = array<i32>} : memref<1264xf32, #tpu.memory_space<vmem>>, vector<16xf32>,
    %swap3A_251 = arith.constant 864 : index
    %swap3A_252 = tpu.vector_load %arg6[%swap3A_251] {strides = array<i32>} : memref<1264xf32, #tpu.memory_space<vmem>>, vector<16xf32>,
    %swap3A_253 = vector.shape_cast %swap3A_252 : vector<16xf32> to vector<16xf32>
    %swap3A_254 = vector.shape_cast %broadcast_in_dim3A_3 : vector<16xf32> to vector<16xf32>
    tpu.vector_store %arg6[%swap3A_251], %swap3A_254 {strides = array<i32>} : memref<1264xf32, #tpu.memory_space<vmem>>, vector<16xf32>,
    %swap3A_255 = arith.constant 880 : index
    %swap3A_256 = tpu.vector_load %arg6[%swap3A_255] {strides = array<i32>} : memref<1264xf32, #tpu.memory_space<vmem>>, vector<16xf32>,
    %swap3A_257 = vector.shape_cast %swap3A_256 : vector<16xf32> to vector<16xf32>
    %swap3A_258 = vector.shape_cast %broadcast_in_dim3A_3 : vector<16xf32> to vector<16xf32>
    tpu.vector_store %arg6[%swap3A_255], %swap3A_258 {strides = array<i32>} : memref<1264xf32, #tpu.memory_space<vmem>>, vector<16xf32>,
    %swap3A_259 = arith.constant 896 : index
    %swap3A_260 = tpu.vector_load %arg6[%swap3A_259] {strides = array<i32>} : memref<1264xf32, #tpu.memory_space<vmem>>, vector<16xf32>,
    %swap3A_261 = vector.shape_cast %swap3A_260 : vector<16xf32> to vector<16xf32>
    %swap3A_262 = vector.shape_cast %broadcast_in_dim3A_3 : vector<16xf32> to vector<16xf32>
    tpu.vector_store %arg6[%swap3A_259], %swap3A_262 {strides = array<i32>} : memref<1264xf32, #tpu.memory_space<vmem>>, vector<16xf32>,
    %swap3A_263 = arith.constant 912 : index
    %swap3A_264 = tpu.vector_load %arg6[%swap3A_263] {strides = array<i32>} : memref<1264xf32, #tpu.memory_space<vmem>>, vector<16xf32>,
    %swap3A_265 = vector.shape_cast %swap3A_264 : vector<16xf32> to vector<16xf32>
    %swap3A_266 = vector.shape_cast %broadcast_in_dim3A_3 : vector<16xf32> to vector<16xf32>
    tpu.vector_store %arg6[%swap3A_263], %swap3A_266 {strides = array<i32>} : memref<1264xf32, #tpu.memory_space<vmem>>, vector<16xf32>,
    %swap3A_267 = arith.constant 928 : index
    %swap3A_268 = tpu.vector_load %arg6[%swap3A_267] {strides = array<i32>} : memref<1264xf32, #tpu.memory_space<vmem>>, vector<16xf32>,
    %swap3A_269 = vector.shape_cast %swap3A_268 : vector<16xf32> to vector<16xf32>
    %swap3A_270 = vector.shape_cast %broadcast_in_dim3A_3 : vector<16xf32> to vector<16xf32>
    tpu.vector_store %arg6[%swap3A_267], %swap3A_270 {strides = array<i32>} : memref<1264xf32, #tpu.memory_space<vmem>>, vector<16xf32>,
    %swap3A_271 = arith.constant 944 : index
    %swap3A_272 = tpu.vector_load %arg6[%swap3A_271] {strides = array<i32>} : memref<1264xf32, #tpu.memory_space<vmem>>, vector<16xf32>,
    %swap3A_273 = vector.shape_cast %swap3A_272 : vector<16xf32> to vector<16xf32>
    %swap3A_274 = vector.shape_cast %broadcast_in_dim3A_3 : vector<16xf32> to vector<16xf32>
    tpu.vector_store %arg6[%swap3A_271], %swap3A_274 {strides = array<i32>} : memref<1264xf32, #tpu.memory_space<vmem>>, vector<16xf32>,
    %swap3A_275 = arith.constant 960 : index
    %swap3A_276 = tpu.vector_load %arg6[%swap3A_275] {strides = array<i32>} : memref<1264xf32, #tpu.memory_space<vmem>>, vector<16xf32>,
    %swap3A_277 = vector.shape_cast %swap3A_276 : vector<16xf32> to vector<16xf32>
    %swap3A_278 = vector.shape_cast %broadcast_in_dim3A_3 : vector<16xf32> to vector<16xf32>
    tpu.vector_store %arg6[%swap3A_275], %swap3A_278 {strides = array<i32>} : memref<1264xf32, #tpu.memory_space<vmem>>, vector<16xf32>,
    %swap3A_279 = arith.constant 976 : index
    %swap3A_280 = tpu.vector_load %arg6[%swap3A_279] {strides = array<i32>} : memref<1264xf32, #tpu.memory_space<vmem>>, vector<16xf32>,
    %swap3A_281 = vector.shape_cast %swap3A_280 : vector<16xf32> to vector<16xf32>
    %swap3A_282 = vector.shape_cast %broadcast_in_dim3A_3 : vector<16xf32> to vector<16xf32>
    tpu.vector_store %arg6[%swap3A_279], %swap3A_282 {strides = array<i32>} : memref<1264xf32, #tpu.memory_space<vmem>>, vector<16xf32>,
    %swap3A_283 = arith.constant 992 : index
    %swap3A_284 = tpu.vector_load %arg6[%swap3A_283] {strides = array<i32>} : memref<1264xf32, #tpu.memory_space<vmem>>, vector<16xf32>,
    %swap3A_285 = vector.shape_cast %swap3A_284 : vector<16xf32> to vector<16xf32>
    %swap3A_286 = vector.shape_cast %broadcast_in_dim3A_3 : vector<16xf32> to vector<16xf32>
    tpu.vector_store %arg6[%swap3A_283], %swap3A_286 {strides = array<i32>} : memref<1264xf32, #tpu.memory_space<vmem>>, vector<16xf32>,
    %swap3A_287 = arith.constant 1008 : index
    %swap3A_288 = tpu.vector_load %arg6[%swap3A_287] {strides = array<i32>} : memref<1264xf32, #tpu.memory_space<vmem>>, vector<16xf32>,
    %swap3A_289 = vector.shape_cast %swap3A_288 : vector<16xf32> to vector<16xf32>
    %swap3A_290 = vector.shape_cast %broadcast_in_dim3A_3 : vector<16xf32> to vector<16xf32>
    tpu.vector_store %arg6[%swap3A_287], %swap3A_290 {strides = array<i32>} : memref<1264xf32, #tpu.memory_space<vmem>>, vector<16xf32>,
    %swap3A_291 = arith.constant 1024 : index
    %swap3A_292 = tpu.vector_load %arg6[%swap3A_291] {strides = array<i32>} : memref<1264xf32, #tpu.memory_space<vmem>>, vector<16xf32>,
    %swap3A_293 = vector.shape_cast %swap3A_292 : vector<16xf32> to vector<16xf32>
    %swap3A_294 = vector.shape_cast %broadcast_in_dim3A_3 : vector<16xf32> to vector<16xf32>
    tpu.vector_store %arg6[%swap3A_291], %swap3A_294 {strides = array<i32>} : memref<1264xf32, #tpu.memory_space<vmem>>, vector<16xf32>,
    %swap3A_295 = arith.constant 1040 : index
    %swap3A_296 = tpu.vector_load %arg6[%swap3A_295] {strides = array<i32>} : memref<1264xf32, #tpu.memory_space<vmem>>, vector<16xf32>,
    %swap3A_297 = vector.shape_cast %swap3A_296 : vector<16xf32> to vector<16xf32>
    %swap3A_298 = vector.shape_cast %broadcast_in_dim3A_3 : vector<16xf32> to vector<16xf32>
    tpu.vector_store %arg6[%swap3A_295], %swap3A_298 {strides = array<i32>} : memref<1264xf32, #tpu.memory_space<vmem>>, vector<16xf32>,
    %swap3A_299 = arith.constant 1056 : index
    %swap3A_300 = tpu.vector_load %arg6[%swap3A_299] {strides = array<i32>} : memref<1264xf32, #tpu.memory_space<vmem>>, vector<16xf32>,
    %swap3A_301 = vector.shape_cast %swap3A_300 : vector<16xf32> to vector<16xf32>
    %swap3A_302 = vector.shape_cast %broadcast_in_dim3A_3 : vector<16xf32> to vector<16xf32>
    tpu.vector_store %arg6[%swap3A_299], %swap3A_302 {strides = array<i32>} : memref<1264xf32, #tpu.memory_space<vmem>>, vector<16xf32>,
    %swap3A_303 = arith.constant 1072 : index
    %swap3A_304 = tpu.vector_load %arg6[%swap3A_303] {strides = array<i32>} : memref<1264xf32, #tpu.memory_space<vmem>>, vector<16xf32>,
    %swap3A_305 = vector.shape_cast %swap3A_304 : vector<16xf32> to vector<16xf32>
    %swap3A_306 = vector.shape_cast %broadcast_in_dim3A_3 : vector<16xf32> to vector<16xf32>
    tpu.vector_store %arg6[%swap3A_303], %swap3A_306 {strides = array<i32>} : memref<1264xf32, #tpu.memory_space<vmem>>, vector<16xf32>,
    %swap3A_307 = arith.constant 1088 : index
    %swap3A_308 = tpu.vector_load %arg6[%swap3A_307] {strides = array<i32>} : memref<1264xf32, #tpu.memory_space<vmem>>, vector<16xf32>,
    %swap3A_309 = vector.shape_cast %swap3A_308 : vector<16xf32> to vector<16xf32>
    %swap3A_310 = vector.shape_cast %broadcast_in_dim3A_3 : vector<16xf32> to vector<16xf32>
    tpu.vector_store %arg6[%swap3A_307], %swap3A_310 {strides = array<i32>} : memref<1264xf32, #tpu.memory_space<vmem>>, vector<16xf32>,
    %swap3A_311 = arith.constant 1104 : index
    %swap3A_312 = tpu.vector_load %arg6[%swap3A_311] {strides = array<i32>} : memref<1264xf32, #tpu.memory_space<vmem>>, vector<16xf32>,
    %swap3A_313 = vector.shape_cast %swap3A_312 : vector<16xf32> to vector<16xf32>
    %swap3A_314 = vector.shape_cast %broadcast_in_dim3A_3 : vector<16xf32> to vector<16xf32>
    tpu.vector_store %arg6[%swap3A_311], %swap3A_314 {strides = array<i32>} : memref<1264xf32, #tpu.memory_space<vmem>>, vector<16xf32>,
    %swap3A_315 = arith.constant 1120 : index
    %swap3A_316 = tpu.vector_load %arg6[%swap3A_315] {strides = array<i32>} : memref<1264xf32, #tpu.memory_space<vmem>>, vector<16xf32>,
    %swap3A_317 = vector.shape_cast %swap3A_316 : vector<16xf32> to vector<16xf32>
    %swap3A_318 = vector.shape_cast %broadcast_in_dim3A_3 : vector<16xf32> to vector<16xf32>
    tpu.vector_store %arg6[%swap3A_315], %swap3A_318 {strides = array<i32>} : memref<1264xf32, #tpu.memory_space<vmem>>, vector<16xf32>,
    %swap3A_319 = arith.constant 1136 : index
    %swap3A_320 = tpu.vector_load %arg6[%swap3A_319] {strides = array<i32>} : memref<1264xf32, #tpu.memory_space<vmem>>, vector<16xf32>,
    %swap3A_321 = vector.shape_cast %swap3A_320 : vector<16xf32> to vector<16xf32>
    %swap3A_322 = vector.shape_cast %broadcast_in_dim3A_3 : vector<16xf32> to vector<16xf32>
    tpu.vector_store %arg6[%swap3A_319], %swap3A_322 {strides = array<i32>} : memref<1264xf32, #tpu.memory_space<vmem>>, vector<16xf32>,
    %swap3A_323 = arith.constant 1152 : index
    %swap3A_324 = tpu.vector_load %arg6[%swap3A_323] {strides = array<i32>} : memref<1264xf32, #tpu.memory_space<vmem>>, vector<16xf32>,
    %swap3A_325 = vector.shape_cast %swap3A_324 : vector<16xf32> to vector<16xf32>
    %swap3A_326 = vector.shape_cast %broadcast_in_dim3A_3 : vector<16xf32> to vector<16xf32>
    tpu.vector_store %arg6[%swap3A_323], %swap3A_326 {strides = array<i32>} : memref<1264xf32, #tpu.memory_space<vmem>>, vector<16xf32>,
    %swap3A_327 = arith.constant 1168 : index
    %swap3A_328 = tpu.vector_load %arg6[%swap3A_327] {strides = array<i32>} : memref<1264xf32, #tpu.memory_space<vmem>>, vector<16xf32>,
    %swap3A_329 = vector.shape_cast %swap3A_328 : vector<16xf32> to vector<16xf32>
    %swap3A_330 = vector.shape_cast %broadcast_in_dim3A_3 : vector<16xf32> to vector<16xf32>
    tpu.vector_store %arg6[%swap3A_327], %swap3A_330 {strides = array<i32>} : memref<1264xf32, #tpu.memory_space<vmem>>, vector<16xf32>,
    %swap3A_331 = arith.constant 1184 : index
    %swap3A_332 = tpu.vector_load %arg6[%swap3A_331] {strides = array<i32>} : memref<1264xf32, #tpu.memory_space<vmem>>, vector<16xf32>,
    %swap3A_333 = vector.shape_cast %swap3A_332 : vector<16xf32> to vector<16xf32>
    %swap3A_334 = vector.shape_cast %broadcast_in_dim3A_3 : vector<16xf32> to vector<16xf32>
    tpu.vector_store %arg6[%swap3A_331], %swap3A_334 {strides = array<i32>} : memref<1264xf32, #tpu.memory_space<vmem>>, vector<16xf32>,
    %swap3A_335 = arith.constant 1200 : index
    %swap3A_336 = tpu.vector_load %arg6[%swap3A_335] {strides = array<i32>} : memref<1264xf32, #tpu.memory_space<vmem>>, vector<16xf32>,
    %swap3A_337 = vector.shape_cast %swap3A_336 : vector<16xf32> to vector<16xf32>
    %swap3A_338 = vector.shape_cast %broadcast_in_dim3A_3 : vector<16xf32> to vector<16xf32>
    tpu.vector_store %arg6[%swap3A_335], %swap3A_338 {strides = array<i32>} : memref<1264xf32, #tpu.memory_space<vmem>>, vector<16xf32>,
    %swap3A_339 = arith.constant 1216 : index
    %swap3A_340 = tpu.vector_load %arg6[%swap3A_339] {strides = array<i32>} : memref<1264xf32, #tpu.memory_space<vmem>>, vector<16xf32>,
    %swap3A_341 = vector.shape_cast %swap3A_340 : vector<16xf32> to vector<16xf32>
    %swap3A_342 = vector.shape_cast %broadcast_in_dim3A_3 : vector<16xf32> to vector<16xf32>
    tpu.vector_store %arg6[%swap3A_339], %swap3A_342 {strides = array<i32>} : memref<1264xf32, #tpu.memory_space<vmem>>, vector<16xf32>,
    %swap3A_343 = arith.constant 1232 : index
    %swap3A_344 = tpu.vector_load %arg6[%swap3A_343] {strides = array<i32>} : memref<1264xf32, #tpu.memory_space<vmem>>, vector<16xf32>,
    %swap3A_345 = vector.shape_cast %swap3A_344 : vector<16xf32> to vector<16xf32>
    %swap3A_346 = vector.shape_cast %broadcast_in_dim3A_3 : vector<16xf32> to vector<16xf32>
    tpu.vector_store %arg6[%swap3A_343], %swap3A_346 {strides = array<i32>} : memref<1264xf32, #tpu.memory_space<vmem>>, vector<16xf32>,
    %swap3A_347 = arith.constant 1248 : index
    %swap3A_348 = tpu.vector_load %arg6[%swap3A_347] {strides = array<i32>} : memref<1264xf32, #tpu.memory_space<vmem>>, vector<16xf32>,
    %swap3A_349 = vector.shape_cast %swap3A_348 : vector<16xf32> to vector<16xf32>
    %swap3A_350 = vector.shape_cast %broadcast_in_dim3A_3 : vector<16xf32> to vector<16xf32>
    tpu.vector_store %arg6[%swap3A_347], %swap3A_350 {strides = array<i32>} : memref<1264xf32, #tpu.memory_space<vmem>>, vector<16xf32>,
    "tpu.region"() ({
      %run_scoped3A = tpu.sem_alloc : memref<!tpu.dma_semaphore, #tpu.memory_space<semaphore_mem>>
      %dma_start3A = tpu.memref_slice %arg7[%mul3A_0] : memref<20224xf32, #tpu.memory_space<vmem_shared>> -> memref<1264xf32, #tpu.memory_space<vmem_shared>>
      %dma_start3A_365 = tpu.memref_slice %arg7[%mul3A_0] : memref<20224xf32, #tpu.memory_space<vmem_shared>> -> memref<1264xf32, #tpu.memory_space<vmem_shared>>
      tpu.enqueue_dma source(%arg6 : memref<1264xf32, #tpu.memory_space<vmem>>) target(%dma_start3A_365 : memref<1264xf32, #tpu.memory_space<vmem_shared>>) target_semaphore(%run_scoped3A : memref<!tpu.dma_semaphore, #tpu.memory_space<semaphore_mem>>)
      %dma_wait3A = tpu.memref_slice %arg7[%mul3A_0] : memref<20224xf32, #tpu.memory_space<vmem_shared>> -> memref<1264xf32, #tpu.memory_space<vmem_shared>>
      %dma_wait3A_366 = tpu.memref_slice %arg7[%mul3A_0] : memref<20224xf32, #tpu.memory_space<vmem_shared>> -> memref<1264xf32, #tpu.memory_space<vmem_shared>>
      tpu.wait_dma2 semaphore(%run_scoped3A : memref<!tpu.dma_semaphore, #tpu.memory_space<semaphore_mem>>) src(%arg6 : memref<1264xf32, #tpu.memory_space<vmem>>) dst(%dma_wait3A_366 : memref<1264xf32, #tpu.memory_space<vmem_shared>>)
      tpu.yield
    }) : () -> ()
    %barrier3A = arith.constant 0 : index
    tpu.barrier barrier_id(%barrier3A)
    %mul3A_351 = arith.constant 641024 : i32
    %mul3A_352 = arith.muli %arg0, %mul3A_351 : i32
    %mul3A_353 = arith.constant 40064 : i32
    %mul3A_354 = arith.muli %arg1, %mul3A_353 : i32
    %add3A = arith.addi %mul3A_352, %mul3A_354 : i32
    %scan3A = arith.constant 0 : i32
    %scan3A_355 = arith.constant 313 : i32
    %scan3A_356 = arith.addi %scan3A, %scan3A_355 : i32
    %scan3A_357 = arith.constant 1 : i32
    scf.for %scan3A_365 = %scan3A to %scan3A_356 step %scan3A_357  : i32 {
      %mul3A_366 = arith.constant 1 : i32
      %mul3A_367 = arith.muli %scan3A_365, %mul3A_366 : i32
      %add3A_368 = arith.constant 0 : i32
      %add3A_369 = arith.addi %add3A_368, %mul3A_367 : i32
      %mul3A_370 = arith.constant 128 : i32
      %mul3A_371 = arith.muli %add3A_369, %mul3A_370 : i32
      %add3A_372 = arith.addi %add3A, %mul3A_371 : i32
      "tpu.region"() ({
        %run_scoped3A = tpu.sem_alloc : memref<!tpu.dma_semaphore, #tpu.memory_space<semaphore_mem>>
        %dma_start3A = tpu.memref_slice %arg2[%add3A_372] : memref<1282048xi32, #tpu.memory_space<hbm>> -> memref<128xi32, #tpu.memory_space<hbm>>
        %dma_start3A_373 = tpu.memref_slice %arg2[%add3A_372] : memref<1282048xi32, #tpu.memory_space<hbm>> -> memref<128xi32, #tpu.memory_space<hbm>>
        tpu.enqueue_dma source(%dma_start3A_373 : memref<128xi32, #tpu.memory_space<hbm>>) target(%arg4 : memref<128xi32, #tpu.memory_space<vmem>>) target_semaphore(%run_scoped3A : memref<!tpu.dma_semaphore, #tpu.memory_space<semaphore_mem>>)
        %dma_wait3A = tpu.memref_slice %arg2[%add3A_372] : memref<1282048xi32, #tpu.memory_space<hbm>> -> memref<128xi32, #tpu.memory_space<hbm>>
        %dma_wait3A_374 = tpu.memref_slice %arg2[%add3A_372] : memref<1282048xi32, #tpu.memory_space<hbm>> -> memref<128xi32, #tpu.memory_space<hbm>>
        tpu.wait_dma2 semaphore(%run_scoped3A : memref<!tpu.dma_semaphore, #tpu.memory_space<semaphore_mem>>) src(%dma_wait3A_374 : memref<128xi32, #tpu.memory_space<hbm>>) dst(%arg4 : memref<128xi32, #tpu.memory_space<vmem>>)
        tpu.yield
      }) : () -> ()
      "tpu.region"() ({
        %run_scoped3A = tpu.sem_alloc : memref<!tpu.dma_semaphore, #tpu.memory_space<semaphore_mem>>
        %dma_start3A = arith.constant 0 : i32
        %dma_start3A_373 = tpu.memref_slice %arg7[%dma_start3A] : memref<20224xf32, #tpu.memory_space<vmem_shared>> -> memref<20224xf32, #tpu.memory_space<vmem_shared>>
        tpu.enqueue_indirect_dma source(%arg5 : memref<128xf32, #tpu.memory_space<vmem>>) target(%dma_start3A_373 : memref<20224xf32, #tpu.memory_space<vmem_shared>>) offsets(%arg4 : memref<128xi32, #tpu.memory_space<vmem>>) semaphore(%run_scoped3A : memref<!tpu.dma_semaphore, #tpu.memory_space<semaphore_mem>>) {add = true}
        %dma_wait3A = arith.constant 0 : i32
        %dma_wait3A_374 = tpu.memref_slice %arg7[%dma_wait3A] : memref<20224xf32, #tpu.memory_space<vmem_shared>> -> memref<20224xf32, #tpu.memory_space<vmem_shared>>
        tpu.wait_indirect_dma semaphore(%run_scoped3A : memref<!tpu.dma_semaphore, #tpu.memory_space<semaphore_mem>>) src(%arg5 : memref<128xf32, #tpu.memory_space<vmem>>) dst(%dma_wait3A_374 : memref<20224xf32, #tpu.memory_space<vmem_shared>>)
        tpu.yield
      }) : () -> ()
    }
    %scan3A_358 = arith.constant 313 : i32
    %barrier3A_359 = arith.constant 0 : index
    tpu.barrier barrier_id(%barrier3A_359)
    "tpu.region"() ({
      %run_scoped3A = tpu.sem_alloc : memref<!tpu.dma_semaphore, #tpu.memory_space<semaphore_mem>>
      %dma_start3A = tpu.memref_slice %arg7[%mul3A_0] : memref<20224xf32, #tpu.memory_space<vmem_shared>> -> memref<1264xf32, #tpu.memory_space<vmem_shared>>
      %dma_start3A_365 = tpu.memref_slice %arg7[%mul3A_0] : memref<20224xf32, #tpu.memory_space<vmem_shared>> -> memref<1264xf32, #tpu.memory_space<vmem_shared>>
      tpu.enqueue_dma source(%dma_start3A_365 : memref<1264xf32, #tpu.memory_space<vmem_shared>>) target(%arg6 : memref<1264xf32, #tpu.memory_space<vmem>>) target_semaphore(%run_scoped3A : memref<!tpu.dma_semaphore, #tpu.memory_space<semaphore_mem>>)
      %dma_wait3A = tpu.memref_slice %arg7[%mul3A_0] : memref<20224xf32, #tpu.memory_space<vmem_shared>> -> memref<1264xf32, #tpu.memory_space<vmem_shared>>
      %dma_wait3A_366 = tpu.memref_slice %arg7[%mul3A_0] : memref<20224xf32, #tpu.memory_space<vmem_shared>> -> memref<1264xf32, #tpu.memory_space<vmem_shared>>
      tpu.wait_dma2 semaphore(%run_scoped3A : memref<!tpu.dma_semaphore, #tpu.memory_space<semaphore_mem>>) src(%dma_wait3A_366 : memref<1264xf32, #tpu.memory_space<vmem_shared>>) dst(%arg6 : memref<1264xf32, #tpu.memory_space<vmem>>)
      tpu.yield
    }) : () -> ()
    %mul3A_360 = arith.constant 2 : i32
    %mul3A_361 = arith.muli %arg0, %mul3A_360 : i32
    %mul3A_362 = arith.constant 10112 : i32
    %mul3A_363 = arith.muli %mul3A_361, %mul3A_362 : i32
    %add3A_364 = arith.addi %mul3A_363, %mul3A_0 : i32
    "tpu.region"() ({
      %run_scoped3A = tpu.sem_alloc : memref<!tpu.dma_semaphore, #tpu.memory_space<semaphore_mem>>
      %dma_start3A = tpu.memref_slice %arg3[%add3A_364] : memref<40448xf32, #tpu.memory_space<hbm>> -> memref<1264xf32, #tpu.memory_space<hbm>>
      %dma_start3A_365 = tpu.memref_slice %arg3[%add3A_364] : memref<40448xf32, #tpu.memory_space<hbm>> -> memref<1264xf32, #tpu.memory_space<hbm>>
      tpu.enqueue_dma source(%arg6 : memref<1264xf32, #tpu.memory_space<vmem>>) target(%dma_start3A_365 : memref<1264xf32, #tpu.memory_space<hbm>>) target_semaphore(%run_scoped3A : memref<!tpu.dma_semaphore, #tpu.memory_space<semaphore_mem>>)
      %dma_wait3A = tpu.memref_slice %arg3[%add3A_364] : memref<40448xf32, #tpu.memory_space<hbm>> -> memref<1264xf32, #tpu.memory_space<hbm>>
      %dma_wait3A_366 = tpu.memref_slice %arg3[%add3A_364] : memref<40448xf32, #tpu.memory_space<hbm>> -> memref<1264xf32, #tpu.memory_space<hbm>>
      tpu.wait_dma2 semaphore(%run_scoped3A : memref<!tpu.dma_semaphore, #tpu.memory_space<semaphore_mem>>) src(%arg6 : memref<1264xf32, #tpu.memory_space<vmem>>) dst(%dma_wait3A_366 : memref<1264xf32, #tpu.memory_space<hbm>>)
      tpu.yield
    }) : () -> ()
    return
  }
}

#map = affine_map<(d0, d1) -> (0, 0)>
#map1 = affine_map<(d0, d1) -> (0)>
module attributes {stable_mosaic.version = 14 : i64} {
  func.func @k(%arg0: i32, %arg1: i32, %arg2: memref<20224x128xf32, #tpu.memory_space<hbm>>, %arg3: memref<1000x128xf32, #tpu.memory_space<hbm>>, %arg4: memref<1000x128xf32, #tpu.memory_space<hbm>>, %arg5: memref<65536xi32, #tpu.memory_space<hbm>>, %arg6: memref<65536x128xf32, #tpu.memory_space<hbm>>, %arg7: memref<128xi32, #tpu.memory_space<vmem>>, %arg8: memref<128x128xf32, #tpu.memory_space<vmem>>, %arg9: memref<!tpu.dma_semaphore, #tpu.memory_space<semaphore_mem>>) attributes {dimension_semantics = [#tpu.dimension_semantics<core_parallel>, #tpu.dimension_semantics<subcore_parallel>], iteration_bounds = array<i64: 2, 16>, scalar_prefetch = 0 : i64, scratch_operands = 3 : i64, tpu.core_type = #tpu.core_type<sc_vector_subcore>, window_params = [{transform_indices = #map}, {transform_indices = #map}, {transform_indices = #map}, {transform_indices = #map1}, {transform_indices = #map}]} {
    %mul3A = arith.constant 2 : i32
    %mul3A_0 = arith.muli %arg1, %mul3A : i32
    %add3A = arith.addi %mul3A_0, %arg0 : i32
    %mul3A_1 = arith.constant 512 : i32
    %mul3A_2 = arith.muli %add3A, %mul3A_1 : i32
    %add3A_3 = arith.constant 0 : i32
    %add3A_4 = arith.addi %add3A_3, %mul3A_2 : i32
    %add3A_5 = arith.constant 0 : i32
    %add3A_6 = arith.addi %add3A_4, %add3A_5 : i32
    "tpu.region"() ({
      %run_scoped3A = tpu.sem_alloc : memref<!tpu.dma_semaphore, #tpu.memory_space<semaphore_mem>>
      %dma_start3A_191 = tpu.memref_slice %arg5[%add3A_6] : memref<65536xi32, #tpu.memory_space<hbm>> -> memref<128xi32, #tpu.memory_space<hbm>>
      %dma_start3A_192 = tpu.memref_slice %arg5[%add3A_6] : memref<65536xi32, #tpu.memory_space<hbm>> -> memref<128xi32, #tpu.memory_space<hbm>>
      tpu.enqueue_dma source(%dma_start3A_192 : memref<128xi32, #tpu.memory_space<hbm>>) target(%arg7 : memref<128xi32, #tpu.memory_space<vmem>>) target_semaphore(%run_scoped3A : memref<!tpu.dma_semaphore, #tpu.memory_space<semaphore_mem>>)
      %dma_wait3A_193 = tpu.memref_slice %arg5[%add3A_6] : memref<65536xi32, #tpu.memory_space<hbm>> -> memref<128xi32, #tpu.memory_space<hbm>>
      %dma_wait3A_194 = tpu.memref_slice %arg5[%add3A_6] : memref<65536xi32, #tpu.memory_space<hbm>> -> memref<128xi32, #tpu.memory_space<hbm>>
      tpu.wait_dma2 semaphore(%run_scoped3A : memref<!tpu.dma_semaphore, #tpu.memory_space<semaphore_mem>>) src(%dma_wait3A_194 : memref<128xi32, #tpu.memory_space<hbm>>) dst(%arg7 : memref<128xi32, #tpu.memory_space<vmem>>)
      tpu.yield
    }) : () -> ()
    %dma_start3A = arith.constant 0 : i32
    %dma_start3A_7 = arith.constant 0 : i32
    %dma_start3A_8 = tpu.memref_slice %arg2[%dma_start3A, %dma_start3A_7] : memref<20224x128xf32, #tpu.memory_space<hbm>> -> memref<20224x128xf32, #tpu.memory_space<hbm>>
    tpu.enqueue_indirect_dma source(%dma_start3A_8 : memref<20224x128xf32, #tpu.memory_space<hbm>>) target(%arg8 : memref<128x128xf32, #tpu.memory_space<vmem>>) offsets(%arg7 : memref<128xi32, #tpu.memory_space<vmem>>) semaphore(%arg9 : memref<!tpu.dma_semaphore, #tpu.memory_space<semaphore_mem>>)
    %dma_wait3A = arith.constant 0 : i32
    %dma_wait3A_9 = arith.constant 0 : i32
    %dma_wait3A_10 = tpu.memref_slice %arg2[%dma_wait3A, %dma_wait3A_9] : memref<20224x128xf32, #tpu.memory_space<hbm>> -> memref<20224x128xf32, #tpu.memory_space<hbm>>
    tpu.wait_indirect_dma semaphore(%arg9 : memref<!tpu.dma_semaphore, #tpu.memory_space<semaphore_mem>>) src(%dma_wait3A_10 : memref<20224x128xf32, #tpu.memory_space<hbm>>) dst(%arg8 : memref<128x128xf32, #tpu.memory_space<vmem>>)
    "tpu.region"() ({
      %run_scoped3A = tpu.sem_alloc : memref<!tpu.dma_semaphore, #tpu.memory_space<semaphore_mem>>
      %dma_start3A_191 = arith.constant 0 : i32
      %dma_start3A_192 = tpu.memref_slice %arg6[%add3A_6, %dma_start3A_191] : memref<65536x128xf32, #tpu.memory_space<hbm>> -> memref<128x128xf32, #tpu.memory_space<hbm>>
      %dma_start3A_193 = arith.constant 0 : i32
      %dma_start3A_194 = tpu.memref_slice %arg6[%add3A_6, %dma_start3A_193] : memref<65536x128xf32, #tpu.memory_space<hbm>> -> memref<128x128xf32, #tpu.memory_space<hbm>>
      tpu.enqueue_dma source(%arg8 : memref<128x128xf32, #tpu.memory_space<vmem>>) target(%dma_start3A_194 : memref<128x128xf32, #tpu.memory_space<hbm>>) target_semaphore(%run_scoped3A : memref<!tpu.dma_semaphore, #tpu.memory_space<semaphore_mem>>)
      %dma_wait3A_195 = arith.constant 0 : i32
      %dma_wait3A_196 = tpu.memref_slice %arg6[%add3A_6, %dma_wait3A_195] : memref<65536x128xf32, #tpu.memory_space<hbm>> -> memref<128x128xf32, #tpu.memory_space<hbm>>
      %dma_wait3A_197 = arith.constant 0 : i32
      %dma_wait3A_198 = tpu.memref_slice %arg6[%add3A_6, %dma_wait3A_197] : memref<65536x128xf32, #tpu.memory_space<hbm>> -> memref<128x128xf32, #tpu.memory_space<hbm>>
      tpu.wait_dma2 semaphore(%run_scoped3A : memref<!tpu.dma_semaphore, #tpu.memory_space<semaphore_mem>>) src(%arg8 : memref<128x128xf32, #tpu.memory_space<vmem>>) dst(%dma_wait3A_198 : memref<128x128xf32, #tpu.memory_space<hbm>>)
      tpu.yield
    }) : () -> ()
    %mul3A_11 = arith.constant 512 : i32
    %mul3A_12 = arith.muli %add3A, %mul3A_11 : i32
    %add3A_13 = arith.constant 0 : i32
    %add3A_14 = arith.addi %add3A_13, %mul3A_12 : i32
    %add3A_15 = arith.constant 128 : i32
    %add3A_16 = arith.addi %add3A_14, %add3A_15 : i32
    "tpu.region"() ({
      %run_scoped3A = tpu.sem_alloc : memref<!tpu.dma_semaphore, #tpu.memory_space<semaphore_mem>>
      %dma_start3A_191 = tpu.memref_slice %arg5[%add3A_16] : memref<65536xi32, #tpu.memory_space<hbm>> -> memref<128xi32, #tpu.memory_space<hbm>>
      %dma_start3A_192 = tpu.memref_slice %arg5[%add3A_16] : memref<65536xi32, #tpu.memory_space<hbm>> -> memref<128xi32, #tpu.memory_space<hbm>>
      tpu.enqueue_dma source(%dma_start3A_192 : memref<128xi32, #tpu.memory_space<hbm>>) target(%arg7 : memref<128xi32, #tpu.memory_space<vmem>>) target_semaphore(%run_scoped3A : memref<!tpu.dma_semaphore, #tpu.memory_space<semaphore_mem>>)
      %dma_wait3A_193 = tpu.memref_slice %arg5[%add3A_16] : memref<65536xi32, #tpu.memory_space<hbm>> -> memref<128xi32, #tpu.memory_space<hbm>>
      %dma_wait3A_194 = tpu.memref_slice %arg5[%add3A_16] : memref<65536xi32, #tpu.memory_space<hbm>> -> memref<128xi32, #tpu.memory_space<hbm>>
      tpu.wait_dma2 semaphore(%run_scoped3A : memref<!tpu.dma_semaphore, #tpu.memory_space<semaphore_mem>>) src(%dma_wait3A_194 : memref<128xi32, #tpu.memory_space<hbm>>) dst(%arg7 : memref<128xi32, #tpu.memory_space<vmem>>)
      tpu.yield
    }) : () -> ()
    %dma_start3A_17 = arith.constant 0 : i32
    %dma_start3A_18 = arith.constant 0 : i32
    %dma_start3A_19 = tpu.memref_slice %arg2[%dma_start3A_17, %dma_start3A_18] : memref<20224x128xf32, #tpu.memory_space<hbm>> -> memref<20224x128xf32, #tpu.memory_space<hbm>>
    tpu.enqueue_indirect_dma source(%dma_start3A_19 : memref<20224x128xf32, #tpu.memory_space<hbm>>) target(%arg8 : memref<128x128xf32, #tpu.memory_space<vmem>>) offsets(%arg7 : memref<128xi32, #tpu.memory_space<vmem>>) semaphore(%arg9 : memref<!tpu.dma_semaphore, #tpu.memory_space<semaphore_mem>>)
    %dma_wait3A_20 = arith.constant 0 : i32
    %dma_wait3A_21 = arith.constant 0 : i32
    %dma_wait3A_22 = tpu.memref_slice %arg2[%dma_wait3A_20, %dma_wait3A_21] : memref<20224x128xf32, #tpu.memory_space<hbm>> -> memref<20224x128xf32, #tpu.memory_space<hbm>>
    tpu.wait_indirect_dma semaphore(%arg9 : memref<!tpu.dma_semaphore, #tpu.memory_space<semaphore_mem>>) src(%dma_wait3A_22 : memref<20224x128xf32, #tpu.memory_space<hbm>>) dst(%arg8 : memref<128x128xf32, #tpu.memory_space<vmem>>)
    "tpu.region"() ({
      %run_scoped3A = tpu.sem_alloc : memref<!tpu.dma_semaphore, #tpu.memory_space<semaphore_mem>>
      %dma_start3A_191 = arith.constant 0 : i32
      %dma_start3A_192 = tpu.memref_slice %arg6[%add3A_16, %dma_start3A_191] : memref<65536x128xf32, #tpu.memory_space<hbm>> -> memref<128x128xf32, #tpu.memory_space<hbm>>
      %dma_start3A_193 = arith.constant 0 : i32
      %dma_start3A_194 = tpu.memref_slice %arg6[%add3A_16, %dma_start3A_193] : memref<65536x128xf32, #tpu.memory_space<hbm>> -> memref<128x128xf32, #tpu.memory_space<hbm>>
      tpu.enqueue_dma source(%arg8 : memref<128x128xf32, #tpu.memory_space<vmem>>) target(%dma_start3A_194 : memref<128x128xf32, #tpu.memory_space<hbm>>) target_semaphore(%run_scoped3A : memref<!tpu.dma_semaphore, #tpu.memory_space<semaphore_mem>>)
      %dma_wait3A_195 = arith.constant 0 : i32
      %dma_wait3A_196 = tpu.memref_slice %arg6[%add3A_16, %dma_wait3A_195] : memref<65536x128xf32, #tpu.memory_space<hbm>> -> memref<128x128xf32, #tpu.memory_space<hbm>>
      %dma_wait3A_197 = arith.constant 0 : i32
      %dma_wait3A_198 = tpu.memref_slice %arg6[%add3A_16, %dma_wait3A_197] : memref<65536x128xf32, #tpu.memory_space<hbm>> -> memref<128x128xf32, #tpu.memory_space<hbm>>
      tpu.wait_dma2 semaphore(%run_scoped3A : memref<!tpu.dma_semaphore, #tpu.memory_space<semaphore_mem>>) src(%arg8 : memref<128x128xf32, #tpu.memory_space<vmem>>) dst(%dma_wait3A_198 : memref<128x128xf32, #tpu.memory_space<hbm>>)
      tpu.yield
    }) : () -> ()
    %mul3A_23 = arith.constant 512 : i32
    %mul3A_24 = arith.muli %add3A, %mul3A_23 : i32
    %add3A_25 = arith.constant 0 : i32
    %add3A_26 = arith.addi %add3A_25, %mul3A_24 : i32
    %add3A_27 = arith.constant 256 : i32
    %add3A_28 = arith.addi %add3A_26, %add3A_27 : i32
    "tpu.region"() ({
      %run_scoped3A = tpu.sem_alloc : memref<!tpu.dma_semaphore, #tpu.memory_space<semaphore_mem>>
      %dma_start3A_191 = tpu.memref_slice %arg5[%add3A_28] : memref<65536xi32, #tpu.memory_space<hbm>> -> memref<128xi32, #tpu.memory_space<hbm>>
      %dma_start3A_192 = tpu.memref_slice %arg5[%add3A_28] : memref<65536xi32, #tpu.memory_space<hbm>> -> memref<128xi32, #tpu.memory_space<hbm>>
      tpu.enqueue_dma source(%dma_start3A_192 : memref<128xi32, #tpu.memory_space<hbm>>) target(%arg7 : memref<128xi32, #tpu.memory_space<vmem>>) target_semaphore(%run_scoped3A : memref<!tpu.dma_semaphore, #tpu.memory_space<semaphore_mem>>)
      %dma_wait3A_193 = tpu.memref_slice %arg5[%add3A_28] : memref<65536xi32, #tpu.memory_space<hbm>> -> memref<128xi32, #tpu.memory_space<hbm>>
      %dma_wait3A_194 = tpu.memref_slice %arg5[%add3A_28] : memref<65536xi32, #tpu.memory_space<hbm>> -> memref<128xi32, #tpu.memory_space<hbm>>
      tpu.wait_dma2 semaphore(%run_scoped3A : memref<!tpu.dma_semaphore, #tpu.memory_space<semaphore_mem>>) src(%dma_wait3A_194 : memref<128xi32, #tpu.memory_space<hbm>>) dst(%arg7 : memref<128xi32, #tpu.memory_space<vmem>>)
      tpu.yield
    }) : () -> ()
    %dma_start3A_29 = arith.constant 0 : i32
    %dma_start3A_30 = arith.constant 0 : i32
    %dma_start3A_31 = tpu.memref_slice %arg2[%dma_start3A_29, %dma_start3A_30] : memref<20224x128xf32, #tpu.memory_space<hbm>> -> memref<20224x128xf32, #tpu.memory_space<hbm>>
    tpu.enqueue_indirect_dma source(%dma_start3A_31 : memref<20224x128xf32, #tpu.memory_space<hbm>>) target(%arg8 : memref<128x128xf32, #tpu.memory_space<vmem>>) offsets(%arg7 : memref<128xi32, #tpu.memory_space<vmem>>) semaphore(%arg9 : memref<!tpu.dma_semaphore, #tpu.memory_space<semaphore_mem>>)
    %dma_wait3A_32 = arith.constant 0 : i32
    %dma_wait3A_33 = arith.constant 0 : i32
    %dma_wait3A_34 = tpu.memref_slice %arg2[%dma_wait3A_32, %dma_wait3A_33] : memref<20224x128xf32, #tpu.memory_space<hbm>> -> memref<20224x128xf32, #tpu.memory_space<hbm>>
    tpu.wait_indirect_dma semaphore(%arg9 : memref<!tpu.dma_semaphore, #tpu.memory_space<semaphore_mem>>) src(%dma_wait3A_34 : memref<20224x128xf32, #tpu.memory_space<hbm>>) dst(%arg8 : memref<128x128xf32, #tpu.memory_space<vmem>>)
    "tpu.region"() ({
      %run_scoped3A = tpu.sem_alloc : memref<!tpu.dma_semaphore, #tpu.memory_space<semaphore_mem>>
      %dma_start3A_191 = arith.constant 0 : i32
      %dma_start3A_192 = tpu.memref_slice %arg6[%add3A_28, %dma_start3A_191] : memref<65536x128xf32, #tpu.memory_space<hbm>> -> memref<128x128xf32, #tpu.memory_space<hbm>>
      %dma_start3A_193 = arith.constant 0 : i32
      %dma_start3A_194 = tpu.memref_slice %arg6[%add3A_28, %dma_start3A_193] : memref<65536x128xf32, #tpu.memory_space<hbm>> -> memref<128x128xf32, #tpu.memory_space<hbm>>
      tpu.enqueue_dma source(%arg8 : memref<128x128xf32, #tpu.memory_space<vmem>>) target(%dma_start3A_194 : memref<128x128xf32, #tpu.memory_space<hbm>>) target_semaphore(%run_scoped3A : memref<!tpu.dma_semaphore, #tpu.memory_space<semaphore_mem>>)
      %dma_wait3A_195 = arith.constant 0 : i32
      %dma_wait3A_196 = tpu.memref_slice %arg6[%add3A_28, %dma_wait3A_195] : memref<65536x128xf32, #tpu.memory_space<hbm>> -> memref<128x128xf32, #tpu.memory_space<hbm>>
      %dma_wait3A_197 = arith.constant 0 : i32
      %dma_wait3A_198 = tpu.memref_slice %arg6[%add3A_28, %dma_wait3A_197] : memref<65536x128xf32, #tpu.memory_space<hbm>> -> memref<128x128xf32, #tpu.memory_space<hbm>>
      tpu.wait_dma2 semaphore(%run_scoped3A : memref<!tpu.dma_semaphore, #tpu.memory_space<semaphore_mem>>) src(%arg8 : memref<128x128xf32, #tpu.memory_space<vmem>>) dst(%dma_wait3A_198 : memref<128x128xf32, #tpu.memory_space<hbm>>)
      tpu.yield
    }) : () -> ()
    %mul3A_35 = arith.constant 512 : i32
    %mul3A_36 = arith.muli %add3A, %mul3A_35 : i32
    %add3A_37 = arith.constant 0 : i32
    %add3A_38 = arith.addi %add3A_37, %mul3A_36 : i32
    %add3A_39 = arith.constant 384 : i32
    %add3A_40 = arith.addi %add3A_38, %add3A_39 : i32
    "tpu.region"() ({
      %run_scoped3A = tpu.sem_alloc : memref<!tpu.dma_semaphore, #tpu.memory_space<semaphore_mem>>
      %dma_start3A_191 = tpu.memref_slice %arg5[%add3A_40] : memref<65536xi32, #tpu.memory_space<hbm>> -> memref<128xi32, #tpu.memory_space<hbm>>
      %dma_start3A_192 = tpu.memref_slice %arg5[%add3A_40] : memref<65536xi32, #tpu.memory_space<hbm>> -> memref<128xi32, #tpu.memory_space<hbm>>
      tpu.enqueue_dma source(%dma_start3A_192 : memref<128xi32, #tpu.memory_space<hbm>>) target(%arg7 : memref<128xi32, #tpu.memory_space<vmem>>) target_semaphore(%run_scoped3A : memref<!tpu.dma_semaphore, #tpu.memory_space<semaphore_mem>>)
      %dma_wait3A_193 = tpu.memref_slice %arg5[%add3A_40] : memref<65536xi32, #tpu.memory_space<hbm>> -> memref<128xi32, #tpu.memory_space<hbm>>
      %dma_wait3A_194 = tpu.memref_slice %arg5[%add3A_40] : memref<65536xi32, #tpu.memory_space<hbm>> -> memref<128xi32, #tpu.memory_space<hbm>>
      tpu.wait_dma2 semaphore(%run_scoped3A : memref<!tpu.dma_semaphore, #tpu.memory_space<semaphore_mem>>) src(%dma_wait3A_194 : memref<128xi32, #tpu.memory_space<hbm>>) dst(%arg7 : memref<128xi32, #tpu.memory_space<vmem>>)
      tpu.yield
    }) : () -> ()
    %dma_start3A_41 = arith.constant 0 : i32
    %dma_start3A_42 = arith.constant 0 : i32
    %dma_start3A_43 = tpu.memref_slice %arg2[%dma_start3A_41, %dma_start3A_42] : memref<20224x128xf32, #tpu.memory_space<hbm>> -> memref<20224x128xf32, #tpu.memory_space<hbm>>
    tpu.enqueue_indirect_dma source(%dma_start3A_43 : memref<20224x128xf32, #tpu.memory_space<hbm>>) target(%arg8 : memref<128x128xf32, #tpu.memory_space<vmem>>) offsets(%arg7 : memref<128xi32, #tpu.memory_space<vmem>>) semaphore(%arg9 : memref<!tpu.dma_semaphore, #tpu.memory_space<semaphore_mem>>)
    %dma_wait3A_44 = arith.constant 0 : i32
    %dma_wait3A_45 = arith.constant 0 : i32
    %dma_wait3A_46 = tpu.memref_slice %arg2[%dma_wait3A_44, %dma_wait3A_45] : memref<20224x128xf32, #tpu.memory_space<hbm>> -> memref<20224x128xf32, #tpu.memory_space<hbm>>
    tpu.wait_indirect_dma semaphore(%arg9 : memref<!tpu.dma_semaphore, #tpu.memory_space<semaphore_mem>>) src(%dma_wait3A_46 : memref<20224x128xf32, #tpu.memory_space<hbm>>) dst(%arg8 : memref<128x128xf32, #tpu.memory_space<vmem>>)
    "tpu.region"() ({
      %run_scoped3A = tpu.sem_alloc : memref<!tpu.dma_semaphore, #tpu.memory_space<semaphore_mem>>
      %dma_start3A_191 = arith.constant 0 : i32
      %dma_start3A_192 = tpu.memref_slice %arg6[%add3A_40, %dma_start3A_191] : memref<65536x128xf32, #tpu.memory_space<hbm>> -> memref<128x128xf32, #tpu.memory_space<hbm>>
      %dma_start3A_193 = arith.constant 0 : i32
      %dma_start3A_194 = tpu.memref_slice %arg6[%add3A_40, %dma_start3A_193] : memref<65536x128xf32, #tpu.memory_space<hbm>> -> memref<128x128xf32, #tpu.memory_space<hbm>>
      tpu.enqueue_dma source(%arg8 : memref<128x128xf32, #tpu.memory_space<vmem>>) target(%dma_start3A_194 : memref<128x128xf32, #tpu.memory_space<hbm>>) target_semaphore(%run_scoped3A : memref<!tpu.dma_semaphore, #tpu.memory_space<semaphore_mem>>)
      %dma_wait3A_195 = arith.constant 0 : i32
      %dma_wait3A_196 = tpu.memref_slice %arg6[%add3A_40, %dma_wait3A_195] : memref<65536x128xf32, #tpu.memory_space<hbm>> -> memref<128x128xf32, #tpu.memory_space<hbm>>
      %dma_wait3A_197 = arith.constant 0 : i32
      %dma_wait3A_198 = tpu.memref_slice %arg6[%add3A_40, %dma_wait3A_197] : memref<65536x128xf32, #tpu.memory_space<hbm>> -> memref<128x128xf32, #tpu.memory_space<hbm>>
      tpu.wait_dma2 semaphore(%run_scoped3A : memref<!tpu.dma_semaphore, #tpu.memory_space<semaphore_mem>>) src(%arg8 : memref<128x128xf32, #tpu.memory_space<vmem>>) dst(%dma_wait3A_198 : memref<128x128xf32, #tpu.memory_space<hbm>>)
      tpu.yield
    }) : () -> ()
    %mul3A_47 = arith.constant 512 : i32
    %mul3A_48 = arith.muli %add3A, %mul3A_47 : i32
    %add3A_49 = arith.constant 16384 : i32
    %add3A_50 = arith.addi %add3A_49, %mul3A_48 : i32
    %add3A_51 = arith.constant 0 : i32
    %add3A_52 = arith.addi %add3A_50, %add3A_51 : i32
    "tpu.region"() ({
      %run_scoped3A = tpu.sem_alloc : memref<!tpu.dma_semaphore, #tpu.memory_space<semaphore_mem>>
      %dma_start3A_191 = tpu.memref_slice %arg5[%add3A_52] : memref<65536xi32, #tpu.memory_space<hbm>> -> memref<128xi32, #tpu.memory_space<hbm>>
      %dma_start3A_192 = tpu.memref_slice %arg5[%add3A_52] : memref<65536xi32, #tpu.memory_space<hbm>> -> memref<128xi32, #tpu.memory_space<hbm>>
      tpu.enqueue_dma source(%dma_start3A_192 : memref<128xi32, #tpu.memory_space<hbm>>) target(%arg7 : memref<128xi32, #tpu.memory_space<vmem>>) target_semaphore(%run_scoped3A : memref<!tpu.dma_semaphore, #tpu.memory_space<semaphore_mem>>)
      %dma_wait3A_193 = tpu.memref_slice %arg5[%add3A_52] : memref<65536xi32, #tpu.memory_space<hbm>> -> memref<128xi32, #tpu.memory_space<hbm>>
      %dma_wait3A_194 = tpu.memref_slice %arg5[%add3A_52] : memref<65536xi32, #tpu.memory_space<hbm>> -> memref<128xi32, #tpu.memory_space<hbm>>
      tpu.wait_dma2 semaphore(%run_scoped3A : memref<!tpu.dma_semaphore, #tpu.memory_space<semaphore_mem>>) src(%dma_wait3A_194 : memref<128xi32, #tpu.memory_space<hbm>>) dst(%arg7 : memref<128xi32, #tpu.memory_space<vmem>>)
      tpu.yield
    }) : () -> ()
    %dma_start3A_53 = arith.constant 0 : i32
    %dma_start3A_54 = arith.constant 0 : i32
    %dma_start3A_55 = tpu.memref_slice %arg2[%dma_start3A_53, %dma_start3A_54] : memref<20224x128xf32, #tpu.memory_space<hbm>> -> memref<20224x128xf32, #tpu.memory_space<hbm>>
    tpu.enqueue_indirect_dma source(%dma_start3A_55 : memref<20224x128xf32, #tpu.memory_space<hbm>>) target(%arg8 : memref<128x128xf32, #tpu.memory_space<vmem>>) offsets(%arg7 : memref<128xi32, #tpu.memory_space<vmem>>) semaphore(%arg9 : memref<!tpu.dma_semaphore, #tpu.memory_space<semaphore_mem>>)
    %dma_wait3A_56 = arith.constant 0 : i32
    %dma_wait3A_57 = arith.constant 0 : i32
    %dma_wait3A_58 = tpu.memref_slice %arg2[%dma_wait3A_56, %dma_wait3A_57] : memref<20224x128xf32, #tpu.memory_space<hbm>> -> memref<20224x128xf32, #tpu.memory_space<hbm>>
    tpu.wait_indirect_dma semaphore(%arg9 : memref<!tpu.dma_semaphore, #tpu.memory_space<semaphore_mem>>) src(%dma_wait3A_58 : memref<20224x128xf32, #tpu.memory_space<hbm>>) dst(%arg8 : memref<128x128xf32, #tpu.memory_space<vmem>>)
    "tpu.region"() ({
      %run_scoped3A = tpu.sem_alloc : memref<!tpu.dma_semaphore, #tpu.memory_space<semaphore_mem>>
      %dma_start3A_191 = arith.constant 0 : i32
      %dma_start3A_192 = tpu.memref_slice %arg6[%add3A_52, %dma_start3A_191] : memref<65536x128xf32, #tpu.memory_space<hbm>> -> memref<128x128xf32, #tpu.memory_space<hbm>>
      %dma_start3A_193 = arith.constant 0 : i32
      %dma_start3A_194 = tpu.memref_slice %arg6[%add3A_52, %dma_start3A_193] : memref<65536x128xf32, #tpu.memory_space<hbm>> -> memref<128x128xf32, #tpu.memory_space<hbm>>
      tpu.enqueue_dma source(%arg8 : memref<128x128xf32, #tpu.memory_space<vmem>>) target(%dma_start3A_194 : memref<128x128xf32, #tpu.memory_space<hbm>>) target_semaphore(%run_scoped3A : memref<!tpu.dma_semaphore, #tpu.memory_space<semaphore_mem>>)
      %dma_wait3A_195 = arith.constant 0 : i32
      %dma_wait3A_196 = tpu.memref_slice %arg6[%add3A_52, %dma_wait3A_195] : memref<65536x128xf32, #tpu.memory_space<hbm>> -> memref<128x128xf32, #tpu.memory_space<hbm>>
      %dma_wait3A_197 = arith.constant 0 : i32
      %dma_wait3A_198 = tpu.memref_slice %arg6[%add3A_52, %dma_wait3A_197] : memref<65536x128xf32, #tpu.memory_space<hbm>> -> memref<128x128xf32, #tpu.memory_space<hbm>>
      tpu.wait_dma2 semaphore(%run_scoped3A : memref<!tpu.dma_semaphore, #tpu.memory_space<semaphore_mem>>) src(%arg8 : memref<128x128xf32, #tpu.memory_space<vmem>>) dst(%dma_wait3A_198 : memref<128x128xf32, #tpu.memory_space<hbm>>)
      tpu.yield
    }) : () -> ()
    %mul3A_59 = arith.constant 512 : i32
    %mul3A_60 = arith.muli %add3A, %mul3A_59 : i32
    %add3A_61 = arith.constant 16384 : i32
    %add3A_62 = arith.addi %add3A_61, %mul3A_60 : i32
    %add3A_63 = arith.constant 128 : i32
    %add3A_64 = arith.addi %add3A_62, %add3A_63 : i32
    "tpu.region"() ({
      %run_scoped3A = tpu.sem_alloc : memref<!tpu.dma_semaphore, #tpu.memory_space<semaphore_mem>>
      %dma_start3A_191 = tpu.memref_slice %arg5[%add3A_64] : memref<65536xi32, #tpu.memory_space<hbm>> -> memref<128xi32, #tpu.memory_space<hbm>>
      %dma_start3A_192 = tpu.memref_slice %arg5[%add3A_64] : memref<65536xi32, #tpu.memory_space<hbm>> -> memref<128xi32, #tpu.memory_space<hbm>>
      tpu.enqueue_dma source(%dma_start3A_192 : memref<128xi32, #tpu.memory_space<hbm>>) target(%arg7 : memref<128xi32, #tpu.memory_space<vmem>>) target_semaphore(%run_scoped3A : memref<!tpu.dma_semaphore, #tpu.memory_space<semaphore_mem>>)
      %dma_wait3A_193 = tpu.memref_slice %arg5[%add3A_64] : memref<65536xi32, #tpu.memory_space<hbm>> -> memref<128xi32, #tpu.memory_space<hbm>>
      %dma_wait3A_194 = tpu.memref_slice %arg5[%add3A_64] : memref<65536xi32, #tpu.memory_space<hbm>> -> memref<128xi32, #tpu.memory_space<hbm>>
      tpu.wait_dma2 semaphore(%run_scoped3A : memref<!tpu.dma_semaphore, #tpu.memory_space<semaphore_mem>>) src(%dma_wait3A_194 : memref<128xi32, #tpu.memory_space<hbm>>) dst(%arg7 : memref<128xi32, #tpu.memory_space<vmem>>)
      tpu.yield
    }) : () -> ()
    %dma_start3A_65 = arith.constant 0 : i32
    %dma_start3A_66 = arith.constant 0 : i32
    %dma_start3A_67 = tpu.memref_slice %arg2[%dma_start3A_65, %dma_start3A_66] : memref<20224x128xf32, #tpu.memory_space<hbm>> -> memref<20224x128xf32, #tpu.memory_space<hbm>>
    tpu.enqueue_indirect_dma source(%dma_start3A_67 : memref<20224x128xf32, #tpu.memory_space<hbm>>) target(%arg8 : memref<128x128xf32, #tpu.memory_space<vmem>>) offsets(%arg7 : memref<128xi32, #tpu.memory_space<vmem>>) semaphore(%arg9 : memref<!tpu.dma_semaphore, #tpu.memory_space<semaphore_mem>>)
    %dma_wait3A_68 = arith.constant 0 : i32
    %dma_wait3A_69 = arith.constant 0 : i32
    %dma_wait3A_70 = tpu.memref_slice %arg2[%dma_wait3A_68, %dma_wait3A_69] : memref<20224x128xf32, #tpu.memory_space<hbm>> -> memref<20224x128xf32, #tpu.memory_space<hbm>>
    tpu.wait_indirect_dma semaphore(%arg9 : memref<!tpu.dma_semaphore, #tpu.memory_space<semaphore_mem>>) src(%dma_wait3A_70 : memref<20224x128xf32, #tpu.memory_space<hbm>>) dst(%arg8 : memref<128x128xf32, #tpu.memory_space<vmem>>)
    "tpu.region"() ({
      %run_scoped3A = tpu.sem_alloc : memref<!tpu.dma_semaphore, #tpu.memory_space<semaphore_mem>>
      %dma_start3A_191 = arith.constant 0 : i32
      %dma_start3A_192 = tpu.memref_slice %arg6[%add3A_64, %dma_start3A_191] : memref<65536x128xf32, #tpu.memory_space<hbm>> -> memref<128x128xf32, #tpu.memory_space<hbm>>
      %dma_start3A_193 = arith.constant 0 : i32
      %dma_start3A_194 = tpu.memref_slice %arg6[%add3A_64, %dma_start3A_193] : memref<65536x128xf32, #tpu.memory_space<hbm>> -> memref<128x128xf32, #tpu.memory_space<hbm>>
      tpu.enqueue_dma source(%arg8 : memref<128x128xf32, #tpu.memory_space<vmem>>) target(%dma_start3A_194 : memref<128x128xf32, #tpu.memory_space<hbm>>) target_semaphore(%run_scoped3A : memref<!tpu.dma_semaphore, #tpu.memory_space<semaphore_mem>>)
      %dma_wait3A_195 = arith.constant 0 : i32
      %dma_wait3A_196 = tpu.memref_slice %arg6[%add3A_64, %dma_wait3A_195] : memref<65536x128xf32, #tpu.memory_space<hbm>> -> memref<128x128xf32, #tpu.memory_space<hbm>>
      %dma_wait3A_197 = arith.constant 0 : i32
      %dma_wait3A_198 = tpu.memref_slice %arg6[%add3A_64, %dma_wait3A_197] : memref<65536x128xf32, #tpu.memory_space<hbm>> -> memref<128x128xf32, #tpu.memory_space<hbm>>
      tpu.wait_dma2 semaphore(%run_scoped3A : memref<!tpu.dma_semaphore, #tpu.memory_space<semaphore_mem>>) src(%arg8 : memref<128x128xf32, #tpu.memory_space<vmem>>) dst(%dma_wait3A_198 : memref<128x128xf32, #tpu.memory_space<hbm>>)
      tpu.yield
    }) : () -> ()
    %mul3A_71 = arith.constant 512 : i32
    %mul3A_72 = arith.muli %add3A, %mul3A_71 : i32
    %add3A_73 = arith.constant 16384 : i32
    %add3A_74 = arith.addi %add3A_73, %mul3A_72 : i32
    %add3A_75 = arith.constant 256 : i32
    %add3A_76 = arith.addi %add3A_74, %add3A_75 : i32
    "tpu.region"() ({
      %run_scoped3A = tpu.sem_alloc : memref<!tpu.dma_semaphore, #tpu.memory_space<semaphore_mem>>
      %dma_start3A_191 = tpu.memref_slice %arg5[%add3A_76] : memref<65536xi32, #tpu.memory_space<hbm>> -> memref<128xi32, #tpu.memory_space<hbm>>
      %dma_start3A_192 = tpu.memref_slice %arg5[%add3A_76] : memref<65536xi32, #tpu.memory_space<hbm>> -> memref<128xi32, #tpu.memory_space<hbm>>
      tpu.enqueue_dma source(%dma_start3A_192 : memref<128xi32, #tpu.memory_space<hbm>>) target(%arg7 : memref<128xi32, #tpu.memory_space<vmem>>) target_semaphore(%run_scoped3A : memref<!tpu.dma_semaphore, #tpu.memory_space<semaphore_mem>>)
      %dma_wait3A_193 = tpu.memref_slice %arg5[%add3A_76] : memref<65536xi32, #tpu.memory_space<hbm>> -> memref<128xi32, #tpu.memory_space<hbm>>
      %dma_wait3A_194 = tpu.memref_slice %arg5[%add3A_76] : memref<65536xi32, #tpu.memory_space<hbm>> -> memref<128xi32, #tpu.memory_space<hbm>>
      tpu.wait_dma2 semaphore(%run_scoped3A : memref<!tpu.dma_semaphore, #tpu.memory_space<semaphore_mem>>) src(%dma_wait3A_194 : memref<128xi32, #tpu.memory_space<hbm>>) dst(%arg7 : memref<128xi32, #tpu.memory_space<vmem>>)
      tpu.yield
    }) : () -> ()
    %dma_start3A_77 = arith.constant 0 : i32
    %dma_start3A_78 = arith.constant 0 : i32
    %dma_start3A_79 = tpu.memref_slice %arg2[%dma_start3A_77, %dma_start3A_78] : memref<20224x128xf32, #tpu.memory_space<hbm>> -> memref<20224x128xf32, #tpu.memory_space<hbm>>
    tpu.enqueue_indirect_dma source(%dma_start3A_79 : memref<20224x128xf32, #tpu.memory_space<hbm>>) target(%arg8 : memref<128x128xf32, #tpu.memory_space<vmem>>) offsets(%arg7 : memref<128xi32, #tpu.memory_space<vmem>>) semaphore(%arg9 : memref<!tpu.dma_semaphore, #tpu.memory_space<semaphore_mem>>)
    %dma_wait3A_80 = arith.constant 0 : i32
    %dma_wait3A_81 = arith.constant 0 : i32
    %dma_wait3A_82 = tpu.memref_slice %arg2[%dma_wait3A_80, %dma_wait3A_81] : memref<20224x128xf32, #tpu.memory_space<hbm>> -> memref<20224x128xf32, #tpu.memory_space<hbm>>
    tpu.wait_indirect_dma semaphore(%arg9 : memref<!tpu.dma_semaphore, #tpu.memory_space<semaphore_mem>>) src(%dma_wait3A_82 : memref<20224x128xf32, #tpu.memory_space<hbm>>) dst(%arg8 : memref<128x128xf32, #tpu.memory_space<vmem>>)
    "tpu.region"() ({
      %run_scoped3A = tpu.sem_alloc : memref<!tpu.dma_semaphore, #tpu.memory_space<semaphore_mem>>
      %dma_start3A_191 = arith.constant 0 : i32
      %dma_start3A_192 = tpu.memref_slice %arg6[%add3A_76, %dma_start3A_191] : memref<65536x128xf32, #tpu.memory_space<hbm>> -> memref<128x128xf32, #tpu.memory_space<hbm>>
      %dma_start3A_193 = arith.constant 0 : i32
      %dma_start3A_194 = tpu.memref_slice %arg6[%add3A_76, %dma_start3A_193] : memref<65536x128xf32, #tpu.memory_space<hbm>> -> memref<128x128xf32, #tpu.memory_space<hbm>>
      tpu.enqueue_dma source(%arg8 : memref<128x128xf32, #tpu.memory_space<vmem>>) target(%dma_start3A_194 : memref<128x128xf32, #tpu.memory_space<hbm>>) target_semaphore(%run_scoped3A : memref<!tpu.dma_semaphore, #tpu.memory_space<semaphore_mem>>)
      %dma_wait3A_195 = arith.constant 0 : i32
      %dma_wait3A_196 = tpu.memref_slice %arg6[%add3A_76, %dma_wait3A_195] : memref<65536x128xf32, #tpu.memory_space<hbm>> -> memref<128x128xf32, #tpu.memory_space<hbm>>
      %dma_wait3A_197 = arith.constant 0 : i32
      %dma_wait3A_198 = tpu.memref_slice %arg6[%add3A_76, %dma_wait3A_197] : memref<65536x128xf32, #tpu.memory_space<hbm>> -> memref<128x128xf32, #tpu.memory_space<hbm>>
      tpu.wait_dma2 semaphore(%run_scoped3A : memref<!tpu.dma_semaphore, #tpu.memory_space<semaphore_mem>>) src(%arg8 : memref<128x128xf32, #tpu.memory_space<vmem>>) dst(%dma_wait3A_198 : memref<128x128xf32, #tpu.memory_space<hbm>>)
      tpu.yield
    }) : () -> ()
    %mul3A_83 = arith.constant 512 : i32
    %mul3A_84 = arith.muli %add3A, %mul3A_83 : i32
    %add3A_85 = arith.constant 16384 : i32
    %add3A_86 = arith.addi %add3A_85, %mul3A_84 : i32
    %add3A_87 = arith.constant 384 : i32
    %add3A_88 = arith.addi %add3A_86, %add3A_87 : i32
    "tpu.region"() ({
      %run_scoped3A = tpu.sem_alloc : memref<!tpu.dma_semaphore, #tpu.memory_space<semaphore_mem>>
      %dma_start3A_191 = tpu.memref_slice %arg5[%add3A_88] : memref<65536xi32, #tpu.memory_space<hbm>> -> memref<128xi32, #tpu.memory_space<hbm>>
      %dma_start3A_192 = tpu.memref_slice %arg5[%add3A_88] : memref<65536xi32, #tpu.memory_space<hbm>> -> memref<128xi32, #tpu.memory_space<hbm>>
      tpu.enqueue_dma source(%dma_start3A_192 : memref<128xi32, #tpu.memory_space<hbm>>) target(%arg7 : memref<128xi32, #tpu.memory_space<vmem>>) target_semaphore(%run_scoped3A : memref<!tpu.dma_semaphore, #tpu.memory_space<semaphore_mem>>)
      %dma_wait3A_193 = tpu.memref_slice %arg5[%add3A_88] : memref<65536xi32, #tpu.memory_space<hbm>> -> memref<128xi32, #tpu.memory_space<hbm>>
      %dma_wait3A_194 = tpu.memref_slice %arg5[%add3A_88] : memref<65536xi32, #tpu.memory_space<hbm>> -> memref<128xi32, #tpu.memory_space<hbm>>
      tpu.wait_dma2 semaphore(%run_scoped3A : memref<!tpu.dma_semaphore, #tpu.memory_space<semaphore_mem>>) src(%dma_wait3A_194 : memref<128xi32, #tpu.memory_space<hbm>>) dst(%arg7 : memref<128xi32, #tpu.memory_space<vmem>>)
      tpu.yield
    }) : () -> ()
    %dma_start3A_89 = arith.constant 0 : i32
    %dma_start3A_90 = arith.constant 0 : i32
    %dma_start3A_91 = tpu.memref_slice %arg2[%dma_start3A_89, %dma_start3A_90] : memref<20224x128xf32, #tpu.memory_space<hbm>> -> memref<20224x128xf32, #tpu.memory_space<hbm>>
    tpu.enqueue_indirect_dma source(%dma_start3A_91 : memref<20224x128xf32, #tpu.memory_space<hbm>>) target(%arg8 : memref<128x128xf32, #tpu.memory_space<vmem>>) offsets(%arg7 : memref<128xi32, #tpu.memory_space<vmem>>) semaphore(%arg9 : memref<!tpu.dma_semaphore, #tpu.memory_space<semaphore_mem>>)
    %dma_wait3A_92 = arith.constant 0 : i32
    %dma_wait3A_93 = arith.constant 0 : i32
    %dma_wait3A_94 = tpu.memref_slice %arg2[%dma_wait3A_92, %dma_wait3A_93] : memref<20224x128xf32, #tpu.memory_space<hbm>> -> memref<20224x128xf32, #tpu.memory_space<hbm>>
    tpu.wait_indirect_dma semaphore(%arg9 : memref<!tpu.dma_semaphore, #tpu.memory_space<semaphore_mem>>) src(%dma_wait3A_94 : memref<20224x128xf32, #tpu.memory_space<hbm>>) dst(%arg8 : memref<128x128xf32, #tpu.memory_space<vmem>>)
    "tpu.region"() ({
      %run_scoped3A = tpu.sem_alloc : memref<!tpu.dma_semaphore, #tpu.memory_space<semaphore_mem>>
      %dma_start3A_191 = arith.constant 0 : i32
      %dma_start3A_192 = tpu.memref_slice %arg6[%add3A_88, %dma_start3A_191] : memref<65536x128xf32, #tpu.memory_space<hbm>> -> memref<128x128xf32, #tpu.memory_space<hbm>>
      %dma_start3A_193 = arith.constant 0 : i32
      %dma_start3A_194 = tpu.memref_slice %arg6[%add3A_88, %dma_start3A_193] : memref<65536x128xf32, #tpu.memory_space<hbm>> -> memref<128x128xf32, #tpu.memory_space<hbm>>
      tpu.enqueue_dma source(%arg8 : memref<128x128xf32, #tpu.memory_space<vmem>>) target(%dma_start3A_194 : memref<128x128xf32, #tpu.memory_space<hbm>>) target_semaphore(%run_scoped3A : memref<!tpu.dma_semaphore, #tpu.memory_space<semaphore_mem>>)
      %dma_wait3A_195 = arith.constant 0 : i32
      %dma_wait3A_196 = tpu.memref_slice %arg6[%add3A_88, %dma_wait3A_195] : memref<65536x128xf32, #tpu.memory_space<hbm>> -> memref<128x128xf32, #tpu.memory_space<hbm>>
      %dma_wait3A_197 = arith.constant 0 : i32
      %dma_wait3A_198 = tpu.memref_slice %arg6[%add3A_88, %dma_wait3A_197] : memref<65536x128xf32, #tpu.memory_space<hbm>> -> memref<128x128xf32, #tpu.memory_space<hbm>>
      tpu.wait_dma2 semaphore(%run_scoped3A : memref<!tpu.dma_semaphore, #tpu.memory_space<semaphore_mem>>) src(%arg8 : memref<128x128xf32, #tpu.memory_space<vmem>>) dst(%dma_wait3A_198 : memref<128x128xf32, #tpu.memory_space<hbm>>)
      tpu.yield
    }) : () -> ()
    %mul3A_95 = arith.constant 512 : i32
    %mul3A_96 = arith.muli %add3A, %mul3A_95 : i32
    %add3A_97 = arith.constant 32768 : i32
    %add3A_98 = arith.addi %add3A_97, %mul3A_96 : i32
    %add3A_99 = arith.constant 0 : i32
    %add3A_100 = arith.addi %add3A_98, %add3A_99 : i32
    "tpu.region"() ({
      %run_scoped3A = tpu.sem_alloc : memref<!tpu.dma_semaphore, #tpu.memory_space<semaphore_mem>>
      %dma_start3A_191 = tpu.memref_slice %arg5[%add3A_100] : memref<65536xi32, #tpu.memory_space<hbm>> -> memref<128xi32, #tpu.memory_space<hbm>>
      %dma_start3A_192 = tpu.memref_slice %arg5[%add3A_100] : memref<65536xi32, #tpu.memory_space<hbm>> -> memref<128xi32, #tpu.memory_space<hbm>>
      tpu.enqueue_dma source(%dma_start3A_192 : memref<128xi32, #tpu.memory_space<hbm>>) target(%arg7 : memref<128xi32, #tpu.memory_space<vmem>>) target_semaphore(%run_scoped3A : memref<!tpu.dma_semaphore, #tpu.memory_space<semaphore_mem>>)
      %dma_wait3A_193 = tpu.memref_slice %arg5[%add3A_100] : memref<65536xi32, #tpu.memory_space<hbm>> -> memref<128xi32, #tpu.memory_space<hbm>>
      %dma_wait3A_194 = tpu.memref_slice %arg5[%add3A_100] : memref<65536xi32, #tpu.memory_space<hbm>> -> memref<128xi32, #tpu.memory_space<hbm>>
      tpu.wait_dma2 semaphore(%run_scoped3A : memref<!tpu.dma_semaphore, #tpu.memory_space<semaphore_mem>>) src(%dma_wait3A_194 : memref<128xi32, #tpu.memory_space<hbm>>) dst(%arg7 : memref<128xi32, #tpu.memory_space<vmem>>)
      tpu.yield
    }) : () -> ()
    %dma_start3A_101 = arith.constant 0 : i32
    %dma_start3A_102 = arith.constant 0 : i32
    %dma_start3A_103 = tpu.memref_slice %arg3[%dma_start3A_101, %dma_start3A_102] : memref<1000x128xf32, #tpu.memory_space<hbm>> -> memref<1000x128xf32, #tpu.memory_space<hbm>>
    tpu.enqueue_indirect_dma source(%dma_start3A_103 : memref<1000x128xf32, #tpu.memory_space<hbm>>) target(%arg8 : memref<128x128xf32, #tpu.memory_space<vmem>>) offsets(%arg7 : memref<128xi32, #tpu.memory_space<vmem>>) semaphore(%arg9 : memref<!tpu.dma_semaphore, #tpu.memory_space<semaphore_mem>>)
    %dma_wait3A_104 = arith.constant 0 : i32
    %dma_wait3A_105 = arith.constant 0 : i32
    %dma_wait3A_106 = tpu.memref_slice %arg3[%dma_wait3A_104, %dma_wait3A_105] : memref<1000x128xf32, #tpu.memory_space<hbm>> -> memref<1000x128xf32, #tpu.memory_space<hbm>>
    tpu.wait_indirect_dma semaphore(%arg9 : memref<!tpu.dma_semaphore, #tpu.memory_space<semaphore_mem>>) src(%dma_wait3A_106 : memref<1000x128xf32, #tpu.memory_space<hbm>>) dst(%arg8 : memref<128x128xf32, #tpu.memory_space<vmem>>)
    "tpu.region"() ({
      %run_scoped3A = tpu.sem_alloc : memref<!tpu.dma_semaphore, #tpu.memory_space<semaphore_mem>>
      %dma_start3A_191 = arith.constant 0 : i32
      %dma_start3A_192 = tpu.memref_slice %arg6[%add3A_100, %dma_start3A_191] : memref<65536x128xf32, #tpu.memory_space<hbm>> -> memref<128x128xf32, #tpu.memory_space<hbm>>
      %dma_start3A_193 = arith.constant 0 : i32
      %dma_start3A_194 = tpu.memref_slice %arg6[%add3A_100, %dma_start3A_193] : memref<65536x128xf32, #tpu.memory_space<hbm>> -> memref<128x128xf32, #tpu.memory_space<hbm>>
      tpu.enqueue_dma source(%arg8 : memref<128x128xf32, #tpu.memory_space<vmem>>) target(%dma_start3A_194 : memref<128x128xf32, #tpu.memory_space<hbm>>) target_semaphore(%run_scoped3A : memref<!tpu.dma_semaphore, #tpu.memory_space<semaphore_mem>>)
      %dma_wait3A_195 = arith.constant 0 : i32
      %dma_wait3A_196 = tpu.memref_slice %arg6[%add3A_100, %dma_wait3A_195] : memref<65536x128xf32, #tpu.memory_space<hbm>> -> memref<128x128xf32, #tpu.memory_space<hbm>>
      %dma_wait3A_197 = arith.constant 0 : i32
      %dma_wait3A_198 = tpu.memref_slice %arg6[%add3A_100, %dma_wait3A_197] : memref<65536x128xf32, #tpu.memory_space<hbm>> -> memref<128x128xf32, #tpu.memory_space<hbm>>
      tpu.wait_dma2 semaphore(%run_scoped3A : memref<!tpu.dma_semaphore, #tpu.memory_space<semaphore_mem>>) src(%arg8 : memref<128x128xf32, #tpu.memory_space<vmem>>) dst(%dma_wait3A_198 : memref<128x128xf32, #tpu.memory_space<hbm>>)
      tpu.yield
    }) : () -> ()
    %mul3A_107 = arith.constant 512 : i32
    %mul3A_108 = arith.muli %add3A, %mul3A_107 : i32
    %add3A_109 = arith.constant 32768 : i32
    %add3A_110 = arith.addi %add3A_109, %mul3A_108 : i32
    %add3A_111 = arith.constant 128 : i32
    %add3A_112 = arith.addi %add3A_110, %add3A_111 : i32
    "tpu.region"() ({
      %run_scoped3A = tpu.sem_alloc : memref<!tpu.dma_semaphore, #tpu.memory_space<semaphore_mem>>
      %dma_start3A_191 = tpu.memref_slice %arg5[%add3A_112] : memref<65536xi32, #tpu.memory_space<hbm>> -> memref<128xi32, #tpu.memory_space<hbm>>
      %dma_start3A_192 = tpu.memref_slice %arg5[%add3A_112] : memref<65536xi32, #tpu.memory_space<hbm>> -> memref<128xi32, #tpu.memory_space<hbm>>
      tpu.enqueue_dma source(%dma_start3A_192 : memref<128xi32, #tpu.memory_space<hbm>>) target(%arg7 : memref<128xi32, #tpu.memory_space<vmem>>) target_semaphore(%run_scoped3A : memref<!tpu.dma_semaphore, #tpu.memory_space<semaphore_mem>>)
      %dma_wait3A_193 = tpu.memref_slice %arg5[%add3A_112] : memref<65536xi32, #tpu.memory_space<hbm>> -> memref<128xi32, #tpu.memory_space<hbm>>
      %dma_wait3A_194 = tpu.memref_slice %arg5[%add3A_112] : memref<65536xi32, #tpu.memory_space<hbm>> -> memref<128xi32, #tpu.memory_space<hbm>>
      tpu.wait_dma2 semaphore(%run_scoped3A : memref<!tpu.dma_semaphore, #tpu.memory_space<semaphore_mem>>) src(%dma_wait3A_194 : memref<128xi32, #tpu.memory_space<hbm>>) dst(%arg7 : memref<128xi32, #tpu.memory_space<vmem>>)
      tpu.yield
    }) : () -> ()
    %dma_start3A_113 = arith.constant 0 : i32
    %dma_start3A_114 = arith.constant 0 : i32
    %dma_start3A_115 = tpu.memref_slice %arg3[%dma_start3A_113, %dma_start3A_114] : memref<1000x128xf32, #tpu.memory_space<hbm>> -> memref<1000x128xf32, #tpu.memory_space<hbm>>
    tpu.enqueue_indirect_dma source(%dma_start3A_115 : memref<1000x128xf32, #tpu.memory_space<hbm>>) target(%arg8 : memref<128x128xf32, #tpu.memory_space<vmem>>) offsets(%arg7 : memref<128xi32, #tpu.memory_space<vmem>>) semaphore(%arg9 : memref<!tpu.dma_semaphore, #tpu.memory_space<semaphore_mem>>)
    %dma_wait3A_116 = arith.constant 0 : i32
    %dma_wait3A_117 = arith.constant 0 : i32
    %dma_wait3A_118 = tpu.memref_slice %arg3[%dma_wait3A_116, %dma_wait3A_117] : memref<1000x128xf32, #tpu.memory_space<hbm>> -> memref<1000x128xf32, #tpu.memory_space<hbm>>
    tpu.wait_indirect_dma semaphore(%arg9 : memref<!tpu.dma_semaphore, #tpu.memory_space<semaphore_mem>>) src(%dma_wait3A_118 : memref<1000x128xf32, #tpu.memory_space<hbm>>) dst(%arg8 : memref<128x128xf32, #tpu.memory_space<vmem>>)
    "tpu.region"() ({
      %run_scoped3A = tpu.sem_alloc : memref<!tpu.dma_semaphore, #tpu.memory_space<semaphore_mem>>
      %dma_start3A_191 = arith.constant 0 : i32
      %dma_start3A_192 = tpu.memref_slice %arg6[%add3A_112, %dma_start3A_191] : memref<65536x128xf32, #tpu.memory_space<hbm>> -> memref<128x128xf32, #tpu.memory_space<hbm>>
      %dma_start3A_193 = arith.constant 0 : i32
      %dma_start3A_194 = tpu.memref_slice %arg6[%add3A_112, %dma_start3A_193] : memref<65536x128xf32, #tpu.memory_space<hbm>> -> memref<128x128xf32, #tpu.memory_space<hbm>>
      tpu.enqueue_dma source(%arg8 : memref<128x128xf32, #tpu.memory_space<vmem>>) target(%dma_start3A_194 : memref<128x128xf32, #tpu.memory_space<hbm>>) target_semaphore(%run_scoped3A : memref<!tpu.dma_semaphore, #tpu.memory_space<semaphore_mem>>)
      %dma_wait3A_195 = arith.constant 0 : i32
      %dma_wait3A_196 = tpu.memref_slice %arg6[%add3A_112, %dma_wait3A_195] : memref<65536x128xf32, #tpu.memory_space<hbm>> -> memref<128x128xf32, #tpu.memory_space<hbm>>
      %dma_wait3A_197 = arith.constant 0 : i32
      %dma_wait3A_198 = tpu.memref_slice %arg6[%add3A_112, %dma_wait3A_197] : memref<65536x128xf32, #tpu.memory_space<hbm>> -> memref<128x128xf32, #tpu.memory_space<hbm>>
      tpu.wait_dma2 semaphore(%run_scoped3A : memref<!tpu.dma_semaphore, #tpu.memory_space<semaphore_mem>>) src(%arg8 : memref<128x128xf32, #tpu.memory_space<vmem>>) dst(%dma_wait3A_198 : memref<128x128xf32, #tpu.memory_space<hbm>>)
      tpu.yield
    }) : () -> ()
    %mul3A_119 = arith.constant 512 : i32
    %mul3A_120 = arith.muli %add3A, %mul3A_119 : i32
    %add3A_121 = arith.constant 32768 : i32
    %add3A_122 = arith.addi %add3A_121, %mul3A_120 : i32
    %add3A_123 = arith.constant 256 : i32
    %add3A_124 = arith.addi %add3A_122, %add3A_123 : i32
    "tpu.region"() ({
      %run_scoped3A = tpu.sem_alloc : memref<!tpu.dma_semaphore, #tpu.memory_space<semaphore_mem>>
      %dma_start3A_191 = tpu.memref_slice %arg5[%add3A_124] : memref<65536xi32, #tpu.memory_space<hbm>> -> memref<128xi32, #tpu.memory_space<hbm>>
      %dma_start3A_192 = tpu.memref_slice %arg5[%add3A_124] : memref<65536xi32, #tpu.memory_space<hbm>> -> memref<128xi32, #tpu.memory_space<hbm>>
      tpu.enqueue_dma source(%dma_start3A_192 : memref<128xi32, #tpu.memory_space<hbm>>) target(%arg7 : memref<128xi32, #tpu.memory_space<vmem>>) target_semaphore(%run_scoped3A : memref<!tpu.dma_semaphore, #tpu.memory_space<semaphore_mem>>)
      %dma_wait3A_193 = tpu.memref_slice %arg5[%add3A_124] : memref<65536xi32, #tpu.memory_space<hbm>> -> memref<128xi32, #tpu.memory_space<hbm>>
      %dma_wait3A_194 = tpu.memref_slice %arg5[%add3A_124] : memref<65536xi32, #tpu.memory_space<hbm>> -> memref<128xi32, #tpu.memory_space<hbm>>
      tpu.wait_dma2 semaphore(%run_scoped3A : memref<!tpu.dma_semaphore, #tpu.memory_space<semaphore_mem>>) src(%dma_wait3A_194 : memref<128xi32, #tpu.memory_space<hbm>>) dst(%arg7 : memref<128xi32, #tpu.memory_space<vmem>>)
      tpu.yield
    }) : () -> ()
    %dma_start3A_125 = arith.constant 0 : i32
    %dma_start3A_126 = arith.constant 0 : i32
    %dma_start3A_127 = tpu.memref_slice %arg3[%dma_start3A_125, %dma_start3A_126] : memref<1000x128xf32, #tpu.memory_space<hbm>> -> memref<1000x128xf32, #tpu.memory_space<hbm>>
    tpu.enqueue_indirect_dma source(%dma_start3A_127 : memref<1000x128xf32, #tpu.memory_space<hbm>>) target(%arg8 : memref<128x128xf32, #tpu.memory_space<vmem>>) offsets(%arg7 : memref<128xi32, #tpu.memory_space<vmem>>) semaphore(%arg9 : memref<!tpu.dma_semaphore, #tpu.memory_space<semaphore_mem>>)
    %dma_wait3A_128 = arith.constant 0 : i32
    %dma_wait3A_129 = arith.constant 0 : i32
    %dma_wait3A_130 = tpu.memref_slice %arg3[%dma_wait3A_128, %dma_wait3A_129] : memref<1000x128xf32, #tpu.memory_space<hbm>> -> memref<1000x128xf32, #tpu.memory_space<hbm>>
    tpu.wait_indirect_dma semaphore(%arg9 : memref<!tpu.dma_semaphore, #tpu.memory_space<semaphore_mem>>) src(%dma_wait3A_130 : memref<1000x128xf32, #tpu.memory_space<hbm>>) dst(%arg8 : memref<128x128xf32, #tpu.memory_space<vmem>>)
    "tpu.region"() ({
      %run_scoped3A = tpu.sem_alloc : memref<!tpu.dma_semaphore, #tpu.memory_space<semaphore_mem>>
      %dma_start3A_191 = arith.constant 0 : i32
      %dma_start3A_192 = tpu.memref_slice %arg6[%add3A_124, %dma_start3A_191] : memref<65536x128xf32, #tpu.memory_space<hbm>> -> memref<128x128xf32, #tpu.memory_space<hbm>>
      %dma_start3A_193 = arith.constant 0 : i32
      %dma_start3A_194 = tpu.memref_slice %arg6[%add3A_124, %dma_start3A_193] : memref<65536x128xf32, #tpu.memory_space<hbm>> -> memref<128x128xf32, #tpu.memory_space<hbm>>
      tpu.enqueue_dma source(%arg8 : memref<128x128xf32, #tpu.memory_space<vmem>>) target(%dma_start3A_194 : memref<128x128xf32, #tpu.memory_space<hbm>>) target_semaphore(%run_scoped3A : memref<!tpu.dma_semaphore, #tpu.memory_space<semaphore_mem>>)
      %dma_wait3A_195 = arith.constant 0 : i32
      %dma_wait3A_196 = tpu.memref_slice %arg6[%add3A_124, %dma_wait3A_195] : memref<65536x128xf32, #tpu.memory_space<hbm>> -> memref<128x128xf32, #tpu.memory_space<hbm>>
      %dma_wait3A_197 = arith.constant 0 : i32
      %dma_wait3A_198 = tpu.memref_slice %arg6[%add3A_124, %dma_wait3A_197] : memref<65536x128xf32, #tpu.memory_space<hbm>> -> memref<128x128xf32, #tpu.memory_space<hbm>>
      tpu.wait_dma2 semaphore(%run_scoped3A : memref<!tpu.dma_semaphore, #tpu.memory_space<semaphore_mem>>) src(%arg8 : memref<128x128xf32, #tpu.memory_space<vmem>>) dst(%dma_wait3A_198 : memref<128x128xf32, #tpu.memory_space<hbm>>)
      tpu.yield
    }) : () -> ()
    %mul3A_131 = arith.constant 512 : i32
    %mul3A_132 = arith.muli %add3A, %mul3A_131 : i32
    %add3A_133 = arith.constant 32768 : i32
    %add3A_134 = arith.addi %add3A_133, %mul3A_132 : i32
    %add3A_135 = arith.constant 384 : i32
    %add3A_136 = arith.addi %add3A_134, %add3A_135 : i32
    "tpu.region"() ({
      %run_scoped3A = tpu.sem_alloc : memref<!tpu.dma_semaphore, #tpu.memory_space<semaphore_mem>>
      %dma_start3A_191 = tpu.memref_slice %arg5[%add3A_136] : memref<65536xi32, #tpu.memory_space<hbm>> -> memref<128xi32, #tpu.memory_space<hbm>>
      %dma_start3A_192 = tpu.memref_slice %arg5[%add3A_136] : memref<65536xi32, #tpu.memory_space<hbm>> -> memref<128xi32, #tpu.memory_space<hbm>>
      tpu.enqueue_dma source(%dma_start3A_192 : memref<128xi32, #tpu.memory_space<hbm>>) target(%arg7 : memref<128xi32, #tpu.memory_space<vmem>>) target_semaphore(%run_scoped3A : memref<!tpu.dma_semaphore, #tpu.memory_space<semaphore_mem>>)
      %dma_wait3A_193 = tpu.memref_slice %arg5[%add3A_136] : memref<65536xi32, #tpu.memory_space<hbm>> -> memref<128xi32, #tpu.memory_space<hbm>>
      %dma_wait3A_194 = tpu.memref_slice %arg5[%add3A_136] : memref<65536xi32, #tpu.memory_space<hbm>> -> memref<128xi32, #tpu.memory_space<hbm>>
      tpu.wait_dma2 semaphore(%run_scoped3A : memref<!tpu.dma_semaphore, #tpu.memory_space<semaphore_mem>>) src(%dma_wait3A_194 : memref<128xi32, #tpu.memory_space<hbm>>) dst(%arg7 : memref<128xi32, #tpu.memory_space<vmem>>)
      tpu.yield
    }) : () -> ()
    %dma_start3A_137 = arith.constant 0 : i32
    %dma_start3A_138 = arith.constant 0 : i32
    %dma_start3A_139 = tpu.memref_slice %arg3[%dma_start3A_137, %dma_start3A_138] : memref<1000x128xf32, #tpu.memory_space<hbm>> -> memref<1000x128xf32, #tpu.memory_space<hbm>>
    tpu.enqueue_indirect_dma source(%dma_start3A_139 : memref<1000x128xf32, #tpu.memory_space<hbm>>) target(%arg8 : memref<128x128xf32, #tpu.memory_space<vmem>>) offsets(%arg7 : memref<128xi32, #tpu.memory_space<vmem>>) semaphore(%arg9 : memref<!tpu.dma_semaphore, #tpu.memory_space<semaphore_mem>>)
    %dma_wait3A_140 = arith.constant 0 : i32
    %dma_wait3A_141 = arith.constant 0 : i32
    %dma_wait3A_142 = tpu.memref_slice %arg3[%dma_wait3A_140, %dma_wait3A_141] : memref<1000x128xf32, #tpu.memory_space<hbm>> -> memref<1000x128xf32, #tpu.memory_space<hbm>>
    tpu.wait_indirect_dma semaphore(%arg9 : memref<!tpu.dma_semaphore, #tpu.memory_space<semaphore_mem>>) src(%dma_wait3A_142 : memref<1000x128xf32, #tpu.memory_space<hbm>>) dst(%arg8 : memref<128x128xf32, #tpu.memory_space<vmem>>)
    "tpu.region"() ({
      %run_scoped3A = tpu.sem_alloc : memref<!tpu.dma_semaphore, #tpu.memory_space<semaphore_mem>>
      %dma_start3A_191 = arith.constant 0 : i32
      %dma_start3A_192 = tpu.memref_slice %arg6[%add3A_136, %dma_start3A_191] : memref<65536x128xf32, #tpu.memory_space<hbm>> -> memref<128x128xf32, #tpu.memory_space<hbm>>
      %dma_start3A_193 = arith.constant 0 : i32
      %dma_start3A_194 = tpu.memref_slice %arg6[%add3A_136, %dma_start3A_193] : memref<65536x128xf32, #tpu.memory_space<hbm>> -> memref<128x128xf32, #tpu.memory_space<hbm>>
      tpu.enqueue_dma source(%arg8 : memref<128x128xf32, #tpu.memory_space<vmem>>) target(%dma_start3A_194 : memref<128x128xf32, #tpu.memory_space<hbm>>) target_semaphore(%run_scoped3A : memref<!tpu.dma_semaphore, #tpu.memory_space<semaphore_mem>>)
      %dma_wait3A_195 = arith.constant 0 : i32
      %dma_wait3A_196 = tpu.memref_slice %arg6[%add3A_136, %dma_wait3A_195] : memref<65536x128xf32, #tpu.memory_space<hbm>> -> memref<128x128xf32, #tpu.memory_space<hbm>>
      %dma_wait3A_197 = arith.constant 0 : i32
      %dma_wait3A_198 = tpu.memref_slice %arg6[%add3A_136, %dma_wait3A_197] : memref<65536x128xf32, #tpu.memory_space<hbm>> -> memref<128x128xf32, #tpu.memory_space<hbm>>
      tpu.wait_dma2 semaphore(%run_scoped3A : memref<!tpu.dma_semaphore, #tpu.memory_space<semaphore_mem>>) src(%arg8 : memref<128x128xf32, #tpu.memory_space<vmem>>) dst(%dma_wait3A_198 : memref<128x128xf32, #tpu.memory_space<hbm>>)
      tpu.yield
    }) : () -> ()
    %mul3A_143 = arith.constant 512 : i32
    %mul3A_144 = arith.muli %add3A, %mul3A_143 : i32
    %add3A_145 = arith.constant 49152 : i32
    %add3A_146 = arith.addi %add3A_145, %mul3A_144 : i32
    %add3A_147 = arith.constant 0 : i32
    %add3A_148 = arith.addi %add3A_146, %add3A_147 : i32
    "tpu.region"() ({
      %run_scoped3A = tpu.sem_alloc : memref<!tpu.dma_semaphore, #tpu.memory_space<semaphore_mem>>
      %dma_start3A_191 = tpu.memref_slice %arg5[%add3A_148] : memref<65536xi32, #tpu.memory_space<hbm>> -> memref<128xi32, #tpu.memory_space<hbm>>
      %dma_start3A_192 = tpu.memref_slice %arg5[%add3A_148] : memref<65536xi32, #tpu.memory_space<hbm>> -> memref<128xi32, #tpu.memory_space<hbm>>
      tpu.enqueue_dma source(%dma_start3A_192 : memref<128xi32, #tpu.memory_space<hbm>>) target(%arg7 : memref<128xi32, #tpu.memory_space<vmem>>) target_semaphore(%run_scoped3A : memref<!tpu.dma_semaphore, #tpu.memory_space<semaphore_mem>>)
      %dma_wait3A_193 = tpu.memref_slice %arg5[%add3A_148] : memref<65536xi32, #tpu.memory_space<hbm>> -> memref<128xi32, #tpu.memory_space<hbm>>
      %dma_wait3A_194 = tpu.memref_slice %arg5[%add3A_148] : memref<65536xi32, #tpu.memory_space<hbm>> -> memref<128xi32, #tpu.memory_space<hbm>>
      tpu.wait_dma2 semaphore(%run_scoped3A : memref<!tpu.dma_semaphore, #tpu.memory_space<semaphore_mem>>) src(%dma_wait3A_194 : memref<128xi32, #tpu.memory_space<hbm>>) dst(%arg7 : memref<128xi32, #tpu.memory_space<vmem>>)
      tpu.yield
    }) : () -> ()
    %dma_start3A_149 = arith.constant 0 : i32
    %dma_start3A_150 = arith.constant 0 : i32
    %dma_start3A_151 = tpu.memref_slice %arg4[%dma_start3A_149, %dma_start3A_150] : memref<1000x128xf32, #tpu.memory_space<hbm>> -> memref<1000x128xf32, #tpu.memory_space<hbm>>
    tpu.enqueue_indirect_dma source(%dma_start3A_151 : memref<1000x128xf32, #tpu.memory_space<hbm>>) target(%arg8 : memref<128x128xf32, #tpu.memory_space<vmem>>) offsets(%arg7 : memref<128xi32, #tpu.memory_space<vmem>>) semaphore(%arg9 : memref<!tpu.dma_semaphore, #tpu.memory_space<semaphore_mem>>)
    %dma_wait3A_152 = arith.constant 0 : i32
    %dma_wait3A_153 = arith.constant 0 : i32
    %dma_wait3A_154 = tpu.memref_slice %arg4[%dma_wait3A_152, %dma_wait3A_153] : memref<1000x128xf32, #tpu.memory_space<hbm>> -> memref<1000x128xf32, #tpu.memory_space<hbm>>
    tpu.wait_indirect_dma semaphore(%arg9 : memref<!tpu.dma_semaphore, #tpu.memory_space<semaphore_mem>>) src(%dma_wait3A_154 : memref<1000x128xf32, #tpu.memory_space<hbm>>) dst(%arg8 : memref<128x128xf32, #tpu.memory_space<vmem>>)
    "tpu.region"() ({
      %run_scoped3A = tpu.sem_alloc : memref<!tpu.dma_semaphore, #tpu.memory_space<semaphore_mem>>
      %dma_start3A_191 = arith.constant 0 : i32
      %dma_start3A_192 = tpu.memref_slice %arg6[%add3A_148, %dma_start3A_191] : memref<65536x128xf32, #tpu.memory_space<hbm>> -> memref<128x128xf32, #tpu.memory_space<hbm>>
      %dma_start3A_193 = arith.constant 0 : i32
      %dma_start3A_194 = tpu.memref_slice %arg6[%add3A_148, %dma_start3A_193] : memref<65536x128xf32, #tpu.memory_space<hbm>> -> memref<128x128xf32, #tpu.memory_space<hbm>>
      tpu.enqueue_dma source(%arg8 : memref<128x128xf32, #tpu.memory_space<vmem>>) target(%dma_start3A_194 : memref<128x128xf32, #tpu.memory_space<hbm>>) target_semaphore(%run_scoped3A : memref<!tpu.dma_semaphore, #tpu.memory_space<semaphore_mem>>)
      %dma_wait3A_195 = arith.constant 0 : i32
      %dma_wait3A_196 = tpu.memref_slice %arg6[%add3A_148, %dma_wait3A_195] : memref<65536x128xf32, #tpu.memory_space<hbm>> -> memref<128x128xf32, #tpu.memory_space<hbm>>
      %dma_wait3A_197 = arith.constant 0 : i32
      %dma_wait3A_198 = tpu.memref_slice %arg6[%add3A_148, %dma_wait3A_197] : memref<65536x128xf32, #tpu.memory_space<hbm>> -> memref<128x128xf32, #tpu.memory_space<hbm>>
      tpu.wait_dma2 semaphore(%run_scoped3A : memref<!tpu.dma_semaphore, #tpu.memory_space<semaphore_mem>>) src(%arg8 : memref<128x128xf32, #tpu.memory_space<vmem>>) dst(%dma_wait3A_198 : memref<128x128xf32, #tpu.memory_space<hbm>>)
      tpu.yield
    }) : () -> ()
    %mul3A_155 = arith.constant 512 : i32
    %mul3A_156 = arith.muli %add3A, %mul3A_155 : i32
    %add3A_157 = arith.constant 49152 : i32
    %add3A_158 = arith.addi %add3A_157, %mul3A_156 : i32
    %add3A_159 = arith.constant 128 : i32
    %add3A_160 = arith.addi %add3A_158, %add3A_159 : i32
    "tpu.region"() ({
      %run_scoped3A = tpu.sem_alloc : memref<!tpu.dma_semaphore, #tpu.memory_space<semaphore_mem>>
      %dma_start3A_191 = tpu.memref_slice %arg5[%add3A_160] : memref<65536xi32, #tpu.memory_space<hbm>> -> memref<128xi32, #tpu.memory_space<hbm>>
      %dma_start3A_192 = tpu.memref_slice %arg5[%add3A_160] : memref<65536xi32, #tpu.memory_space<hbm>> -> memref<128xi32, #tpu.memory_space<hbm>>
      tpu.enqueue_dma source(%dma_start3A_192 : memref<128xi32, #tpu.memory_space<hbm>>) target(%arg7 : memref<128xi32, #tpu.memory_space<vmem>>) target_semaphore(%run_scoped3A : memref<!tpu.dma_semaphore, #tpu.memory_space<semaphore_mem>>)
      %dma_wait3A_193 = tpu.memref_slice %arg5[%add3A_160] : memref<65536xi32, #tpu.memory_space<hbm>> -> memref<128xi32, #tpu.memory_space<hbm>>
      %dma_wait3A_194 = tpu.memref_slice %arg5[%add3A_160] : memref<65536xi32, #tpu.memory_space<hbm>> -> memref<128xi32, #tpu.memory_space<hbm>>
      tpu.wait_dma2 semaphore(%run_scoped3A : memref<!tpu.dma_semaphore, #tpu.memory_space<semaphore_mem>>) src(%dma_wait3A_194 : memref<128xi32, #tpu.memory_space<hbm>>) dst(%arg7 : memref<128xi32, #tpu.memory_space<vmem>>)
      tpu.yield
    }) : () -> ()
    %dma_start3A_161 = arith.constant 0 : i32
    %dma_start3A_162 = arith.constant 0 : i32
    %dma_start3A_163 = tpu.memref_slice %arg4[%dma_start3A_161, %dma_start3A_162] : memref<1000x128xf32, #tpu.memory_space<hbm>> -> memref<1000x128xf32, #tpu.memory_space<hbm>>
    tpu.enqueue_indirect_dma source(%dma_start3A_163 : memref<1000x128xf32, #tpu.memory_space<hbm>>) target(%arg8 : memref<128x128xf32, #tpu.memory_space<vmem>>) offsets(%arg7 : memref<128xi32, #tpu.memory_space<vmem>>) semaphore(%arg9 : memref<!tpu.dma_semaphore, #tpu.memory_space<semaphore_mem>>)
    %dma_wait3A_164 = arith.constant 0 : i32
    %dma_wait3A_165 = arith.constant 0 : i32
    %dma_wait3A_166 = tpu.memref_slice %arg4[%dma_wait3A_164, %dma_wait3A_165] : memref<1000x128xf32, #tpu.memory_space<hbm>> -> memref<1000x128xf32, #tpu.memory_space<hbm>>
    tpu.wait_indirect_dma semaphore(%arg9 : memref<!tpu.dma_semaphore, #tpu.memory_space<semaphore_mem>>) src(%dma_wait3A_166 : memref<1000x128xf32, #tpu.memory_space<hbm>>) dst(%arg8 : memref<128x128xf32, #tpu.memory_space<vmem>>)
    "tpu.region"() ({
      %run_scoped3A = tpu.sem_alloc : memref<!tpu.dma_semaphore, #tpu.memory_space<semaphore_mem>>
      %dma_start3A_191 = arith.constant 0 : i32
      %dma_start3A_192 = tpu.memref_slice %arg6[%add3A_160, %dma_start3A_191] : memref<65536x128xf32, #tpu.memory_space<hbm>> -> memref<128x128xf32, #tpu.memory_space<hbm>>
      %dma_start3A_193 = arith.constant 0 : i32
      %dma_start3A_194 = tpu.memref_slice %arg6[%add3A_160, %dma_start3A_193] : memref<65536x128xf32, #tpu.memory_space<hbm>> -> memref<128x128xf32, #tpu.memory_space<hbm>>
      tpu.enqueue_dma source(%arg8 : memref<128x128xf32, #tpu.memory_space<vmem>>) target(%dma_start3A_194 : memref<128x128xf32, #tpu.memory_space<hbm>>) target_semaphore(%run_scoped3A : memref<!tpu.dma_semaphore, #tpu.memory_space<semaphore_mem>>)
      %dma_wait3A_195 = arith.constant 0 : i32
      %dma_wait3A_196 = tpu.memref_slice %arg6[%add3A_160, %dma_wait3A_195] : memref<65536x128xf32, #tpu.memory_space<hbm>> -> memref<128x128xf32, #tpu.memory_space<hbm>>
      %dma_wait3A_197 = arith.constant 0 : i32
      %dma_wait3A_198 = tpu.memref_slice %arg6[%add3A_160, %dma_wait3A_197] : memref<65536x128xf32, #tpu.memory_space<hbm>> -> memref<128x128xf32, #tpu.memory_space<hbm>>
      tpu.wait_dma2 semaphore(%run_scoped3A : memref<!tpu.dma_semaphore, #tpu.memory_space<semaphore_mem>>) src(%arg8 : memref<128x128xf32, #tpu.memory_space<vmem>>) dst(%dma_wait3A_198 : memref<128x128xf32, #tpu.memory_space<hbm>>)
      tpu.yield
    }) : () -> ()
    %mul3A_167 = arith.constant 512 : i32
    %mul3A_168 = arith.muli %add3A, %mul3A_167 : i32
    %add3A_169 = arith.constant 49152 : i32
    %add3A_170 = arith.addi %add3A_169, %mul3A_168 : i32
    %add3A_171 = arith.constant 256 : i32
    %add3A_172 = arith.addi %add3A_170, %add3A_171 : i32
    "tpu.region"() ({
      %run_scoped3A = tpu.sem_alloc : memref<!tpu.dma_semaphore, #tpu.memory_space<semaphore_mem>>
      %dma_start3A_191 = tpu.memref_slice %arg5[%add3A_172] : memref<65536xi32, #tpu.memory_space<hbm>> -> memref<128xi32, #tpu.memory_space<hbm>>
      %dma_start3A_192 = tpu.memref_slice %arg5[%add3A_172] : memref<65536xi32, #tpu.memory_space<hbm>> -> memref<128xi32, #tpu.memory_space<hbm>>
      tpu.enqueue_dma source(%dma_start3A_192 : memref<128xi32, #tpu.memory_space<hbm>>) target(%arg7 : memref<128xi32, #tpu.memory_space<vmem>>) target_semaphore(%run_scoped3A : memref<!tpu.dma_semaphore, #tpu.memory_space<semaphore_mem>>)
      %dma_wait3A_193 = tpu.memref_slice %arg5[%add3A_172] : memref<65536xi32, #tpu.memory_space<hbm>> -> memref<128xi32, #tpu.memory_space<hbm>>
      %dma_wait3A_194 = tpu.memref_slice %arg5[%add3A_172] : memref<65536xi32, #tpu.memory_space<hbm>> -> memref<128xi32, #tpu.memory_space<hbm>>
      tpu.wait_dma2 semaphore(%run_scoped3A : memref<!tpu.dma_semaphore, #tpu.memory_space<semaphore_mem>>) src(%dma_wait3A_194 : memref<128xi32, #tpu.memory_space<hbm>>) dst(%arg7 : memref<128xi32, #tpu.memory_space<vmem>>)
      tpu.yield
    }) : () -> ()
    %dma_start3A_173 = arith.constant 0 : i32
    %dma_start3A_174 = arith.constant 0 : i32
    %dma_start3A_175 = tpu.memref_slice %arg4[%dma_start3A_173, %dma_start3A_174] : memref<1000x128xf32, #tpu.memory_space<hbm>> -> memref<1000x128xf32, #tpu.memory_space<hbm>>
    tpu.enqueue_indirect_dma source(%dma_start3A_175 : memref<1000x128xf32, #tpu.memory_space<hbm>>) target(%arg8 : memref<128x128xf32, #tpu.memory_space<vmem>>) offsets(%arg7 : memref<128xi32, #tpu.memory_space<vmem>>) semaphore(%arg9 : memref<!tpu.dma_semaphore, #tpu.memory_space<semaphore_mem>>)
    %dma_wait3A_176 = arith.constant 0 : i32
    %dma_wait3A_177 = arith.constant 0 : i32
    %dma_wait3A_178 = tpu.memref_slice %arg4[%dma_wait3A_176, %dma_wait3A_177] : memref<1000x128xf32, #tpu.memory_space<hbm>> -> memref<1000x128xf32, #tpu.memory_space<hbm>>
    tpu.wait_indirect_dma semaphore(%arg9 : memref<!tpu.dma_semaphore, #tpu.memory_space<semaphore_mem>>) src(%dma_wait3A_178 : memref<1000x128xf32, #tpu.memory_space<hbm>>) dst(%arg8 : memref<128x128xf32, #tpu.memory_space<vmem>>)
    "tpu.region"() ({
      %run_scoped3A = tpu.sem_alloc : memref<!tpu.dma_semaphore, #tpu.memory_space<semaphore_mem>>
      %dma_start3A_191 = arith.constant 0 : i32
      %dma_start3A_192 = tpu.memref_slice %arg6[%add3A_172, %dma_start3A_191] : memref<65536x128xf32, #tpu.memory_space<hbm>> -> memref<128x128xf32, #tpu.memory_space<hbm>>
      %dma_start3A_193 = arith.constant 0 : i32
      %dma_start3A_194 = tpu.memref_slice %arg6[%add3A_172, %dma_start3A_193] : memref<65536x128xf32, #tpu.memory_space<hbm>> -> memref<128x128xf32, #tpu.memory_space<hbm>>
      tpu.enqueue_dma source(%arg8 : memref<128x128xf32, #tpu.memory_space<vmem>>) target(%dma_start3A_194 : memref<128x128xf32, #tpu.memory_space<hbm>>) target_semaphore(%run_scoped3A : memref<!tpu.dma_semaphore, #tpu.memory_space<semaphore_mem>>)
      %dma_wait3A_195 = arith.constant 0 : i32
      %dma_wait3A_196 = tpu.memref_slice %arg6[%add3A_172, %dma_wait3A_195] : memref<65536x128xf32, #tpu.memory_space<hbm>> -> memref<128x128xf32, #tpu.memory_space<hbm>>
      %dma_wait3A_197 = arith.constant 0 : i32
      %dma_wait3A_198 = tpu.memref_slice %arg6[%add3A_172, %dma_wait3A_197] : memref<65536x128xf32, #tpu.memory_space<hbm>> -> memref<128x128xf32, #tpu.memory_space<hbm>>
      tpu.wait_dma2 semaphore(%run_scoped3A : memref<!tpu.dma_semaphore, #tpu.memory_space<semaphore_mem>>) src(%arg8 : memref<128x128xf32, #tpu.memory_space<vmem>>) dst(%dma_wait3A_198 : memref<128x128xf32, #tpu.memory_space<hbm>>)
      tpu.yield
    }) : () -> ()
    %mul3A_179 = arith.constant 512 : i32
    %mul3A_180 = arith.muli %add3A, %mul3A_179 : i32
    %add3A_181 = arith.constant 49152 : i32
    %add3A_182 = arith.addi %add3A_181, %mul3A_180 : i32
    %add3A_183 = arith.constant 384 : i32
    %add3A_184 = arith.addi %add3A_182, %add3A_183 : i32
    "tpu.region"() ({
      %run_scoped3A = tpu.sem_alloc : memref<!tpu.dma_semaphore, #tpu.memory_space<semaphore_mem>>
      %dma_start3A_191 = tpu.memref_slice %arg5[%add3A_184] : memref<65536xi32, #tpu.memory_space<hbm>> -> memref<128xi32, #tpu.memory_space<hbm>>
      %dma_start3A_192 = tpu.memref_slice %arg5[%add3A_184] : memref<65536xi32, #tpu.memory_space<hbm>> -> memref<128xi32, #tpu.memory_space<hbm>>
      tpu.enqueue_dma source(%dma_start3A_192 : memref<128xi32, #tpu.memory_space<hbm>>) target(%arg7 : memref<128xi32, #tpu.memory_space<vmem>>) target_semaphore(%run_scoped3A : memref<!tpu.dma_semaphore, #tpu.memory_space<semaphore_mem>>)
      %dma_wait3A_193 = tpu.memref_slice %arg5[%add3A_184] : memref<65536xi32, #tpu.memory_space<hbm>> -> memref<128xi32, #tpu.memory_space<hbm>>
      %dma_wait3A_194 = tpu.memref_slice %arg5[%add3A_184] : memref<65536xi32, #tpu.memory_space<hbm>> -> memref<128xi32, #tpu.memory_space<hbm>>
      tpu.wait_dma2 semaphore(%run_scoped3A : memref<!tpu.dma_semaphore, #tpu.memory_space<semaphore_mem>>) src(%dma_wait3A_194 : memref<128xi32, #tpu.memory_space<hbm>>) dst(%arg7 : memref<128xi32, #tpu.memory_space<vmem>>)
      tpu.yield
    }) : () -> ()
    %dma_start3A_185 = arith.constant 0 : i32
    %dma_start3A_186 = arith.constant 0 : i32
    %dma_start3A_187 = tpu.memref_slice %arg4[%dma_start3A_185, %dma_start3A_186] : memref<1000x128xf32, #tpu.memory_space<hbm>> -> memref<1000x128xf32, #tpu.memory_space<hbm>>
    tpu.enqueue_indirect_dma source(%dma_start3A_187 : memref<1000x128xf32, #tpu.memory_space<hbm>>) target(%arg8 : memref<128x128xf32, #tpu.memory_space<vmem>>) offsets(%arg7 : memref<128xi32, #tpu.memory_space<vmem>>) semaphore(%arg9 : memref<!tpu.dma_semaphore, #tpu.memory_space<semaphore_mem>>)
    %dma_wait3A_188 = arith.constant 0 : i32
    %dma_wait3A_189 = arith.constant 0 : i32
    %dma_wait3A_190 = tpu.memref_slice %arg4[%dma_wait3A_188, %dma_wait3A_189] : memref<1000x128xf32, #tpu.memory_space<hbm>> -> memref<1000x128xf32, #tpu.memory_space<hbm>>
    tpu.wait_indirect_dma semaphore(%arg9 : memref<!tpu.dma_semaphore, #tpu.memory_space<semaphore_mem>>) src(%dma_wait3A_190 : memref<1000x128xf32, #tpu.memory_space<hbm>>) dst(%arg8 : memref<128x128xf32, #tpu.memory_space<vmem>>)
    "tpu.region"() ({
      %run_scoped3A = tpu.sem_alloc : memref<!tpu.dma_semaphore, #tpu.memory_space<semaphore_mem>>
      %dma_start3A_191 = arith.constant 0 : i32
      %dma_start3A_192 = tpu.memref_slice %arg6[%add3A_184, %dma_start3A_191] : memref<65536x128xf32, #tpu.memory_space<hbm>> -> memref<128x128xf32, #tpu.memory_space<hbm>>
      %dma_start3A_193 = arith.constant 0 : i32
      %dma_start3A_194 = tpu.memref_slice %arg6[%add3A_184, %dma_start3A_193] : memref<65536x128xf32, #tpu.memory_space<hbm>> -> memref<128x128xf32, #tpu.memory_space<hbm>>
      tpu.enqueue_dma source(%arg8 : memref<128x128xf32, #tpu.memory_space<vmem>>) target(%dma_start3A_194 : memref<128x128xf32, #tpu.memory_space<hbm>>) target_semaphore(%run_scoped3A : memref<!tpu.dma_semaphore, #tpu.memory_space<semaphore_mem>>)
      %dma_wait3A_195 = arith.constant 0 : i32
      %dma_wait3A_196 = tpu.memref_slice %arg6[%add3A_184, %dma_wait3A_195] : memref<65536x128xf32, #tpu.memory_space<hbm>> -> memref<128x128xf32, #tpu.memory_space<hbm>>
      %dma_wait3A_197 = arith.constant 0 : i32
      %dma_wait3A_198 = tpu.memref_slice %arg6[%add3A_184, %dma_wait3A_197] : memref<65536x128xf32, #tpu.memory_space<hbm>> -> memref<128x128xf32, #tpu.memory_space<hbm>>
      tpu.wait_dma2 semaphore(%run_scoped3A : memref<!tpu.dma_semaphore, #tpu.memory_space<semaphore_mem>>) src(%arg8 : memref<128x128xf32, #tpu.memory_space<vmem>>) dst(%dma_wait3A_198 : memref<128x128xf32, #tpu.memory_space<hbm>>)
      tpu.yield
    }) : () -> ()
    return
  }
}

module attributes {stable_mosaic.version = 14 : i64} {
  func.func @body(%arg0: i32, %arg1: memref<128x128xf32, #tpu.memory_space<vmem>>, %arg2: memref<128x1xf32, #tpu.memory_space<vmem>>, %arg3: memref<128x128xf32, #tpu.memory_space<vmem>>, %arg4: memref<128x128xf32, #tpu.memory_space<vmem>>) attributes {dimension_semantics = [#tpu.dimension_semantics<arbitrary>], iteration_bounds = array<i64: 158>, scalar_prefetch = 0 : i64, scratch_operands = 0 : i64, tpu.core_type = #tpu.core_type<tc>, window_params = [{transform_indices = @transform_0, window_bounds = array<i64: 128, 128>}, {transform_indices = @transform_1, window_bounds = array<i64: 128, 1>}, {pipeline_mode = #tpu.pipeline_mode<synchronous>, transform_indices = @transform_2, window_bounds = array<i64: 128, 128>}, {transform_indices = @transform_3, window_bounds = array<i64: 128, 128>}]} {
    %get3A = arith.constant 0 : index
    %get3A_0 = arith.constant 0 : index
    %get3A_1 = vector.load %arg1[%get3A, %get3A_0] : memref<128x128xf32, #tpu.memory_space<vmem>>, vector<128x128xf32>
    %get3A_2 = arith.constant 0 : index
    %get3A_3 = arith.constant 0 : index
    %get3A_4 = vector.load %arg2[%get3A_2, %get3A_3] : memref<128x1xf32, #tpu.memory_space<vmem>>, vector<128x1xf32>
    %max3A = arith.constant 1.000000e+00 : f32
    %max3A_5 = vector.broadcast %max3A : f32 to vector<128x1xf32>
    %max3A_6 = arith.maximumf %get3A_4, %max3A_5 : vector<128x1xf32>
    %rsqrt3A = math.rsqrt %max3A_6 : vector<128x1xf32>
    %mul3A = vector.broadcast %rsqrt3A : vector<128x1xf32> to vector<128x128xf32>
    %mul3A_7 = arith.mulf %get3A_1, %mul3A : vector<128x128xf32>
    %get3A_8 = arith.constant 0 : index
    %get3A_9 = arith.constant 0 : index
    %get3A_10 = vector.load %arg3[%get3A_8, %get3A_9] : memref<128x128xf32, #tpu.memory_space<vmem>>, vector<128x128xf32>
    %dot_general3A = arith.constant dense<0.000000e+00> : vector<128x128xf32>
    %dot_general3A_11 = tpu.matmul %mul3A_7, %get3A_10, %dot_general3A {dimension_numbers = #tpu.dot_dimension_numbers<[1], [0], [0], [1], [0, 0, 1, 1], [], []>, transpose_lhs_hint = false} : vector<128x128xf32>, vector<128x128xf32>, vector<128x128xf32> -> vector<128x128xf32>
    %swap3A = arith.constant 0 : index
    %swap3A_12 = arith.constant 0 : index
    %swap3A_13 = vector.load %arg4[%swap3A, %swap3A_12] : memref<128x128xf32, #tpu.memory_space<vmem>>, vector<128x128xf32>
    tpu.vector_store %arg4[%swap3A, %swap3A_12], %dot_general3A_11 {strides = array<i32>} : memref<128x128xf32, #tpu.memory_space<vmem>>, vector<128x128xf32>,
    return
  }
  func.func @transform_0(%arg0: i32) -> (i32, i32) {
    %c0_i32 = arith.constant 0 : i32
    %c0_i32_0 = arith.constant 0 : i32
    return %arg0, %c0_i32 : i32, i32
  }
  func.func @transform_1(%arg0: i32) -> (i32, i32) {
    %c0_i32 = arith.constant 0 : i32
    %c0_i32_0 = arith.constant 0 : i32
    return %arg0, %c0_i32 : i32, i32
  }
  func.func @transform_2(%arg0: i32) -> (i32, i32) {
    %c0_i32 = arith.constant 0 : i32
    %c0_i32_0 = arith.constant 0 : i32
    %c0_i32_1 = arith.constant 0 : i32
    return %c0_i32, %c0_i32_0 : i32, i32
  }
  func.func @transform_3(%arg0: i32) -> (i32, i32) {
    %c0_i32 = arith.constant 0 : i32
    %c0_i32_0 = arith.constant 0 : i32
    return %arg0, %c0_i32 : i32, i32
  }
}

module attributes {stable_mosaic.version = 14 : i64} {
  func.func @body(%arg0: i32, %arg1: memref<128x128xf32, #tpu.memory_space<vmem>>, %arg2: memref<128x1xf32, #tpu.memory_space<vmem>>, %arg3: memref<128x1xf32, #tpu.memory_space<vmem>>, %arg4: memref<128x128xf32, #tpu.memory_space<vmem>>, %arg5: memref<128x128xf32, #tpu.memory_space<vmem>>) attributes {dimension_semantics = [#tpu.dimension_semantics<arbitrary>], iteration_bounds = array<i64: 158>, scalar_prefetch = 0 : i64, scratch_operands = 0 : i64, tpu.core_type = #tpu.core_type<tc>, window_params = [{transform_indices = @transform_0, window_bounds = array<i64: 128, 128>}, {transform_indices = @transform_1, window_bounds = array<i64: 128, 1>}, {transform_indices = @transform_2, window_bounds = array<i64: 128, 1>}, {pipeline_mode = #tpu.pipeline_mode<synchronous>, transform_indices = @transform_3, window_bounds = array<i64: 128, 128>}, {transform_indices = @transform_4, window_bounds = array<i64: 128, 128>}]} {
    %get3A = arith.constant 0 : index
    %get3A_0 = arith.constant 0 : index
    %get3A_1 = vector.load %arg1[%get3A, %get3A_0] : memref<128x128xf32, #tpu.memory_space<vmem>>, vector<128x128xf32>
    %get3A_2 = arith.constant 0 : index
    %get3A_3 = arith.constant 0 : index
    %get3A_4 = vector.load %arg2[%get3A_2, %get3A_3] : memref<128x1xf32, #tpu.memory_space<vmem>>, vector<128x1xf32>
    %max3A = arith.constant 1.000000e+00 : f32
    %max3A_5 = vector.broadcast %max3A : f32 to vector<128x1xf32>
    %max3A_6 = arith.maximumf %get3A_4, %max3A_5 : vector<128x1xf32>
    %rsqrt3A = math.rsqrt %max3A_6 : vector<128x1xf32>
    %mul3A = vector.broadcast %rsqrt3A : vector<128x1xf32> to vector<128x128xf32>
    %mul3A_7 = arith.mulf %get3A_1, %mul3A : vector<128x128xf32>
    %max3A_8 = arith.constant 0.000000e+00 : f32
    %max3A_9 = vector.broadcast %max3A_8 : f32 to vector<128x128xf32>
    %max3A_10 = arith.maximumf %mul3A_7, %max3A_9 : vector<128x128xf32>
    %get3A_11 = arith.constant 0 : index
    %get3A_12 = arith.constant 0 : index
    %get3A_13 = vector.load %arg3[%get3A_11, %get3A_12] : memref<128x1xf32, #tpu.memory_space<vmem>>, vector<128x1xf32>
    %max3A_14 = arith.constant 1.000000e+00 : f32
    %max3A_15 = vector.broadcast %max3A_14 : f32 to vector<128x1xf32>
    %max3A_16 = arith.maximumf %get3A_13, %max3A_15 : vector<128x1xf32>
    %rsqrt3A_17 = math.rsqrt %max3A_16 : vector<128x1xf32>
    %mul3A_18 = vector.broadcast %rsqrt3A_17 : vector<128x1xf32> to vector<128x128xf32>
    %mul3A_19 = arith.mulf %max3A_10, %mul3A_18 : vector<128x128xf32>
    %get3A_20 = arith.constant 0 : index
    %get3A_21 = arith.constant 0 : index
    %get3A_22 = vector.load %arg4[%get3A_20, %get3A_21] : memref<128x128xf32, #tpu.memory_space<vmem>>, vector<128x128xf32>
    %dot_general3A = arith.constant dense<0.000000e+00> : vector<128x128xf32>
    %dot_general3A_23 = tpu.matmul %mul3A_19, %get3A_22, %dot_general3A {dimension_numbers = #tpu.dot_dimension_numbers<[1], [0], [0], [1], [0, 0, 1, 1], [], []>, transpose_lhs_hint = false} : vector<128x128xf32>, vector<128x128xf32>, vector<128x128xf32> -> vector<128x128xf32>
    %swap3A = arith.constant 0 : index
    %swap3A_24 = arith.constant 0 : index
    %swap3A_25 = vector.load %arg5[%swap3A, %swap3A_24] : memref<128x128xf32, #tpu.memory_space<vmem>>, vector<128x128xf32>
    tpu.vector_store %arg5[%swap3A, %swap3A_24], %dot_general3A_23 {strides = array<i32>} : memref<128x128xf32, #tpu.memory_space<vmem>>, vector<128x128xf32>,
    return
  }
  func.func @transform_0(%arg0: i32) -> (i32, i32) {
    %c0_i32 = arith.constant 0 : i32
    %c0_i32_0 = arith.constant 0 : i32
    return %arg0, %c0_i32 : i32, i32
  }
  func.func @transform_1(%arg0: i32) -> (i32, i32) {
    %c0_i32 = arith.constant 0 : i32
    %c0_i32_0 = arith.constant 0 : i32
    return %arg0, %c0_i32 : i32, i32
  }
  func.func @transform_2(%arg0: i32) -> (i32, i32) {
    %c0_i32 = arith.constant 0 : i32
    %c0_i32_0 = arith.constant 0 : i32
    return %arg0, %c0_i32 : i32, i32
  }
  func.func @transform_3(%arg0: i32) -> (i32, i32) {
    %c0_i32 = arith.constant 0 : i32
    %c0_i32_0 = arith.constant 0 : i32
    %c0_i32_1 = arith.constant 0 : i32
    return %c0_i32, %c0_i32_0 : i32, i32
  }
  func.func @transform_4(%arg0: i32) -> (i32, i32) {
    %c0_i32 = arith.constant 0 : i32
    %c0_i32_0 = arith.constant 0 : i32
    return %arg0, %c0_i32 : i32, i32
  }
}

module attributes {stable_mosaic.version = 14 : i64} {
  func.func @body(%arg0: i32, %arg1: memref<128x128xf32, #tpu.memory_space<vmem>>, %arg2: memref<128x1xf32, #tpu.memory_space<vmem>>, %arg3: memref<128x128xf32, #tpu.memory_space<vmem>>) attributes {dimension_semantics = [#tpu.dimension_semantics<arbitrary>], iteration_bounds = array<i64: 158>, scalar_prefetch = 0 : i64, scratch_operands = 0 : i64, tpu.core_type = #tpu.core_type<tc>, window_params = [{transform_indices = @transform_0, window_bounds = array<i64: 128, 128>}, {transform_indices = @transform_1, window_bounds = array<i64: 128, 1>}, {transform_indices = @transform_2, window_bounds = array<i64: 128, 128>}]} {
    %get3A = arith.constant 0 : index
    %get3A_0 = arith.constant 0 : index
    %get3A_1 = vector.load %arg1[%get3A, %get3A_0] : memref<128x128xf32, #tpu.memory_space<vmem>>, vector<128x128xf32>
    %get3A_2 = arith.constant 0 : index
    %get3A_3 = arith.constant 0 : index
    %get3A_4 = vector.load %arg2[%get3A_2, %get3A_3] : memref<128x1xf32, #tpu.memory_space<vmem>>, vector<128x1xf32>
    %max3A = arith.constant 1.000000e+00 : f32
    %max3A_5 = vector.broadcast %max3A : f32 to vector<128x1xf32>
    %max3A_6 = arith.maximumf %get3A_4, %max3A_5 : vector<128x1xf32>
    %rsqrt3A = math.rsqrt %max3A_6 : vector<128x1xf32>
    %mul3A = vector.broadcast %rsqrt3A : vector<128x1xf32> to vector<128x128xf32>
    %mul3A_7 = arith.mulf %get3A_1, %mul3A : vector<128x128xf32>
    %max3A_8 = arith.constant 0.000000e+00 : f32
    %max3A_9 = vector.broadcast %max3A_8 : f32 to vector<128x128xf32>
    %max3A_10 = arith.maximumf %mul3A_7, %max3A_9 : vector<128x128xf32>
    %swap3A = arith.constant 0 : index
    %swap3A_11 = arith.constant 0 : index
    %swap3A_12 = vector.load %arg3[%swap3A, %swap3A_11] : memref<128x128xf32, #tpu.memory_space<vmem>>, vector<128x128xf32>
    tpu.vector_store %arg3[%swap3A, %swap3A_11], %max3A_10 {strides = array<i32>} : memref<128x128xf32, #tpu.memory_space<vmem>>, vector<128x128xf32>,
    return
  }
  func.func @transform_0(%arg0: i32) -> (i32, i32) {
    %c0_i32 = arith.constant 0 : i32
    %c0_i32_0 = arith.constant 0 : i32
    return %arg0, %c0_i32 : i32, i32
  }
  func.func @transform_1(%arg0: i32) -> (i32, i32) {
    %c0_i32 = arith.constant 0 : i32
    %c0_i32_0 = arith.constant 0 : i32
    return %arg0, %c0_i32 : i32, i32
  }
  func.func @transform_2(%arg0: i32) -> (i32, i32) {
    %c0_i32 = arith.constant 0 : i32
    %c0_i32_0 = arith.constant 0 : i32
    return %arg0, %c0_i32 : i32, i32
  }
}

</mosaic_0001>

<sc_bundles>
// kernel: kernel.12.cloned.1.call-start
scs
__scs_entry_jumppad:
0x0: {  	(pc) =	sbr.rel $0x88, $3  }
0x1: {  	(tag) =	ssettag $0x0;
	lr =	simm.s32 $0x1  }
0x2: {  	[smem:$0x3F95] =	sst lr;
	_ =	strace $0xD0000000  }
0x3: {  	_ = 	snop  }
0x4: {  	_ = 	snop  }
0x5: {  	_ = 	snop  }
0x6: {  	_ = 	snop  }
0x7: {  	_ = 	snop  }
__scs_overlays_trampoline_lowered:
0x8: {  	[smem:$0x3FA4] =	sst s0  }
0x9: {  	[smem:$0x3FA5] =	sst s1  }
0xa: {  	[smem:$0x3FA6] =	sst s2  }
0xb: {  	[smem:$0x3FA7] =	sst s3  }
0xc: {  	[smem:$0x3FA8] =	sst s4  }
0xd: {  	[smem:$0x3FA9] =	sst s5  }
0xe: {  	[smem:$0x3FAA] =	sst s6  }
0xf: {  	[smem:$0x3FAB] =	sst s7  }
0x10: {  	[smem:$0x3FAC] =	sst s8  }
0x11: {  	[smem:$0x3FAD] =	sst s9;
	s0 =	simm.s32 @!p0 $0x0  }
0x12: {  	s1 =	sld [smem:$0x3F93];
	s0 =	simm.s32 @p0 $0x1  }
0x13: {  	[smem:$0x3FAE] =	sst s0;
	s0 =	simm.s32 @!p1 $0x0  }
0x14: {  	s2 =	sld [smem:$0x3F92];
	s0 =	simm.s32 @p1 $0x1  }
0x15: {  	[smem:$0x3FAF] =	sst s0;
	s0 =	simm.s32 @!p2 $0x0  }
0x16: {  	s3 =	sld [smem:$0x3FDB];
	s0 =	simm.s32 @p2 $0x1  }
0x17: {  	s4 =	simm.s32 $0x1BF5;
	[smem:$0x3FB1] =	sst s0  }
0x18: {  	s0 =	sld [smem:$0x3F94];
	_ =	swait.ge [sflag:s4], $0x0  }
0x19: {  	s7 =	sld [smem:$0x3F95]  }
0x1a: {  	s8 =	sadd.s32 $0xFFFFE003, lr  }
0x1b: {  	s9 =	sadd.s32 $0xFFFFFEF7, lr;
	s5 =	simm.s32 $0xFFFFFFFF;
	p2 =	slt.u32 s8, $0xFFFFF086  }
0x1c: {  	p1 =	slt.u32 s9, $0xF7A;
	s5 =	simm.s32 @!p2 $0x0  }
0x1d: {  	s5 =	simm.s32 @p1 $0x1;
	p0 =	seq.s32 s7, s2  }
0x1e: {  	s7 =	smul.u32 @!p0 $0xF7A, s2;
	p2 =	seq.s32 @!p0 s5, $0x0  }
0x1f: {  	s9 =	smul.u32 $0xF7A, s1;
	s8 =	simm.s32 @!p0 $0x1BF5;
	p2 =	por !p2, p0  }
0x20: {  	[sflag:s8] =	ssyncset.s32 @!p0 $0xFFFFF086;
	s6 =	sadd.s32 @!p0 s3, s7;
	s7 =	simm.s32 @!p0 $0x108  }
0x21: {  	s3 =	sadd.s32 s3, s9;
	s6 =	sadd.s32 @!p0 $0x88, s6;
	s7 =	simm.s32 @p2 $0x1082  }
0x22: {  	[simem:s7], [sflag:s8] =	dma.local @!p0 [hbm:s6], $0xF7A  }
0x23: {  	s9 =	sor.u32 $0xD0000000, s2;
	s6 =	simm.s32 $0x108;
	_ =	swait.ge @!p0 [sflag:s8], $0x0  }
0x24: {  	s3 =	sadd.s32 $0x88, s3;
	s6 =	simm.s32 @!p1 $0x1082;
	[sflag:s4] =	ssyncset.s32 $0xFFFFF086  }
0x25: {  	[simem:s6], [sflag:s4] =	dma.local [hbm:s3], $0xF7A  }
0x26: {  	[smem:$0x3F95] =	sst s1;
	(tag) =	ssettag s2;
	_ =	strace s9  }
0x27: {  	s1 =	sld [smem:$0x3FA5]  }
0x28: {  	s2 =	sld [smem:$0x3FA6]  }
0x29: {  	s4 =	sld [smem:$0x3FA8]  }
0x2a: {  	p0 =	seq.s32 s5, $0x0;
	s5 =	sld [smem:$0x3FA9]  }
0x2b: {  	s6 =	sld [smem:$0x3FAA]  }
0x2c: {  	s7 =	sld [smem:$0x3FAB]  }
0x2d: {  	s3 =	simm.s32 $0x108;
	s8 =	sld [smem:$0x3FAC]  }
0x2e: {  	s3 =	simm.s32 @!p0 $0x1082;
	s9 =	sld [smem:$0x3FAD]  }
0x2f: {  	lr =	sadd.s32 s0, s3;
	s0 =	sld [smem:$0x3FA4]  }
0x30: {  	s3 =	sld [smem:$0x3FA7]  }
0x31: {  	[smem:$0x3FB0] =	sst s10  }
0x32: {  	s10 =	sld [smem:$0x3FAE];
	_ =	sdelay $0x3  }
0x33: {  	p0 =	seq.s32 s10, $0x1;
	s10 =	sld [smem:$0x3FB0];
	_ =	sdelay $0x3  }
0x34: {  	[smem:$0x3FB0] =	sst s10  }
0x35: {  	s10 =	sld [smem:$0x3FAF];
	_ =	sdelay $0x3  }
0x36: {  	p1 =	seq.s32 s10, $0x1;
	s10 =	sld [smem:$0x3FB0];
	_ =	sdelay $0x3  }
0x37: {  	[smem:$0x3FB0] =	sst s10  }
0x38: {  	s10 =	sld [smem:$0x3FB1]  }
0x39: {  	_ = 	snop;
	(pc) =	sbr.ind lr, $3  }
0x3a: {  	_ = 	snop  }
0x3b: {  	_ = 	snop  }
0x3c: {  	p2 =	seq.s32 s10, $0x1;
	s10 =	sld [smem:$0x3FB0]  }
0x3d: {  	_ =	shalt  }
0x3e: {  	_ =	shalt  }
0x3f: {  	_ =	shalt  }
0x40: {  	_ =	shalt  }
0x41: {  	_ =	shalt  }
0x42: {  	_ =	shalt  }
0x43: {  	_ =	shalt  }
0x44: {  	_ =	shalt  }
0x45: {  	_ =	shalt  }
0x46: {  	_ =	shalt  }
0x47: {  	_ =	shalt  }
0x48: {  	_ =	shalt  }
0x49: {  	_ =	shalt  }
0x4a: {  	_ =	shalt  }
0x4b: {  	_ =	shalt  }
0x4c: {  	_ =	shalt  }
0x4d: {  	_ =	shalt  }
0x4e: {  	_ =	shalt  }
0x4f: {  	_ =	shalt  }
0x50: {  	_ =	shalt  }
0x51: {  	_ =	shalt  }
0x52: {  	_ =	shalt  }
0x53: {  	_ =	shalt  }
0x54: {  	_ =	shalt  }
0x55: {  	_ =	shalt  }
0x56: {  	_ =	shalt  }
0x57: {  	_ =	shalt  }
0x58: {  	_ =	shalt  }
0x59: {  	_ =	shalt  }
0x5a: {  	_ =	shalt  }
0x5b: {  	_ =	shalt  }
0x5c: {  	_ =	shalt  }
0x5d: {  	_ =	shalt  }
0x5e: {  	_ =	shalt  }
0x5f: {  	_ =	shalt  }
0x60: {  	_ =	shalt  }
0x61: {  	_ =	shalt  }
0x62: {  	_ =	shalt  }
0x63: {  	_ =	shalt  }
0x64: {  	_ =	shalt  }
0x65: {  	_ =	shalt  }
0x66: {  	_ =	shalt  }
0x67: {  	_ =	shalt  }
0x68: {  	_ =	shalt  }
0x69: {  	_ =	shalt  }
0x6a: {  	_ =	shalt  }
0x6b: {  	_ =	shalt  }
0x6c: {  	_ =	shalt  }
0x6d: {  	_ =	shalt  }
0x6e: {  	_ =	shalt  }
0x6f: {  	_ =	shalt  }
0x70: {  	_ =	shalt  }
0x71: {  	_ =	shalt  }
0x72: {  	_ =	shalt  }
0x73: {  	_ =	shalt  }
0x74: {  	_ =	shalt  }
0x75: {  	_ =	shalt  }
0x76: {  	_ =	shalt  }
0x77: {  	_ =	shalt  }
0x78: {  	_ =	shalt  }
0x79: {  	_ =	shalt  }
0x7a: {  	_ =	shalt  }
0x7b: {  	_ =	shalt  }
0x7c: {  	_ =	shalt  }
0x7d: {  	_ =	shalt  }
0x7e: {  	_ =	shalt  }
0x7f: {  	_ =	shalt  }
0x80: {  	_ =	shalt  }
0x81: {  	_ =	shalt  }
0x82: {  	_ =	shalt  }
0x83: {  	_ =	shalt  }
0x84: {  	_ =	shalt  }
0x85: {  	_ =	shalt  }
0x86: {  	_ =	shalt  }
0x87: {  	_ =	shalt  }
.Lfunc_end0:
.L_simem_size_0:
called_computation.1_lowered:
.L_overlay_start_0:
0x88: {  	s2 =	sld [smem:$0x3FD9]  }
0x89: {  	s3 =	sld [smem:$0x3FFE];
	_ =	sdelay $0x1  }
0x8a: {  	s1 =	srdreg.scid  }
0x8b: {  	s0 =	sand.u32 $0x1, s1  }
0x8c: {  	s14 =	sshll.u32 s0, $0xA;
	s2 =	sadd.s32 s3, s2  }
0x8d: {  	s2 =	sadd.s32 s2, s14  }
0x8e: {  	[smem:$0x3FBC] =	sst s2  }
0x8f: {  	_ = 	snop  }
0x90: {  	s2 =	sld [smem:$0x3FD0];
	_ =	sdelay $0x2  }
0x91: {  	s15 =	simm.s32 $0xA;
	s4 =	simm.s32 $0x10  }
0x92: {  	[smem:s4], [sflag:s15] =	dma.local [hbm:s2], $0x1  }
0x93: {  	_ =	swait.eq [sflag:s15], $0x1  }
0x94: {  	s16 =	sld [smem:$0x11];
	[sflag:s15] =	ssyncset.done $0x0  }
0x95: {  	s17 =	sld [smem:$0x12];
	[sflag:s15] =	ssyncadd.s32 $0xFFFFFFFF  }
0x96: {  	s18 =	sld [smem:$0x13];
	(tm) =	ssettm $0x1  }
0x97: {  	s5 =	sld [smem:$0x3FFB];
	_ =	sdelay $0x3  }
0x98: {  	_ =	strace s5  }
0x99: {  	s5 =	sld [smem:$0x3FFC];
	_ =	sdelay $0x3  }
0x9a: {  	_ =	strace s5  }
0x9b: {  	s5 =	sld [smem:$0x3FFD];
	_ =	sdelay $0x3  }
0x9c: {  	_ =	strace s5  }
0x9d: {  	_ =	strace $0x8FFFFFFF  }
0x9e: {  	s19 =	sld [smem:$0x3FDB];
	_ =	sdelay $0x1  }
0x9f: {  	s6 =	simm.s32 $_scs_section_size  }
0xa0: {  	s7 =	simm.s32 $_size__tile_overlayer_lowered;
	s8 =	simm.s32 $_tile_overlayer_lowered  }
0xa1: {  	s22 =	simm.s32 $0x1BFF;
	s21 =	sshll.u32 s8, $0x1;
	s5 =	sadd.s32 s6, s19  }
0xa2: {  	s9 =	simm.s32 $0x0;
	s20 =	sshll.u32 s7, $0x1;
	s7 =	sadd.s32 s21, s5  }
0xa3: {  	[timem:s9], [sflag:s22] =	dma.local [hbm:s7], s20  }
0xa4: {  	_ =	swait.ge [sflag:s22], s20  }
0xa5: {  	s6 =	ssub.s32 $0x0, s20;
	[sflag:s22] =	ssyncset.done $0x0  }
0xa6: {  	[sflag:s22] =	ssyncadd.s32 s6;
	_ =	sdelay $0x1  }
0xa7: {  	s23 =	simm.s32 $0x1B8B  }
0xa8: {  	_ =	swait.ge [sflag:s23], $0x1  }
0xa9: {  	[sflag:s23] =	ssyncset.done $0x0  }
0xaa: {  	s25 =	simm.s32 $0x1B8E;
	s24 =	sld [smem:$0x3FFE];
	[sflag:s23] =	ssyncadd.s32 $0xFFFFFFFF  }
0xab: {  	s26 =	simm.s32 $execute0_lowered;
	[smem:$0x3FD2] =	sst s25  }
0xac: {  	s7 =	sshll.u32 s26, $0x1;
	_ =	strace $0x80000049;
	[dreg:$0x1] =	wrdreg $0xFFFFFFFF  }
0xad: {  	s28 =	simm.s32 $_size_execute0_lowered;
	s5 =	sadd.s32 s5, s7;
	[dreg:$0x0] =	wrdreg $0x0  }
0xae: {  	s7 =	sshll.u32 s28, $0x1;
	[dreg:$0x2] =	wrdreg s5  }
0xaf: {  	[dreg:$0x3] =	wrdreg s7  }
0xb0: {  	[dreg:$0x4] =	wrdreg $0xC0  }
0xb1: {  	_ =	task [dreg:s9], $0x5FFFF  }
0xb2: {  	[dreg:$0x1] =	wrdreg $0xFFFFFFFF  }
0xb3: {  	[dreg:$0x0] =	wrdreg $0x60  }
0xb4: {  	[dreg:$0x2] =	wrdreg s24  }
0xb5: {  	[dreg:$0x3] =	wrdreg s16  }
0xb6: {  	[dreg:$0x4] =	wrdreg s17  }
0xb7: {  	[dreg:$0x5] =	wrdreg s18  }
0xb8: {  	[dreg:$0x6] =	wrdreg $0x82000  }
0xb9: {  	[dreg:$0x7] =	wrdreg $0x9  }
0xba: {  	_ =	task.clear_ibuf [dreg:s9], $0x8FFFF;
	_ =	strace $0x90000049  }
0xbb: {  	s29 =	simm.s32 $0x9;
	_ =	strace $0x8000004B  }
0xbc: {  	_ =	swait.ge [sflag:s29], $0x1  }
0xbd: {  	[sflag:s29] =	ssyncadd.s32 $0xFFFFFFFF  }
0xbe: {  	_ =	strace $0x9000004B  }
0xbf: {  	_ =	sfence  }
0xc0: {  	s30 =	sld [smem:$0x0];
	_ =	sdelay $0x2  }
0xc1: {  	s31 =	sshll.u32 s1, $0xD;
	s1 =	sshrl.u32 s1, $0x2  }
0xc2: {  	s3 =	sand.u32 $0x4000, s31;
	s1 =	sadd.s32 s1, s30  }
0xc3: {  	s0 =	sor.u32 s3, s0;
	s1 =	sshll.u32 s1, $0x11  }
0xc4: {  	s0 =	sor.u32 s1, s0  }
0xc5: {  	s0 =	sadd.s32 $0x8F2B, s0  }
0xc6: {  	[sflag:s0] =	ssyncadd.remote.s32 $0x1  }
0xc7: {  	_ =	sfence.sel $0xFFFF  }
0xc8: {  	[dreg:$0x0] =	wrdreg $0xFFFFFFFF;
	(pc) =	sbr.abs _section_cstart, $3  }
0xc9: {  	[dreg:$0x1] =	wrdreg $0xFFFFFFFF  }
0xca: {  	_ =	task.clear_ibuf [dreg:s9], $0x2FFFF;
	_ =	strace $0x9FFFFFFF  }
0xcb: {  	(tm) =	ssettm $0x7FFFFFFF  }
tec
execute0_lowered:
.L_overlay_start_1:
0x0: {  	(tag) =	ssettag $0x1  }
0x1: {  	s0 =	rddreg [dreg:$0x0]  }
0x2: {  	s1 =	rddreg [dreg:$0x1]  }
0x3: {  	s2 =	rddreg [dreg:$0x2]  }
0x4: {  	s5 =	rddreg [dreg:$0x4]  }
0x5: {  	s3 =	srdreg.scid;
	s11 =	stileid.u32;
	s6 =	simm.s32 $0x0  }
0x6: {  	s28 =	simm.s32 $0x3;
	s29 =	simm.s32 $0x100;
	s4 =	smul.u32 $0x278, s11  }
0x7: {  	s30 =	simm.s32 $0x80;
	s3 =	sand.u32 $0x1, s3;
	s9 =	smul.u32 $0x4F000, s11  }
0x8: {  	s31 =	simm.s32 $0x180;
	[smem:$0x7FF] =	sst s6;
	s8 =	smul.u32 $0x2780, s3  }
0x9: {  	s7 =	sadd.s32 $0x51E00, s0;
	s10 =	smul.u32 $0x4F000, s3;
	s3 =	ssub.s32 $0x2, s3  }
0xa: {  	s11 =	smul.u32 $0x4F00, s11;
	_ =	strace $0x8000004A;
	s16 =	sshrl.u32 s3, $0x1  }
0xb: {  	s17 =	sshrl.u32 s9, $0x2;
	s4 =	sadd.s32 s4, s8;
	s3 =	ssub.s32 s3, s16  }
0xc: {  	s8 =	sadd.s32 s17, s5;
	s18 =	sadd.s32 s11, s10;
	s4 =	sshll.u32 s4, $0x4  }
0xd: {  	s9 =	sadd.s32 $0x4000, s8;
	s10 =	sadd.s32 $0x8000, s8;
	s13 =	sshrl.u32 s18, $0x3  }
0xe: {  	s11 =	sadd.s32 $0xC000, s8;
	s12 =	sadd.s32 $0x10000, s8;
	s25 =	sadd.s32 $0x180, s18  }
0xf: {  	s0 =	sadd.s32 s4, s0;
	s14 =	sor.u32 $0x10, s13;
	s15 =	sadd.s32 s1, s13  }
0x10: {  	s13 =	sadd.s32 s2, s13;
	s26 =	sshrl.u32 s25, $0x3;
	[dreg:$0x6] =	wrdreg s15  }
0x11: {  	s25 =	sadd.s32 $0x100, s18;
	[dreg:$0x7] =	wrdreg s13;
	s21 =	sadd.s32 s1, s14  }
0x12: {  	s4 =	simm.s32 $0x2;
	s22 =	sadd.s32 s2, s14;
	[dreg:$0x8] =	wrdreg s21  }
0x13: {  	s23 =	sadd.s32 $0xA0E00, s0;
	s24 =	sadd.s32 $0xA1600, s0;
	[dreg:$0x9] =	wrdreg s22  }
0x14: {  	s19 =	sadd.s32 $0xA1E00, s0;
	s20 =	sadd.s32 $0xA2600, s0;
	[dreg:$0xa] =	wrdreg s23  }
0x15: {  	s13 =	simm.s32 $0x0;
	[dreg:$0xb] =	wrdreg s24;
	s21 =	sadd.s32 $0xA2E00, s0  }
0x16: {  	s22 =	smax.u32 s3, $0x1;
	s23 =	sadd.s32 s26, s2;
	s24 =	sadd.s32 s26, s1  }
0x17: {  	s26 =	simm.s32 $0x200;
	s0 =	simm.s32 $0x4200;
	s3 =	simm.s32 $0x1  }
.LBB2_1:
0x18: {  	s14 =	rddreg [dreg:$0x3]  }
0x19: {  	[tilespmem:s26], [sflag:$0x3] =	stream.linear.gather [hbm4b:s14+s6], $0x4000, $0x38;
	[tilespmem:$0x1BE00] =	vst v63  }
0x1a: {  	_ =	swait.ge [sflag:s28], $0x4000  }
0x1b: {  	[sflag:s28] =	ssyncset.done $0x0  }
0x1c: {  	[sflag:s28] =	ssyncadd.s32 $0xFFFFC000  }
0x1d: {  	[spmem:s8] =	stream.linear.scatter [tilespmem:s26], [sflag:$0x3], $0x4000, $0x38;
	[tilespmem:$0x1BE00] =	vst v63  }
0x1e: {  	_ =	swait.ge [sflag:s28], $0x4000  }
0x1f: {  	[sflag:s28] =	ssyncset.done $0x0  }
0x20: {  	[sflag:s28] =	ssyncadd.s32 $0xFFFFC000  }
0x21: {  	[spmem:s9] =	stream.linear.scatter [tilespmem:s26], [sflag:$0x3], $0x4000, $0x38;
	[tilespmem:$0x1BE00] =	vst v63  }
0x22: {  	_ =	swait.ge [sflag:s28], $0x4000  }
0x23: {  	[sflag:s28] =	ssyncset.done $0x0  }
0x24: {  	[sflag:s28] =	ssyncadd.s32 $0xFFFFC000  }
0x25: {  	[spmem:s10] =	stream.linear.scatter [tilespmem:s26], [sflag:$0x3], $0x4000, $0x38;
	[tilespmem:$0x1BE00] =	vst v63  }
0x26: {  	_ =	swait.ge [sflag:s28], $0x4000  }
0x27: {  	[sflag:s28] =	ssyncset.done $0x0  }
0x28: {  	[sflag:s28] =	ssyncadd.s32 $0xFFFFC000  }
0x29: {  	[spmem:s11] =	stream.linear.scatter [tilespmem:s26], [sflag:$0x3], $0x4000, $0x38;
	[tilespmem:$0x1BE00] =	vst v63  }
0x2a: {  	_ =	swait.ge [sflag:s28], $0x4000  }
0x2b: {  	[sflag:s28] =	ssyncset.done $0x0  }
0x2c: {  	[sflag:s28] =	ssyncadd.s32 $0xFFFFC000  }
0x2d: {  	[spmem:s12] =	stream.linear.scatter [tilespmem:s26], [sflag:$0x3], $0x3C00, $0x38;
	[tilespmem:$0x1BE00] =	vst v63  }
0x2e: {  	_ =	swait.ge [sflag:s28], $0x3C00  }
0x2f: {  	[sflag:s28] =	ssyncset.done $0x0  }
0x30: {  	[sflag:s28] =	ssyncadd.s32 $0xFFFFC400  }
0x31: {  	[bflag:$0x0] =	sbarrier.arrive $0xFFFF  }
0x32: {  	s16 =	rddreg [dreg:$0x6]  }
0x33: {  	[tilespmem:s6], [sflag:$0x3] =	stream.linear.gather [hbm4b:s16+s6], $0x80, $0x38;
	[tilespmem:$0x1BE00] =	vst v63  }
0x34: {  	_ =	swait.ge [sflag:s28], $0x80  }
0x35: {  	[sflag:s28] =	ssyncset.done $0x0  }
0x36: {  	s17 =	rddreg [dreg:$0x7];
	[sflag:s28] =	ssyncadd.s32 $0xFFFFFF80  }
0x37: {  	[tilespmem:s29], [sflag:$0x3] =	stream.linear.gather [hbm4b:s17+s6], $0x80, $0x38;
	[tilespmem:$0x1BE00] =	vst v63  }
0x38: {  	_ =	swait.ge [sflag:s28], $0x80  }
0x39: {  	[sflag:s28] =	ssyncset.done $0x0  }
0x3a: {  	[sflag:s28] =	ssyncadd.s32 $0xFFFFFF80  }
0x3b: {  	[tilespmem:s26], [sflag:$0x1] =	stream.indirect.gather [hbm4b:s7+s30], $0x80, s6, s30, $0xb8;
	[tilespmem:$0x1BE00] =	vst v63  }
0x3c: {  	s18 =	rddreg [dreg:$0x8]  }
0x3d: {  	[tilespmem:s30], [sflag:$0x3] =	stream.linear.gather [hbm4b:s18+s6], $0x80, $0x38;
	[tilespmem:$0x1BE00] =	vst v63  }
0x3e: {  	_ =	swait.ge [sflag:s28], $0x80  }
0x3f: {  	[sflag:s28] =	ssyncset.done $0x0  }
0x40: {  	s15 =	rddreg [dreg:$0x9];
	[sflag:s28] =	ssyncadd.s32 $0xFFFFFF80  }
0x41: {  	[tilespmem:s31], [sflag:$0x3] =	stream.linear.gather [hbm4b:s15+s6], $0x80, $0x38;
	[tilespmem:$0x1BE00] =	vst v63  }
0x42: {  	_ =	swait.ge [sflag:s28], $0x80  }
0x43: {  	[sflag:s28] =	ssyncset.done $0x0  }
0x44: {  	[sflag:s28] =	ssyncadd.s32 $0xFFFFFF80  }
0x45: {  	[tilespmem:s0], [sflag:$0x2] =	stream.indirect.gather [hbm4b:s7+s30], $0x80, s30, s30, $0xb8;
	[tilespmem:$0x1BE00] =	vst v63  }
0x46: {  	_ =	swait.ge [sflag:s3], $0x4000  }
0x47: {  	[sflag:s3] =	ssyncset.done $0x0  }
0x48: {  	[sflag:s3] =	ssyncadd.s32 $0xFFFFC000  }
0x49: {  	[spmem:s5] =	stream.indirect.scatter.add.f32 [tilespmem:s26], [sflag:$0x3], $0x80, s29, s30, $0xb8;
	[tilespmem:$0x1BE00] =	vst v63  }
0x4a: {  	_ =	swait.ge [sflag:s28], $0x4000  }
0x4b: {  	s16 =	sshrl.u32 s25, $0x3;
	[sflag:s28] =	ssyncset.done $0x0  }
0x4c: {  	s15 =	sadd.s32 s1, s16;
	[sflag:s28] =	ssyncadd.s32 $0xFFFFC000  }
0x4d: {  	[tilespmem:s6], [sflag:$0x3] =	stream.linear.gather [hbm4b:s15+s6], $0x80, $0x38;
	[tilespmem:$0x1BE00] =	vst v63  }
0x4e: {  	_ =	swait.ge [sflag:s28], $0x80  }
0x4f: {  	[sflag:s28] =	ssyncset.done $0x0  }
0x50: {  	s14 =	sadd.s32 s2, s16;
	[sflag:s28] =	ssyncadd.s32 $0xFFFFFF80  }
0x51: {  	[tilespmem:s29], [sflag:$0x3] =	stream.linear.gather [hbm4b:s14+s6], $0x80, $0x38;
	[tilespmem:$0x1BE00] =	vst v63  }
0x52: {  	_ =	swait.ge [sflag:s28], $0x80  }
0x53: {  	[sflag:s28] =	ssyncset.done $0x0  }
0x54: {  	[sflag:s28] =	ssyncadd.s32 $0xFFFFFF80  }
0x55: {  	[tilespmem:s26], [sflag:$0x1] =	stream.indirect.gather [hbm4b:s7+s30], $0x80, s6, s30, $0xb8;
	[tilespmem:$0x1BE00] =	vst v63  }
0x56: {  	_ =	swait.ge [sflag:s4], $0x4000  }
0x57: {  	[sflag:s4] =	ssyncset.done $0x0  }
0x58: {  	[sflag:s4] =	ssyncadd.s32 $0xFFFFC000  }
0x59: {  	[spmem:s5] =	stream.indirect.scatter.add.f32 [tilespmem:s0], [sflag:$0x3], $0x80, s31, s30, $0xb8;
	[tilespmem:$0x1BE00] =	vst v63  }
0x5a: {  	_ =	swait.ge [sflag:s28], $0x4000  }
0x5b: {  	[sflag:s28] =	ssyncset.done $0x0  }
0x5c: {  	s17 =	sadd.s32 $0x0, s24;
	[sflag:s28] =	ssyncadd.s32 $0xFFFFC000  }
0x5d: {  	[tilespmem:s30], [sflag:$0x3] =	stream.linear.gather [hbm4b:s17+s6], $0x80, $0x38;
	[tilespmem:$0x1BE00] =	vst v63  }
0x5e: {  	_ =	swait.ge [sflag:s28], $0x80  }
0x5f: {  	[sflag:s28] =	ssyncset.done $0x0  }
0x60: {  	s18 =	sadd.s32 $0x0, s23;
	[sflag:s28] =	ssyncadd.s32 $0xFFFFFF80  }
0x61: {  	[tilespmem:s31], [sflag:$0x3] =	stream.linear.gather [hbm4b:s18+s6], $0x80, $0x38;
	[tilespmem:$0x1BE00] =	vst v63  }
0x62: {  	_ =	swait.ge [sflag:s28], $0x80  }
0x63: {  	[sflag:s28] =	ssyncset.done $0x0  }
0x64: {  	s15 =	sadd.s32 $0x100, s25;
	s14 =	simm.s32 $0x20;
	[sflag:s28] =	ssyncadd.s32 $0xFFFFFF80  }
.LBB2_2:
0x65: {  	[tilespmem:s0], [sflag:$0x2] =	stream.indirect.gather [hbm4b:s7+s30], $0x80, s30, s30, $0xb8;
	[tilespmem:$0x1BE00] =	vst v63  }
0x66: {  	s16 =	smov.u32 s14  }
0x67: {  	p0 =	sne.s32 s14, $0x9A0;
	s14 =	sadd.s32 $0x20, s14;
	_ =	swait.ge [sflag:s3], $0x4000  }
0x68: {  	[sflag:s3] =	ssyncset.done $0x0  }
0x69: {  	[sflag:s3] =	ssyncadd.s32 $0xFFFFC000  }
0x6a: {  	[spmem:s5] =	stream.indirect.scatter.add.f32 [tilespmem:s26], [sflag:$0x3], $0x80, s29, s30, $0xb8;
	[tilespmem:$0x1BE00] =	vst v63  }
0x6b: {  	_ =	swait.ge [sflag:s28], $0x4000  }
0x6c: {  	s17 =	sshrl.u32 s15, $0x3;
	[sflag:s28] =	ssyncset.done $0x0  }
0x6d: {  	s18 =	sadd.s32 s1, s17;
	[sflag:s28] =	ssyncadd.s32 $0xFFFFC000  }
0x6e: {  	[tilespmem:s6], [sflag:$0x3] =	stream.linear.gather [hbm4b:s18+s6], $0x80, $0x38;
	[tilespmem:$0x1BE00] =	vst v63  }
0x6f: {  	_ =	swait.ge [sflag:s28], $0x80  }
0x70: {  	[sflag:s28] =	ssyncset.done $0x0  }
0x71: {  	s17 =	sadd.s32 s2, s17;
	[sflag:s28] =	ssyncadd.s32 $0xFFFFFF80  }
0x72: {  	[tilespmem:s29], [sflag:$0x3] =	stream.linear.gather [hbm4b:s17+s6], $0x80, $0x38;
	[tilespmem:$0x1BE00] =	vst v63  }
0x73: {  	_ =	swait.ge [sflag:s28], $0x80  }
0x74: {  	[sflag:s28] =	ssyncset.done $0x0  }
0x75: {  	[sflag:s28] =	ssyncadd.s32 $0xFFFFFF80  }
0x76: {  	[tilespmem:s26], [sflag:$0x1] =	stream.indirect.gather [hbm4b:s7+s30], $0x80, s6, s30, $0xb8;
	[tilespmem:$0x1BE00] =	vst v63  }
0x77: {  	_ =	swait.ge [sflag:s4], $0x4000  }
0x78: {  	[sflag:s4] =	ssyncset.done $0x0  }
0x79: {  	[sflag:s4] =	ssyncadd.s32 $0xFFFFC000  }
0x7a: {  	[spmem:s5] =	stream.indirect.scatter.add.f32 [tilespmem:s0], [sflag:$0x3], $0x80, s31, s30, $0xb8;
	[tilespmem:$0x1BE00] =	vst v63  }
0x7b: {  	_ =	swait.ge [sflag:s28], $0x4000  }
0x7c: {  	[sflag:s28] =	ssyncset.done $0x0  }
0x7d: {  	s17 =	sadd.s32 s16, s24;
	[sflag:s28] =	ssyncadd.s32 $0xFFFFC000  }
0x7e: {  	[tilespmem:s30], [sflag:$0x3] =	stream.linear.gather [hbm4b:s17+s6], $0x80, $0x38;
	[tilespmem:$0x1BE00] =	vst v63  }
0x7f: {  	_ =	swait.ge [sflag:s28], $0x80  }
0x80: {  	[sflag:s28] =	ssyncset.done $0x0  }
.Ltmp0:
0x81: {  	s16 =	sadd.s32 s16, s23;
	[sflag:s28] =	ssyncadd.s32 $0xFFFFFF80;
	(pc) =	sbr.rel @p0 .LBB2_2-.Ltmp0, $4  }
0x82: {  	[tilespmem:s31], [sflag:$0x3] =	stream.linear.gather [hbm4b:s16+s6], $0x80, $0x38;
	[tilespmem:$0x1BE00] =	vst v63  }
0x83: {  	_ =	swait.ge [sflag:s28], $0x80  }
0x84: {  	[sflag:s28] =	ssyncset.done $0x0  }
0x85: {  	s15 =	sadd.s32 $0x100, s15;
	[sflag:s28] =	ssyncadd.s32 $0xFFFFFF80  }
0x86: {  	[tilespmem:s0], [sflag:$0x2] =	stream.indirect.gather [hbm4b:s7+s30], $0x80, s30, s30, $0xb8;
	[tilespmem:$0x1BE00] =	vst v63  }
0x87: {  	_ =	swait.ge [sflag:s3], $0x4000  }
0x88: {  	[sflag:s3] =	ssyncset.done $0x0  }
0x89: {  	[sflag:s3] =	ssyncadd.s32 $0xFFFFC000  }
0x8a: {  	[spmem:s5] =	stream.indirect.scatter.add.f32 [tilespmem:s26], [sflag:$0x3], $0x80, s29, s30, $0xb8;
	[tilespmem:$0x1BE00] =	vst v63  }
0x8b: {  	_ =	swait.ge [sflag:s28], $0x4000  }
0x8c: {  	[sflag:s28] =	ssyncset.done $0x0  }
0x8d: {  	[sflag:s28] =	ssyncadd.s32 $0xFFFFC000  }
0x8e: {  	_ =	swait.ge [sflag:s4], $0x4000  }
0x8f: {  	[sflag:s4] =	ssyncset.done $0x0  }
0x90: {  	[sflag:s4] =	ssyncadd.s32 $0xFFFFC000  }
0x91: {  	[spmem:s5] =	stream.indirect.scatter.add.f32 [tilespmem:s0], [sflag:$0x3], $0x80, s31, s30, $0xb8;
	[tilespmem:$0x1BE00] =	vst v63  }
0x92: {  	_ =	swait.ge [sflag:s28], $0x4000  }
0x93: {  	[sflag:s28] =	ssyncset.done $0x0  }
0x94: {  	[sflag:s28] =	ssyncadd.s32 $0xFFFFC000  }
0x95: {  	[bflag:$0x0] =	sbarrier.arrive $0xFFFF  }
0x96: {  	[tilespmem:s26], [sflag:$0x3] =	stream.linear.gather [spmem:s8], $0x4000, $0x38;
	[tilespmem:$0x1BE00] =	vst v63  }
0x97: {  	_ =	swait.ge [sflag:s28], $0x4000  }
0x98: {  	[sflag:s28] =	ssyncset.done $0x0  }
0x99: {  	s14 =	rddreg [dreg:$0xa];
	[sflag:s28] =	ssyncadd.s32 $0xFFFFC000  }
0x9a: {  	[hbm4b:s14+s6] =	stream.linear.scatter [tilespmem:s26], [sflag:$0x3], $0x4000, $0x38;
	[tilespmem:$0x1BE00] =	vst v63  }
0x9b: {  	_ =	swait.ge [sflag:s28], $0x4000  }
0x9c: {  	[sflag:s28] =	ssyncset.done $0x0  }
0x9d: {  	[sflag:s28] =	ssyncadd.s32 $0xFFFFC000  }
0x9e: {  	[tilespmem:s26], [sflag:$0x3] =	stream.linear.gather [spmem:s9], $0x4000, $0x38;
	[tilespmem:$0x1BE00] =	vst v63  }
0x9f: {  	_ =	swait.ge [sflag:s28], $0x4000  }
0xa0: {  	[sflag:s28] =	ssyncset.done $0x0  }
0xa1: {  	s18 =	rddreg [dreg:$0xb];
	[sflag:s28] =	ssyncadd.s32 $0xFFFFC000  }
0xa2: {  	[hbm4b:s18+s6] =	stream.linear.scatter [tilespmem:s26], [sflag:$0x3], $0x4000, $0x38;
	[tilespmem:$0x1BE00] =	vst v63  }
0xa3: {  	_ =	swait.ge [sflag:s28], $0x4000  }
0xa4: {  	[sflag:s28] =	ssyncset.done $0x0  }
0xa5: {  	[sflag:s28] =	ssyncadd.s32 $0xFFFFC000  }
0xa6: {  	[tilespmem:s26], [sflag:$0x3] =	stream.linear.gather [spmem:s10], $0x4000, $0x38;
	[tilespmem:$0x1BE00] =	vst v63  }
0xa7: {  	_ =	swait.ge [sflag:s28], $0x4000  }
0xa8: {  	[sflag:s28] =	ssyncset.done $0x0  }
0xa9: {  	[sflag:s28] =	ssyncadd.s32 $0xFFFFC000  }
0xaa: {  	[hbm4b:s19+s6] =	stream.linear.scatter [tilespmem:s26], [sflag:$0x3], $0x4000, $0x38;
	[tilespmem:$0x1BE00] =	vst v63  }
0xab: {  	_ =	swait.ge [sflag:s28], $0x4000  }
0xac: {  	[sflag:s28] =	ssyncset.done $0x0  }
0xad: {  	[sflag:s28] =	ssyncadd.s32 $0xFFFFC000  }
0xae: {  	[tilespmem:s26], [sflag:$0x3] =	stream.linear.gather [spmem:s11], $0x4000, $0x38;
	[tilespmem:$0x1BE00] =	vst v63  }
0xaf: {  	_ =	swait.ge [sflag:s28], $0x4000  }
0xb0: {  	[sflag:s28] =	ssyncset.done $0x0  }
0xb1: {  	[sflag:s28] =	ssyncadd.s32 $0xFFFFC000  }
0xb2: {  	[hbm4b:s20+s6] =	stream.linear.scatter [tilespmem:s26], [sflag:$0x3], $0x4000, $0x38;
	[tilespmem:$0x1BE00] =	vst v63  }
0xb3: {  	_ =	swait.ge [sflag:s28], $0x4000  }
0xb4: {  	[sflag:s28] =	ssyncset.done $0x0  }
0xb5: {  	[sflag:s28] =	ssyncadd.s32 $0xFFFFC000  }
0xb6: {  	[tilespmem:s26], [sflag:$0x3] =	stream.linear.gather [spmem:s12], $0x3C00, $0x38;
	[tilespmem:$0x1BE00] =	vst v63  }
0xb7: {  	s13 =	sadd.s32 $0x1, s13;
	_ =	swait.ge [sflag:s28], $0x3C00  }
0xb8: {  	p0 =	sne.s32 s13, s22;
	[sflag:s28] =	ssyncset.done $0x0  }
.Ltmp1:
0xb9: {  	[sflag:s28] =	ssyncadd.s32 $0xFFFFC400;
	(pc) =	sbr.rel @p0 .LBB2_1-.Ltmp1, $4  }
0xba: {  	[hbm4b:s21+s6] =	stream.linear.scatter [tilespmem:s26], [sflag:$0x3], $0x3C00, $0x38;
	[tilespmem:$0x1BE00] =	vst v63  }
0xbb: {  	_ =	swait.ge [sflag:s28], $0x3C00  }
0xbc: {  	[sflag:s28] =	ssyncset.done $0x0  }
0xbd: {  	[sflag:s28] =	ssyncadd.s32 $0xFFFFC400  }
0xbe: {  	_ =	sfence.sel $0x180000  }
0xbf: {  	[bflag:$0x0] =	sbarrier.arrive $0xFFFF  }
0xc0: {  	_ =	strace $0x9000004A  }
0xc1: {  	s0 =	stileid.u32;
	[bflag:$0x2] =	sbarrier.arrive $0xFFFF  }
0xc2: {  	p0 =	sne.s32 s0, $0x0;
	s0 =	rddreg [dreg:$0x5]  }
0xc3: {  	s0 =	sadd.s32 @!p0 $0x100000, s0  }
0xc4: {  	[sflag:s0] =	ssyncadd.tile.s32 @!p0 $0x1;
	_ =	shalt  }
.Lfunc_end2:
_tile_overlayer_lowered:
.L_overlay_start_2:
0xc5: {  	(tag) =	ssettag $0x2  }
0xc6: {  	s0 =	rddreg [dreg:$0x0];
	s2 =	stileid.u32  }
0xc7: {  	s1 =	rddreg [dreg:$0x1];
	p0 =	sne.s32 s2, $0x0  }
0xc8: {  	s3 =	rddreg [dreg:$0x2];
	[bflag:$0x3] =	sbarrier.arrive $0xFFFF;
	s2 =	simm.s32 @!p0 $0x1C03  }
0xc9: {  	[timem:s3], [sflag:s2] =	dma.local @!p0 [hbm:s0], s1  }
0xca: {  	s0 =	simm.s32 @!p0 $0x3  }
0xcb: {  	_ =	swait.ge @!p0 [sflag:s0], s1  }
0xcc: {  	s1 =	ssub.s32 @!p0 $0x0, s1;
	[sflag:s0] =	ssyncset.done @!p0 $0x0  }
0xcd: {  	[sflag:s0] =	ssyncadd.s32 @!p0 s1  }
0xce: {  	[bflag:$0x3] =	sbarrier.arrive $0xFFFF  }
0xcf: {  	_ =	shalt  }

// kernel: kernel.15.cloned.1.call-start
scs
__scs_entry_jumppad:
0x0: {  	(pc) =	sbr.rel $0x88, $3  }
0x1: {  	(tag) =	ssettag $0x0;
	lr =	simm.s32 $0x1  }
0x2: {  	[smem:$0x3F95] =	sst lr;
	_ =	strace $0xD0000000  }
0x3: {  	_ = 	snop  }
0x4: {  	_ = 	snop  }
0x5: {  	_ = 	snop  }
0x6: {  	_ = 	snop  }
0x7: {  	_ = 	snop  }
__scs_overlays_trampoline_lowered:
0x8: {  	[smem:$0x3FA4] =	sst s0  }
0x9: {  	[smem:$0x3FA5] =	sst s1  }
0xa: {  	[smem:$0x3FA6] =	sst s2  }
0xb: {  	[smem:$0x3FA7] =	sst s3  }
0xc: {  	[smem:$0x3FA8] =	sst s4  }
0xd: {  	[smem:$0x3FA9] =	sst s5  }
0xe: {  	[smem:$0x3FAA] =	sst s6  }
0xf: {  	[smem:$0x3FAB] =	sst s7  }
0x10: {  	[smem:$0x3FAC] =	sst s8  }
0x11: {  	[smem:$0x3FAD] =	sst s9;
	s0 =	simm.s32 @!p0 $0x0  }
0x12: {  	s1 =	sld [smem:$0x3F93];
	s0 =	simm.s32 @p0 $0x1  }
0x13: {  	[smem:$0x3FAE] =	sst s0;
	s0 =	simm.s32 @!p1 $0x0  }
0x14: {  	s2 =	sld [smem:$0x3F92];
	s0 =	simm.s32 @p1 $0x1  }
0x15: {  	[smem:$0x3FAF] =	sst s0;
	s0 =	simm.s32 @!p2 $0x0  }
0x16: {  	s3 =	sld [smem:$0x3FDB];
	s0 =	simm.s32 @p2 $0x1  }
0x17: {  	s4 =	simm.s32 $0x1BF5;
	[smem:$0x3FB1] =	sst s0  }
0x18: {  	s0 =	sld [smem:$0x3F94];
	_ =	swait.ge [sflag:s4], $0x0  }
0x19: {  	s7 =	sld [smem:$0x3F95]  }
0x1a: {  	s8 =	sadd.s32 $0xFFFFE003, lr  }
0x1b: {  	s9 =	sadd.s32 $0xFFFFFEF7, lr;
	s5 =	simm.s32 $0xFFFFFFFF;
	p2 =	slt.u32 s8, $0xFFFFF086  }
0x1c: {  	p1 =	slt.u32 s9, $0xF7A;
	s5 =	simm.s32 @!p2 $0x0  }
0x1d: {  	s5 =	simm.s32 @p1 $0x1;
	p0 =	seq.s32 s7, s2  }
0x1e: {  	s7 =	smul.u32 @!p0 $0xF7A, s2;
	p2 =	seq.s32 @!p0 s5, $0x0  }
0x1f: {  	s9 =	smul.u32 $0xF7A, s1;
	s8 =	simm.s32 @!p0 $0x1BF5;
	p2 =	por !p2, p0  }
0x20: {  	[sflag:s8] =	ssyncset.s32 @!p0 $0xFFFFF086;
	s6 =	sadd.s32 @!p0 s3, s7;
	s7 =	simm.s32 @!p0 $0x108  }
0x21: {  	s3 =	sadd.s32 s3, s9;
	s6 =	sadd.s32 @!p0 $0x88, s6;
	s7 =	simm.s32 @p2 $0x1082  }
0x22: {  	[simem:s7], [sflag:s8] =	dma.local @!p0 [hbm:s6], $0xF7A  }
0x23: {  	s9 =	sor.u32 $0xD0000000, s2;
	s6 =	simm.s32 $0x108;
	_ =	swait.ge @!p0 [sflag:s8], $0x0  }
0x24: {  	s3 =	sadd.s32 $0x88, s3;
	s6 =	simm.s32 @!p1 $0x1082;
	[sflag:s4] =	ssyncset.s32 $0xFFFFF086  }
0x25: {  	[simem:s6], [sflag:s4] =	dma.local [hbm:s3], $0xF7A  }
0x26: {  	[smem:$0x3F95] =	sst s1;
	(tag) =	ssettag s2;
	_ =	strace s9  }
0x27: {  	s1 =	sld [smem:$0x3FA5]  }
0x28: {  	s2 =	sld [smem:$0x3FA6]  }
0x29: {  	s4 =	sld [smem:$0x3FA8]  }
0x2a: {  	p0 =	seq.s32 s5, $0x0;
	s5 =	sld [smem:$0x3FA9]  }
0x2b: {  	s6 =	sld [smem:$0x3FAA]  }
0x2c: {  	s7 =	sld [smem:$0x3FAB]  }
0x2d: {  	s3 =	simm.s32 $0x108;
	s8 =	sld [smem:$0x3FAC]  }
0x2e: {  	s3 =	simm.s32 @!p0 $0x1082;
	s9 =	sld [smem:$0x3FAD]  }
0x2f: {  	lr =	sadd.s32 s0, s3;
	s0 =	sld [smem:$0x3FA4]  }
0x30: {  	s3 =	sld [smem:$0x3FA7]  }
0x31: {  	[smem:$0x3FB0] =	sst s10  }
0x32: {  	s10 =	sld [smem:$0x3FAE];
	_ =	sdelay $0x3  }
0x33: {  	p0 =	seq.s32 s10, $0x1;
	s10 =	sld [smem:$0x3FB0];
	_ =	sdelay $0x3  }
0x34: {  	[smem:$0x3FB0] =	sst s10  }
0x35: {  	s10 =	sld [smem:$0x3FAF];
	_ =	sdelay $0x3  }
0x36: {  	p1 =	seq.s32 s10, $0x1;
	s10 =	sld [smem:$0x3FB0];
	_ =	sdelay $0x3  }
0x37: {  	[smem:$0x3FB0] =	sst s10  }
0x38: {  	s10 =	sld [smem:$0x3FB1]  }
0x39: {  	_ = 	snop;
	(pc) =	sbr.ind lr, $3  }
0x3a: {  	_ = 	snop  }
0x3b: {  	_ = 	snop  }
0x3c: {  	p2 =	seq.s32 s10, $0x1;
	s10 =	sld [smem:$0x3FB0]  }
0x3d: {  	_ =	shalt  }
0x3e: {  	_ =	shalt  }
0x3f: {  	_ =	shalt  }
0x40: {  	_ =	shalt  }
0x41: {  	_ =	shalt  }
0x42: {  	_ =	shalt  }
0x43: {  	_ =	shalt  }
0x44: {  	_ =	shalt  }
0x45: {  	_ =	shalt  }
0x46: {  	_ =	shalt  }
0x47: {  	_ =	shalt  }
0x48: {  	_ =	shalt  }
0x49: {  	_ =	shalt  }
0x4a: {  	_ =	shalt  }
0x4b: {  	_ =	shalt  }
0x4c: {  	_ =	shalt  }
0x4d: {  	_ =	shalt  }
0x4e: {  	_ =	shalt  }
0x4f: {  	_ =	shalt  }
0x50: {  	_ =	shalt  }
0x51: {  	_ =	shalt  }
0x52: {  	_ =	shalt  }
0x53: {  	_ =	shalt  }
0x54: {  	_ =	shalt  }
0x55: {  	_ =	shalt  }
0x56: {  	_ =	shalt  }
0x57: {  	_ =	shalt  }
0x58: {  	_ =	shalt  }
0x59: {  	_ =	shalt  }
0x5a: {  	_ =	shalt  }
0x5b: {  	_ =	shalt  }
0x5c: {  	_ =	shalt  }
0x5d: {  	_ =	shalt  }
0x5e: {  	_ =	shalt  }
0x5f: {  	_ =	shalt  }
0x60: {  	_ =	shalt  }
0x61: {  	_ =	shalt  }
0x62: {  	_ =	shalt  }
0x63: {  	_ =	shalt  }
0x64: {  	_ =	shalt  }
0x65: {  	_ =	shalt  }
0x66: {  	_ =	shalt  }
0x67: {  	_ =	shalt  }
0x68: {  	_ =	shalt  }
0x69: {  	_ =	shalt  }
0x6a: {  	_ =	shalt  }
0x6b: {  	_ =	shalt  }
0x6c: {  	_ =	shalt  }
0x6d: {  	_ =	shalt  }
0x6e: {  	_ =	shalt  }
0x6f: {  	_ =	shalt  }
0x70: {  	_ =	shalt  }
0x71: {  	_ =	shalt  }
0x72: {  	_ =	shalt  }
0x73: {  	_ =	shalt  }
0x74: {  	_ =	shalt  }
0x75: {  	_ =	shalt  }
0x76: {  	_ =	shalt  }
0x77: {  	_ =	shalt  }
0x78: {  	_ =	shalt  }
0x79: {  	_ =	shalt  }
0x7a: {  	_ =	shalt  }
0x7b: {  	_ =	shalt  }
0x7c: {  	_ =	shalt  }
0x7d: {  	_ =	shalt  }
0x7e: {  	_ =	shalt  }
0x7f: {  	_ =	shalt  }
0x80: {  	_ =	shalt  }
0x81: {  	_ =	shalt  }
0x82: {  	_ =	shalt  }
0x83: {  	_ =	shalt  }
0x84: {  	_ =	shalt  }
0x85: {  	_ =	shalt  }
0x86: {  	_ =	shalt  }
0x87: {  	_ =	shalt  }
.Lfunc_end0:
.L_simem_size_0:
called_computation.2_lowered:
.L_overlay_start_0:
0x88: {  	s2 =	sld [smem:$0x3FD9]  }
0x89: {  	s3 =	sld [smem:$0x3FFE];
	_ =	sdelay $0x1  }
0x8a: {  	s1 =	srdreg.scid  }
0x8b: {  	s0 =	sand.u32 $0x1, s1  }
0x8c: {  	s14 =	sshll.u32 s0, $0xA;
	s2 =	sadd.s32 s3, s2  }
0x8d: {  	s2 =	sadd.s32 s2, s14  }
0x8e: {  	[smem:$0x3FBC] =	sst s2  }
0x8f: {  	_ = 	snop  }
0x90: {  	s2 =	sld [smem:$0x3FD0];
	_ =	sdelay $0x2  }
0x91: {  	s15 =	simm.s32 $0xA;
	s4 =	simm.s32 $0x10  }
0x92: {  	[smem:s4], [sflag:s15] =	dma.local [hbm:s2], $0x1  }
0x93: {  	_ =	swait.eq [sflag:s15], $0x1  }
0x94: {  	s16 =	sld [smem:$0x11];
	[sflag:s15] =	ssyncset.done $0x0  }
0x95: {  	s17 =	sld [smem:$0x12];
	[sflag:s15] =	ssyncadd.s32 $0xFFFFFFFF  }
0x96: {  	s18 =	sld [smem:$0x13];
	(tm) =	ssettm $0x1  }
0x97: {  	s5 =	sld [smem:$0x3FFB];
	_ =	sdelay $0x3  }
0x98: {  	_ =	strace s5  }
0x99: {  	s5 =	sld [smem:$0x3FFC];
	_ =	sdelay $0x3  }
0x9a: {  	_ =	strace s5  }
0x9b: {  	s5 =	sld [smem:$0x3FFD];
	_ =	sdelay $0x3  }
0x9c: {  	_ =	strace s5  }
0x9d: {  	_ =	strace $0x8FFFFFFF  }
0x9e: {  	s19 =	sld [smem:$0x3FDB];
	_ =	sdelay $0x1  }
0x9f: {  	s6 =	simm.s32 $_scs_section_size  }
0xa0: {  	s7 =	simm.s32 $_size__tile_overlayer_lowered;
	s8 =	simm.s32 $_tile_overlayer_lowered  }
0xa1: {  	s22 =	simm.s32 $0x1BFF;
	s21 =	sshll.u32 s8, $0x1;
	s5 =	sadd.s32 s6, s19  }
0xa2: {  	s9 =	simm.s32 $0x0;
	s20 =	sshll.u32 s7, $0x1;
	s7 =	sadd.s32 s21, s5  }
0xa3: {  	[timem:s9], [sflag:s22] =	dma.local [hbm:s7], s20  }
0xa4: {  	_ =	swait.ge [sflag:s22], s20  }
0xa5: {  	s6 =	ssub.s32 $0x0, s20;
	[sflag:s22] =	ssyncset.done $0x0  }
0xa6: {  	[sflag:s22] =	ssyncadd.s32 s6;
	_ =	sdelay $0x1  }
0xa7: {  	s23 =	simm.s32 $0x1B8B  }
0xa8: {  	_ =	swait.ge [sflag:s23], $0x1  }
0xa9: {  	[sflag:s23] =	ssyncset.done $0x0  }
0xaa: {  	s25 =	simm.s32 $0x1B8E;
	s24 =	sld [smem:$0x3FFE];
	[sflag:s23] =	ssyncadd.s32 $0xFFFFFFFF  }
0xab: {  	s26 =	simm.s32 $execute0_lowered;
	[smem:$0x3FD2] =	sst s25  }
0xac: {  	s7 =	sshll.u32 s26, $0x1;
	_ =	strace $0x8000004C;
	[dreg:$0x1] =	wrdreg $0xFFFFFFFF  }
0xad: {  	s28 =	simm.s32 $_size_execute0_lowered;
	s5 =	sadd.s32 s5, s7;
	[dreg:$0x0] =	wrdreg $0x0  }
0xae: {  	s7 =	sshll.u32 s28, $0x1;
	[dreg:$0x2] =	wrdreg s5  }
0xaf: {  	[dreg:$0x3] =	wrdreg s7  }
0xb0: {  	[dreg:$0x4] =	wrdreg $0xC0  }
0xb1: {  	_ =	task [dreg:s9], $0x5FFFF  }
0xb2: {  	[dreg:$0x1] =	wrdreg $0xFFFFFFFF  }
0xb3: {  	[dreg:$0x0] =	wrdreg $0x60  }
0xb4: {  	[dreg:$0x2] =	wrdreg s24  }
0xb5: {  	[dreg:$0x3] =	wrdreg s16  }
0xb6: {  	[dreg:$0x4] =	wrdreg s17  }
0xb7: {  	[dreg:$0x5] =	wrdreg s18  }
0xb8: {  	[dreg:$0x6] =	wrdreg $0x82000  }
0xb9: {  	[dreg:$0x7] =	wrdreg $0x9  }
0xba: {  	_ =	task.clear_ibuf [dreg:s9], $0x8FFFF;
	_ =	strace $0x9000004C  }
0xbb: {  	s29 =	simm.s32 $0x9;
	_ =	strace $0x8000004E  }
0xbc: {  	_ =	swait.ge [sflag:s29], $0x1  }
0xbd: {  	[sflag:s29] =	ssyncadd.s32 $0xFFFFFFFF  }
0xbe: {  	_ =	strace $0x9000004E  }
0xbf: {  	_ =	sfence  }
0xc0: {  	s30 =	sld [smem:$0x0];
	_ =	sdelay $0x2  }
0xc1: {  	s31 =	sshll.u32 s1, $0xD;
	s1 =	sshrl.u32 s1, $0x2  }
0xc2: {  	s3 =	sand.u32 $0x4000, s31;
	s1 =	sadd.s32 s1, s30  }
0xc3: {  	s0 =	sor.u32 s3, s0;
	s1 =	sshll.u32 s1, $0x11  }
0xc4: {  	s0 =	sor.u32 s1, s0  }
0xc5: {  	s0 =	sadd.s32 $0x8F2B, s0  }
0xc6: {  	[sflag:s0] =	ssyncadd.remote.s32 $0x1  }
0xc7: {  	_ =	sfence.sel $0xFFFF  }
0xc8: {  	[dreg:$0x0] =	wrdreg $0xFFFFFFFF;
	(pc) =	sbr.abs _section_cstart, $3  }
0xc9: {  	[dreg:$0x1] =	wrdreg $0xFFFFFFFF  }
0xca: {  	_ =	task.clear_ibuf [dreg:s9], $0x2FFFF;
	_ =	strace $0x9FFFFFFF  }
0xcb: {  	(tm) =	ssettm $0x7FFFFFFF  }
tec
execute0_lowered:
.L_overlay_start_1:
0x0: {  	(tag) =	ssettag $0x1  }
0x1: {  	s0 =	rddreg [dreg:$0x0]  }
0x2: {  	s1 =	rddreg [dreg:$0x1]  }
0x3: {  	s2 =	rddreg [dreg:$0x2]  }
0x4: {  	s5 =	rddreg [dreg:$0x4]  }
0x5: {  	s3 =	srdreg.scid;
	s11 =	stileid.u32;
	s6 =	simm.s32 $0x0  }
0x6: {  	s28 =	simm.s32 $0x3;
	s29 =	simm.s32 $0x100;
	s4 =	smul.u32 $0x278, s11  }
0x7: {  	s30 =	simm.s32 $0x80;
	s3 =	sand.u32 $0x1, s3;
	s9 =	smul.u32 $0x4F000, s11  }
0x8: {  	s31 =	simm.s32 $0x180;
	[smem:$0x7FF] =	sst s6;
	s8 =	smul.u32 $0x2780, s3  }
0x9: {  	s7 =	sadd.s32 $0x2E00, s0;
	s10 =	smul.u32 $0x4F000, s3;
	s3 =	ssub.s32 $0x2, s3  }
0xa: {  	s11 =	smul.u32 $0x4F00, s11;
	_ =	strace $0x8000004D;
	s16 =	sshrl.u32 s3, $0x1  }
0xb: {  	s17 =	sshrl.u32 s9, $0x2;
	s4 =	sadd.s32 s4, s8;
	s3 =	ssub.s32 s3, s16  }
0xc: {  	s8 =	sadd.s32 s17, s5;
	s18 =	sadd.s32 s11, s10;
	s4 =	sshll.u32 s4, $0x4  }
0xd: {  	s9 =	sadd.s32 $0x4000, s8;
	s10 =	sadd.s32 $0x8000, s8;
	s13 =	sshrl.u32 s18, $0x3  }
0xe: {  	s11 =	sadd.s32 $0xC000, s8;
	s12 =	sadd.s32 $0x10000, s8;
	s25 =	sadd.s32 $0x180, s18  }
0xf: {  	s0 =	sadd.s32 s4, s0;
	s14 =	sor.u32 $0x10, s13;
	s15 =	sadd.s32 s1, s13  }
0x10: {  	s13 =	sadd.s32 s2, s13;
	s26 =	sshrl.u32 s25, $0x3;
	[dreg:$0x6] =	wrdreg s15  }
0x11: {  	s25 =	sadd.s32 $0x100, s18;
	[dreg:$0x7] =	wrdreg s13;
	s21 =	sadd.s32 s1, s14  }
0x12: {  	s4 =	simm.s32 $0x2;
	s22 =	sadd.s32 s2, s14;
	[dreg:$0x8] =	wrdreg s21  }
0x13: {  	s23 =	sadd.s32 $0x51E00, s0;
	s24 =	sadd.s32 $0x52600, s0;
	[dreg:$0x9] =	wrdreg s22  }
0x14: {  	s19 =	sadd.s32 $0x52E00, s0;
	s20 =	sadd.s32 $0x53600, s0;
	[dreg:$0xa] =	wrdreg s23  }
0x15: {  	s13 =	simm.s32 $0x0;
	[dreg:$0xb] =	wrdreg s24;
	s21 =	sadd.s32 $0x53E00, s0  }
0x16: {  	s22 =	smax.u32 s3, $0x1;
	s23 =	sadd.s32 s26, s2;
	s24 =	sadd.s32 s26, s1  }
0x17: {  	s26 =	simm.s32 $0x200;
	s0 =	simm.s32 $0x4200;
	s3 =	simm.s32 $0x1  }
.LBB2_1:
0x18: {  	s14 =	rddreg [dreg:$0x3]  }
0x19: {  	[tilespmem:s26], [sflag:$0x3] =	stream.linear.gather [hbm4b:s14+s6], $0x4000, $0x38;
	[tilespmem:$0x1BE00] =	vst v63  }
0x1a: {  	_ =	swait.ge [sflag:s28], $0x4000  }
0x1b: {  	[sflag:s28] =	ssyncset.done $0x0  }
0x1c: {  	[sflag:s28] =	ssyncadd.s32 $0xFFFFC000  }
0x1d: {  	[spmem:s8] =	stream.linear.scatter [tilespmem:s26], [sflag:$0x3], $0x4000, $0x38;
	[tilespmem:$0x1BE00] =	vst v63  }
0x1e: {  	_ =	swait.ge [sflag:s28], $0x4000  }
0x1f: {  	[sflag:s28] =	ssyncset.done $0x0  }
0x20: {  	[sflag:s28] =	ssyncadd.s32 $0xFFFFC000  }
0x21: {  	[spmem:s9] =	stream.linear.scatter [tilespmem:s26], [sflag:$0x3], $0x4000, $0x38;
	[tilespmem:$0x1BE00] =	vst v63  }
0x22: {  	_ =	swait.ge [sflag:s28], $0x4000  }
0x23: {  	[sflag:s28] =	ssyncset.done $0x0  }
0x24: {  	[sflag:s28] =	ssyncadd.s32 $0xFFFFC000  }
0x25: {  	[spmem:s10] =	stream.linear.scatter [tilespmem:s26], [sflag:$0x3], $0x4000, $0x38;
	[tilespmem:$0x1BE00] =	vst v63  }
0x26: {  	_ =	swait.ge [sflag:s28], $0x4000  }
0x27: {  	[sflag:s28] =	ssyncset.done $0x0  }
0x28: {  	[sflag:s28] =	ssyncadd.s32 $0xFFFFC000  }
0x29: {  	[spmem:s11] =	stream.linear.scatter [tilespmem:s26], [sflag:$0x3], $0x4000, $0x38;
	[tilespmem:$0x1BE00] =	vst v63  }
0x2a: {  	_ =	swait.ge [sflag:s28], $0x4000  }
0x2b: {  	[sflag:s28] =	ssyncset.done $0x0  }
0x2c: {  	[sflag:s28] =	ssyncadd.s32 $0xFFFFC000  }
0x2d: {  	[spmem:s12] =	stream.linear.scatter [tilespmem:s26], [sflag:$0x3], $0x3C00, $0x38;
	[tilespmem:$0x1BE00] =	vst v63  }
0x2e: {  	_ =	swait.ge [sflag:s28], $0x3C00  }
0x2f: {  	[sflag:s28] =	ssyncset.done $0x0  }
0x30: {  	[sflag:s28] =	ssyncadd.s32 $0xFFFFC400  }
0x31: {  	[bflag:$0x0] =	sbarrier.arrive $0xFFFF  }
0x32: {  	s16 =	rddreg [dreg:$0x6]  }
0x33: {  	[tilespmem:s6], [sflag:$0x3] =	stream.linear.gather [hbm4b:s16+s6], $0x80, $0x38;
	[tilespmem:$0x1BE00] =	vst v63  }
0x34: {  	_ =	swait.ge [sflag:s28], $0x80  }
0x35: {  	[sflag:s28] =	ssyncset.done $0x0  }
0x36: {  	s17 =	rddreg [dreg:$0x7];
	[sflag:s28] =	ssyncadd.s32 $0xFFFFFF80  }
0x37: {  	[tilespmem:s29], [sflag:$0x3] =	stream.linear.gather [hbm4b:s17+s6], $0x80, $0x38;
	[tilespmem:$0x1BE00] =	vst v63  }
0x38: {  	_ =	swait.ge [sflag:s28], $0x80  }
0x39: {  	[sflag:s28] =	ssyncset.done $0x0  }
0x3a: {  	[sflag:s28] =	ssyncadd.s32 $0xFFFFFF80  }
0x3b: {  	[tilespmem:s26], [sflag:$0x1] =	stream.indirect.gather [hbm4b:s7+s30], $0x80, s6, s30, $0xb8;
	[tilespmem:$0x1BE00] =	vst v63  }
0x3c: {  	s18 =	rddreg [dreg:$0x8]  }
0x3d: {  	[tilespmem:s30], [sflag:$0x3] =	stream.linear.gather [hbm4b:s18+s6], $0x80, $0x38;
	[tilespmem:$0x1BE00] =	vst v63  }
0x3e: {  	_ =	swait.ge [sflag:s28], $0x80  }
0x3f: {  	[sflag:s28] =	ssyncset.done $0x0  }
0x40: {  	s15 =	rddreg [dreg:$0x9];
	[sflag:s28] =	ssyncadd.s32 $0xFFFFFF80  }
0x41: {  	[tilespmem:s31], [sflag:$0x3] =	stream.linear.gather [hbm4b:s15+s6], $0x80, $0x38;
	[tilespmem:$0x1BE00] =	vst v63  }
0x42: {  	_ =	swait.ge [sflag:s28], $0x80  }
0x43: {  	[sflag:s28] =	ssyncset.done $0x0  }
0x44: {  	[sflag:s28] =	ssyncadd.s32 $0xFFFFFF80  }
0x45: {  	[tilespmem:s0], [sflag:$0x2] =	stream.indirect.gather [hbm4b:s7+s30], $0x80, s30, s30, $0xb8;
	[tilespmem:$0x1BE00] =	vst v63  }
0x46: {  	_ =	swait.ge [sflag:s3], $0x4000  }
0x47: {  	[sflag:s3] =	ssyncset.done $0x0  }
0x48: {  	[sflag:s3] =	ssyncadd.s32 $0xFFFFC000  }
0x49: {  	[spmem:s5] =	stream.indirect.scatter.add.f32 [tilespmem:s26], [sflag:$0x3], $0x80, s29, s30, $0xb8;
	[tilespmem:$0x1BE00] =	vst v63  }
0x4a: {  	_ =	swait.ge [sflag:s28], $0x4000  }
0x4b: {  	s16 =	sshrl.u32 s25, $0x3;
	[sflag:s28] =	ssyncset.done $0x0  }
0x4c: {  	s15 =	sadd.s32 s1, s16;
	[sflag:s28] =	ssyncadd.s32 $0xFFFFC000  }
0x4d: {  	[tilespmem:s6], [sflag:$0x3] =	stream.linear.gather [hbm4b:s15+s6], $0x80, $0x38;
	[tilespmem:$0x1BE00] =	vst v63  }
0x4e: {  	_ =	swait.ge [sflag:s28], $0x80  }
0x4f: {  	[sflag:s28] =	ssyncset.done $0x0  }
0x50: {  	s14 =	sadd.s32 s2, s16;
	[sflag:s28] =	ssyncadd.s32 $0xFFFFFF80  }
0x51: {  	[tilespmem:s29], [sflag:$0x3] =	stream.linear.gather [hbm4b:s14+s6], $0x80, $0x38;
	[tilespmem:$0x1BE00] =	vst v63  }
0x52: {  	_ =	swait.ge [sflag:s28], $0x80  }
0x53: {  	[sflag:s28] =	ssyncset.done $0x0  }
0x54: {  	[sflag:s28] =	ssyncadd.s32 $0xFFFFFF80  }
0x55: {  	[tilespmem:s26], [sflag:$0x1] =	stream.indirect.gather [hbm4b:s7+s30], $0x80, s6, s30, $0xb8;
	[tilespmem:$0x1BE00] =	vst v63  }
0x56: {  	_ =	swait.ge [sflag:s4], $0x4000  }
0x57: {  	[sflag:s4] =	ssyncset.done $0x0  }
0x58: {  	[sflag:s4] =	ssyncadd.s32 $0xFFFFC000  }
0x59: {  	[spmem:s5] =	stream.indirect.scatter.add.f32 [tilespmem:s0], [sflag:$0x3], $0x80, s31, s30, $0xb8;
	[tilespmem:$0x1BE00] =	vst v63  }
0x5a: {  	_ =	swait.ge [sflag:s28], $0x4000  }
0x5b: {  	[sflag:s28] =	ssyncset.done $0x0  }
0x5c: {  	s17 =	sadd.s32 $0x0, s24;
	[sflag:s28] =	ssyncadd.s32 $0xFFFFC000  }
0x5d: {  	[tilespmem:s30], [sflag:$0x3] =	stream.linear.gather [hbm4b:s17+s6], $0x80, $0x38;
	[tilespmem:$0x1BE00] =	vst v63  }
0x5e: {  	_ =	swait.ge [sflag:s28], $0x80  }
0x5f: {  	[sflag:s28] =	ssyncset.done $0x0  }
0x60: {  	s18 =	sadd.s32 $0x0, s23;
	[sflag:s28] =	ssyncadd.s32 $0xFFFFFF80  }
0x61: {  	[tilespmem:s31], [sflag:$0x3] =	stream.linear.gather [hbm4b:s18+s6], $0x80, $0x38;
	[tilespmem:$0x1BE00] =	vst v63  }
0x62: {  	_ =	swait.ge [sflag:s28], $0x80  }
0x63: {  	[sflag:s28] =	ssyncset.done $0x0  }
0x64: {  	s15 =	sadd.s32 $0x100, s25;
	s14 =	simm.s32 $0x20;
	[sflag:s28] =	ssyncadd.s32 $0xFFFFFF80  }
.LBB2_2:
0x65: {  	[tilespmem:s0], [sflag:$0x2] =	stream.indirect.gather [hbm4b:s7+s30], $0x80, s30, s30, $0xb8;
	[tilespmem:$0x1BE00] =	vst v63  }
0x66: {  	s16 =	smov.u32 s14  }
0x67: {  	p0 =	sne.s32 s14, $0x9A0;
	s14 =	sadd.s32 $0x20, s14;
	_ =	swait.ge [sflag:s3], $0x4000  }
0x68: {  	[sflag:s3] =	ssyncset.done $0x0  }
0x69: {  	[sflag:s3] =	ssyncadd.s32 $0xFFFFC000  }
0x6a: {  	[spmem:s5] =	stream.indirect.scatter.add.f32 [tilespmem:s26], [sflag:$0x3], $0x80, s29, s30, $0xb8;
	[tilespmem:$0x1BE00] =	vst v63  }
0x6b: {  	_ =	swait.ge [sflag:s28], $0x4000  }
0x6c: {  	s17 =	sshrl.u32 s15, $0x3;
	[sflag:s28] =	ssyncset.done $0x0  }
0x6d: {  	s18 =	sadd.s32 s1, s17;
	[sflag:s28] =	ssyncadd.s32 $0xFFFFC000  }
0x6e: {  	[tilespmem:s6], [sflag:$0x3] =	stream.linear.gather [hbm4b:s18+s6], $0x80, $0x38;
	[tilespmem:$0x1BE00] =	vst v63  }
0x6f: {  	_ =	swait.ge [sflag:s28], $0x80  }
0x70: {  	[sflag:s28] =	ssyncset.done $0x0  }
0x71: {  	s17 =	sadd.s32 s2, s17;
	[sflag:s28] =	ssyncadd.s32 $0xFFFFFF80  }
0x72: {  	[tilespmem:s29], [sflag:$0x3] =	stream.linear.gather [hbm4b:s17+s6], $0x80, $0x38;
	[tilespmem:$0x1BE00] =	vst v63  }
0x73: {  	_ =	swait.ge [sflag:s28], $0x80  }
0x74: {  	[sflag:s28] =	ssyncset.done $0x0  }
0x75: {  	[sflag:s28] =	ssyncadd.s32 $0xFFFFFF80  }
0x76: {  	[tilespmem:s26], [sflag:$0x1] =	stream.indirect.gather [hbm4b:s7+s30], $0x80, s6, s30, $0xb8;
	[tilespmem:$0x1BE00] =	vst v63  }
0x77: {  	_ =	swait.ge [sflag:s4], $0x4000  }
0x78: {  	[sflag:s4] =	ssyncset.done $0x0  }
0x79: {  	[sflag:s4] =	ssyncadd.s32 $0xFFFFC000  }
0x7a: {  	[spmem:s5] =	stream.indirect.scatter.add.f32 [tilespmem:s0], [sflag:$0x3], $0x80, s31, s30, $0xb8;
	[tilespmem:$0x1BE00] =	vst v63  }
0x7b: {  	_ =	swait.ge [sflag:s28], $0x4000  }
0x7c: {  	[sflag:s28] =	ssyncset.done $0x0  }
0x7d: {  	s17 =	sadd.s32 s16, s24;
	[sflag:s28] =	ssyncadd.s32 $0xFFFFC000  }
0x7e: {  	[tilespmem:s30], [sflag:$0x3] =	stream.linear.gather [hbm4b:s17+s6], $0x80, $0x38;
	[tilespmem:$0x1BE00] =	vst v63  }
0x7f: {  	_ =	swait.ge [sflag:s28], $0x80  }
0x80: {  	[sflag:s28] =	ssyncset.done $0x0  }
.Ltmp0:
0x81: {  	s16 =	sadd.s32 s16, s23;
	[sflag:s28] =	ssyncadd.s32 $0xFFFFFF80;
	(pc) =	sbr.rel @p0 .LBB2_2-.Ltmp0, $4  }
0x82: {  	[tilespmem:s31], [sflag:$0x3] =	stream.linear.gather [hbm4b:s16+s6], $0x80, $0x38;
	[tilespmem:$0x1BE00] =	vst v63  }
0x83: {  	_ =	swait.ge [sflag:s28], $0x80  }
0x84: {  	[sflag:s28] =	ssyncset.done $0x0  }
0x85: {  	s15 =	sadd.s32 $0x100, s15;
	[sflag:s28] =	ssyncadd.s32 $0xFFFFFF80  }
0x86: {  	[tilespmem:s0], [sflag:$0x2] =	stream.indirect.gather [hbm4b:s7+s30], $0x80, s30, s30, $0xb8;
	[tilespmem:$0x1BE00] =	vst v63  }
0x87: {  	_ =	swait.ge [sflag:s3], $0x4000  }
0x88: {  	[sflag:s3] =	ssyncset.done $0x0  }
0x89: {  	[sflag:s3] =	ssyncadd.s32 $0xFFFFC000  }
0x8a: {  	[spmem:s5] =	stream.indirect.scatter.add.f32 [tilespmem:s26], [sflag:$0x3], $0x80, s29, s30, $0xb8;
	[tilespmem:$0x1BE00] =	vst v63  }
0x8b: {  	_ =	swait.ge [sflag:s28], $0x4000  }
0x8c: {  	[sflag:s28] =	ssyncset.done $0x0  }
0x8d: {  	[sflag:s28] =	ssyncadd.s32 $0xFFFFC000  }
0x8e: {  	_ =	swait.ge [sflag:s4], $0x4000  }
0x8f: {  	[sflag:s4] =	ssyncset.done $0x0  }
0x90: {  	[sflag:s4] =	ssyncadd.s32 $0xFFFFC000  }
0x91: {  	[spmem:s5] =	stream.indirect.scatter.add.f32 [tilespmem:s0], [sflag:$0x3], $0x80, s31, s30, $0xb8;
	[tilespmem:$0x1BE00] =	vst v63  }
0x92: {  	_ =	swait.ge [sflag:s28], $0x4000  }
0x93: {  	[sflag:s28] =	ssyncset.done $0x0  }
0x94: {  	[sflag:s28] =	ssyncadd.s32 $0xFFFFC000  }
0x95: {  	[bflag:$0x0] =	sbarrier.arrive $0xFFFF  }
0x96: {  	[tilespmem:s26], [sflag:$0x3] =	stream.linear.gather [spmem:s8], $0x4000, $0x38;
	[tilespmem:$0x1BE00] =	vst v63  }
0x97: {  	_ =	swait.ge [sflag:s28], $0x4000  }
0x98: {  	[sflag:s28] =	ssyncset.done $0x0  }
0x99: {  	s14 =	rddreg [dreg:$0xa];
	[sflag:s28] =	ssyncadd.s32 $0xFFFFC000  }
0x9a: {  	[hbm4b:s14+s6] =	stream.linear.scatter [tilespmem:s26], [sflag:$0x3], $0x4000, $0x38;
	[tilespmem:$0x1BE00] =	vst v63  }
0x9b: {  	_ =	swait.ge [sflag:s28], $0x4000  }
0x9c: {  	[sflag:s28] =	ssyncset.done $0x0  }
0x9d: {  	[sflag:s28] =	ssyncadd.s32 $0xFFFFC000  }
0x9e: {  	[tilespmem:s26], [sflag:$0x3] =	stream.linear.gather [spmem:s9], $0x4000, $0x38;
	[tilespmem:$0x1BE00] =	vst v63  }
0x9f: {  	_ =	swait.ge [sflag:s28], $0x4000  }
0xa0: {  	[sflag:s28] =	ssyncset.done $0x0  }
0xa1: {  	s18 =	rddreg [dreg:$0xb];
	[sflag:s28] =	ssyncadd.s32 $0xFFFFC000  }
0xa2: {  	[hbm4b:s18+s6] =	stream.linear.scatter [tilespmem:s26], [sflag:$0x3], $0x4000, $0x38;
	[tilespmem:$0x1BE00] =	vst v63  }
0xa3: {  	_ =	swait.ge [sflag:s28], $0x4000  }
0xa4: {  	[sflag:s28] =	ssyncset.done $0x0  }
0xa5: {  	[sflag:s28] =	ssyncadd.s32 $0xFFFFC000  }
0xa6: {  	[tilespmem:s26], [sflag:$0x3] =	stream.linear.gather [spmem:s10], $0x4000, $0x38;
	[tilespmem:$0x1BE00] =	vst v63  }
0xa7: {  	_ =	swait.ge [sflag:s28], $0x4000  }
0xa8: {  	[sflag:s28] =	ssyncset.done $0x0  }
0xa9: {  	[sflag:s28] =	ssyncadd.s32 $0xFFFFC000  }
0xaa: {  	[hbm4b:s19+s6] =	stream.linear.scatter [tilespmem:s26], [sflag:$0x3], $0x4000, $0x38;
	[tilespmem:$0x1BE00] =	vst v63  }
0xab: {  	_ =	swait.ge [sflag:s28], $0x4000  }
0xac: {  	[sflag:s28] =	ssyncset.done $0x0  }
0xad: {  	[sflag:s28] =	ssyncadd.s32 $0xFFFFC000  }
0xae: {  	[tilespmem:s26], [sflag:$0x3] =	stream.linear.gather [spmem:s11], $0x4000, $0x38;
	[tilespmem:$0x1BE00] =	vst v63  }
0xaf: {  	_ =	swait.ge [sflag:s28], $0x4000  }
0xb0: {  	[sflag:s28] =	ssyncset.done $0x0  }
0xb1: {  	[sflag:s28] =	ssyncadd.s32 $0xFFFFC000  }
0xb2: {  	[hbm4b:s20+s6] =	stream.linear.scatter [tilespmem:s26], [sflag:$0x3], $0x4000, $0x38;
	[tilespmem:$0x1BE00] =	vst v63  }
0xb3: {  	_ =	swait.ge [sflag:s28], $0x4000  }
0xb4: {  	[sflag:s28] =	ssyncset.done $0x0  }
0xb5: {  	[sflag:s28] =	ssyncadd.s32 $0xFFFFC000  }
0xb6: {  	[tilespmem:s26], [sflag:$0x3] =	stream.linear.gather [spmem:s12], $0x3C00, $0x38;
	[tilespmem:$0x1BE00] =	vst v63  }
0xb7: {  	s13 =	sadd.s32 $0x1, s13;
	_ =	swait.ge [sflag:s28], $0x3C00  }
0xb8: {  	p0 =	sne.s32 s13, s22;
	[sflag:s28] =	ssyncset.done $0x0  }
.Ltmp1:
0xb9: {  	[sflag:s28] =	ssyncadd.s32 $0xFFFFC400;
	(pc) =	sbr.rel @p0 .LBB2_1-.Ltmp1, $4  }
0xba: {  	[hbm4b:s21+s6] =	stream.linear.scatter [tilespmem:s26], [sflag:$0x3], $0x3C00, $0x38;
	[tilespmem:$0x1BE00] =	vst v63  }
0xbb: {  	_ =	swait.ge [sflag:s28], $0x3C00  }
0xbc: {  	[sflag:s28] =	ssyncset.done $0x0  }
0xbd: {  	[sflag:s28] =	ssyncadd.s32 $0xFFFFC400  }
0xbe: {  	_ =	sfence.sel $0x180000  }
0xbf: {  	[bflag:$0x0] =	sbarrier.arrive $0xFFFF  }
0xc0: {  	_ =	strace $0x9000004D  }
0xc1: {  	s0 =	stileid.u32;
	[bflag:$0x2] =	sbarrier.arrive $0xFFFF  }
0xc2: {  	p0 =	sne.s32 s0, $0x0;
	s0 =	rddreg [dreg:$0x5]  }
0xc3: {  	s0 =	sadd.s32 @!p0 $0x100000, s0  }
0xc4: {  	[sflag:s0] =	ssyncadd.tile.s32 @!p0 $0x1;
	_ =	shalt  }
.Lfunc_end2:
_tile_overlayer_lowered:
.L_overlay_start_2:
0xc5: {  	(tag) =	ssettag $0x2  }
0xc6: {  	s0 =	rddreg [dreg:$0x0];
	s2 =	stileid.u32  }
0xc7: {  	s1 =	rddreg [dreg:$0x1];
	p0 =	sne.s32 s2, $0x0  }
0xc8: {  	s3 =	rddreg [dreg:$0x2];
	[bflag:$0x3] =	sbarrier.arrive $0xFFFF;
	s2 =	simm.s32 @!p0 $0x1C03  }
0xc9: {  	[timem:s3], [sflag:s2] =	dma.local @!p0 [hbm:s0], s1  }
0xca: {  	s0 =	simm.s32 @!p0 $0x3  }
0xcb: {  	_ =	swait.ge @!p0 [sflag:s0], s1  }
0xcc: {  	s1 =	ssub.s32 @!p0 $0x0, s1;
	[sflag:s0] =	ssyncset.done @!p0 $0x0  }
0xcd: {  	[sflag:s0] =	ssyncadd.s32 @!p0 s1  }
0xce: {  	[bflag:$0x3] =	sbarrier.arrive $0xFFFF  }
0xcf: {  	_ =	shalt  }

// kernel: kernel.18.cloned.1.call-start
scs
__scs_entry_jumppad:
0x0: {  	(pc) =	sbr.rel $0x88, $3  }
0x1: {  	(tag) =	ssettag $0x0;
	lr =	simm.s32 $0x1  }
0x2: {  	[smem:$0x3F95] =	sst lr;
	_ =	strace $0xD0000000  }
0x3: {  	_ = 	snop  }
0x4: {  	_ = 	snop  }
0x5: {  	_ = 	snop  }
0x6: {  	_ = 	snop  }
0x7: {  	_ = 	snop  }
__scs_overlays_trampoline_lowered:
0x8: {  	[smem:$0x3FA4] =	sst s0  }
0x9: {  	[smem:$0x3FA5] =	sst s1  }
0xa: {  	[smem:$0x3FA6] =	sst s2  }
0xb: {  	[smem:$0x3FA7] =	sst s3  }
0xc: {  	[smem:$0x3FA8] =	sst s4  }
0xd: {  	[smem:$0x3FA9] =	sst s5  }
0xe: {  	[smem:$0x3FAA] =	sst s6  }
0xf: {  	[smem:$0x3FAB] =	sst s7  }
0x10: {  	[smem:$0x3FAC] =	sst s8  }
0x11: {  	[smem:$0x3FAD] =	sst s9;
	s0 =	simm.s32 @!p0 $0x0  }
0x12: {  	s1 =	sld [smem:$0x3F93];
	s0 =	simm.s32 @p0 $0x1  }
0x13: {  	[smem:$0x3FAE] =	sst s0;
	s0 =	simm.s32 @!p1 $0x0  }
0x14: {  	s2 =	sld [smem:$0x3F92];
	s0 =	simm.s32 @p1 $0x1  }
0x15: {  	[smem:$0x3FAF] =	sst s0;
	s0 =	simm.s32 @!p2 $0x0  }
0x16: {  	s3 =	sld [smem:$0x3FDB];
	s0 =	simm.s32 @p2 $0x1  }
0x17: {  	s4 =	simm.s32 $0x1BF5;
	[smem:$0x3FB1] =	sst s0  }
0x18: {  	s0 =	sld [smem:$0x3F94];
	_ =	swait.ge [sflag:s4], $0x0  }
0x19: {  	s7 =	sld [smem:$0x3F95]  }
0x1a: {  	s8 =	sadd.s32 $0xFFFFE003, lr  }
0x1b: {  	s9 =	sadd.s32 $0xFFFFFEF7, lr;
	s5 =	simm.s32 $0xFFFFFFFF;
	p2 =	slt.u32 s8, $0xFFFFF086  }
0x1c: {  	p1 =	slt.u32 s9, $0xF7A;
	s5 =	simm.s32 @!p2 $0x0  }
0x1d: {  	s5 =	simm.s32 @p1 $0x1;
	p0 =	seq.s32 s7, s2  }
0x1e: {  	s7 =	smul.u32 @!p0 $0xF7A, s2;
	p2 =	seq.s32 @!p0 s5, $0x0  }
0x1f: {  	s9 =	smul.u32 $0xF7A, s1;
	s8 =	simm.s32 @!p0 $0x1BF5;
	p2 =	por !p2, p0  }
0x20: {  	[sflag:s8] =	ssyncset.s32 @!p0 $0xFFFFF086;
	s6 =	sadd.s32 @!p0 s3, s7;
	s7 =	simm.s32 @!p0 $0x108  }
0x21: {  	s3 =	sadd.s32 s3, s9;
	s6 =	sadd.s32 @!p0 $0x88, s6;
	s7 =	simm.s32 @p2 $0x1082  }
0x22: {  	[simem:s7], [sflag:s8] =	dma.local @!p0 [hbm:s6], $0xF7A  }
0x23: {  	s9 =	sor.u32 $0xD0000000, s2;
	s6 =	simm.s32 $0x108;
	_ =	swait.ge @!p0 [sflag:s8], $0x0  }
0x24: {  	s3 =	sadd.s32 $0x88, s3;
	s6 =	simm.s32 @!p1 $0x1082;
	[sflag:s4] =	ssyncset.s32 $0xFFFFF086  }
0x25: {  	[simem:s6], [sflag:s4] =	dma.local [hbm:s3], $0xF7A  }
0x26: {  	[smem:$0x3F95] =	sst s1;
	(tag) =	ssettag s2;
	_ =	strace s9  }
0x27: {  	s1 =	sld [smem:$0x3FA5]  }
0x28: {  	s2 =	sld [smem:$0x3FA6]  }
0x29: {  	s4 =	sld [smem:$0x3FA8]  }
0x2a: {  	p0 =	seq.s32 s5, $0x0;
	s5 =	sld [smem:$0x3FA9]  }
0x2b: {  	s6 =	sld [smem:$0x3FAA]  }
0x2c: {  	s7 =	sld [smem:$0x3FAB]  }
0x2d: {  	s3 =	simm.s32 $0x108;
	s8 =	sld [smem:$0x3FAC]  }
0x2e: {  	s3 =	simm.s32 @!p0 $0x1082;
	s9 =	sld [smem:$0x3FAD]  }
0x2f: {  	lr =	sadd.s32 s0, s3;
	s0 =	sld [smem:$0x3FA4]  }
0x30: {  	s3 =	sld [smem:$0x3FA7]  }
0x31: {  	[smem:$0x3FB0] =	sst s10  }
0x32: {  	s10 =	sld [smem:$0x3FAE];
	_ =	sdelay $0x3  }
0x33: {  	p0 =	seq.s32 s10, $0x1;
	s10 =	sld [smem:$0x3FB0];
	_ =	sdelay $0x3  }
0x34: {  	[smem:$0x3FB0] =	sst s10  }
0x35: {  	s10 =	sld [smem:$0x3FAF];
	_ =	sdelay $0x3  }
0x36: {  	p1 =	seq.s32 s10, $0x1;
	s10 =	sld [smem:$0x3FB0];
	_ =	sdelay $0x3  }
0x37: {  	[smem:$0x3FB0] =	sst s10  }
0x38: {  	s10 =	sld [smem:$0x3FB1]  }
0x39: {  	_ = 	snop;
	(pc) =	sbr.ind lr, $3  }
0x3a: {  	_ = 	snop  }
0x3b: {  	_ = 	snop  }
0x3c: {  	p2 =	seq.s32 s10, $0x1;
	s10 =	sld [smem:$0x3FB0]  }
0x3d: {  	_ =	shalt  }
0x3e: {  	_ =	shalt  }
0x3f: {  	_ =	shalt  }
0x40: {  	_ =	shalt  }
0x41: {  	_ =	shalt  }
0x42: {  	_ =	shalt  }
0x43: {  	_ =	shalt  }
0x44: {  	_ =	shalt  }
0x45: {  	_ =	shalt  }
0x46: {  	_ =	shalt  }
0x47: {  	_ =	shalt  }
0x48: {  	_ =	shalt  }
0x49: {  	_ =	shalt  }
0x4a: {  	_ =	shalt  }
0x4b: {  	_ =	shalt  }
0x4c: {  	_ =	shalt  }
0x4d: {  	_ =	shalt  }
0x4e: {  	_ =	shalt  }
0x4f: {  	_ =	shalt  }
0x50: {  	_ =	shalt  }
0x51: {  	_ =	shalt  }
0x52: {  	_ =	shalt  }
0x53: {  	_ =	shalt  }
0x54: {  	_ =	shalt  }
0x55: {  	_ =	shalt  }
0x56: {  	_ =	shalt  }
0x57: {  	_ =	shalt  }
0x58: {  	_ =	shalt  }
0x59: {  	_ =	shalt  }
0x5a: {  	_ =	shalt  }
0x5b: {  	_ =	shalt  }
0x5c: {  	_ =	shalt  }
0x5d: {  	_ =	shalt  }
0x5e: {  	_ =	shalt  }
0x5f: {  	_ =	shalt  }
0x60: {  	_ =	shalt  }
0x61: {  	_ =	shalt  }
0x62: {  	_ =	shalt  }
0x63: {  	_ =	shalt  }
0x64: {  	_ =	shalt  }
0x65: {  	_ =	shalt  }
0x66: {  	_ =	shalt  }
0x67: {  	_ =	shalt  }
0x68: {  	_ =	shalt  }
0x69: {  	_ =	shalt  }
0x6a: {  	_ =	shalt  }
0x6b: {  	_ =	shalt  }
0x6c: {  	_ =	shalt  }
0x6d: {  	_ =	shalt  }
0x6e: {  	_ =	shalt  }
0x6f: {  	_ =	shalt  }
0x70: {  	_ =	shalt  }
0x71: {  	_ =	shalt  }
0x72: {  	_ =	shalt  }
0x73: {  	_ =	shalt  }
0x74: {  	_ =	shalt  }
0x75: {  	_ =	shalt  }
0x76: {  	_ =	shalt  }
0x77: {  	_ =	shalt  }
0x78: {  	_ =	shalt  }
0x79: {  	_ =	shalt  }
0x7a: {  	_ =	shalt  }
0x7b: {  	_ =	shalt  }
0x7c: {  	_ =	shalt  }
0x7d: {  	_ =	shalt  }
0x7e: {  	_ =	shalt  }
0x7f: {  	_ =	shalt  }
0x80: {  	_ =	shalt  }
0x81: {  	_ =	shalt  }
0x82: {  	_ =	shalt  }
0x83: {  	_ =	shalt  }
0x84: {  	_ =	shalt  }
0x85: {  	_ =	shalt  }
0x86: {  	_ =	shalt  }
0x87: {  	_ =	shalt  }
.Lfunc_end0:
.L_simem_size_0:
called_computation.3_lowered:
.L_overlay_start_0:
0x88: {  	s2 =	sld [smem:$0x3FD9]  }
0x89: {  	s3 =	sld [smem:$0x3FFE];
	_ =	sdelay $0x1  }
0x8a: {  	s1 =	srdreg.scid  }
0x8b: {  	s0 =	sand.u32 $0x1, s1  }
0x8c: {  	s14 =	sshll.u32 s0, $0xA;
	s2 =	sadd.s32 s3, s2  }
0x8d: {  	s2 =	sadd.s32 s2, s14  }
0x8e: {  	[smem:$0x3FBC] =	sst s2  }
0x8f: {  	_ = 	snop  }
0x90: {  	s2 =	sld [smem:$0x3FD0];
	_ =	sdelay $0x1  }
0x91: {  	s15 =	sld [smem:$0x3FC1]  }
0x92: {  	s5 =	simm.s32 $0xA;
	s6 =	simm.s32 $0x10;
	s4 =	sld [smem:$0x3FC0]  }
0x93: {  	[smem:s6], [sflag:s5] =	dma.local [hbm:s2], $0x1  }
0x94: {  	_ =	swait.eq [sflag:s5], $0x1  }
0x95: {  	[sflag:s5] =	ssyncset.done $0x0  }
0x96: {  	[sflag:s5] =	ssyncadd.s32 $0xFFFFFFFF  }
0x97: {  	s16 =	sld [smem:$0x10];
	(tm) =	ssettm $0x1  }
0x98: {  	s17 =	sld [smem:$0x3FFB];
	_ =	sdelay $0x3  }
0x99: {  	_ =	strace s17  }
0x9a: {  	s5 =	sld [smem:$0x3FFC];
	_ =	sdelay $0x3  }
0x9b: {  	_ =	strace s5  }
0x9c: {  	s5 =	sld [smem:$0x3FFD];
	_ =	sdelay $0x3  }
0x9d: {  	_ =	strace s5  }
0x9e: {  	_ =	strace $0x8FFFFFFF  }
0x9f: {  	s18 =	sld [smem:$0x3FDB];
	_ =	sdelay $0x1  }
0xa0: {  	s19 =	simm.s32 $_scs_section_size  }
0xa1: {  	s7 =	simm.s32 $_size__tile_overlayer_lowered;
	s8 =	simm.s32 $_tile_overlayer_lowered  }
0xa2: {  	s22 =	simm.s32 $0x1BFF;
	s21 =	sshll.u32 s8, $0x1;
	s5 =	sadd.s32 s19, s18  }
0xa3: {  	s9 =	simm.s32 $0x0;
	s20 =	sshll.u32 s7, $0x1;
	s7 =	sadd.s32 s21, s5  }
0xa4: {  	[timem:s9], [sflag:s22] =	dma.local [hbm:s7], s20  }
0xa5: {  	_ =	swait.ge [sflag:s22], s20  }
0xa6: {  	s6 =	ssub.s32 $0x0, s20;
	[sflag:s22] =	ssyncset.done $0x0  }
0xa7: {  	[sflag:s22] =	ssyncadd.s32 s6;
	_ =	sdelay $0x1  }
0xa8: {  	s23 =	simm.s32 $0x1B8B  }
0xa9: {  	_ =	swait.ge [sflag:s23], $0x1  }
0xaa: {  	[sflag:s23] =	ssyncset.done $0x0  }
0xab: {  	s25 =	simm.s32 $0x1B8E;
	s24 =	sld [smem:$0x3FFE];
	[sflag:s23] =	ssyncadd.s32 $0xFFFFFFFF  }
0xac: {  	s26 =	simm.s32 $execute0_lowered;
	[smem:$0x3FD2] =	sst s25  }
0xad: {  	s7 =	sshll.u32 s26, $0x1;
	_ =	strace $0x8000004F;
	[dreg:$0x1] =	wrdreg $0xFFFFFFFF  }
0xae: {  	s28 =	simm.s32 $_size_execute0_lowered;
	s5 =	sadd.s32 s5, s7;
	[dreg:$0x0] =	wrdreg $0x0  }
0xaf: {  	s7 =	sshll.u32 s28, $0x1;
	[dreg:$0x2] =	wrdreg s5  }
0xb0: {  	[dreg:$0x3] =	wrdreg s7  }
0xb1: {  	[dreg:$0x4] =	wrdreg $0xC0  }
0xb2: {  	_ =	task [dreg:s9], $0x5FFFF  }
0xb3: {  	[dreg:$0x1] =	wrdreg $0xFFFFFFFF  }
0xb4: {  	[dreg:$0x0] =	wrdreg $0x60  }
0xb5: {  	[dreg:$0x2] =	wrdreg s24  }
0xb6: {  	[dreg:$0x3] =	wrdreg s15  }
0xb7: {  	[dreg:$0x4] =	wrdreg s4  }
0xb8: {  	[dreg:$0x5] =	wrdreg s16  }
0xb9: {  	[dreg:$0x6] =	wrdreg $0x9  }
0xba: {  	_ =	task.clear_ibuf [dreg:s9], $0x7FFFF;
	_ =	strace $0x9000004F  }
0xbb: {  	s29 =	simm.s32 $0x9;
	_ =	strace $0x80000051  }
0xbc: {  	_ =	swait.ge [sflag:s29], $0x1  }
0xbd: {  	[sflag:s29] =	ssyncadd.s32 $0xFFFFFFFF  }
0xbe: {  	_ =	strace $0x90000051  }
0xbf: {  	_ =	sfence  }
0xc0: {  	s30 =	sld [smem:$0x0];
	_ =	sdelay $0x2  }
0xc1: {  	s31 =	sshll.u32 s1, $0xD;
	s1 =	sshrl.u32 s1, $0x2  }
0xc2: {  	s3 =	sand.u32 $0x4000, s31;
	s1 =	sadd.s32 s1, s30  }
0xc3: {  	s0 =	sor.u32 s3, s0;
	s1 =	sshll.u32 s1, $0x11  }
0xc4: {  	s0 =	sor.u32 s1, s0  }
0xc5: {  	s0 =	sadd.s32 $0x8F2B, s0  }
0xc6: {  	[sflag:s0] =	ssyncadd.remote.s32 $0x1  }
0xc7: {  	_ =	sfence.sel $0xFFFF  }
0xc8: {  	[dreg:$0x0] =	wrdreg $0xFFFFFFFF;
	(pc) =	sbr.abs _section_cstart, $3  }
0xc9: {  	[dreg:$0x1] =	wrdreg $0xFFFFFFFF  }
0xca: {  	_ =	task.clear_ibuf [dreg:s9], $0x2FFFF;
	_ =	strace $0x9FFFFFFF  }
0xcb: {  	(tm) =	ssettm $0x7FFFFFFF  }
tec
execute0_lowered:
.L_overlay_start_1:
0x0: {  	(tag) =	ssettag $0x1  }
0x1: {  	s6 =	rddreg [dreg:$0x0]  }
0x2: {  	s2 =	rddreg [dreg:$0x1]  }
0x3: {  	s3 =	rddreg [dreg:$0x2]  }
0x4: {  	s30 =	rddreg [dreg:$0x3];
	s0 =	srdreg.scid;
	s4 =	simm.s32 $0x0  }
0x5: {  	s1 =	stileid.u32;
	s5 =	sand.u32 $0x1, s0;
	[smem:$0x7FF] =	sst s4  }
0x6: {  	s16 =	sshll.u32 s1, $0xA;
	[dreg:$0xf] =	wrdreg s5;
	s17 =	sshll.u32 s5, $0x9  }
0x7: {  	s0 =	sadd.s32 $0x51E00, s6;
	s1 =	sor.u32 s17, s16;
	_ =	strace $0x80000050  }
0x8: {  	s18 =	sshrl.u32 s1, $0x3;
	s7 =	sshll.u32 s1, $0x4;
	s8 =	sor.u32 $0x80, s1  }
0x9: {  	s24 =	sor.u32 $0x100, s1;
	s26 =	sor.u32 $0x180, s1;
	s5 =	sadd.s32 s30, s18  }
0xa: {  	s19 =	sadd.s32 s0, s7;
	s20 =	sshrl.u32 s8, $0x3;
	[dreg:$0x5] =	wrdreg s5  }
0xb: {  	s22 =	sshll.u32 s8, $0x4;
	[dreg:$0x6] =	wrdreg s19;
	s21 =	sadd.s32 s30, s20  }
0xc: {  	s25 =	sshrl.u32 s24, $0x3;
	s23 =	sadd.s32 s0, s22;
	[dreg:$0x7] =	wrdreg s21  }
0xd: {  	s7 =	sshll.u32 s24, $0x4;
	s5 =	sadd.s32 s30, s25;
	[dreg:$0x8] =	wrdreg s23  }
0xe: {  	s10 =	sshrl.u32 s26, $0x3;
	s9 =	sadd.s32 s0, s7;
	[dreg:$0x9] =	wrdreg s5  }
0xf: {  	s12 =	sshll.u32 s26, $0x4;
	s11 =	sadd.s32 s30, s10;
	[dreg:$0xa] =	wrdreg s9  }
0x10: {  	s14 =	sor.u32 $0x4000, s1;
	s13 =	sadd.s32 s0, s12;
	[dreg:$0xb] =	wrdreg s11  }
0x11: {  	s15 =	sshrl.u32 s14, $0x3;
	[dreg:$0xc] =	wrdreg s13  }
0x12: {  	s7 =	sshll.u32 s14, $0x4;
	s5 =	sadd.s32 s30, s15;
	s16 =	rddreg [dreg:$0x5]  }
0x13: {  	s17 =	sadd.s32 s0, s7;
	[dreg:$0xd] =	wrdreg s5  }
0x14: {  	[dreg:$0xe] =	wrdreg s17;
	s5 =	simm.s32 $0x2  }
0x15: {  	[tilespmem:s4], [sflag:$0x2] =	stream.linear.gather [hbm4b:s16+s4], $0x80, $0x38;
	[tilespmem:$0x4080] =	vst v63  }
0x16: {  	_ =	swait.ge [sflag:s5], $0x80  }
0x17: {  	s6 =	sadd.s32 $0x2E00, s6;
	[sflag:s5] =	ssyncset.done $0x0  }
0x18: {  	s8 =	simm.s32 $0x1;
	s7 =	simm.s32 $0x80;
	[sflag:s5] =	ssyncadd.s32 $0xFFFFFF80  }
0x19: {  	[tilespmem:s7], [sflag:$0x1] =	stream.indirect.gather [hbm4b:s6+s7], $0x80, s4, s7, $0xb8;
	[tilespmem:$0x4080] =	vst v63  }
0x1a: {  	_ =	swait.ge [sflag:s8], $0x4000  }
0x1b: {  	[sflag:s8] =	ssyncset.done $0x0  }
0x1c: {  	s9 =	rddreg [dreg:$0x6];
	[sflag:s8] =	ssyncadd.s32 $0xFFFFC000  }
0x1d: {  	[hbm4b:s9+s4] =	stream.linear.scatter [tilespmem:s7], [sflag:$0x2], $0x4000, $0x38;
	[tilespmem:$0x4080] =	vst v63  }
0x1e: {  	_ =	swait.ge [sflag:s5], $0x4000  }
0x1f: {  	[sflag:s5] =	ssyncset.done $0x0  }
0x20: {  	s18 =	rddreg [dreg:$0x7];
	[sflag:s5] =	ssyncadd.s32 $0xFFFFC000  }
0x21: {  	[tilespmem:s4], [sflag:$0x2] =	stream.linear.gather [hbm4b:s18+s4], $0x80, $0x38;
	[tilespmem:$0x4080] =	vst v63  }
0x22: {  	_ =	swait.ge [sflag:s5], $0x80  }
0x23: {  	[sflag:s5] =	ssyncset.done $0x0  }
0x24: {  	[sflag:s5] =	ssyncadd.s32 $0xFFFFFF80  }
0x25: {  	[tilespmem:s7], [sflag:$0x1] =	stream.indirect.gather [hbm4b:s6+s7], $0x80, s4, s7, $0xb8;
	[tilespmem:$0x4080] =	vst v63  }
0x26: {  	_ =	swait.ge [sflag:s8], $0x4000  }
0x27: {  	[sflag:s8] =	ssyncset.done $0x0  }
0x28: {  	s19 =	rddreg [dreg:$0x8];
	[sflag:s8] =	ssyncadd.s32 $0xFFFFC000  }
0x29: {  	[hbm4b:s19+s4] =	stream.linear.scatter [tilespmem:s7], [sflag:$0x2], $0x4000, $0x38;
	[tilespmem:$0x4080] =	vst v63  }
0x2a: {  	_ =	swait.ge [sflag:s5], $0x4000  }
0x2b: {  	[sflag:s5] =	ssyncset.done $0x0  }
0x2c: {  	s20 =	rddreg [dreg:$0x9];
	[sflag:s5] =	ssyncadd.s32 $0xFFFFC000  }
0x2d: {  	[tilespmem:s4], [sflag:$0x2] =	stream.linear.gather [hbm4b:s20+s4], $0x80, $0x38;
	[tilespmem:$0x4080] =	vst v63  }
0x2e: {  	_ =	swait.ge [sflag:s5], $0x80  }
0x2f: {  	[sflag:s5] =	ssyncset.done $0x0  }
0x30: {  	[sflag:s5] =	ssyncadd.s32 $0xFFFFFF80  }
0x31: {  	[tilespmem:s7], [sflag:$0x1] =	stream.indirect.gather [hbm4b:s6+s7], $0x80, s4, s7, $0xb8;
	[tilespmem:$0x4080] =	vst v63  }
0x32: {  	_ =	swait.ge [sflag:s8], $0x4000  }
0x33: {  	[sflag:s8] =	ssyncset.done $0x0  }
0x34: {  	s21 =	rddreg [dreg:$0xa];
	[sflag:s8] =	ssyncadd.s32 $0xFFFFC000  }
0x35: {  	[hbm4b:s21+s4] =	stream.linear.scatter [tilespmem:s7], [sflag:$0x2], $0x4000, $0x38;
	[tilespmem:$0x4080] =	vst v63  }
0x36: {  	_ =	swait.ge [sflag:s5], $0x4000  }
0x37: {  	[sflag:s5] =	ssyncset.done $0x0  }
0x38: {  	s22 =	rddreg [dreg:$0xb];
	[sflag:s5] =	ssyncadd.s32 $0xFFFFC000  }
0x39: {  	[tilespmem:s4], [sflag:$0x2] =	stream.linear.gather [hbm4b:s22+s4], $0x80, $0x38;
	[tilespmem:$0x4080] =	vst v63  }
0x3a: {  	_ =	swait.ge [sflag:s5], $0x80  }
0x3b: {  	[sflag:s5] =	ssyncset.done $0x0  }
0x3c: {  	[sflag:s5] =	ssyncadd.s32 $0xFFFFFF80  }
0x3d: {  	[tilespmem:s7], [sflag:$0x1] =	stream.indirect.gather [hbm4b:s6+s7], $0x80, s4, s7, $0xb8;
	[tilespmem:$0x4080] =	vst v63  }
0x3e: {  	_ =	swait.ge [sflag:s8], $0x4000  }
0x3f: {  	[sflag:s8] =	ssyncset.done $0x0  }
0x40: {  	s23 =	rddreg [dreg:$0xc];
	[sflag:s8] =	ssyncadd.s32 $0xFFFFC000  }
0x41: {  	[hbm4b:s23+s4] =	stream.linear.scatter [tilespmem:s7], [sflag:$0x2], $0x4000, $0x38;
	[tilespmem:$0x4080] =	vst v63  }
0x42: {  	_ =	swait.ge [sflag:s5], $0x4000  }
0x43: {  	[sflag:s5] =	ssyncset.done $0x0  }
0x44: {  	s24 =	rddreg [dreg:$0xd];
	[sflag:s5] =	ssyncadd.s32 $0xFFFFC000  }
0x45: {  	[tilespmem:s4], [sflag:$0x2] =	stream.linear.gather [hbm4b:s24+s4], $0x80, $0x38;
	[tilespmem:$0x4080] =	vst v63  }
0x46: {  	_ =	swait.ge [sflag:s5], $0x80  }
0x47: {  	[sflag:s5] =	ssyncset.done $0x0  }
0x48: {  	[sflag:s5] =	ssyncadd.s32 $0xFFFFFF80  }
0x49: {  	[tilespmem:s7], [sflag:$0x1] =	stream.indirect.gather [hbm4b:s6+s7], $0x80, s4, s7, $0xb8;
	[tilespmem:$0x4080] =	vst v63  }
0x4a: {  	_ =	swait.ge [sflag:s8], $0x4000  }
0x4b: {  	[sflag:s8] =	ssyncset.done $0x0  }
0x4c: {  	s25 =	rddreg [dreg:$0xe];
	[sflag:s8] =	ssyncadd.s32 $0xFFFFC000  }
0x4d: {  	[hbm4b:s25+s4] =	stream.linear.scatter [tilespmem:s7], [sflag:$0x2], $0x4000, $0x38;
	[tilespmem:$0x4080] =	vst v63  }
0x4e: {  	s10 =	sor.u32 $0x4080, s1;
	_ =	swait.ge [sflag:s5], $0x4000  }
0x4f: {  	s26 =	sshrl.u32 s10, $0x3;
	[sflag:s5] =	ssyncset.done $0x0  }
0x50: {  	s9 =	sadd.s32 s30, s26;
	[sflag:s5] =	ssyncadd.s32 $0xFFFFC000  }
0x51: {  	[tilespmem:s4], [sflag:$0x2] =	stream.linear.gather [hbm4b:s9+s4], $0x80, $0x38;
	[tilespmem:$0x4080] =	vst v63  }
0x52: {  	_ =	swait.ge [sflag:s5], $0x80  }
0x53: {  	[sflag:s5] =	ssyncset.done $0x0  }
0x54: {  	[sflag:s5] =	ssyncadd.s32 $0xFFFFFF80  }
0x55: {  	[tilespmem:s7], [sflag:$0x1] =	stream.indirect.gather [hbm4b:s6+s7], $0x80, s4, s7, $0xb8;
	[tilespmem:$0x4080] =	vst v63  }
0x56: {  	_ =	swait.ge [sflag:s8], $0x4000  }
0x57: {  	s10 =	sshll.u32 s10, $0x4;
	[sflag:s8] =	ssyncset.done $0x0  }
0x58: {  	s10 =	sadd.s32 s0, s10;
	[sflag:s8] =	ssyncadd.s32 $0xFFFFC000  }
0x59: {  	[hbm4b:s10+s4] =	stream.linear.scatter [tilespmem:s7], [sflag:$0x2], $0x4000, $0x38;
	[tilespmem:$0x4080] =	vst v63  }
0x5a: {  	s12 =	sor.u32 $0x4100, s1;
	_ =	swait.ge [sflag:s5], $0x4000  }
0x5b: {  	s11 =	sshrl.u32 s12, $0x3;
	[sflag:s5] =	ssyncset.done $0x0  }
0x5c: {  	s11 =	sadd.s32 s30, s11;
	[sflag:s5] =	ssyncadd.s32 $0xFFFFC000  }
0x5d: {  	[tilespmem:s4], [sflag:$0x2] =	stream.linear.gather [hbm4b:s11+s4], $0x80, $0x38;
	[tilespmem:$0x4080] =	vst v63  }
0x5e: {  	_ =	swait.ge [sflag:s5], $0x80  }
0x5f: {  	[sflag:s5] =	ssyncset.done $0x0  }
0x60: {  	[sflag:s5] =	ssyncadd.s32 $0xFFFFFF80  }
0x61: {  	[tilespmem:s7], [sflag:$0x1] =	stream.indirect.gather [hbm4b:s6+s7], $0x80, s4, s7, $0xb8;
	[tilespmem:$0x4080] =	vst v63  }
0x62: {  	_ =	swait.ge [sflag:s8], $0x4000  }
0x63: {  	s12 =	sshll.u32 s12, $0x4;
	[sflag:s8] =	ssyncset.done $0x0  }
0x64: {  	s12 =	sadd.s32 s0, s12;
	[sflag:s8] =	ssyncadd.s32 $0xFFFFC000  }
0x65: {  	[hbm4b:s12+s4] =	stream.linear.scatter [tilespmem:s7], [sflag:$0x2], $0x4000, $0x38;
	[tilespmem:$0x4080] =	vst v63  }
0x66: {  	s14 =	sor.u32 $0x4180, s1;
	_ =	swait.ge [sflag:s5], $0x4000  }
0x67: {  	s13 =	sshrl.u32 s14, $0x3;
	[sflag:s5] =	ssyncset.done $0x0  }
0x68: {  	s13 =	sadd.s32 s30, s13;
	[sflag:s5] =	ssyncadd.s32 $0xFFFFC000  }
0x69: {  	[tilespmem:s4], [sflag:$0x2] =	stream.linear.gather [hbm4b:s13+s4], $0x80, $0x38;
	[tilespmem:$0x4080] =	vst v63  }
0x6a: {  	_ =	swait.ge [sflag:s5], $0x80  }
0x6b: {  	[sflag:s5] =	ssyncset.done $0x0  }
0x6c: {  	[sflag:s5] =	ssyncadd.s32 $0xFFFFFF80  }
0x6d: {  	[tilespmem:s7], [sflag:$0x1] =	stream.indirect.gather [hbm4b:s6+s7], $0x80, s4, s7, $0xb8;
	[tilespmem:$0x4080] =	vst v63  }
0x6e: {  	_ =	swait.ge [sflag:s8], $0x4000  }
0x6f: {  	s14 =	sshll.u32 s14, $0x4;
	[sflag:s8] =	ssyncset.done $0x0  }
0x70: {  	s14 =	sadd.s32 s0, s14;
	[sflag:s8] =	ssyncadd.s32 $0xFFFFC000  }
0x71: {  	[hbm4b:s14+s4] =	stream.linear.scatter [tilespmem:s7], [sflag:$0x2], $0x4000, $0x38;
	[tilespmem:$0x4080] =	vst v63  }
0x72: {  	s16 =	sor.u32 $0x8000, s1;
	_ =	swait.ge [sflag:s5], $0x4000  }
0x73: {  	s15 =	sshrl.u32 s16, $0x3;
	[sflag:s5] =	ssyncset.done $0x0  }
0x74: {  	s15 =	sadd.s32 s30, s15;
	[sflag:s5] =	ssyncadd.s32 $0xFFFFC000  }
0x75: {  	[tilespmem:s4], [sflag:$0x2] =	stream.linear.gather [hbm4b:s15+s4], $0x80, $0x38;
	[tilespmem:$0x4080] =	vst v63  }
0x76: {  	_ =	swait.ge [sflag:s5], $0x80  }
0x77: {  	[sflag:s5] =	ssyncset.done $0x0  }
0x78: {  	[sflag:s5] =	ssyncadd.s32 $0xFFFFFF80  }
0x79: {  	[tilespmem:s7], [sflag:$0x1] =	stream.indirect.gather [hbm4b:s2+s7], $0x80, s4, s7, $0xb8;
	[tilespmem:$0x4080] =	vst v63  }
0x7a: {  	_ =	swait.ge [sflag:s8], $0x4000  }
0x7b: {  	s16 =	sshll.u32 s16, $0x4;
	[sflag:s8] =	ssyncset.done $0x0  }
0x7c: {  	s16 =	sadd.s32 s0, s16;
	[sflag:s8] =	ssyncadd.s32 $0xFFFFC000  }
0x7d: {  	[hbm4b:s16+s4] =	stream.linear.scatter [tilespmem:s7], [sflag:$0x2], $0x4000, $0x38;
	[tilespmem:$0x4080] =	vst v63  }
0x7e: {  	s18 =	sor.u32 $0x8080, s1;
	_ =	swait.ge [sflag:s5], $0x4000  }
0x7f: {  	s17 =	sshrl.u32 s18, $0x3;
	[sflag:s5] =	ssyncset.done $0x0  }
0x80: {  	s17 =	sadd.s32 s30, s17;
	[sflag:s5] =	ssyncadd.s32 $0xFFFFC000  }
0x81: {  	[tilespmem:s4], [sflag:$0x2] =	stream.linear.gather [hbm4b:s17+s4], $0x80, $0x38;
	[tilespmem:$0x4080] =	vst v63  }
0x82: {  	_ =	swait.ge [sflag:s5], $0x80  }
0x83: {  	[sflag:s5] =	ssyncset.done $0x0  }
0x84: {  	[sflag:s5] =	ssyncadd.s32 $0xFFFFFF80  }
0x85: {  	[tilespmem:s7], [sflag:$0x1] =	stream.indirect.gather [hbm4b:s2+s7], $0x80, s4, s7, $0xb8;
	[tilespmem:$0x4080] =	vst v63  }
0x86: {  	_ =	swait.ge [sflag:s8], $0x4000  }
0x87: {  	s18 =	sshll.u32 s18, $0x4;
	[sflag:s8] =	ssyncset.done $0x0  }
0x88: {  	s18 =	sadd.s32 s0, s18;
	[sflag:s8] =	ssyncadd.s32 $0xFFFFC000  }
0x89: {  	[hbm4b:s18+s4] =	stream.linear.scatter [tilespmem:s7], [sflag:$0x2], $0x4000, $0x38;
	[tilespmem:$0x4080] =	vst v63  }
0x8a: {  	s20 =	sor.u32 $0x8100, s1;
	_ =	swait.ge [sflag:s5], $0x4000  }
0x8b: {  	s19 =	sshrl.u32 s20, $0x3;
	[sflag:s5] =	ssyncset.done $0x0  }
0x8c: {  	s19 =	sadd.s32 s30, s19;
	[sflag:s5] =	ssyncadd.s32 $0xFFFFC000  }
0x8d: {  	[tilespmem:s4], [sflag:$0x2] =	stream.linear.gather [hbm4b:s19+s4], $0x80, $0x38;
	[tilespmem:$0x4080] =	vst v63  }
0x8e: {  	_ =	swait.ge [sflag:s5], $0x80  }
0x8f: {  	[sflag:s5] =	ssyncset.done $0x0  }
0x90: {  	[sflag:s5] =	ssyncadd.s32 $0xFFFFFF80  }
0x91: {  	[tilespmem:s7], [sflag:$0x1] =	stream.indirect.gather [hbm4b:s2+s7], $0x80, s4, s7, $0xb8;
	[tilespmem:$0x4080] =	vst v63  }
0x92: {  	_ =	swait.ge [sflag:s8], $0x4000  }
0x93: {  	s20 =	sshll.u32 s20, $0x4;
	[sflag:s8] =	ssyncset.done $0x0  }
0x94: {  	s20 =	sadd.s32 s0, s20;
	[sflag:s8] =	ssyncadd.s32 $0xFFFFC000  }
0x95: {  	[hbm4b:s20+s4] =	stream.linear.scatter [tilespmem:s7], [sflag:$0x2], $0x4000, $0x38;
	[tilespmem:$0x4080] =	vst v63  }
0x96: {  	s22 =	sor.u32 $0x8180, s1;
	_ =	swait.ge [sflag:s5], $0x4000  }
0x97: {  	s21 =	sshrl.u32 s22, $0x3;
	[sflag:s5] =	ssyncset.done $0x0  }
0x98: {  	s21 =	sadd.s32 s30, s21;
	[sflag:s5] =	ssyncadd.s32 $0xFFFFC000  }
0x99: {  	[tilespmem:s4], [sflag:$0x2] =	stream.linear.gather [hbm4b:s21+s4], $0x80, $0x38;
	[tilespmem:$0x4080] =	vst v63  }
0x9a: {  	_ =	swait.ge [sflag:s5], $0x80  }
0x9b: {  	[sflag:s5] =	ssyncset.done $0x0  }
0x9c: {  	[sflag:s5] =	ssyncadd.s32 $0xFFFFFF80  }
0x9d: {  	[tilespmem:s7], [sflag:$0x1] =	stream.indirect.gather [hbm4b:s2+s7], $0x80, s4, s7, $0xb8;
	[tilespmem:$0x4080] =	vst v63  }
0x9e: {  	_ =	swait.ge [sflag:s8], $0x4000  }
0x9f: {  	s22 =	sshll.u32 s22, $0x4;
	[sflag:s8] =	ssyncset.done $0x0  }
0xa0: {  	s22 =	sadd.s32 s0, s22;
	[sflag:s8] =	ssyncadd.s32 $0xFFFFC000  }
0xa1: {  	[hbm4b:s22+s4] =	stream.linear.scatter [tilespmem:s7], [sflag:$0x2], $0x4000, $0x38;
	[tilespmem:$0x4080] =	vst v63  }
0xa2: {  	s24 =	sor.u32 $0xC000, s1;
	_ =	swait.ge [sflag:s5], $0x4000  }
0xa3: {  	s23 =	sshrl.u32 s24, $0x3;
	[sflag:s5] =	ssyncset.done $0x0  }
0xa4: {  	s23 =	sadd.s32 s30, s23;
	[sflag:s5] =	ssyncadd.s32 $0xFFFFC000  }
0xa5: {  	[tilespmem:s4], [sflag:$0x2] =	stream.linear.gather [hbm4b:s23+s4], $0x80, $0x38;
	[tilespmem:$0x4080] =	vst v63  }
0xa6: {  	_ =	swait.ge [sflag:s5], $0x80  }
0xa7: {  	[sflag:s5] =	ssyncset.done $0x0  }
0xa8: {  	[sflag:s5] =	ssyncadd.s32 $0xFFFFFF80  }
0xa9: {  	[tilespmem:s7], [sflag:$0x1] =	stream.indirect.gather [hbm4b:s3+s7], $0x80, s4, s7, $0xb8;
	[tilespmem:$0x4080] =	vst v63  }
0xaa: {  	_ =	swait.ge [sflag:s8], $0x4000  }
0xab: {  	s24 =	sshll.u32 s24, $0x4;
	[sflag:s8] =	ssyncset.done $0x0  }
0xac: {  	s24 =	sadd.s32 s0, s24;
	[sflag:s8] =	ssyncadd.s32 $0xFFFFC000  }
0xad: {  	[hbm4b:s24+s4] =	stream.linear.scatter [tilespmem:s7], [sflag:$0x2], $0x4000, $0x38;
	[tilespmem:$0x4080] =	vst v63  }
0xae: {  	s26 =	sor.u32 $0xC080, s1;
	_ =	swait.ge [sflag:s5], $0x4000  }
0xaf: {  	s25 =	sshrl.u32 s26, $0x3;
	[sflag:s5] =	ssyncset.done $0x0  }
0xb0: {  	s25 =	sadd.s32 s30, s25;
	[sflag:s5] =	ssyncadd.s32 $0xFFFFC000  }
0xb1: {  	[tilespmem:s4], [sflag:$0x2] =	stream.linear.gather [hbm4b:s25+s4], $0x80, $0x38;
	[tilespmem:$0x4080] =	vst v63  }
0xb2: {  	_ =	swait.ge [sflag:s5], $0x80  }
0xb3: {  	[sflag:s5] =	ssyncset.done $0x0  }
0xb4: {  	[sflag:s5] =	ssyncadd.s32 $0xFFFFFF80  }
0xb5: {  	[tilespmem:s7], [sflag:$0x1] =	stream.indirect.gather [hbm4b:s3+s7], $0x80, s4, s7, $0xb8;
	[tilespmem:$0x4080] =	vst v63  }
0xb6: {  	_ =	swait.ge [sflag:s8], $0x4000  }
0xb7: {  	s26 =	sshll.u32 s26, $0x4;
	[sflag:s8] =	ssyncset.done $0x0  }
0xb8: {  	s26 =	sadd.s32 s0, s26;
	[dreg:$0x10] =	wrdreg s0;
	[sflag:s8] =	ssyncadd.s32 $0xFFFFC000  }
0xb9: {  	[hbm4b:s26+s4] =	stream.linear.scatter [tilespmem:s7], [sflag:$0x2], $0x4000, $0x38;
	[tilespmem:$0x4080] =	vst v63  }
0xba: {  	s29 =	sor.u32 $0xC100, s1;
	_ =	swait.ge [sflag:s5], $0x4000  }
0xbb: {  	s28 =	sshrl.u32 s29, $0x3;
	[sflag:s5] =	ssyncset.done $0x0  }
0xbc: {  	s28 =	sadd.s32 s30, s28;
	[sflag:s5] =	ssyncadd.s32 $0xFFFFC000  }
0xbd: {  	[tilespmem:s4], [sflag:$0x2] =	stream.linear.gather [hbm4b:s28+s4], $0x80, $0x38;
	[tilespmem:$0x4080] =	vst v63  }
0xbe: {  	_ =	swait.ge [sflag:s5], $0x80  }
0xbf: {  	[sflag:s5] =	ssyncset.done $0x0  }
0xc0: {  	[sflag:s5] =	ssyncadd.s32 $0xFFFFFF80  }
0xc1: {  	[tilespmem:s7], [sflag:$0x1] =	stream.indirect.gather [hbm4b:s3+s7], $0x80, s4, s7, $0xb8;
	[tilespmem:$0x4080] =	vst v63  }
0xc2: {  	_ =	swait.ge [sflag:s8], $0x4000  }
0xc3: {  	s29 =	sshll.u32 s29, $0x4;
	[sflag:s8] =	ssyncset.done $0x0  }
0xc4: {  	s29 =	sadd.s32 s0, s29;
	[sflag:s8] =	ssyncadd.s32 $0xFFFFC000  }
0xc5: {  	[hbm4b:s29+s4] =	stream.linear.scatter [tilespmem:s7], [sflag:$0x2], $0x4000, $0x38;
	[tilespmem:$0x4080] =	vst v63  }
0xc6: {  	s1 =	sor.u32 $0xC180, s1;
	_ =	swait.ge [sflag:s5], $0x4000  }
0xc7: {  	s31 =	sshrl.u32 s1, $0x3;
	[sflag:s5] =	ssyncset.done $0x0  }
0xc8: {  	s30 =	sadd.s32 s30, s31;
	[sflag:s5] =	ssyncadd.s32 $0xFFFFC000  }
0xc9: {  	[tilespmem:s4], [sflag:$0x2] =	stream.linear.gather [hbm4b:s30+s4], $0x80, $0x38;
	[tilespmem:$0x4080] =	vst v63  }
0xca: {  	_ =	swait.ge [sflag:s5], $0x80  }
0xcb: {  	[sflag:s5] =	ssyncset.done $0x0;
	s0 =	rddreg [dreg:$0xf]  }
0xcc: {  	s31 =	ssub.s32 $0x2, s0;
	[sflag:s5] =	ssyncadd.s32 $0xFFFFFF80  }
0xcd: {  	[tilespmem:s7], [sflag:$0x1] =	stream.indirect.gather [hbm4b:s3+s7], $0x80, s4, s7, $0xb8;
	[tilespmem:$0x4080] =	vst v63  }
0xce: {  	s0 =	sshrl.u32 s31, $0x1  }
0xcf: {  	s0 =	ssub.s32 s31, s0  }
0xd0: {  	s0 =	smax.u32 s0, $0x1  }
0xd1: {  	p0 =	sne.s32 s0, $0x1  }
.Ltmp0:
0xd2: {  	_ =	swait.ge [sflag:s8], $0x4000;
	(pc) =	sbr.rel @!p0 .LBB2_2-.Ltmp0, $4  }
0xd3: {  	s1 =	sshll.u32 s1, $0x4;
	[sflag:s8] =	ssyncset.done $0x0;
	s31 =	rddreg [dreg:$0x10]  }
0xd4: {  	s31 =	sadd.s32 s31, s1;
	[sflag:s8] =	ssyncadd.s32 $0xFFFFC000  }
0xd5: {  	[hbm4b:s31+s4] =	stream.linear.scatter [tilespmem:s7], [sflag:$0x2], $0x4000, $0x38;
	[tilespmem:$0x4080] =	vst v63  }
0xd6: {  	s0 =	sadd.s32 $0xFFFFFFFF, s0;
	_ =	swait.ge [sflag:s5], $0x4000  }
.LBB2_1:
0xd7: {  	[sflag:s5] =	ssyncset.done $0x0  }
0xd8: {  	s1 =	rddreg [dreg:$0x5];
	[sflag:s5] =	ssyncadd.s32 $0xFFFFC000  }
0xd9: {  	[tilespmem:s4], [sflag:$0x2] =	stream.linear.gather [hbm4b:s1+s4], $0x80, $0x38;
	[tilespmem:$0x4080] =	vst v63  }
0xda: {  	_ =	swait.ge [sflag:s5], $0x80  }
0xdb: {  	[sflag:s5] =	ssyncset.done $0x0  }
0xdc: {  	[sflag:s5] =	ssyncadd.s32 $0xFFFFFF80  }
0xdd: {  	[tilespmem:s7], [sflag:$0x1] =	stream.indirect.gather [hbm4b:s6+s7], $0x80, s4, s7, $0xb8;
	[tilespmem:$0x4080] =	vst v63  }
0xde: {  	_ =	swait.ge [sflag:s8], $0x4000  }
0xdf: {  	[sflag:s8] =	ssyncset.done $0x0  }
0xe0: {  	s1 =	rddreg [dreg:$0x6];
	[sflag:s8] =	ssyncadd.s32 $0xFFFFC000  }
0xe1: {  	[hbm4b:s1+s4] =	stream.linear.scatter [tilespmem:s7], [sflag:$0x2], $0x4000, $0x38;
	[tilespmem:$0x4080] =	vst v63  }
0xe2: {  	_ =	swait.ge [sflag:s5], $0x4000  }
0xe3: {  	[sflag:s5] =	ssyncset.done $0x0  }
0xe4: {  	s1 =	rddreg [dreg:$0x7];
	[sflag:s5] =	ssyncadd.s32 $0xFFFFC000  }
0xe5: {  	[tilespmem:s4], [sflag:$0x2] =	stream.linear.gather [hbm4b:s1+s4], $0x80, $0x38;
	[tilespmem:$0x4080] =	vst v63  }
0xe6: {  	_ =	swait.ge [sflag:s5], $0x80  }
0xe7: {  	[sflag:s5] =	ssyncset.done $0x0  }
0xe8: {  	[sflag:s5] =	ssyncadd.s32 $0xFFFFFF80  }
0xe9: {  	[tilespmem:s7], [sflag:$0x1] =	stream.indirect.gather [hbm4b:s6+s7], $0x80, s4, s7, $0xb8;
	[tilespmem:$0x4080] =	vst v63  }
0xea: {  	_ =	swait.ge [sflag:s8], $0x4000  }
0xeb: {  	[sflag:s8] =	ssyncset.done $0x0  }
0xec: {  	s1 =	rddreg [dreg:$0x8];
	[sflag:s8] =	ssyncadd.s32 $0xFFFFC000  }
0xed: {  	[hbm4b:s1+s4] =	stream.linear.scatter [tilespmem:s7], [sflag:$0x2], $0x4000, $0x38;
	[tilespmem:$0x4080] =	vst v63  }
0xee: {  	_ =	swait.ge [sflag:s5], $0x4000  }
0xef: {  	[sflag:s5] =	ssyncset.done $0x0  }
0xf0: {  	s1 =	rddreg [dreg:$0x9];
	[sflag:s5] =	ssyncadd.s32 $0xFFFFC000  }
0xf1: {  	[tilespmem:s4], [sflag:$0x2] =	stream.linear.gather [hbm4b:s1+s4], $0x80, $0x38;
	[tilespmem:$0x4080] =	vst v63  }
0xf2: {  	_ =	swait.ge [sflag:s5], $0x80  }
0xf3: {  	[sflag:s5] =	ssyncset.done $0x0  }
0xf4: {  	[sflag:s5] =	ssyncadd.s32 $0xFFFFFF80  }
0xf5: {  	[tilespmem:s7], [sflag:$0x1] =	stream.indirect.gather [hbm4b:s6+s7], $0x80, s4, s7, $0xb8;
	[tilespmem:$0x4080] =	vst v63  }
0xf6: {  	_ =	swait.ge [sflag:s8], $0x4000  }
0xf7: {  	[sflag:s8] =	ssyncset.done $0x0  }
0xf8: {  	s1 =	rddreg [dreg:$0xa];
	[sflag:s8] =	ssyncadd.s32 $0xFFFFC000  }
0xf9: {  	[hbm4b:s1+s4] =	stream.linear.scatter [tilespmem:s7], [sflag:$0x2], $0x4000, $0x38;
	[tilespmem:$0x4080] =	vst v63  }
0xfa: {  	_ =	swait.ge [sflag:s5], $0x4000  }
0xfb: {  	[sflag:s5] =	ssyncset.done $0x0  }
0xfc: {  	s1 =	rddreg [dreg:$0xb];
	[sflag:s5] =	ssyncadd.s32 $0xFFFFC000  }
0xfd: {  	[tilespmem:s4], [sflag:$0x2] =	stream.linear.gather [hbm4b:s1+s4], $0x80, $0x38;
	[tilespmem:$0x4080] =	vst v63  }
0xfe: {  	_ =	swait.ge [sflag:s5], $0x80  }
0xff: {  	[sflag:s5] =	ssyncset.done $0x0  }
0x100: {  	[sflag:s5] =	ssyncadd.s32 $0xFFFFFF80  }
0x101: {  	[tilespmem:s7], [sflag:$0x1] =	stream.indirect.gather [hbm4b:s6+s7], $0x80, s4, s7, $0xb8;
	[tilespmem:$0x4080] =	vst v63  }
0x102: {  	_ =	swait.ge [sflag:s8], $0x4000  }
0x103: {  	[sflag:s8] =	ssyncset.done $0x0  }
0x104: {  	s1 =	rddreg [dreg:$0xc];
	[sflag:s8] =	ssyncadd.s32 $0xFFFFC000  }
0x105: {  	[hbm4b:s1+s4] =	stream.linear.scatter [tilespmem:s7], [sflag:$0x2], $0x4000, $0x38;
	[tilespmem:$0x4080] =	vst v63  }
0x106: {  	_ =	swait.ge [sflag:s5], $0x4000  }
0x107: {  	[sflag:s5] =	ssyncset.done $0x0  }
0x108: {  	s1 =	rddreg [dreg:$0xd];
	[sflag:s5] =	ssyncadd.s32 $0xFFFFC000  }
0x109: {  	[tilespmem:s4], [sflag:$0x2] =	stream.linear.gather [hbm4b:s1+s4], $0x80, $0x38;
	[tilespmem:$0x4080] =	vst v63  }
0x10a: {  	_ =	swait.ge [sflag:s5], $0x80  }
0x10b: {  	[sflag:s5] =	ssyncset.done $0x0  }
0x10c: {  	[sflag:s5] =	ssyncadd.s32 $0xFFFFFF80  }
0x10d: {  	[tilespmem:s7], [sflag:$0x1] =	stream.indirect.gather [hbm4b:s6+s7], $0x80, s4, s7, $0xb8;
	[tilespmem:$0x4080] =	vst v63  }
0x10e: {  	_ =	swait.ge [sflag:s8], $0x4000  }
0x10f: {  	[sflag:s8] =	ssyncset.done $0x0  }
0x110: {  	s1 =	rddreg [dreg:$0xe];
	[sflag:s8] =	ssyncadd.s32 $0xFFFFC000  }
0x111: {  	[hbm4b:s1+s4] =	stream.linear.scatter [tilespmem:s7], [sflag:$0x2], $0x4000, $0x38;
	[tilespmem:$0x4080] =	vst v63  }
0x112: {  	_ =	swait.ge [sflag:s5], $0x4000  }
0x113: {  	[sflag:s5] =	ssyncset.done $0x0  }
0x114: {  	[sflag:s5] =	ssyncadd.s32 $0xFFFFC000  }
0x115: {  	[tilespmem:s4], [sflag:$0x2] =	stream.linear.gather [hbm4b:s9+s4], $0x80, $0x38;
	[tilespmem:$0x4080] =	vst v63  }
0x116: {  	_ =	swait.ge [sflag:s5], $0x80  }
0x117: {  	[sflag:s5] =	ssyncset.done $0x0  }
0x118: {  	[sflag:s5] =	ssyncadd.s32 $0xFFFFFF80  }
0x119: {  	[tilespmem:s7], [sflag:$0x1] =	stream.indirect.gather [hbm4b:s6+s7], $0x80, s4, s7, $0xb8;
	[tilespmem:$0x4080] =	vst v63  }
0x11a: {  	_ =	swait.ge [sflag:s8], $0x4000  }
0x11b: {  	[sflag:s8] =	ssyncset.done $0x0  }
0x11c: {  	[sflag:s8] =	ssyncadd.s32 $0xFFFFC000  }
0x11d: {  	[hbm4b:s10+s4] =	stream.linear.scatter [tilespmem:s7], [sflag:$0x2], $0x4000, $0x38;
	[tilespmem:$0x4080] =	vst v63  }
0x11e: {  	_ =	swait.ge [sflag:s5], $0x4000  }
0x11f: {  	[sflag:s5] =	ssyncset.done $0x0  }
0x120: {  	[sflag:s5] =	ssyncadd.s32 $0xFFFFC000  }
0x121: {  	[tilespmem:s4], [sflag:$0x2] =	stream.linear.gather [hbm4b:s11+s4], $0x80, $0x38;
	[tilespmem:$0x4080] =	vst v63  }
0x122: {  	_ =	swait.ge [sflag:s5], $0x80  }
0x123: {  	[sflag:s5] =	ssyncset.done $0x0  }
0x124: {  	[sflag:s5] =	ssyncadd.s32 $0xFFFFFF80  }
0x125: {  	[tilespmem:s7], [sflag:$0x1] =	stream.indirect.gather [hbm4b:s6+s7], $0x80, s4, s7, $0xb8;
	[tilespmem:$0x4080] =	vst v63  }
0x126: {  	_ =	swait.ge [sflag:s8], $0x4000  }
0x127: {  	[sflag:s8] =	ssyncset.done $0x0  }
0x128: {  	[sflag:s8] =	ssyncadd.s32 $0xFFFFC000  }
0x129: {  	[hbm4b:s12+s4] =	stream.linear.scatter [tilespmem:s7], [sflag:$0x2], $0x4000, $0x38;
	[tilespmem:$0x4080] =	vst v63  }
0x12a: {  	_ =	swait.ge [sflag:s5], $0x4000  }
0x12b: {  	[sflag:s5] =	ssyncset.done $0x0  }
0x12c: {  	[sflag:s5] =	ssyncadd.s32 $0xFFFFC000  }
0x12d: {  	[tilespmem:s4], [sflag:$0x2] =	stream.linear.gather [hbm4b:s13+s4], $0x80, $0x38;
	[tilespmem:$0x4080] =	vst v63  }
0x12e: {  	_ =	swait.ge [sflag:s5], $0x80  }
0x12f: {  	[sflag:s5] =	ssyncset.done $0x0  }
0x130: {  	[sflag:s5] =	ssyncadd.s32 $0xFFFFFF80  }
0x131: {  	[tilespmem:s7], [sflag:$0x1] =	stream.indirect.gather [hbm4b:s6+s7], $0x80, s4, s7, $0xb8;
	[tilespmem:$0x4080] =	vst v63  }
0x132: {  	_ =	swait.ge [sflag:s8], $0x4000  }
0x133: {  	[sflag:s8] =	ssyncset.done $0x0  }
0x134: {  	[sflag:s8] =	ssyncadd.s32 $0xFFFFC000  }
0x135: {  	[hbm4b:s14+s4] =	stream.linear.scatter [tilespmem:s7], [sflag:$0x2], $0x4000, $0x38;
	[tilespmem:$0x4080] =	vst v63  }
0x136: {  	_ =	swait.ge [sflag:s5], $0x4000  }
0x137: {  	[sflag:s5] =	ssyncset.done $0x0  }
0x138: {  	[sflag:s5] =	ssyncadd.s32 $0xFFFFC000  }
0x139: {  	[tilespmem:s4], [sflag:$0x2] =	stream.linear.gather [hbm4b:s15+s4], $0x80, $0x38;
	[tilespmem:$0x4080] =	vst v63  }
0x13a: {  	_ =	swait.ge [sflag:s5], $0x80  }
0x13b: {  	[sflag:s5] =	ssyncset.done $0x0  }
0x13c: {  	[sflag:s5] =	ssyncadd.s32 $0xFFFFFF80  }
0x13d: {  	[tilespmem:s7], [sflag:$0x1] =	stream.indirect.gather [hbm4b:s2+s7], $0x80, s4, s7, $0xb8;
	[tilespmem:$0x4080] =	vst v63  }
0x13e: {  	_ =	swait.ge [sflag:s8], $0x4000  }
0x13f: {  	[sflag:s8] =	ssyncset.done $0x0  }
0x140: {  	[sflag:s8] =	ssyncadd.s32 $0xFFFFC000  }
0x141: {  	[hbm4b:s16+s4] =	stream.linear.scatter [tilespmem:s7], [sflag:$0x2], $0x4000, $0x38;
	[tilespmem:$0x4080] =	vst v63  }
0x142: {  	_ =	swait.ge [sflag:s5], $0x4000  }
0x143: {  	[sflag:s5] =	ssyncset.done $0x0  }
0x144: {  	[sflag:s5] =	ssyncadd.s32 $0xFFFFC000  }
0x145: {  	[tilespmem:s4], [sflag:$0x2] =	stream.linear.gather [hbm4b:s17+s4], $0x80, $0x38;
	[tilespmem:$0x4080] =	vst v63  }
0x146: {  	_ =	swait.ge [sflag:s5], $0x80  }
0x147: {  	[sflag:s5] =	ssyncset.done $0x0  }
0x148: {  	[sflag:s5] =	ssyncadd.s32 $0xFFFFFF80  }
0x149: {  	[tilespmem:s7], [sflag:$0x1] =	stream.indirect.gather [hbm4b:s2+s7], $0x80, s4, s7, $0xb8;
	[tilespmem:$0x4080] =	vst v63  }
0x14a: {  	_ =	swait.ge [sflag:s8], $0x4000  }
0x14b: {  	[sflag:s8] =	ssyncset.done $0x0  }
0x14c: {  	[sflag:s8] =	ssyncadd.s32 $0xFFFFC000  }
0x14d: {  	[hbm4b:s18+s4] =	stream.linear.scatter [tilespmem:s7], [sflag:$0x2], $0x4000, $0x38;
	[tilespmem:$0x4080] =	vst v63  }
0x14e: {  	_ =	swait.ge [sflag:s5], $0x4000  }
0x14f: {  	[sflag:s5] =	ssyncset.done $0x0  }
0x150: {  	[sflag:s5] =	ssyncadd.s32 $0xFFFFC000  }
0x151: {  	[tilespmem:s4], [sflag:$0x2] =	stream.linear.gather [hbm4b:s19+s4], $0x80, $0x38;
	[tilespmem:$0x4080] =	vst v63  }
0x152: {  	_ =	swait.ge [sflag:s5], $0x80  }
0x153: {  	[sflag:s5] =	ssyncset.done $0x0  }
0x154: {  	[sflag:s5] =	ssyncadd.s32 $0xFFFFFF80  }
0x155: {  	[tilespmem:s7], [sflag:$0x1] =	stream.indirect.gather [hbm4b:s2+s7], $0x80, s4, s7, $0xb8;
	[tilespmem:$0x4080] =	vst v63  }
0x156: {  	_ =	swait.ge [sflag:s8], $0x4000  }
0x157: {  	[sflag:s8] =	ssyncset.done $0x0  }
0x158: {  	[sflag:s8] =	ssyncadd.s32 $0xFFFFC000  }
0x159: {  	[hbm4b:s20+s4] =	stream.linear.scatter [tilespmem:s7], [sflag:$0x2], $0x4000, $0x38;
	[tilespmem:$0x4080] =	vst v63  }
0x15a: {  	_ =	swait.ge [sflag:s5], $0x4000  }
0x15b: {  	[sflag:s5] =	ssyncset.done $0x0  }
0x15c: {  	[sflag:s5] =	ssyncadd.s32 $0xFFFFC000  }
0x15d: {  	[tilespmem:s4], [sflag:$0x2] =	stream.linear.gather [hbm4b:s21+s4], $0x80, $0x38;
	[tilespmem:$0x4080] =	vst v63  }
0x15e: {  	_ =	swait.ge [sflag:s5], $0x80  }
0x15f: {  	[sflag:s5] =	ssyncset.done $0x0  }
0x160: {  	[sflag:s5] =	ssyncadd.s32 $0xFFFFFF80  }
0x161: {  	[tilespmem:s7], [sflag:$0x1] =	stream.indirect.gather [hbm4b:s2+s7], $0x80, s4, s7, $0xb8;
	[tilespmem:$0x4080] =	vst v63  }
0x162: {  	_ =	swait.ge [sflag:s8], $0x4000  }
0x163: {  	[sflag:s8] =	ssyncset.done $0x0  }
0x164: {  	[sflag:s8] =	ssyncadd.s32 $0xFFFFC000  }
0x165: {  	[hbm4b:s22+s4] =	stream.linear.scatter [tilespmem:s7], [sflag:$0x2], $0x4000, $0x38;
	[tilespmem:$0x4080] =	vst v63  }
0x166: {  	_ =	swait.ge [sflag:s5], $0x4000  }
0x167: {  	[sflag:s5] =	ssyncset.done $0x0  }
0x168: {  	[sflag:s5] =	ssyncadd.s32 $0xFFFFC000  }
0x169: {  	[tilespmem:s4], [sflag:$0x2] =	stream.linear.gather [hbm4b:s23+s4], $0x80, $0x38;
	[tilespmem:$0x4080] =	vst v63  }
0x16a: {  	_ =	swait.ge [sflag:s5], $0x80  }
0x16b: {  	[sflag:s5] =	ssyncset.done $0x0  }
0x16c: {  	[sflag:s5] =	ssyncadd.s32 $0xFFFFFF80  }
0x16d: {  	[tilespmem:s7], [sflag:$0x1] =	stream.indirect.gather [hbm4b:s3+s7], $0x80, s4, s7, $0xb8;
	[tilespmem:$0x4080] =	vst v63  }
0x16e: {  	_ =	swait.ge [sflag:s8], $0x4000  }
0x16f: {  	[sflag:s8] =	ssyncset.done $0x0  }
0x170: {  	[sflag:s8] =	ssyncadd.s32 $0xFFFFC000  }
0x171: {  	[hbm4b:s24+s4] =	stream.linear.scatter [tilespmem:s7], [sflag:$0x2], $0x4000, $0x38;
	[tilespmem:$0x4080] =	vst v63  }
0x172: {  	_ =	swait.ge [sflag:s5], $0x4000  }
0x173: {  	[sflag:s5] =	ssyncset.done $0x0  }
0x174: {  	[sflag:s5] =	ssyncadd.s32 $0xFFFFC000  }
0x175: {  	[tilespmem:s4], [sflag:$0x2] =	stream.linear.gather [hbm4b:s25+s4], $0x80, $0x38;
	[tilespmem:$0x4080] =	vst v63  }
0x176: {  	_ =	swait.ge [sflag:s5], $0x80  }
0x177: {  	[sflag:s5] =	ssyncset.done $0x0  }
0x178: {  	[sflag:s5] =	ssyncadd.s32 $0xFFFFFF80  }
0x179: {  	[tilespmem:s7], [sflag:$0x1] =	stream.indirect.gather [hbm4b:s3+s7], $0x80, s4, s7, $0xb8;
	[tilespmem:$0x4080] =	vst v63  }
0x17a: {  	_ =	swait.ge [sflag:s8], $0x4000  }
0x17b: {  	[sflag:s8] =	ssyncset.done $0x0  }
0x17c: {  	[sflag:s8] =	ssyncadd.s32 $0xFFFFC000  }
0x17d: {  	[hbm4b:s26+s4] =	stream.linear.scatter [tilespmem:s7], [sflag:$0x2], $0x4000, $0x38;
	[tilespmem:$0x4080] =	vst v63  }
0x17e: {  	_ =	swait.ge [sflag:s5], $0x4000  }
0x17f: {  	[sflag:s5] =	ssyncset.done $0x0  }
0x180: {  	[sflag:s5] =	ssyncadd.s32 $0xFFFFC000  }
0x181: {  	[tilespmem:s4], [sflag:$0x2] =	stream.linear.gather [hbm4b:s28+s4], $0x80, $0x38;
	[tilespmem:$0x4080] =	vst v63  }
0x182: {  	_ =	swait.ge [sflag:s5], $0x80  }
0x183: {  	[sflag:s5] =	ssyncset.done $0x0  }
0x184: {  	[sflag:s5] =	ssyncadd.s32 $0xFFFFFF80  }
0x185: {  	[tilespmem:s7], [sflag:$0x1] =	stream.indirect.gather [hbm4b:s3+s7], $0x80, s4, s7, $0xb8;
	[tilespmem:$0x4080] =	vst v63  }
0x186: {  	_ =	swait.ge [sflag:s8], $0x4000  }
0x187: {  	[sflag:s8] =	ssyncset.done $0x0  }
0x188: {  	[sflag:s8] =	ssyncadd.s32 $0xFFFFC000  }
0x189: {  	[hbm4b:s29+s4] =	stream.linear.scatter [tilespmem:s7], [sflag:$0x2], $0x4000, $0x38;
	[tilespmem:$0x4080] =	vst v63  }
0x18a: {  	_ =	swait.ge [sflag:s5], $0x4000  }
0x18b: {  	[sflag:s5] =	ssyncset.done $0x0  }
0x18c: {  	[sflag:s5] =	ssyncadd.s32 $0xFFFFC000  }
0x18d: {  	[tilespmem:s4], [sflag:$0x2] =	stream.linear.gather [hbm4b:s30+s4], $0x80, $0x38;
	[tilespmem:$0x4080] =	vst v63  }
0x18e: {  	_ =	swait.ge [sflag:s5], $0x80  }
0x18f: {  	[sflag:s5] =	ssyncset.done $0x0  }
0x190: {  	p0 =	sne.s32 s0, $0x1;
	[sflag:s5] =	ssyncadd.s32 $0xFFFFFF80  }
0x191: {  	[tilespmem:s7], [sflag:$0x1] =	stream.indirect.gather [hbm4b:s3+s7], $0x80, s4, s7, $0xb8;
	[tilespmem:$0x4080] =	vst v63  }
.Ltmp1:
0x192: {  	_ =	swait.ge [sflag:s8], $0x4000;
	(pc) =	sbr.rel @p0 .LBB2_1-.Ltmp1, $4  }
0x193: {  	[sflag:s8] =	ssyncset.done $0x0  }
0x194: {  	[sflag:s8] =	ssyncadd.s32 $0xFFFFC000  }
0x195: {  	[hbm4b:s31+s4] =	stream.linear.scatter [tilespmem:s7], [sflag:$0x2], $0x4000, $0x38;
	[tilespmem:$0x4080] =	vst v63  }
0x196: {  	s0 =	sadd.s32 $0xFFFFFFFF, s0;
	_ =	swait.ge [sflag:s5], $0x4000  }
.LBB2_2:
0x197: {  	[sflag:s5] =	ssyncset.done $0x0  }
0x198: {  	[sflag:s5] =	ssyncadd.s32 $0xFFFFC000  }
0x199: {  	_ =	sfence.sel $0x180000  }
0x19a: {  	[bflag:$0x0] =	sbarrier.arrive $0xFFFF  }
0x19b: {  	_ =	strace $0x90000050  }
0x19c: {  	s0 =	stileid.u32;
	[bflag:$0x2] =	sbarrier.arrive $0xFFFF  }
0x19d: {  	p0 =	sne.s32 s0, $0x0;
	s0 =	rddreg [dreg:$0x4]  }
0x19e: {  	s0 =	sadd.s32 @!p0 $0x100000, s0  }
0x19f: {  	[sflag:s0] =	ssyncadd.tile.s32 @!p0 $0x1;
	_ =	shalt  }
.Lfunc_end2:
_tile_overlayer_lowered:
.L_overlay_start_2:
0x1a0: {  	(tag) =	ssettag $0x2  }
0x1a1: {  	s0 =	rddreg [dreg:$0x0];
	s2 =	stileid.u32  }
0x1a2: {  	s1 =	rddreg [dreg:$0x1];
	p0 =	sne.s32 s2, $0x0  }
0x1a3: {  	s3 =	rddreg [dreg:$0x2];
	[bflag:$0x3] =	sbarrier.arrive $0xFFFF;
	s2 =	simm.s32 @!p0 $0x1C02  }
0x1a4: {  	[timem:s3], [sflag:s2] =	dma.local @!p0 [hbm:s0], s1  }
0x1a5: {  	s0 =	simm.s32 @!p0 $0x2  }
0x1a6: {  	_ =	swait.ge @!p0 [sflag:s0], s1  }
0x1a7: {  	s1 =	ssub.s32 @!p0 $0x0, s1;
	[sflag:s0] =	ssyncset.done @!p0 $0x0  }
0x1a8: {  	[sflag:s0] =	ssyncadd.s32 @!p0 s1  }
0x1a9: {  	[bflag:$0x3] =	sbarrier.arrive $0xFFFF  }
0x1aa: {  	_ =	shalt  }

// kernel: kernel.9.cloned.1.call-start
scs
__scs_entry_jumppad:
0x0: {  	(pc) =	sbr.rel $0x88, $3  }
0x1: {  	(tag) =	ssettag $0x0;
	lr =	simm.s32 $0x1  }
0x2: {  	[smem:$0x3F95] =	sst lr;
	_ =	strace $0xD0000000  }
0x3: {  	_ = 	snop  }
0x4: {  	_ = 	snop  }
0x5: {  	_ = 	snop  }
0x6: {  	_ = 	snop  }
0x7: {  	_ = 	snop  }
__scs_overlays_trampoline_lowered:
0x8: {  	[smem:$0x3FA4] =	sst s0  }
0x9: {  	[smem:$0x3FA5] =	sst s1  }
0xa: {  	[smem:$0x3FA6] =	sst s2  }
0xb: {  	[smem:$0x3FA7] =	sst s3  }
0xc: {  	[smem:$0x3FA8] =	sst s4  }
0xd: {  	[smem:$0x3FA9] =	sst s5  }
0xe: {  	[smem:$0x3FAA] =	sst s6  }
0xf: {  	[smem:$0x3FAB] =	sst s7  }
0x10: {  	[smem:$0x3FAC] =	sst s8  }
0x11: {  	[smem:$0x3FAD] =	sst s9;
	s0 =	simm.s32 @!p0 $0x0  }
0x12: {  	s1 =	sld [smem:$0x3F93];
	s0 =	simm.s32 @p0 $0x1  }
0x13: {  	[smem:$0x3FAE] =	sst s0;
	s0 =	simm.s32 @!p1 $0x0  }
0x14: {  	s2 =	sld [smem:$0x3F92];
	s0 =	simm.s32 @p1 $0x1  }
0x15: {  	[smem:$0x3FAF] =	sst s0;
	s0 =	simm.s32 @!p2 $0x0  }
0x16: {  	s3 =	sld [smem:$0x3FDB];
	s0 =	simm.s32 @p2 $0x1  }
0x17: {  	s4 =	simm.s32 $0x1BF5;
	[smem:$0x3FB1] =	sst s0  }
0x18: {  	s0 =	sld [smem:$0x3F94];
	_ =	swait.ge [sflag:s4], $0x0  }
0x19: {  	s7 =	sld [smem:$0x3F95]  }
0x1a: {  	s8 =	sadd.s32 $0xFFFFE003, lr  }
0x1b: {  	s9 =	sadd.s32 $0xFFFFFEF7, lr;
	s5 =	simm.s32 $0xFFFFFFFF;
	p2 =	slt.u32 s8, $0xFFFFF086  }
0x1c: {  	p1 =	slt.u32 s9, $0xF7A;
	s5 =	simm.s32 @!p2 $0x0  }
0x1d: {  	s5 =	simm.s32 @p1 $0x1;
	p0 =	seq.s32 s7, s2  }
0x1e: {  	s7 =	smul.u32 @!p0 $0xF7A, s2;
	p2 =	seq.s32 @!p0 s5, $0x0  }
0x1f: {  	s9 =	smul.u32 $0xF7A, s1;
	s8 =	simm.s32 @!p0 $0x1BF5;
	p2 =	por !p2, p0  }
0x20: {  	[sflag:s8] =	ssyncset.s32 @!p0 $0xFFFFF086;
	s6 =	sadd.s32 @!p0 s3, s7;
	s7 =	simm.s32 @!p0 $0x108  }
0x21: {  	s3 =	sadd.s32 s3, s9;
	s6 =	sadd.s32 @!p0 $0x88, s6;
	s7 =	simm.s32 @p2 $0x1082  }
0x22: {  	[simem:s7], [sflag:s8] =	dma.local @!p0 [hbm:s6], $0xF7A  }
0x23: {  	s9 =	sor.u32 $0xD0000000, s2;
	s6 =	simm.s32 $0x108;
	_ =	swait.ge @!p0 [sflag:s8], $0x0  }
0x24: {  	s3 =	sadd.s32 $0x88, s3;
	s6 =	simm.s32 @!p1 $0x1082;
	[sflag:s4] =	ssyncset.s32 $0xFFFFF086  }
0x25: {  	[simem:s6], [sflag:s4] =	dma.local [hbm:s3], $0xF7A  }
0x26: {  	[smem:$0x3F95] =	sst s1;
	(tag) =	ssettag s2;
	_ =	strace s9  }
0x27: {  	s1 =	sld [smem:$0x3FA5]  }
0x28: {  	s2 =	sld [smem:$0x3FA6]  }
0x29: {  	s4 =	sld [smem:$0x3FA8]  }
0x2a: {  	p0 =	seq.s32 s5, $0x0;
	s5 =	sld [smem:$0x3FA9]  }
0x2b: {  	s6 =	sld [smem:$0x3FAA]  }
0x2c: {  	s7 =	sld [smem:$0x3FAB]  }
0x2d: {  	s3 =	simm.s32 $0x108;
	s8 =	sld [smem:$0x3FAC]  }
0x2e: {  	s3 =	simm.s32 @!p0 $0x1082;
	s9 =	sld [smem:$0x3FAD]  }
0x2f: {  	lr =	sadd.s32 s0, s3;
	s0 =	sld [smem:$0x3FA4]  }
0x30: {  	s3 =	sld [smem:$0x3FA7]  }
0x31: {  	[smem:$0x3FB0] =	sst s10  }
0x32: {  	s10 =	sld [smem:$0x3FAE];
	_ =	sdelay $0x3  }
0x33: {  	p0 =	seq.s32 s10, $0x1;
	s10 =	sld [smem:$0x3FB0];
	_ =	sdelay $0x3  }
0x34: {  	[smem:$0x3FB0] =	sst s10  }
0x35: {  	s10 =	sld [smem:$0x3FAF];
	_ =	sdelay $0x3  }
0x36: {  	p1 =	seq.s32 s10, $0x1;
	s10 =	sld [smem:$0x3FB0];
	_ =	sdelay $0x3  }
0x37: {  	[smem:$0x3FB0] =	sst s10  }
0x38: {  	s10 =	sld [smem:$0x3FB1]  }
0x39: {  	_ = 	snop;
	(pc) =	sbr.ind lr, $3  }
0x3a: {  	_ = 	snop  }
0x3b: {  	_ = 	snop  }
0x3c: {  	p2 =	seq.s32 s10, $0x1;
	s10 =	sld [smem:$0x3FB0]  }
0x3d: {  	_ =	shalt  }
0x3e: {  	_ =	shalt  }
0x3f: {  	_ =	shalt  }
0x40: {  	_ =	shalt  }
0x41: {  	_ =	shalt  }
0x42: {  	_ =	shalt  }
0x43: {  	_ =	shalt  }
0x44: {  	_ =	shalt  }
0x45: {  	_ =	shalt  }
0x46: {  	_ =	shalt  }
0x47: {  	_ =	shalt  }
0x48: {  	_ =	shalt  }
0x49: {  	_ =	shalt  }
0x4a: {  	_ =	shalt  }
0x4b: {  	_ =	shalt  }
0x4c: {  	_ =	shalt  }
0x4d: {  	_ =	shalt  }
0x4e: {  	_ =	shalt  }
0x4f: {  	_ =	shalt  }
0x50: {  	_ =	shalt  }
0x51: {  	_ =	shalt  }
0x52: {  	_ =	shalt  }
0x53: {  	_ =	shalt  }
0x54: {  	_ =	shalt  }
0x55: {  	_ =	shalt  }
0x56: {  	_ =	shalt  }
0x57: {  	_ =	shalt  }
0x58: {  	_ =	shalt  }
0x59: {  	_ =	shalt  }
0x5a: {  	_ =	shalt  }
0x5b: {  	_ =	shalt  }
0x5c: {  	_ =	shalt  }
0x5d: {  	_ =	shalt  }
0x5e: {  	_ =	shalt  }
0x5f: {  	_ =	shalt  }
0x60: {  	_ =	shalt  }
0x61: {  	_ =	shalt  }
0x62: {  	_ =	shalt  }
0x63: {  	_ =	shalt  }
0x64: {  	_ =	shalt  }
0x65: {  	_ =	shalt  }
0x66: {  	_ =	shalt  }
0x67: {  	_ =	shalt  }
0x68: {  	_ =	shalt  }
0x69: {  	_ =	shalt  }
0x6a: {  	_ =	shalt  }
0x6b: {  	_ =	shalt  }
0x6c: {  	_ =	shalt  }
0x6d: {  	_ =	shalt  }
0x6e: {  	_ =	shalt  }
0x6f: {  	_ =	shalt  }
0x70: {  	_ =	shalt  }
0x71: {  	_ =	shalt  }
0x72: {  	_ =	shalt  }
0x73: {  	_ =	shalt  }
0x74: {  	_ =	shalt  }
0x75: {  	_ =	shalt  }
0x76: {  	_ =	shalt  }
0x77: {  	_ =	shalt  }
0x78: {  	_ =	shalt  }
0x79: {  	_ =	shalt  }
0x7a: {  	_ =	shalt  }
0x7b: {  	_ =	shalt  }
0x7c: {  	_ =	shalt  }
0x7d: {  	_ =	shalt  }
0x7e: {  	_ =	shalt  }
0x7f: {  	_ =	shalt  }
0x80: {  	_ =	shalt  }
0x81: {  	_ =	shalt  }
0x82: {  	_ =	shalt  }
0x83: {  	_ =	shalt  }
0x84: {  	_ =	shalt  }
0x85: {  	_ =	shalt  }
0x86: {  	_ =	shalt  }
0x87: {  	_ =	shalt  }
.Lfunc_end0:
.L_simem_size_0:
called_computation_lowered:
.L_overlay_start_0:
0x88: {  	s2 =	sld [smem:$0x3FD9]  }
0x89: {  	s3 =	sld [smem:$0x3FFE];
	_ =	sdelay $0x1  }
0x8a: {  	s1 =	srdreg.scid  }
0x8b: {  	s0 =	sand.u32 $0x1, s1  }
0x8c: {  	s15 =	sshll.u32 s0, $0xA;
	s2 =	sadd.s32 s3, s2  }
0x8d: {  	s2 =	sadd.s32 s2, s15  }
0x8e: {  	[smem:$0x3FBC] =	sst s2  }
0x8f: {  	_ = 	snop  }
0x90: {  	s2 =	sld [smem:$0x3FD0];
	_ =	sdelay $0x2  }
0x91: {  	s16 =	simm.s32 $0xA;
	s4 =	simm.s32 $0x10  }
0x92: {  	[smem:s4], [sflag:s16] =	dma.local [hbm:s2], $0x1  }
0x93: {  	_ =	swait.eq [sflag:s16], $0x1  }
0x94: {  	[sflag:s16] =	ssyncset.done $0x0  }
0x95: {  	s17 =	sld [smem:$0x10];
	[sflag:s16] =	ssyncadd.s32 $0xFFFFFFFF  }
0x96: {  	s18 =	sld [smem:$0x13];
	(tm) =	ssettm $0x1  }
0x97: {  	s19 =	sld [smem:$0x3FFB];
	_ =	sdelay $0x3  }
0x98: {  	_ =	strace s19  }
0x99: {  	s4 =	sld [smem:$0x3FFC];
	_ =	sdelay $0x3  }
0x9a: {  	_ =	strace s4  }
0x9b: {  	s4 =	sld [smem:$0x3FFD];
	_ =	sdelay $0x3  }
0x9c: {  	_ =	strace s4  }
0x9d: {  	_ =	strace $0x8FFFFFFF  }
0x9e: {  	s20 =	sld [smem:$0x3FDB];
	_ =	sdelay $0x1  }
0x9f: {  	s5 =	simm.s32 $_scs_section_size  }
0xa0: {  	s6 =	simm.s32 $_size__tile_overlayer_lowered;
	s7 =	simm.s32 $_tile_overlayer_lowered  }
0xa1: {  	s23 =	simm.s32 $0x1BFF;
	s22 =	sshll.u32 s7, $0x1;
	s4 =	sadd.s32 s5, s20  }
0xa2: {  	s8 =	simm.s32 $0x0;
	s21 =	sshll.u32 s6, $0x1;
	s6 =	sadd.s32 s22, s4  }
0xa3: {  	[timem:s8], [sflag:s23] =	dma.local [hbm:s6], s21  }
0xa4: {  	_ =	swait.ge [sflag:s23], s21  }
0xa5: {  	s5 =	ssub.s32 $0x0, s21;
	[sflag:s23] =	ssyncset.done $0x0  }
0xa6: {  	[sflag:s23] =	ssyncadd.s32 s5;
	_ =	sdelay $0x1  }
0xa7: {  	s24 =	simm.s32 $0x1B8B  }
0xa8: {  	_ =	swait.ge [sflag:s24], $0x1  }
0xa9: {  	[sflag:s24] =	ssyncset.done $0x0  }
0xaa: {  	s25 =	simm.s32 $0x1B8E;
	[sflag:s24] =	ssyncadd.s32 $0xFFFFFFFF  }
0xab: {  	s26 =	simm.s32 $execute0_lowered;
	[smem:$0x3FD2] =	sst s25  }
0xac: {  	s5 =	sshll.u32 s26, $0x1;
	_ =	strace $0x80000046;
	[dreg:$0x1] =	wrdreg $0xFFFFFFFF  }
0xad: {  	s28 =	simm.s32 $_size_execute0_lowered;
	s4 =	sadd.s32 s4, s5;
	[dreg:$0x0] =	wrdreg $0x0  }
0xae: {  	s5 =	sshll.u32 s28, $0x1;
	[dreg:$0x2] =	wrdreg s4  }
0xaf: {  	[dreg:$0x3] =	wrdreg s5  }
0xb0: {  	[dreg:$0x4] =	wrdreg $0xC0  }
0xb1: {  	_ =	task [dreg:s8], $0x5FFFF  }
0xb2: {  	[dreg:$0x1] =	wrdreg $0xFFFFFFFF  }
0xb3: {  	[dreg:$0x0] =	wrdreg $0x60  }
0xb4: {  	[dreg:$0x2] =	wrdreg s17  }
0xb5: {  	[dreg:$0x3] =	wrdreg s18  }
0xb6: {  	[dreg:$0x4] =	wrdreg $0x6000  }
0xb7: {  	[dreg:$0x5] =	wrdreg $0x9  }
0xb8: {  	_ =	task.clear_ibuf [dreg:s8], $0x6FFFF;
	_ =	strace $0x90000046  }
0xb9: {  	s29 =	simm.s32 $0x9;
	_ =	strace $0x80000048  }
0xba: {  	_ =	swait.ge [sflag:s29], $0x1  }
0xbb: {  	[sflag:s29] =	ssyncadd.s32 $0xFFFFFFFF  }
0xbc: {  	_ =	strace $0x90000048  }
0xbd: {  	_ =	sfence  }
0xbe: {  	s30 =	sld [smem:$0x0];
	_ =	sdelay $0x2  }
0xbf: {  	s31 =	sshll.u32 s1, $0xD;
	s1 =	sshrl.u32 s1, $0x2  }
0xc0: {  	s3 =	sand.u32 $0x4000, s31;
	s1 =	sadd.s32 s1, s30  }
0xc1: {  	s0 =	sor.u32 s3, s0;
	s1 =	sshll.u32 s1, $0x11  }
0xc2: {  	s0 =	sor.u32 s1, s0  }
0xc3: {  	s0 =	sadd.s32 $0x8F2B, s0  }
0xc4: {  	[sflag:s0] =	ssyncadd.remote.s32 $0x1  }
0xc5: {  	_ =	sfence.sel $0xFFFF  }
0xc6: {  	[dreg:$0x0] =	wrdreg $0xFFFFFFFF;
	(pc) =	sbr.abs _section_cstart, $3  }
0xc7: {  	[dreg:$0x1] =	wrdreg $0xFFFFFFFF  }
0xc8: {  	_ =	task.clear_ibuf [dreg:s8], $0x2FFFF;
	_ =	strace $0x9FFFFFFF  }
0xc9: {  	(tm) =	ssettm $0x7FFFFFFF  }
tec
execute0_lowered:
.L_overlay_start_1:
0x0: {  	(tag) =	ssettag $0x1  }
0x1: {  	s7 =	rddreg [dreg:$0x0]  }
0x2: {  	s1 =	srdreg.scid;
	s0 =	stileid.u32  }
0x3: {  	s5 =	rddreg [dreg:$0x1];
	s6 =	smul.u32 $0x4F0, s0  }
0x4: {  	s2 =	rddreg [dreg:$0x2];
	s4 =	sand.u32 $0x1, s1;
	s10 =	smul.u32 $0x9C80, s0  }
0x5: {  	s3 =	simm.s32 $0x0;
	s1 =	rddreg [dreg:$0x3];
	s9 =	smul.u32 $0x4F00, s4  }
0x6: {  	[smem:$0x7FF] =	sst s3;
	s8 =	smul.u32 $0x9C800, s4;
	s4 =	ssub.s32 $0x2, s4  }
0x7: {  	_ =	strace $0x80000047;
	s11 =	sshrl.u32 s4, $0x1;
	s9 =	sadd.s32 s6, s9  }
0x8: {  	s11 =	ssub.s32 s4, s11;
	s8 =	sadd.s32 s10, s8;
	s4 =	sadd.s32 s6, s2  }
0x9: {  	s10 =	simm.s32 $0x80;
	s9 =	sshrl.u32 s9, $0x3;
	s8 =	sshrl.u32 s8, $0x3  }
0xa: {  	s6 =	smax.u32 s11, $0x1;
	s11 =	simm.s32 $0x0;
	s5 =	sadd.s32 s5, s9  }
0xb: {  	v0 =	vimm.f32 $1.000000000e+00;
	v1 =	vimm.f32 $0.0e+00;
	s7 =	sadd.s32 s8, s7;
	s8 =	simm.s32 $0x100;
	s9 =	simm.s32 $0x1  }
.LBB2_1:
0xc: {  	[tilespmem:$0x80] =	vst v0  }
0xd: {  	[tilespmem:$0x90] =	vst v0  }
0xe: {  	[tilespmem:$0xA0] =	vst v0  }
0xf: {  	[tilespmem:$0xB0] =	vst v0  }
0x10: {  	[tilespmem:$0xC0] =	vst v0  }
0x11: {  	[tilespmem:$0xD0] =	vst v0  }
0x12: {  	[tilespmem:$0xE0] =	vst v0  }
0x13: {  	[tilespmem:$0xF0] =	vst v0  }
0x14: {  	[tilespmem:$0x100] =	vst v1  }
0x15: {  	[tilespmem:$0x110] =	vst v1  }
0x16: {  	[tilespmem:$0x120] =	vst v1  }
0x17: {  	[tilespmem:$0x130] =	vst v1  }
0x18: {  	[tilespmem:$0x140] =	vst v1  }
0x19: {  	[tilespmem:$0x150] =	vst v1  }
0x1a: {  	[tilespmem:$0x160] =	vst v1  }
0x1b: {  	[tilespmem:$0x170] =	vst v1  }
0x1c: {  	[tilespmem:$0x180] =	vst v1  }
0x1d: {  	[tilespmem:$0x190] =	vst v1  }
0x1e: {  	[tilespmem:$0x1A0] =	vst v1  }
0x1f: {  	[tilespmem:$0x1B0] =	vst v1  }
0x20: {  	[tilespmem:$0x1C0] =	vst v1  }
0x21: {  	[tilespmem:$0x1D0] =	vst v1  }
0x22: {  	[tilespmem:$0x1E0] =	vst v1  }
0x23: {  	[tilespmem:$0x1F0] =	vst v1  }
0x24: {  	[tilespmem:$0x200] =	vst v1  }
0x25: {  	[tilespmem:$0x210] =	vst v1  }
0x26: {  	[tilespmem:$0x220] =	vst v1  }
0x27: {  	[tilespmem:$0x230] =	vst v1  }
0x28: {  	[tilespmem:$0x240] =	vst v1  }
0x29: {  	[tilespmem:$0x250] =	vst v1  }
0x2a: {  	[tilespmem:$0x260] =	vst v1  }
0x2b: {  	[tilespmem:$0x270] =	vst v1  }
0x2c: {  	[tilespmem:$0x280] =	vst v1  }
0x2d: {  	[tilespmem:$0x290] =	vst v1  }
0x2e: {  	[tilespmem:$0x2A0] =	vst v1  }
0x2f: {  	[tilespmem:$0x2B0] =	vst v1  }
0x30: {  	[tilespmem:$0x2C0] =	vst v1  }
0x31: {  	[tilespmem:$0x2D0] =	vst v1  }
0x32: {  	[tilespmem:$0x2E0] =	vst v1  }
0x33: {  	[tilespmem:$0x2F0] =	vst v1  }
0x34: {  	[tilespmem:$0x300] =	vst v1  }
0x35: {  	[tilespmem:$0x310] =	vst v1  }
0x36: {  	[tilespmem:$0x320] =	vst v1  }
0x37: {  	[tilespmem:$0x330] =	vst v1  }
0x38: {  	[tilespmem:$0x340] =	vst v1  }
0x39: {  	[tilespmem:$0x350] =	vst v1  }
0x3a: {  	[tilespmem:$0x360] =	vst v1  }
0x3b: {  	[tilespmem:$0x370] =	vst v1  }
0x3c: {  	[tilespmem:$0x380] =	vst v1  }
0x3d: {  	[tilespmem:$0x390] =	vst v1  }
0x3e: {  	[tilespmem:$0x3A0] =	vst v1  }
0x3f: {  	[tilespmem:$0x3B0] =	vst v1  }
0x40: {  	[tilespmem:$0x3C0] =	vst v1  }
0x41: {  	[tilespmem:$0x3D0] =	vst v1  }
0x42: {  	[tilespmem:$0x3E0] =	vst v1  }
0x43: {  	[tilespmem:$0x3F0] =	vst v1  }
0x44: {  	[tilespmem:$0x400] =	vst v1  }
0x45: {  	[tilespmem:$0x410] =	vst v1  }
0x46: {  	[tilespmem:$0x420] =	vst v1  }
0x47: {  	[tilespmem:$0x430] =	vst v1  }
0x48: {  	[tilespmem:$0x440] =	vst v1  }
0x49: {  	[tilespmem:$0x450] =	vst v1  }
0x4a: {  	[tilespmem:$0x460] =	vst v1  }
0x4b: {  	[tilespmem:$0x470] =	vst v1  }
0x4c: {  	[tilespmem:$0x480] =	vst v1  }
0x4d: {  	[tilespmem:$0x490] =	vst v1  }
0x4e: {  	[tilespmem:$0x4A0] =	vst v1  }
0x4f: {  	[tilespmem:$0x4B0] =	vst v1  }
0x50: {  	[tilespmem:$0x4C0] =	vst v1  }
0x51: {  	[tilespmem:$0x4D0] =	vst v1  }
0x52: {  	[tilespmem:$0x4E0] =	vst v1  }
0x53: {  	[tilespmem:$0x4F0] =	vst v1  }
0x54: {  	[tilespmem:$0x500] =	vst v1  }
0x55: {  	[tilespmem:$0x510] =	vst v1  }
0x56: {  	[tilespmem:$0x520] =	vst v1  }
0x57: {  	[tilespmem:$0x530] =	vst v1  }
0x58: {  	[tilespmem:$0x540] =	vst v1  }
0x59: {  	[tilespmem:$0x550] =	vst v1  }
0x5a: {  	[tilespmem:$0x560] =	vst v1  }
0x5b: {  	[tilespmem:$0x570] =	vst v1  }
0x5c: {  	[tilespmem:$0x580] =	vst v1  }
0x5d: {  	[tilespmem:$0x590] =	vst v1  }
0x5e: {  	[tilespmem:$0x5A0] =	vst v1  }
0x5f: {  	[tilespmem:$0x5B0] =	vst v1  }
0x60: {  	[tilespmem:$0x5C0] =	vst v1  }
0x61: {  	[tilespmem:$0x5D0] =	vst v1  }
0x62: {  	[tilespmem:$0x5E0] =	vst v1  }
0x63: {  	[spmem:s4] =	stream.linear.scatter [tilespmem:s8], [sflag:$0x1], $0x4F0, $0x38;
	[tilespmem:$0xAF0] =	vst v63  }
0x64: {  	_ =	swait.ge [sflag:s9], $0x4F0  }
0x65: {  	[sflag:s9] =	ssyncset.done $0x0  }
0x66: {  	[sflag:s9] =	ssyncadd.s32 $0xFFFFFB10  }
0x67: {  	s12 =	sadd.s32 $0x0, s7;
	[bflag:$0x0] =	sbarrier.arrive $0xFFFF  }
0x68: {  	[tilespmem:s3], [sflag:$0x1] =	stream.linear.gather [hbm4b:s12+s3], $0x80, $0x38;
	[tilespmem:$0xAF0] =	vst v63  }
0x69: {  	_ =	swait.ge [sflag:s9], $0x80  }
0x6a: {  	[sflag:s9] =	ssyncset.done $0x0  }
0x6b: {  	[sflag:s9] =	ssyncadd.s32 $0xFFFFFF80  }
0x6c: {  	[spmem:s2] =	stream.indirect.scatter.add.f32 [tilespmem:s10], [sflag:$0x1], $0x1, s3, s10, $0xb8;
	[tilespmem:$0xAF0] =	vst v63  }
0x6d: {  	_ =	swait.ge [sflag:s9], $0x80  }
0x6e: {  	s13 =	simm.s32 $0x20;
	s12 =	simm.s32 $0x10;
	[sflag:s9] =	ssyncset.done $0x0  }
.LBB2_2:
0x6f: {  	s14 =	sadd.s32 s12, s7  }
0x70: {  	[sflag:s9] =	ssyncadd.s32 $0xFFFFFF80;
	s12 =	smov.u32 s13;
	s15 =	sadd.s32 $0x10, s13  }
0x71: {  	[tilespmem:s3], [sflag:$0x1] =	stream.linear.gather [hbm4b:s14+s3], $0x80, $0x38;
	[tilespmem:$0xAF0] =	vst v63  }
0x72: {  	p0 =	sne.s32 s13, $0x1380;
	_ =	swait.ge [sflag:s9], $0x80  }
.Ltmp0:
0x73: {  	[sflag:s9] =	ssyncset.done $0x0;
	(pc) =	sbr.rel @p0 .LBB2_2-.Ltmp0, $4  }
0x74: {  	[sflag:s9] =	ssyncadd.s32 $0xFFFFFF80  }
0x75: {  	[spmem:s2] =	stream.indirect.scatter.add.f32 [tilespmem:s10], [sflag:$0x1], $0x1, s3, s10, $0xb8;
	[tilespmem:$0xAF0] =	vst v63  }
0x76: {  	_ =	swait.ge [sflag:s9], $0x80  }
0x77: {  	s13 =	smov.u32 s15;
	[sflag:s9] =	ssyncset.done $0x0  }
0x78: {  	s12 =	sadd.s32 s12, s7;
	[sflag:s9] =	ssyncadd.s32 $0xFFFFFF80  }
0x79: {  	[tilespmem:s3], [sflag:$0x1] =	stream.linear.gather [hbm4b:s12+s3], $0x80, $0x38;
	[tilespmem:$0xAF0] =	vst v63  }
0x7a: {  	_ =	swait.ge [sflag:s9], $0x80  }
0x7b: {  	[sflag:s9] =	ssyncset.done $0x0  }
0x7c: {  	[sflag:s9] =	ssyncadd.s32 $0xFFFFFF80  }
0x7d: {  	[spmem:s2] =	stream.indirect.scatter.add.f32 [tilespmem:s10], [sflag:$0x1], $0x1, s3, s10, $0xb8;
	[tilespmem:$0xAF0] =	vst v63  }
0x7e: {  	_ =	swait.ge [sflag:s9], $0x80  }
0x7f: {  	[sflag:s9] =	ssyncset.done $0x0  }
0x80: {  	[sflag:s9] =	ssyncadd.s32 $0xFFFFFF80  }
0x81: {  	[bflag:$0x0] =	sbarrier.arrive $0xFFFF  }
0x82: {  	[tilespmem:s8], [sflag:$0x1] =	stream.linear.gather [spmem:s4], $0x4F0, $0x38;
	[tilespmem:$0xAF0] =	vst v63  }
0x83: {  	s11 =	sadd.s32 $0x1, s11;
	_ =	swait.ge [sflag:s9], $0x4F0  }
0x84: {  	p0 =	sne.s32 s11, s6;
	[sflag:s9] =	ssyncset.done $0x0  }
.Ltmp1:
0x85: {  	[sflag:s9] =	ssyncadd.s32 $0xFFFFFB10;
	(pc) =	sbr.rel @p0 .LBB2_1-.Ltmp1, $4  }
0x86: {  	[hbm4b:s5+s3] =	stream.linear.scatter [tilespmem:s8], [sflag:$0x1], $0x4F0, $0x38;
	[tilespmem:$0xAF0] =	vst v63  }
0x87: {  	_ =	swait.ge [sflag:s9], $0x4F0  }
0x88: {  	[sflag:s9] =	ssyncset.done $0x0  }
0x89: {  	[sflag:s9] =	ssyncadd.s32 $0xFFFFFB10  }
0x8a: {  	_ =	sfence.sel $0x180000  }
0x8b: {  	[bflag:$0x0] =	sbarrier.arrive $0xFFFF  }
0x8c: {  	p0 =	sne.s32 s0, $0x0;
	_ =	strace $0x90000047  }
0x8d: {  	s0 =	sadd.s32 @!p0 $0x100000, s1;
	[bflag:$0x2] =	sbarrier.arrive $0xFFFF  }
0x8e: {  	[sflag:s0] =	ssyncadd.tile.s32 @!p0 $0x1;
	_ =	shalt  }
.Lfunc_end2:
_tile_overlayer_lowered:
.L_overlay_start_2:
0x8f: {  	(tag) =	ssettag $0x2  }
0x90: {  	s0 =	rddreg [dreg:$0x0];
	s2 =	stileid.u32  }
0x91: {  	s1 =	rddreg [dreg:$0x1];
	p0 =	sne.s32 s2, $0x0  }
0x92: {  	s3 =	rddreg [dreg:$0x2];
	[bflag:$0x3] =	sbarrier.arrive $0xFFFF;
	s2 =	simm.s32 @!p0 $0x1C01  }
0x93: {  	[timem:s3], [sflag:s2] =	dma.local @!p0 [hbm:s0], s1  }
0x94: {  	s0 =	simm.s32 @!p0 $0x1  }
0x95: {  	_ =	swait.ge @!p0 [sflag:s0], s1  }
0x96: {  	s1 =	ssub.s32 @!p0 $0x0, s1;
	[sflag:s0] =	ssyncset.done @!p0 $0x0  }
0x97: {  	[sflag:s0] =	ssyncadd.s32 @!p0 s1  }
0x98: {  	[bflag:$0x3] =	sbarrier.arrive $0xFFFF  }
0x99: {  	_ =	shalt  }

</sc_bundles>
